<compile_context>
chip_gen: v7x
topology: tpu7x:2x2x1
jax: 0.10.2.dev20260603
libtpu: 0.0.44.dev20260713+nightly
codegen_flags: <defaults>
</compile_context>

<pallas_src>
import jax
import jax.numpy as jnp
from jax import lax
from jax.experimental import pallas as pl
from jax.experimental.pallas import tpu as pltpu
from jax.experimental.pallas import tpu_sc as plsc

VOCAB = 1000000
EMBED_DIM = 32
B = 16384
L = 50

NC = 2
NS = 16
NW = NC * NS

BSLAB = B // NW
G = BSLAB // 128

_MESH = plsc.VectorSubcoreMesh(core_axis_name="c", subcore_axis_name="s")


def _stage_idx_body(idxt_hbm, idxl_hbm, buf8, buf2):
  c = lax.axis_index("c")
  s = lax.axis_index("s")
  wid = s * NC + c
  b0 = wid * BSLAB
  for l0 in range(0, 48, 8):
    pltpu.sync_copy(idxt_hbm.at[pl.ds(l0, 8), pl.ds(b0, BSLAB)], buf8)
    for r in range(8):
      pltpu.sync_copy(buf8.at[r],
                      idxl_hbm.at[pl.ds((l0 + r) * B + b0, BSLAB)])
  pltpu.sync_copy(idxt_hbm.at[pl.ds(48, 2), pl.ds(b0, BSLAB)], buf2)
  for r in range(2):
    pltpu.sync_copy(buf2.at[r],
                    idxl_hbm.at[pl.ds((48 + r) * B + b0, BSLAB)])


def _gather_body(idxl_hbm, table_hbm, out_hbm, idx_v, rows_v,
                 gsem0, gsem1, ssem0, ssem1):
  c = lax.axis_index("c")
  s = lax.axis_index("s")
  wid = s * NC + c
  b0 = wid * BSLAB
  gsems = (gsem0, gsem1)
  ssems = (ssem0, ssem1)

  def fire(l, b):
    pltpu.sync_copy(idxl_hbm.at[pl.ds(l * B + b0, BSLAB)], idx_v.at[b])
    for j in range(G):
      pltpu.async_copy(
          table_hbm.at[idx_v.at[b, pl.ds(j * 128, 128)]],
          rows_v.at[b, pl.ds(j * 128, 128)],
          gsems[b],
      )

  def drain(b):
    for j in range(G):
      pltpu.make_async_copy(
          table_hbm.at[idx_v.at[b, pl.ds(j * 128, 128)]],
          rows_v.at[b, pl.ds(j * 128, 128)],
          gsems[b],
      ).wait()

  def store(l, b):
    pltpu.async_copy(
        rows_v.at[b], out_hbm.at[l, pl.ds(b0, BSLAB)], ssems[b])

  def wait_store(l, b):
    pltpu.make_async_copy(
        rows_v.at[b], out_hbm.at[l, pl.ds(b0, BSLAB)], ssems[b]).wait()

  fire(0, 0)
  fire(1, 1)

  def outer(l):
    drain(0)
    store(l, 0)

    @pl.when(l + 2 < L)
    def _():
      wait_store(l, 0)
      fire(l + 2, 0)

    drain(1)
    store(l + 1, 1)

    @pl.when(l + 3 < L)
    def _():
      wait_store(l + 1, 1)
      fire(l + 3, 1)

  pl.loop(0, L, step=2)(outer)
  wait_store(L - 2, 0)
  wait_store(L - 1, 1)


@jax.jit
def _embedding_sc(batch, weight):
  idxl = pl.kernel(
      _stage_idx_body,
      out_type=jax.ShapeDtypeStruct((B * L,), jnp.int32),
      mesh=_MESH,
      scratch_types=[
          pltpu.VMEM((8, BSLAB), jnp.int32),
          pltpu.VMEM((2, BSLAB), jnp.int32),
      ],
      compiler_params=pltpu.CompilerParams(use_tc_tiling_on_sc=True),
  )(batch.T)
  out = pl.kernel(
      _gather_body,
      out_type=jax.ShapeDtypeStruct((L, B, EMBED_DIM), jnp.float32),
      mesh=_MESH,
      scratch_types=[
          pltpu.VMEM((2, BSLAB), jnp.int32),
          pltpu.VMEM((2, BSLAB, EMBED_DIM), jnp.float32),
          pltpu.SemaphoreType.DMA,
          pltpu.SemaphoreType.DMA,
          pltpu.SemaphoreType.DMA,
          pltpu.SemaphoreType.DMA,
      ],
      compiler_params=pltpu.CompilerParams(use_tc_tiling_on_sc=False),
  )(idxl, weight)
  return out.transpose(1, 0, 2)


def kernel(batch, weight):
  return _embedding_sc(batch, weight)

# --- scband reference (transcript-rebuilt; emitter-appended) ---
"""Pipeline reference for scband-embedding-51041391345757 (READ-ONLY COPY).

The authoritative reference and input builder live on the scoring server;
editing this copy changes nothing except your own understanding.
"""

import jax, jax.numpy as jnp
import numpy as np

VOCAB = 1000000
EMBED_DIM = 32
B = 16384
L = 50

def setup_inputs(seed: int = 0) -> dict:
    key = jax.random.key(seed)
    k_idx, k_w = jax.random.split(key)
    batch = jax.random.randint(k_idx, (B, L), 0, VOCAB, dtype=jnp.int64 if jax.config.jax_enable_x64 else jnp.int32)
    weight = jax.random.normal(k_w, (VOCAB, EMBED_DIM), dtype=jnp.float32)
    return {"batch": batch, "weight": weight}

def reference(batch, weight):
    # nn.Embedding: gather rows of the table by index
    embeddings = jnp.take(weight, batch, axis=0)
    return embeddings

if __name__ == "__main__":
    import jax
    _d = setup_inputs()
    print(jax.jit(kernel)(*tuple(_d.values())))

</pallas_src>

<mosaic_0001>
#map = affine_map<(d0, d1) -> (0, 0)>
#map1 = affine_map<(d0, d1) -> (0)>
module attributes {stable_mosaic.version = 14 : i64} {
  func.func @_stage_idx_body(%arg0: i32, %arg1: i32, %arg2: memref<50x16384xi32, #tpu.memory_space<hbm>>, %arg3: memref<819200xi32, #tpu.memory_space<hbm>>, %arg4: memref<8x512xi32, #tpu.memory_space<vmem>>, %arg5: memref<2x512xi32, #tpu.memory_space<vmem>>) attributes {dimension_semantics = [#tpu.dimension_semantics<core_parallel>, #tpu.dimension_semantics<subcore_parallel>], iteration_bounds = array<i64: 2, 16>, scalar_prefetch = 0 : i64, scratch_operands = 2 : i64, tpu.core_type = #tpu.core_type<sc_vector_subcore>, window_params = [{transform_indices = #map}, {transform_indices = #map1}]} {
    %mul3A = arith.constant 2 : i32
    %mul3A_0 = arith.muli %arg1, %mul3A : i32
    %add3A = arith.addi %mul3A_0, %arg0 : i32
    %mul3A_1 = arith.constant 512 : i32
    %mul3A_2 = arith.muli %add3A, %mul3A_1 : i32
    "tpu.region"() ({
      %run_scoped3A_152 = tpu.sem_alloc : memref<!tpu.dma_semaphore, #tpu.memory_space<semaphore_mem>>
      %dma_start3A = arith.constant 0 : i32
      %dma_start3A_153 = tpu.memref_slice %arg2[%dma_start3A, %mul3A_2] : memref<50x16384xi32, #tpu.memory_space<hbm>> -> memref<8x512xi32, #tpu.memory_space<hbm>>
      %dma_start3A_154 = arith.constant 0 : i32
      %dma_start3A_155 = tpu.memref_slice %arg2[%dma_start3A_154, %mul3A_2] : memref<50x16384xi32, #tpu.memory_space<hbm>> -> memref<8x512xi32, #tpu.memory_space<hbm>>
      tpu.enqueue_dma source(%dma_start3A_155 : memref<8x512xi32, #tpu.memory_space<hbm>>) target(%arg4 : memref<8x512xi32, #tpu.memory_space<vmem>>) target_semaphore(%run_scoped3A_152 : memref<!tpu.dma_semaphore, #tpu.memory_space<semaphore_mem>>)
      %dma_wait3A = arith.constant 0 : i32
      %dma_wait3A_156 = tpu.memref_slice %arg2[%dma_wait3A, %mul3A_2] : memref<50x16384xi32, #tpu.memory_space<hbm>> -> memref<8x512xi32, #tpu.memory_space<hbm>>
      %dma_wait3A_157 = arith.constant 0 : i32
      %dma_wait3A_158 = tpu.memref_slice %arg2[%dma_wait3A_157, %mul3A_2] : memref<50x16384xi32, #tpu.memory_space<hbm>> -> memref<8x512xi32, #tpu.memory_space<hbm>>
      tpu.wait_dma2 semaphore(%run_scoped3A_152 : memref<!tpu.dma_semaphore, #tpu.memory_space<semaphore_mem>>) src(%dma_wait3A_158 : memref<8x512xi32, #tpu.memory_space<hbm>>) dst(%arg4 : memref<8x512xi32, #tpu.memory_space<vmem>>)
      tpu.yield
    }) : () -> ()
    %add3A_3 = arith.constant 0 : i32
    %add3A_4 = arith.addi %add3A_3, %mul3A_2 : i32
    %run_scoped3A = arith.constant 0 : i32
    "tpu.region"() ({
      %run_scoped3A_152 = tpu.sem_alloc : memref<!tpu.dma_semaphore, #tpu.memory_space<semaphore_mem>>
      %dma_start3A = arith.constant 0 : i32
      %dma_start3A_153 = tpu.memref_slice %arg4[%run_scoped3A, %dma_start3A] : memref<8x512xi32, #tpu.memory_space<vmem>> -> memref<1x512xi32, #tpu.memory_space<vmem>>
      %dma_start3A_154 = tpu.memref_squeeze %dma_start3A_153 : memref<1x512xi32, #tpu.memory_space<vmem>> -> memref<512xi32, #tpu.memory_space<vmem>>
      %dma_start3A_155 = tpu.memref_slice %arg3[%add3A_4] : memref<819200xi32, #tpu.memory_space<hbm>> -> memref<512xi32, #tpu.memory_space<hbm>>
      %dma_start3A_156 = tpu.memref_slice %arg3[%add3A_4] : memref<819200xi32, #tpu.memory_space<hbm>> -> memref<512xi32, #tpu.memory_space<hbm>>
      %dma_start3A_157 = arith.constant 0 : i32
      %dma_start3A_158 = tpu.memref_slice %arg4[%run_scoped3A, %dma_start3A_157] : memref<8x512xi32, #tpu.memory_space<vmem>> -> memref<1x512xi32, #tpu.memory_space<vmem>>
      %dma_start3A_159 = tpu.memref_squeeze %dma_start3A_158 : memref<1x512xi32, #tpu.memory_space<vmem>> -> memref<512xi32, #tpu.memory_space<vmem>>
      tpu.enqueue_dma source(%dma_start3A_159 : memref<512xi32, #tpu.memory_space<vmem>>) target(%dma_start3A_156 : memref<512xi32, #tpu.memory_space<hbm>>) target_semaphore(%run_scoped3A_152 : memref<!tpu.dma_semaphore, #tpu.memory_space<semaphore_mem>>)
      %dma_wait3A = arith.constant 0 : i32
      %dma_wait3A_160 = tpu.memref_slice %arg4[%run_scoped3A, %dma_wait3A] : memref<8x512xi32, #tpu.memory_space<vmem>> -> memref<1x512xi32, #tpu.memory_space<vmem>>
      %dma_wait3A_161 = tpu.memref_squeeze %dma_wait3A_160 : memref<1x512xi32, #tpu.memory_space<vmem>> -> memref<512xi32, #tpu.memory_space<vmem>>
      %dma_wait3A_162 = tpu.memref_slice %arg3[%add3A_4] : memref<819200xi32, #tpu.memory_space<hbm>> -> memref<512xi32, #tpu.memory_space<hbm>>
      %dma_wait3A_163 = tpu.memref_slice %arg3[%add3A_4] : memref<819200xi32, #tpu.memory_space<hbm>> -> memref<512xi32, #tpu.memory_space<hbm>>
      %dma_wait3A_164 = arith.constant 0 : i32
      %dma_wait3A_165 = tpu.memref_slice %arg4[%run_scoped3A, %dma_wait3A_164] : memref<8x512xi32, #tpu.memory_space<vmem>> -> memref<1x512xi32, #tpu.memory_space<vmem>>
      %dma_wait3A_166 = tpu.memref_squeeze %dma_wait3A_165 : memref<1x512xi32, #tpu.memory_space<vmem>> -> memref<512xi32, #tpu.memory_space<vmem>>
      tpu.wait_dma2 semaphore(%run_scoped3A_152 : memref<!tpu.dma_semaphore, #tpu.memory_space<semaphore_mem>>) src(%dma_wait3A_166 : memref<512xi32, #tpu.memory_space<vmem>>) dst(%dma_wait3A_163 : memref<512xi32, #tpu.memory_space<hbm>>)
      tpu.yield
    }) : () -> ()
    %add3A_5 = arith.constant 16384 : i32
    %add3A_6 = arith.addi %add3A_5, %mul3A_2 : i32
    %run_scoped3A_7 = arith.constant 1 : i32
    "tpu.region"() ({
      %run_scoped3A_152 = tpu.sem_alloc : memref<!tpu.dma_semaphore, #tpu.memory_space<semaphore_mem>>
      %dma_start3A = arith.constant 0 : i32
      %dma_start3A_153 = tpu.memref_slice %arg4[%run_scoped3A_7, %dma_start3A] : memref<8x512xi32, #tpu.memory_space<vmem>> -> memref<1x512xi32, #tpu.memory_space<vmem>>
      %dma_start3A_154 = tpu.memref_squeeze %dma_start3A_153 : memref<1x512xi32, #tpu.memory_space<vmem>> -> memref<512xi32, #tpu.memory_space<vmem>>
      %dma_start3A_155 = tpu.memref_slice %arg3[%add3A_6] : memref<819200xi32, #tpu.memory_space<hbm>> -> memref<512xi32, #tpu.memory_space<hbm>>
      %dma_start3A_156 = tpu.memref_slice %arg3[%add3A_6] : memref<819200xi32, #tpu.memory_space<hbm>> -> memref<512xi32, #tpu.memory_space<hbm>>
      %dma_start3A_157 = arith.constant 0 : i32
      %dma_start3A_158 = tpu.memref_slice %arg4[%run_scoped3A_7, %dma_start3A_157] : memref<8x512xi32, #tpu.memory_space<vmem>> -> memref<1x512xi32, #tpu.memory_space<vmem>>
      %dma_start3A_159 = tpu.memref_squeeze %dma_start3A_158 : memref<1x512xi32, #tpu.memory_space<vmem>> -> memref<512xi32, #tpu.memory_space<vmem>>
      tpu.enqueue_dma source(%dma_start3A_159 : memref<512xi32, #tpu.memory_space<vmem>>) target(%dma_start3A_156 : memref<512xi32, #tpu.memory_space<hbm>>) target_semaphore(%run_scoped3A_152 : memref<!tpu.dma_semaphore, #tpu.memory_space<semaphore_mem>>)
      %dma_wait3A = arith.constant 0 : i32
      %dma_wait3A_160 = tpu.memref_slice %arg4[%run_scoped3A_7, %dma_wait3A] : memref<8x512xi32, #tpu.memory_space<vmem>> -> memref<1x512xi32, #tpu.memory_space<vmem>>
      %dma_wait3A_161 = tpu.memref_squeeze %dma_wait3A_160 : memref<1x512xi32, #tpu.memory_space<vmem>> -> memref<512xi32, #tpu.memory_space<vmem>>
      %dma_wait3A_162 = tpu.memref_slice %arg3[%add3A_6] : memref<819200xi32, #tpu.memory_space<hbm>> -> memref<512xi32, #tpu.memory_space<hbm>>
      %dma_wait3A_163 = tpu.memref_slice %arg3[%add3A_6] : memref<819200xi32, #tpu.memory_space<hbm>> -> memref<512xi32, #tpu.memory_space<hbm>>
      %dma_wait3A_164 = arith.constant 0 : i32
      %dma_wait3A_165 = tpu.memref_slice %arg4[%run_scoped3A_7, %dma_wait3A_164] : memref<8x512xi32, #tpu.memory_space<vmem>> -> memref<1x512xi32, #tpu.memory_space<vmem>>
      %dma_wait3A_166 = tpu.memref_squeeze %dma_wait3A_165 : memref<1x512xi32, #tpu.memory_space<vmem>> -> memref<512xi32, #tpu.memory_space<vmem>>
      tpu.wait_dma2 semaphore(%run_scoped3A_152 : memref<!tpu.dma_semaphore, #tpu.memory_space<semaphore_mem>>) src(%dma_wait3A_166 : memref<512xi32, #tpu.memory_space<vmem>>) dst(%dma_wait3A_163 : memref<512xi32, #tpu.memory_space<hbm>>)
      tpu.yield
    }) : () -> ()
    %add3A_8 = arith.constant 32768 : i32
    %add3A_9 = arith.addi %add3A_8, %mul3A_2 : i32
    %run_scoped3A_10 = arith.constant 2 : i32
    "tpu.region"() ({
      %run_scoped3A_152 = tpu.sem_alloc : memref<!tpu.dma_semaphore, #tpu.memory_space<semaphore_mem>>
      %dma_start3A = arith.constant 0 : i32
      %dma_start3A_153 = tpu.memref_slice %arg4[%run_scoped3A_10, %dma_start3A] : memref<8x512xi32, #tpu.memory_space<vmem>> -> memref<1x512xi32, #tpu.memory_space<vmem>>
      %dma_start3A_154 = tpu.memref_squeeze %dma_start3A_153 : memref<1x512xi32, #tpu.memory_space<vmem>> -> memref<512xi32, #tpu.memory_space<vmem>>
      %dma_start3A_155 = tpu.memref_slice %arg3[%add3A_9] : memref<819200xi32, #tpu.memory_space<hbm>> -> memref<512xi32, #tpu.memory_space<hbm>>
      %dma_start3A_156 = tpu.memref_slice %arg3[%add3A_9] : memref<819200xi32, #tpu.memory_space<hbm>> -> memref<512xi32, #tpu.memory_space<hbm>>
      %dma_start3A_157 = arith.constant 0 : i32
      %dma_start3A_158 = tpu.memref_slice %arg4[%run_scoped3A_10, %dma_start3A_157] : memref<8x512xi32, #tpu.memory_space<vmem>> -> memref<1x512xi32, #tpu.memory_space<vmem>>
      %dma_start3A_159 = tpu.memref_squeeze %dma_start3A_158 : memref<1x512xi32, #tpu.memory_space<vmem>> -> memref<512xi32, #tpu.memory_space<vmem>>
      tpu.enqueue_dma source(%dma_start3A_159 : memref<512xi32, #tpu.memory_space<vmem>>) target(%dma_start3A_156 : memref<512xi32, #tpu.memory_space<hbm>>) target_semaphore(%run_scoped3A_152 : memref<!tpu.dma_semaphore, #tpu.memory_space<semaphore_mem>>)
      %dma_wait3A = arith.constant 0 : i32
      %dma_wait3A_160 = tpu.memref_slice %arg4[%run_scoped3A_10, %dma_wait3A] : memref<8x512xi32, #tpu.memory_space<vmem>> -> memref<1x512xi32, #tpu.memory_space<vmem>>
      %dma_wait3A_161 = tpu.memref_squeeze %dma_wait3A_160 : memref<1x512xi32, #tpu.memory_space<vmem>> -> memref<512xi32, #tpu.memory_space<vmem>>
      %dma_wait3A_162 = tpu.memref_slice %arg3[%add3A_9] : memref<819200xi32, #tpu.memory_space<hbm>> -> memref<512xi32, #tpu.memory_space<hbm>>
      %dma_wait3A_163 = tpu.memref_slice %arg3[%add3A_9] : memref<819200xi32, #tpu.memory_space<hbm>> -> memref<512xi32, #tpu.memory_space<hbm>>
      %dma_wait3A_164 = arith.constant 0 : i32
      %dma_wait3A_165 = tpu.memref_slice %arg4[%run_scoped3A_10, %dma_wait3A_164] : memref<8x512xi32, #tpu.memory_space<vmem>> -> memref<1x512xi32, #tpu.memory_space<vmem>>
      %dma_wait3A_166 = tpu.memref_squeeze %dma_wait3A_165 : memref<1x512xi32, #tpu.memory_space<vmem>> -> memref<512xi32, #tpu.memory_space<vmem>>
      tpu.wait_dma2 semaphore(%run_scoped3A_152 : memref<!tpu.dma_semaphore, #tpu.memory_space<semaphore_mem>>) src(%dma_wait3A_166 : memref<512xi32, #tpu.memory_space<vmem>>) dst(%dma_wait3A_163 : memref<512xi32, #tpu.memory_space<hbm>>)
      tpu.yield
    }) : () -> ()
    %add3A_11 = arith.constant 49152 : i32
    %add3A_12 = arith.addi %add3A_11, %mul3A_2 : i32
    %run_scoped3A_13 = arith.constant 3 : i32
    "tpu.region"() ({
      %run_scoped3A_152 = tpu.sem_alloc : memref<!tpu.dma_semaphore, #tpu.memory_space<semaphore_mem>>
      %dma_start3A = arith.constant 0 : i32
      %dma_start3A_153 = tpu.memref_slice %arg4[%run_scoped3A_13, %dma_start3A] : memref<8x512xi32, #tpu.memory_space<vmem>> -> memref<1x512xi32, #tpu.memory_space<vmem>>
      %dma_start3A_154 = tpu.memref_squeeze %dma_start3A_153 : memref<1x512xi32, #tpu.memory_space<vmem>> -> memref<512xi32, #tpu.memory_space<vmem>>
      %dma_start3A_155 = tpu.memref_slice %arg3[%add3A_12] : memref<819200xi32, #tpu.memory_space<hbm>> -> memref<512xi32, #tpu.memory_space<hbm>>
      %dma_start3A_156 = tpu.memref_slice %arg3[%add3A_12] : memref<819200xi32, #tpu.memory_space<hbm>> -> memref<512xi32, #tpu.memory_space<hbm>>
      %dma_start3A_157 = arith.constant 0 : i32
      %dma_start3A_158 = tpu.memref_slice %arg4[%run_scoped3A_13, %dma_start3A_157] : memref<8x512xi32, #tpu.memory_space<vmem>> -> memref<1x512xi32, #tpu.memory_space<vmem>>
      %dma_start3A_159 = tpu.memref_squeeze %dma_start3A_158 : memref<1x512xi32, #tpu.memory_space<vmem>> -> memref<512xi32, #tpu.memory_space<vmem>>
      tpu.enqueue_dma source(%dma_start3A_159 : memref<512xi32, #tpu.memory_space<vmem>>) target(%dma_start3A_156 : memref<512xi32, #tpu.memory_space<hbm>>) target_semaphore(%run_scoped3A_152 : memref<!tpu.dma_semaphore, #tpu.memory_space<semaphore_mem>>)
      %dma_wait3A = arith.constant 0 : i32
      %dma_wait3A_160 = tpu.memref_slice %arg4[%run_scoped3A_13, %dma_wait3A] : memref<8x512xi32, #tpu.memory_space<vmem>> -> memref<1x512xi32, #tpu.memory_space<vmem>>
      %dma_wait3A_161 = tpu.memref_squeeze %dma_wait3A_160 : memref<1x512xi32, #tpu.memory_space<vmem>> -> memref<512xi32, #tpu.memory_space<vmem>>
      %dma_wait3A_162 = tpu.memref_slice %arg3[%add3A_12] : memref<819200xi32, #tpu.memory_space<hbm>> -> memref<512xi32, #tpu.memory_space<hbm>>
      %dma_wait3A_163 = tpu.memref_slice %arg3[%add3A_12] : memref<819200xi32, #tpu.memory_space<hbm>> -> memref<512xi32, #tpu.memory_space<hbm>>
      %dma_wait3A_164 = arith.constant 0 : i32
      %dma_wait3A_165 = tpu.memref_slice %arg4[%run_scoped3A_13, %dma_wait3A_164] : memref<8x512xi32, #tpu.memory_space<vmem>> -> memref<1x512xi32, #tpu.memory_space<vmem>>
      %dma_wait3A_166 = tpu.memref_squeeze %dma_wait3A_165 : memref<1x512xi32, #tpu.memory_space<vmem>> -> memref<512xi32, #tpu.memory_space<vmem>>
      tpu.wait_dma2 semaphore(%run_scoped3A_152 : memref<!tpu.dma_semaphore, #tpu.memory_space<semaphore_mem>>) src(%dma_wait3A_166 : memref<512xi32, #tpu.memory_space<vmem>>) dst(%dma_wait3A_163 : memref<512xi32, #tpu.memory_space<hbm>>)
      tpu.yield
    }) : () -> ()
    %add3A_14 = arith.constant 65536 : i32
    %add3A_15 = arith.addi %add3A_14, %mul3A_2 : i32
    %run_scoped3A_16 = arith.constant 4 : i32
    "tpu.region"() ({
      %run_scoped3A_152 = tpu.sem_alloc : memref<!tpu.dma_semaphore, #tpu.memory_space<semaphore_mem>>
      %dma_start3A = arith.constant 0 : i32
      %dma_start3A_153 = tpu.memref_slice %arg4[%run_scoped3A_16, %dma_start3A] : memref<8x512xi32, #tpu.memory_space<vmem>> -> memref<1x512xi32, #tpu.memory_space<vmem>>
      %dma_start3A_154 = tpu.memref_squeeze %dma_start3A_153 : memref<1x512xi32, #tpu.memory_space<vmem>> -> memref<512xi32, #tpu.memory_space<vmem>>
      %dma_start3A_155 = tpu.memref_slice %arg3[%add3A_15] : memref<819200xi32, #tpu.memory_space<hbm>> -> memref<512xi32, #tpu.memory_space<hbm>>
      %dma_start3A_156 = tpu.memref_slice %arg3[%add3A_15] : memref<819200xi32, #tpu.memory_space<hbm>> -> memref<512xi32, #tpu.memory_space<hbm>>
      %dma_start3A_157 = arith.constant 0 : i32
      %dma_start3A_158 = tpu.memref_slice %arg4[%run_scoped3A_16, %dma_start3A_157] : memref<8x512xi32, #tpu.memory_space<vmem>> -> memref<1x512xi32, #tpu.memory_space<vmem>>
      %dma_start3A_159 = tpu.memref_squeeze %dma_start3A_158 : memref<1x512xi32, #tpu.memory_space<vmem>> -> memref<512xi32, #tpu.memory_space<vmem>>
      tpu.enqueue_dma source(%dma_start3A_159 : memref<512xi32, #tpu.memory_space<vmem>>) target(%dma_start3A_156 : memref<512xi32, #tpu.memory_space<hbm>>) target_semaphore(%run_scoped3A_152 : memref<!tpu.dma_semaphore, #tpu.memory_space<semaphore_mem>>)
      %dma_wait3A = arith.constant 0 : i32
      %dma_wait3A_160 = tpu.memref_slice %arg4[%run_scoped3A_16, %dma_wait3A] : memref<8x512xi32, #tpu.memory_space<vmem>> -> memref<1x512xi32, #tpu.memory_space<vmem>>
      %dma_wait3A_161 = tpu.memref_squeeze %dma_wait3A_160 : memref<1x512xi32, #tpu.memory_space<vmem>> -> memref<512xi32, #tpu.memory_space<vmem>>
      %dma_wait3A_162 = tpu.memref_slice %arg3[%add3A_15] : memref<819200xi32, #tpu.memory_space<hbm>> -> memref<512xi32, #tpu.memory_space<hbm>>
      %dma_wait3A_163 = tpu.memref_slice %arg3[%add3A_15] : memref<819200xi32, #tpu.memory_space<hbm>> -> memref<512xi32, #tpu.memory_space<hbm>>
      %dma_wait3A_164 = arith.constant 0 : i32
      %dma_wait3A_165 = tpu.memref_slice %arg4[%run_scoped3A_16, %dma_wait3A_164] : memref<8x512xi32, #tpu.memory_space<vmem>> -> memref<1x512xi32, #tpu.memory_space<vmem>>
      %dma_wait3A_166 = tpu.memref_squeeze %dma_wait3A_165 : memref<1x512xi32, #tpu.memory_space<vmem>> -> memref<512xi32, #tpu.memory_space<vmem>>
      tpu.wait_dma2 semaphore(%run_scoped3A_152 : memref<!tpu.dma_semaphore, #tpu.memory_space<semaphore_mem>>) src(%dma_wait3A_166 : memref<512xi32, #tpu.memory_space<vmem>>) dst(%dma_wait3A_163 : memref<512xi32, #tpu.memory_space<hbm>>)
      tpu.yield
    }) : () -> ()
    %add3A_17 = arith.constant 81920 : i32
    %add3A_18 = arith.addi %add3A_17, %mul3A_2 : i32
    %run_scoped3A_19 = arith.constant 5 : i32
    "tpu.region"() ({
      %run_scoped3A_152 = tpu.sem_alloc : memref<!tpu.dma_semaphore, #tpu.memory_space<semaphore_mem>>
      %dma_start3A = arith.constant 0 : i32
      %dma_start3A_153 = tpu.memref_slice %arg4[%run_scoped3A_19, %dma_start3A] : memref<8x512xi32, #tpu.memory_space<vmem>> -> memref<1x512xi32, #tpu.memory_space<vmem>>
      %dma_start3A_154 = tpu.memref_squeeze %dma_start3A_153 : memref<1x512xi32, #tpu.memory_space<vmem>> -> memref<512xi32, #tpu.memory_space<vmem>>
      %dma_start3A_155 = tpu.memref_slice %arg3[%add3A_18] : memref<819200xi32, #tpu.memory_space<hbm>> -> memref<512xi32, #tpu.memory_space<hbm>>
      %dma_start3A_156 = tpu.memref_slice %arg3[%add3A_18] : memref<819200xi32, #tpu.memory_space<hbm>> -> memref<512xi32, #tpu.memory_space<hbm>>
      %dma_start3A_157 = arith.constant 0 : i32
      %dma_start3A_158 = tpu.memref_slice %arg4[%run_scoped3A_19, %dma_start3A_157] : memref<8x512xi32, #tpu.memory_space<vmem>> -> memref<1x512xi32, #tpu.memory_space<vmem>>
      %dma_start3A_159 = tpu.memref_squeeze %dma_start3A_158 : memref<1x512xi32, #tpu.memory_space<vmem>> -> memref<512xi32, #tpu.memory_space<vmem>>
      tpu.enqueue_dma source(%dma_start3A_159 : memref<512xi32, #tpu.memory_space<vmem>>) target(%dma_start3A_156 : memref<512xi32, #tpu.memory_space<hbm>>) target_semaphore(%run_scoped3A_152 : memref<!tpu.dma_semaphore, #tpu.memory_space<semaphore_mem>>)
      %dma_wait3A = arith.constant 0 : i32
      %dma_wait3A_160 = tpu.memref_slice %arg4[%run_scoped3A_19, %dma_wait3A] : memref<8x512xi32, #tpu.memory_space<vmem>> -> memref<1x512xi32, #tpu.memory_space<vmem>>
      %dma_wait3A_161 = tpu.memref_squeeze %dma_wait3A_160 : memref<1x512xi32, #tpu.memory_space<vmem>> -> memref<512xi32, #tpu.memory_space<vmem>>
      %dma_wait3A_162 = tpu.memref_slice %arg3[%add3A_18] : memref<819200xi32, #tpu.memory_space<hbm>> -> memref<512xi32, #tpu.memory_space<hbm>>
      %dma_wait3A_163 = tpu.memref_slice %arg3[%add3A_18] : memref<819200xi32, #tpu.memory_space<hbm>> -> memref<512xi32, #tpu.memory_space<hbm>>
      %dma_wait3A_164 = arith.constant 0 : i32
      %dma_wait3A_165 = tpu.memref_slice %arg4[%run_scoped3A_19, %dma_wait3A_164] : memref<8x512xi32, #tpu.memory_space<vmem>> -> memref<1x512xi32, #tpu.memory_space<vmem>>
      %dma_wait3A_166 = tpu.memref_squeeze %dma_wait3A_165 : memref<1x512xi32, #tpu.memory_space<vmem>> -> memref<512xi32, #tpu.memory_space<vmem>>
      tpu.wait_dma2 semaphore(%run_scoped3A_152 : memref<!tpu.dma_semaphore, #tpu.memory_space<semaphore_mem>>) src(%dma_wait3A_166 : memref<512xi32, #tpu.memory_space<vmem>>) dst(%dma_wait3A_163 : memref<512xi32, #tpu.memory_space<hbm>>)
      tpu.yield
    }) : () -> ()
    %add3A_20 = arith.constant 98304 : i32
    %add3A_21 = arith.addi %add3A_20, %mul3A_2 : i32
    %run_scoped3A_22 = arith.constant 6 : i32
    "tpu.region"() ({
      %run_scoped3A_152 = tpu.sem_alloc : memref<!tpu.dma_semaphore, #tpu.memory_space<semaphore_mem>>
      %dma_start3A = arith.constant 0 : i32
      %dma_start3A_153 = tpu.memref_slice %arg4[%run_scoped3A_22, %dma_start3A] : memref<8x512xi32, #tpu.memory_space<vmem>> -> memref<1x512xi32, #tpu.memory_space<vmem>>
      %dma_start3A_154 = tpu.memref_squeeze %dma_start3A_153 : memref<1x512xi32, #tpu.memory_space<vmem>> -> memref<512xi32, #tpu.memory_space<vmem>>
      %dma_start3A_155 = tpu.memref_slice %arg3[%add3A_21] : memref<819200xi32, #tpu.memory_space<hbm>> -> memref<512xi32, #tpu.memory_space<hbm>>
      %dma_start3A_156 = tpu.memref_slice %arg3[%add3A_21] : memref<819200xi32, #tpu.memory_space<hbm>> -> memref<512xi32, #tpu.memory_space<hbm>>
      %dma_start3A_157 = arith.constant 0 : i32
      %dma_start3A_158 = tpu.memref_slice %arg4[%run_scoped3A_22, %dma_start3A_157] : memref<8x512xi32, #tpu.memory_space<vmem>> -> memref<1x512xi32, #tpu.memory_space<vmem>>
      %dma_start3A_159 = tpu.memref_squeeze %dma_start3A_158 : memref<1x512xi32, #tpu.memory_space<vmem>> -> memref<512xi32, #tpu.memory_space<vmem>>
      tpu.enqueue_dma source(%dma_start3A_159 : memref<512xi32, #tpu.memory_space<vmem>>) target(%dma_start3A_156 : memref<512xi32, #tpu.memory_space<hbm>>) target_semaphore(%run_scoped3A_152 : memref<!tpu.dma_semaphore, #tpu.memory_space<semaphore_mem>>)
      %dma_wait3A = arith.constant 0 : i32
      %dma_wait3A_160 = tpu.memref_slice %arg4[%run_scoped3A_22, %dma_wait3A] : memref<8x512xi32, #tpu.memory_space<vmem>> -> memref<1x512xi32, #tpu.memory_space<vmem>>
      %dma_wait3A_161 = tpu.memref_squeeze %dma_wait3A_160 : memref<1x512xi32, #tpu.memory_space<vmem>> -> memref<512xi32, #tpu.memory_space<vmem>>
      %dma_wait3A_162 = tpu.memref_slice %arg3[%add3A_21] : memref<819200xi32, #tpu.memory_space<hbm>> -> memref<512xi32, #tpu.memory_space<hbm>>
      %dma_wait3A_163 = tpu.memref_slice %arg3[%add3A_21] : memref<819200xi32, #tpu.memory_space<hbm>> -> memref<512xi32, #tpu.memory_space<hbm>>
      %dma_wait3A_164 = arith.constant 0 : i32
      %dma_wait3A_165 = tpu.memref_slice %arg4[%run_scoped3A_22, %dma_wait3A_164] : memref<8x512xi32, #tpu.memory_space<vmem>> -> memref<1x512xi32, #tpu.memory_space<vmem>>
      %dma_wait3A_166 = tpu.memref_squeeze %dma_wait3A_165 : memref<1x512xi32, #tpu.memory_space<vmem>> -> memref<512xi32, #tpu.memory_space<vmem>>
      tpu.wait_dma2 semaphore(%run_scoped3A_152 : memref<!tpu.dma_semaphore, #tpu.memory_space<semaphore_mem>>) src(%dma_wait3A_166 : memref<512xi32, #tpu.memory_space<vmem>>) dst(%dma_wait3A_163 : memref<512xi32, #tpu.memory_space<hbm>>)
      tpu.yield
    }) : () -> ()
    %add3A_23 = arith.constant 114688 : i32
    %add3A_24 = arith.addi %add3A_23, %mul3A_2 : i32
    %run_scoped3A_25 = arith.constant 7 : i32
    "tpu.region"() ({
      %run_scoped3A_152 = tpu.sem_alloc : memref<!tpu.dma_semaphore, #tpu.memory_space<semaphore_mem>>
      %dma_start3A = arith.constant 0 : i32
      %dma_start3A_153 = tpu.memref_slice %arg4[%run_scoped3A_25, %dma_start3A] : memref<8x512xi32, #tpu.memory_space<vmem>> -> memref<1x512xi32, #tpu.memory_space<vmem>>
      %dma_start3A_154 = tpu.memref_squeeze %dma_start3A_153 : memref<1x512xi32, #tpu.memory_space<vmem>> -> memref<512xi32, #tpu.memory_space<vmem>>
      %dma_start3A_155 = tpu.memref_slice %arg3[%add3A_24] : memref<819200xi32, #tpu.memory_space<hbm>> -> memref<512xi32, #tpu.memory_space<hbm>>
      %dma_start3A_156 = tpu.memref_slice %arg3[%add3A_24] : memref<819200xi32, #tpu.memory_space<hbm>> -> memref<512xi32, #tpu.memory_space<hbm>>
      %dma_start3A_157 = arith.constant 0 : i32
      %dma_start3A_158 = tpu.memref_slice %arg4[%run_scoped3A_25, %dma_start3A_157] : memref<8x512xi32, #tpu.memory_space<vmem>> -> memref<1x512xi32, #tpu.memory_space<vmem>>
      %dma_start3A_159 = tpu.memref_squeeze %dma_start3A_158 : memref<1x512xi32, #tpu.memory_space<vmem>> -> memref<512xi32, #tpu.memory_space<vmem>>
      tpu.enqueue_dma source(%dma_start3A_159 : memref<512xi32, #tpu.memory_space<vmem>>) target(%dma_start3A_156 : memref<512xi32, #tpu.memory_space<hbm>>) target_semaphore(%run_scoped3A_152 : memref<!tpu.dma_semaphore, #tpu.memory_space<semaphore_mem>>)
      %dma_wait3A = arith.constant 0 : i32
      %dma_wait3A_160 = tpu.memref_slice %arg4[%run_scoped3A_25, %dma_wait3A] : memref<8x512xi32, #tpu.memory_space<vmem>> -> memref<1x512xi32, #tpu.memory_space<vmem>>
      %dma_wait3A_161 = tpu.memref_squeeze %dma_wait3A_160 : memref<1x512xi32, #tpu.memory_space<vmem>> -> memref<512xi32, #tpu.memory_space<vmem>>
      %dma_wait3A_162 = tpu.memref_slice %arg3[%add3A_24] : memref<819200xi32, #tpu.memory_space<hbm>> -> memref<512xi32, #tpu.memory_space<hbm>>
      %dma_wait3A_163 = tpu.memref_slice %arg3[%add3A_24] : memref<819200xi32, #tpu.memory_space<hbm>> -> memref<512xi32, #tpu.memory_space<hbm>>
      %dma_wait3A_164 = arith.constant 0 : i32
      %dma_wait3A_165 = tpu.memref_slice %arg4[%run_scoped3A_25, %dma_wait3A_164] : memref<8x512xi32, #tpu.memory_space<vmem>> -> memref<1x512xi32, #tpu.memory_space<vmem>>
      %dma_wait3A_166 = tpu.memref_squeeze %dma_wait3A_165 : memref<1x512xi32, #tpu.memory_space<vmem>> -> memref<512xi32, #tpu.memory_space<vmem>>
      tpu.wait_dma2 semaphore(%run_scoped3A_152 : memref<!tpu.dma_semaphore, #tpu.memory_space<semaphore_mem>>) src(%dma_wait3A_166 : memref<512xi32, #tpu.memory_space<vmem>>) dst(%dma_wait3A_163 : memref<512xi32, #tpu.memory_space<hbm>>)
      tpu.yield
    }) : () -> ()
    "tpu.region"() ({
      %run_scoped3A_152 = tpu.sem_alloc : memref<!tpu.dma_semaphore, #tpu.memory_space<semaphore_mem>>
      %dma_start3A = arith.constant 8 : i32
      %dma_start3A_153 = tpu.memref_slice %arg2[%dma_start3A, %mul3A_2] : memref<50x16384xi32, #tpu.memory_space<hbm>> -> memref<8x512xi32, #tpu.memory_space<hbm>>
      %dma_start3A_154 = arith.constant 8 : i32
      %dma_start3A_155 = tpu.memref_slice %arg2[%dma_start3A_154, %mul3A_2] : memref<50x16384xi32, #tpu.memory_space<hbm>> -> memref<8x512xi32, #tpu.memory_space<hbm>>
      tpu.enqueue_dma source(%dma_start3A_155 : memref<8x512xi32, #tpu.memory_space<hbm>>) target(%arg4 : memref<8x512xi32, #tpu.memory_space<vmem>>) target_semaphore(%run_scoped3A_152 : memref<!tpu.dma_semaphore, #tpu.memory_space<semaphore_mem>>)
      %dma_wait3A = arith.constant 8 : i32
      %dma_wait3A_156 = tpu.memref_slice %arg2[%dma_wait3A, %mul3A_2] : memref<50x16384xi32, #tpu.memory_space<hbm>> -> memref<8x512xi32, #tpu.memory_space<hbm>>
      %dma_wait3A_157 = arith.constant 8 : i32
      %dma_wait3A_158 = tpu.memref_slice %arg2[%dma_wait3A_157, %mul3A_2] : memref<50x16384xi32, #tpu.memory_space<hbm>> -> memref<8x512xi32, #tpu.memory_space<hbm>>
      tpu.wait_dma2 semaphore(%run_scoped3A_152 : memref<!tpu.dma_semaphore, #tpu.memory_space<semaphore_mem>>) src(%dma_wait3A_158 : memref<8x512xi32, #tpu.memory_space<hbm>>) dst(%arg4 : memref<8x512xi32, #tpu.memory_space<vmem>>)
      tpu.yield
    }) : () -> ()
    %add3A_26 = arith.constant 131072 : i32
    %add3A_27 = arith.addi %add3A_26, %mul3A_2 : i32
    %run_scoped3A_28 = arith.constant 0 : i32
    "tpu.region"() ({
      %run_scoped3A_152 = tpu.sem_alloc : memref<!tpu.dma_semaphore, #tpu.memory_space<semaphore_mem>>
      %dma_start3A = arith.constant 0 : i32
      %dma_start3A_153 = tpu.memref_slice %arg4[%run_scoped3A_28, %dma_start3A] : memref<8x512xi32, #tpu.memory_space<vmem>> -> memref<1x512xi32, #tpu.memory_space<vmem>>
      %dma_start3A_154 = tpu.memref_squeeze %dma_start3A_153 : memref<1x512xi32, #tpu.memory_space<vmem>> -> memref<512xi32, #tpu.memory_space<vmem>>
      %dma_start3A_155 = tpu.memref_slice %arg3[%add3A_27] : memref<819200xi32, #tpu.memory_space<hbm>> -> memref<512xi32, #tpu.memory_space<hbm>>
      %dma_start3A_156 = tpu.memref_slice %arg3[%add3A_27] : memref<819200xi32, #tpu.memory_space<hbm>> -> memref<512xi32, #tpu.memory_space<hbm>>
      %dma_start3A_157 = arith.constant 0 : i32
      %dma_start3A_158 = tpu.memref_slice %arg4[%run_scoped3A_28, %dma_start3A_157] : memref<8x512xi32, #tpu.memory_space<vmem>> -> memref<1x512xi32, #tpu.memory_space<vmem>>
      %dma_start3A_159 = tpu.memref_squeeze %dma_start3A_158 : memref<1x512xi32, #tpu.memory_space<vmem>> -> memref<512xi32, #tpu.memory_space<vmem>>
      tpu.enqueue_dma source(%dma_start3A_159 : memref<512xi32, #tpu.memory_space<vmem>>) target(%dma_start3A_156 : memref<512xi32, #tpu.memory_space<hbm>>) target_semaphore(%run_scoped3A_152 : memref<!tpu.dma_semaphore, #tpu.memory_space<semaphore_mem>>)
      %dma_wait3A = arith.constant 0 : i32
      %dma_wait3A_160 = tpu.memref_slice %arg4[%run_scoped3A_28, %dma_wait3A] : memref<8x512xi32, #tpu.memory_space<vmem>> -> memref<1x512xi32, #tpu.memory_space<vmem>>
      %dma_wait3A_161 = tpu.memref_squeeze %dma_wait3A_160 : memref<1x512xi32, #tpu.memory_space<vmem>> -> memref<512xi32, #tpu.memory_space<vmem>>
      %dma_wait3A_162 = tpu.memref_slice %arg3[%add3A_27] : memref<819200xi32, #tpu.memory_space<hbm>> -> memref<512xi32, #tpu.memory_space<hbm>>
      %dma_wait3A_163 = tpu.memref_slice %arg3[%add3A_27] : memref<819200xi32, #tpu.memory_space<hbm>> -> memref<512xi32, #tpu.memory_space<hbm>>
      %dma_wait3A_164 = arith.constant 0 : i32
      %dma_wait3A_165 = tpu.memref_slice %arg4[%run_scoped3A_28, %dma_wait3A_164] : memref<8x512xi32, #tpu.memory_space<vmem>> -> memref<1x512xi32, #tpu.memory_space<vmem>>
      %dma_wait3A_166 = tpu.memref_squeeze %dma_wait3A_165 : memref<1x512xi32, #tpu.memory_space<vmem>> -> memref<512xi32, #tpu.memory_space<vmem>>
      tpu.wait_dma2 semaphore(%run_scoped3A_152 : memref<!tpu.dma_semaphore, #tpu.memory_space<semaphore_mem>>) src(%dma_wait3A_166 : memref<512xi32, #tpu.memory_space<vmem>>) dst(%dma_wait3A_163 : memref<512xi32, #tpu.memory_space<hbm>>)
      tpu.yield
    }) : () -> ()
    %add3A_29 = arith.constant 147456 : i32
    %add3A_30 = arith.addi %add3A_29, %mul3A_2 : i32
    %run_scoped3A_31 = arith.constant 1 : i32
    "tpu.region"() ({
      %run_scoped3A_152 = tpu.sem_alloc : memref<!tpu.dma_semaphore, #tpu.memory_space<semaphore_mem>>
      %dma_start3A = arith.constant 0 : i32
      %dma_start3A_153 = tpu.memref_slice %arg4[%run_scoped3A_31, %dma_start3A] : memref<8x512xi32, #tpu.memory_space<vmem>> -> memref<1x512xi32, #tpu.memory_space<vmem>>
      %dma_start3A_154 = tpu.memref_squeeze %dma_start3A_153 : memref<1x512xi32, #tpu.memory_space<vmem>> -> memref<512xi32, #tpu.memory_space<vmem>>
      %dma_start3A_155 = tpu.memref_slice %arg3[%add3A_30] : memref<819200xi32, #tpu.memory_space<hbm>> -> memref<512xi32, #tpu.memory_space<hbm>>
      %dma_start3A_156 = tpu.memref_slice %arg3[%add3A_30] : memref<819200xi32, #tpu.memory_space<hbm>> -> memref<512xi32, #tpu.memory_space<hbm>>
      %dma_start3A_157 = arith.constant 0 : i32
      %dma_start3A_158 = tpu.memref_slice %arg4[%run_scoped3A_31, %dma_start3A_157] : memref<8x512xi32, #tpu.memory_space<vmem>> -> memref<1x512xi32, #tpu.memory_space<vmem>>
      %dma_start3A_159 = tpu.memref_squeeze %dma_start3A_158 : memref<1x512xi32, #tpu.memory_space<vmem>> -> memref<512xi32, #tpu.memory_space<vmem>>
      tpu.enqueue_dma source(%dma_start3A_159 : memref<512xi32, #tpu.memory_space<vmem>>) target(%dma_start3A_156 : memref<512xi32, #tpu.memory_space<hbm>>) target_semaphore(%run_scoped3A_152 : memref<!tpu.dma_semaphore, #tpu.memory_space<semaphore_mem>>)
      %dma_wait3A = arith.constant 0 : i32
      %dma_wait3A_160 = tpu.memref_slice %arg4[%run_scoped3A_31, %dma_wait3A] : memref<8x512xi32, #tpu.memory_space<vmem>> -> memref<1x512xi32, #tpu.memory_space<vmem>>
      %dma_wait3A_161 = tpu.memref_squeeze %dma_wait3A_160 : memref<1x512xi32, #tpu.memory_space<vmem>> -> memref<512xi32, #tpu.memory_space<vmem>>
      %dma_wait3A_162 = tpu.memref_slice %arg3[%add3A_30] : memref<819200xi32, #tpu.memory_space<hbm>> -> memref<512xi32, #tpu.memory_space<hbm>>
      %dma_wait3A_163 = tpu.memref_slice %arg3[%add3A_30] : memref<819200xi32, #tpu.memory_space<hbm>> -> memref<512xi32, #tpu.memory_space<hbm>>
      %dma_wait3A_164 = arith.constant 0 : i32
      %dma_wait3A_165 = tpu.memref_slice %arg4[%run_scoped3A_31, %dma_wait3A_164] : memref<8x512xi32, #tpu.memory_space<vmem>> -> memref<1x512xi32, #tpu.memory_space<vmem>>
      %dma_wait3A_166 = tpu.memref_squeeze %dma_wait3A_165 : memref<1x512xi32, #tpu.memory_space<vmem>> -> memref<512xi32, #tpu.memory_space<vmem>>
      tpu.wait_dma2 semaphore(%run_scoped3A_152 : memref<!tpu.dma_semaphore, #tpu.memory_space<semaphore_mem>>) src(%dma_wait3A_166 : memref<512xi32, #tpu.memory_space<vmem>>) dst(%dma_wait3A_163 : memref<512xi32, #tpu.memory_space<hbm>>)
      tpu.yield
    }) : () -> ()
    %add3A_32 = arith.constant 163840 : i32
    %add3A_33 = arith.addi %add3A_32, %mul3A_2 : i32
    %run_scoped3A_34 = arith.constant 2 : i32
    "tpu.region"() ({
      %run_scoped3A_152 = tpu.sem_alloc : memref<!tpu.dma_semaphore, #tpu.memory_space<semaphore_mem>>
      %dma_start3A = arith.constant 0 : i32
      %dma_start3A_153 = tpu.memref_slice %arg4[%run_scoped3A_34, %dma_start3A] : memref<8x512xi32, #tpu.memory_space<vmem>> -> memref<1x512xi32, #tpu.memory_space<vmem>>
      %dma_start3A_154 = tpu.memref_squeeze %dma_start3A_153 : memref<1x512xi32, #tpu.memory_space<vmem>> -> memref<512xi32, #tpu.memory_space<vmem>>
      %dma_start3A_155 = tpu.memref_slice %arg3[%add3A_33] : memref<819200xi32, #tpu.memory_space<hbm>> -> memref<512xi32, #tpu.memory_space<hbm>>
      %dma_start3A_156 = tpu.memref_slice %arg3[%add3A_33] : memref<819200xi32, #tpu.memory_space<hbm>> -> memref<512xi32, #tpu.memory_space<hbm>>
      %dma_start3A_157 = arith.constant 0 : i32
      %dma_start3A_158 = tpu.memref_slice %arg4[%run_scoped3A_34, %dma_start3A_157] : memref<8x512xi32, #tpu.memory_space<vmem>> -> memref<1x512xi32, #tpu.memory_space<vmem>>
      %dma_start3A_159 = tpu.memref_squeeze %dma_start3A_158 : memref<1x512xi32, #tpu.memory_space<vmem>> -> memref<512xi32, #tpu.memory_space<vmem>>
      tpu.enqueue_dma source(%dma_start3A_159 : memref<512xi32, #tpu.memory_space<vmem>>) target(%dma_start3A_156 : memref<512xi32, #tpu.memory_space<hbm>>) target_semaphore(%run_scoped3A_152 : memref<!tpu.dma_semaphore, #tpu.memory_space<semaphore_mem>>)
      %dma_wait3A = arith.constant 0 : i32
      %dma_wait3A_160 = tpu.memref_slice %arg4[%run_scoped3A_34, %dma_wait3A] : memref<8x512xi32, #tpu.memory_space<vmem>> -> memref<1x512xi32, #tpu.memory_space<vmem>>
      %dma_wait3A_161 = tpu.memref_squeeze %dma_wait3A_160 : memref<1x512xi32, #tpu.memory_space<vmem>> -> memref<512xi32, #tpu.memory_space<vmem>>
      %dma_wait3A_162 = tpu.memref_slice %arg3[%add3A_33] : memref<819200xi32, #tpu.memory_space<hbm>> -> memref<512xi32, #tpu.memory_space<hbm>>
      %dma_wait3A_163 = tpu.memref_slice %arg3[%add3A_33] : memref<819200xi32, #tpu.memory_space<hbm>> -> memref<512xi32, #tpu.memory_space<hbm>>
      %dma_wait3A_164 = arith.constant 0 : i32
      %dma_wait3A_165 = tpu.memref_slice %arg4[%run_scoped3A_34, %dma_wait3A_164] : memref<8x512xi32, #tpu.memory_space<vmem>> -> memref<1x512xi32, #tpu.memory_space<vmem>>
      %dma_wait3A_166 = tpu.memref_squeeze %dma_wait3A_165 : memref<1x512xi32, #tpu.memory_space<vmem>> -> memref<512xi32, #tpu.memory_space<vmem>>
      tpu.wait_dma2 semaphore(%run_scoped3A_152 : memref<!tpu.dma_semaphore, #tpu.memory_space<semaphore_mem>>) src(%dma_wait3A_166 : memref<512xi32, #tpu.memory_space<vmem>>) dst(%dma_wait3A_163 : memref<512xi32, #tpu.memory_space<hbm>>)
      tpu.yield
    }) : () -> ()
    %add3A_35 = arith.constant 180224 : i32
    %add3A_36 = arith.addi %add3A_35, %mul3A_2 : i32
    %run_scoped3A_37 = arith.constant 3 : i32
    "tpu.region"() ({
      %run_scoped3A_152 = tpu.sem_alloc : memref<!tpu.dma_semaphore, #tpu.memory_space<semaphore_mem>>
      %dma_start3A = arith.constant 0 : i32
      %dma_start3A_153 = tpu.memref_slice %arg4[%run_scoped3A_37, %dma_start3A] : memref<8x512xi32, #tpu.memory_space<vmem>> -> memref<1x512xi32, #tpu.memory_space<vmem>>
      %dma_start3A_154 = tpu.memref_squeeze %dma_start3A_153 : memref<1x512xi32, #tpu.memory_space<vmem>> -> memref<512xi32, #tpu.memory_space<vmem>>
      %dma_start3A_155 = tpu.memref_slice %arg3[%add3A_36] : memref<819200xi32, #tpu.memory_space<hbm>> -> memref<512xi32, #tpu.memory_space<hbm>>
      %dma_start3A_156 = tpu.memref_slice %arg3[%add3A_36] : memref<819200xi32, #tpu.memory_space<hbm>> -> memref<512xi32, #tpu.memory_space<hbm>>
      %dma_start3A_157 = arith.constant 0 : i32
      %dma_start3A_158 = tpu.memref_slice %arg4[%run_scoped3A_37, %dma_start3A_157] : memref<8x512xi32, #tpu.memory_space<vmem>> -> memref<1x512xi32, #tpu.memory_space<vmem>>
      %dma_start3A_159 = tpu.memref_squeeze %dma_start3A_158 : memref<1x512xi32, #tpu.memory_space<vmem>> -> memref<512xi32, #tpu.memory_space<vmem>>
      tpu.enqueue_dma source(%dma_start3A_159 : memref<512xi32, #tpu.memory_space<vmem>>) target(%dma_start3A_156 : memref<512xi32, #tpu.memory_space<hbm>>) target_semaphore(%run_scoped3A_152 : memref<!tpu.dma_semaphore, #tpu.memory_space<semaphore_mem>>)
      %dma_wait3A = arith.constant 0 : i32
      %dma_wait3A_160 = tpu.memref_slice %arg4[%run_scoped3A_37, %dma_wait3A] : memref<8x512xi32, #tpu.memory_space<vmem>> -> memref<1x512xi32, #tpu.memory_space<vmem>>
      %dma_wait3A_161 = tpu.memref_squeeze %dma_wait3A_160 : memref<1x512xi32, #tpu.memory_space<vmem>> -> memref<512xi32, #tpu.memory_space<vmem>>
      %dma_wait3A_162 = tpu.memref_slice %arg3[%add3A_36] : memref<819200xi32, #tpu.memory_space<hbm>> -> memref<512xi32, #tpu.memory_space<hbm>>
      %dma_wait3A_163 = tpu.memref_slice %arg3[%add3A_36] : memref<819200xi32, #tpu.memory_space<hbm>> -> memref<512xi32, #tpu.memory_space<hbm>>
      %dma_wait3A_164 = arith.constant 0 : i32
      %dma_wait3A_165 = tpu.memref_slice %arg4[%run_scoped3A_37, %dma_wait3A_164] : memref<8x512xi32, #tpu.memory_space<vmem>> -> memref<1x512xi32, #tpu.memory_space<vmem>>
      %dma_wait3A_166 = tpu.memref_squeeze %dma_wait3A_165 : memref<1x512xi32, #tpu.memory_space<vmem>> -> memref<512xi32, #tpu.memory_space<vmem>>
      tpu.wait_dma2 semaphore(%run_scoped3A_152 : memref<!tpu.dma_semaphore, #tpu.memory_space<semaphore_mem>>) src(%dma_wait3A_166 : memref<512xi32, #tpu.memory_space<vmem>>) dst(%dma_wait3A_163 : memref<512xi32, #tpu.memory_space<hbm>>)
      tpu.yield
    }) : () -> ()
    %add3A_38 = arith.constant 196608 : i32
    %add3A_39 = arith.addi %add3A_38, %mul3A_2 : i32
    %run_scoped3A_40 = arith.constant 4 : i32
    "tpu.region"() ({
      %run_scoped3A_152 = tpu.sem_alloc : memref<!tpu.dma_semaphore, #tpu.memory_space<semaphore_mem>>
      %dma_start3A = arith.constant 0 : i32
      %dma_start3A_153 = tpu.memref_slice %arg4[%run_scoped3A_40, %dma_start3A] : memref<8x512xi32, #tpu.memory_space<vmem>> -> memref<1x512xi32, #tpu.memory_space<vmem>>
      %dma_start3A_154 = tpu.memref_squeeze %dma_start3A_153 : memref<1x512xi32, #tpu.memory_space<vmem>> -> memref<512xi32, #tpu.memory_space<vmem>>
      %dma_start3A_155 = tpu.memref_slice %arg3[%add3A_39] : memref<819200xi32, #tpu.memory_space<hbm>> -> memref<512xi32, #tpu.memory_space<hbm>>
      %dma_start3A_156 = tpu.memref_slice %arg3[%add3A_39] : memref<819200xi32, #tpu.memory_space<hbm>> -> memref<512xi32, #tpu.memory_space<hbm>>
      %dma_start3A_157 = arith.constant 0 : i32
      %dma_start3A_158 = tpu.memref_slice %arg4[%run_scoped3A_40, %dma_start3A_157] : memref<8x512xi32, #tpu.memory_space<vmem>> -> memref<1x512xi32, #tpu.memory_space<vmem>>
      %dma_start3A_159 = tpu.memref_squeeze %dma_start3A_158 : memref<1x512xi32, #tpu.memory_space<vmem>> -> memref<512xi32, #tpu.memory_space<vmem>>
      tpu.enqueue_dma source(%dma_start3A_159 : memref<512xi32, #tpu.memory_space<vmem>>) target(%dma_start3A_156 : memref<512xi32, #tpu.memory_space<hbm>>) target_semaphore(%run_scoped3A_152 : memref<!tpu.dma_semaphore, #tpu.memory_space<semaphore_mem>>)
      %dma_wait3A = arith.constant 0 : i32
      %dma_wait3A_160 = tpu.memref_slice %arg4[%run_scoped3A_40, %dma_wait3A] : memref<8x512xi32, #tpu.memory_space<vmem>> -> memref<1x512xi32, #tpu.memory_space<vmem>>
      %dma_wait3A_161 = tpu.memref_squeeze %dma_wait3A_160 : memref<1x512xi32, #tpu.memory_space<vmem>> -> memref<512xi32, #tpu.memory_space<vmem>>
      %dma_wait3A_162 = tpu.memref_slice %arg3[%add3A_39] : memref<819200xi32, #tpu.memory_space<hbm>> -> memref<512xi32, #tpu.memory_space<hbm>>
      %dma_wait3A_163 = tpu.memref_slice %arg3[%add3A_39] : memref<819200xi32, #tpu.memory_space<hbm>> -> memref<512xi32, #tpu.memory_space<hbm>>
      %dma_wait3A_164 = arith.constant 0 : i32
      %dma_wait3A_165 = tpu.memref_slice %arg4[%run_scoped3A_40, %dma_wait3A_164] : memref<8x512xi32, #tpu.memory_space<vmem>> -> memref<1x512xi32, #tpu.memory_space<vmem>>
      %dma_wait3A_166 = tpu.memref_squeeze %dma_wait3A_165 : memref<1x512xi32, #tpu.memory_space<vmem>> -> memref<512xi32, #tpu.memory_space<vmem>>
      tpu.wait_dma2 semaphore(%run_scoped3A_152 : memref<!tpu.dma_semaphore, #tpu.memory_space<semaphore_mem>>) src(%dma_wait3A_166 : memref<512xi32, #tpu.memory_space<vmem>>) dst(%dma_wait3A_163 : memref<512xi32, #tpu.memory_space<hbm>>)
      tpu.yield
    }) : () -> ()
    %add3A_41 = arith.constant 212992 : i32
    %add3A_42 = arith.addi %add3A_41, %mul3A_2 : i32
    %run_scoped3A_43 = arith.constant 5 : i32
    "tpu.region"() ({
      %run_scoped3A_152 = tpu.sem_alloc : memref<!tpu.dma_semaphore, #tpu.memory_space<semaphore_mem>>
      %dma_start3A = arith.constant 0 : i32
      %dma_start3A_153 = tpu.memref_slice %arg4[%run_scoped3A_43, %dma_start3A] : memref<8x512xi32, #tpu.memory_space<vmem>> -> memref<1x512xi32, #tpu.memory_space<vmem>>
      %dma_start3A_154 = tpu.memref_squeeze %dma_start3A_153 : memref<1x512xi32, #tpu.memory_space<vmem>> -> memref<512xi32, #tpu.memory_space<vmem>>
      %dma_start3A_155 = tpu.memref_slice %arg3[%add3A_42] : memref<819200xi32, #tpu.memory_space<hbm>> -> memref<512xi32, #tpu.memory_space<hbm>>
      %dma_start3A_156 = tpu.memref_slice %arg3[%add3A_42] : memref<819200xi32, #tpu.memory_space<hbm>> -> memref<512xi32, #tpu.memory_space<hbm>>
      %dma_start3A_157 = arith.constant 0 : i32
      %dma_start3A_158 = tpu.memref_slice %arg4[%run_scoped3A_43, %dma_start3A_157] : memref<8x512xi32, #tpu.memory_space<vmem>> -> memref<1x512xi32, #tpu.memory_space<vmem>>
      %dma_start3A_159 = tpu.memref_squeeze %dma_start3A_158 : memref<1x512xi32, #tpu.memory_space<vmem>> -> memref<512xi32, #tpu.memory_space<vmem>>
      tpu.enqueue_dma source(%dma_start3A_159 : memref<512xi32, #tpu.memory_space<vmem>>) target(%dma_start3A_156 : memref<512xi32, #tpu.memory_space<hbm>>) target_semaphore(%run_scoped3A_152 : memref<!tpu.dma_semaphore, #tpu.memory_space<semaphore_mem>>)
      %dma_wait3A = arith.constant 0 : i32
      %dma_wait3A_160 = tpu.memref_slice %arg4[%run_scoped3A_43, %dma_wait3A] : memref<8x512xi32, #tpu.memory_space<vmem>> -> memref<1x512xi32, #tpu.memory_space<vmem>>
      %dma_wait3A_161 = tpu.memref_squeeze %dma_wait3A_160 : memref<1x512xi32, #tpu.memory_space<vmem>> -> memref<512xi32, #tpu.memory_space<vmem>>
      %dma_wait3A_162 = tpu.memref_slice %arg3[%add3A_42] : memref<819200xi32, #tpu.memory_space<hbm>> -> memref<512xi32, #tpu.memory_space<hbm>>
      %dma_wait3A_163 = tpu.memref_slice %arg3[%add3A_42] : memref<819200xi32, #tpu.memory_space<hbm>> -> memref<512xi32, #tpu.memory_space<hbm>>
      %dma_wait3A_164 = arith.constant 0 : i32
      %dma_wait3A_165 = tpu.memref_slice %arg4[%run_scoped3A_43, %dma_wait3A_164] : memref<8x512xi32, #tpu.memory_space<vmem>> -> memref<1x512xi32, #tpu.memory_space<vmem>>
      %dma_wait3A_166 = tpu.memref_squeeze %dma_wait3A_165 : memref<1x512xi32, #tpu.memory_space<vmem>> -> memref<512xi32, #tpu.memory_space<vmem>>
      tpu.wait_dma2 semaphore(%run_scoped3A_152 : memref<!tpu.dma_semaphore, #tpu.memory_space<semaphore_mem>>) src(%dma_wait3A_166 : memref<512xi32, #tpu.memory_space<vmem>>) dst(%dma_wait3A_163 : memref<512xi32, #tpu.memory_space<hbm>>)
      tpu.yield
    }) : () -> ()
    %add3A_44 = arith.constant 229376 : i32
    %add3A_45 = arith.addi %add3A_44, %mul3A_2 : i32
    %run_scoped3A_46 = arith.constant 6 : i32
    "tpu.region"() ({
      %run_scoped3A_152 = tpu.sem_alloc : memref<!tpu.dma_semaphore, #tpu.memory_space<semaphore_mem>>
      %dma_start3A = arith.constant 0 : i32
      %dma_start3A_153 = tpu.memref_slice %arg4[%run_scoped3A_46, %dma_start3A] : memref<8x512xi32, #tpu.memory_space<vmem>> -> memref<1x512xi32, #tpu.memory_space<vmem>>
      %dma_start3A_154 = tpu.memref_squeeze %dma_start3A_153 : memref<1x512xi32, #tpu.memory_space<vmem>> -> memref<512xi32, #tpu.memory_space<vmem>>
      %dma_start3A_155 = tpu.memref_slice %arg3[%add3A_45] : memref<819200xi32, #tpu.memory_space<hbm>> -> memref<512xi32, #tpu.memory_space<hbm>>
      %dma_start3A_156 = tpu.memref_slice %arg3[%add3A_45] : memref<819200xi32, #tpu.memory_space<hbm>> -> memref<512xi32, #tpu.memory_space<hbm>>
      %dma_start3A_157 = arith.constant 0 : i32
      %dma_start3A_158 = tpu.memref_slice %arg4[%run_scoped3A_46, %dma_start3A_157] : memref<8x512xi32, #tpu.memory_space<vmem>> -> memref<1x512xi32, #tpu.memory_space<vmem>>
      %dma_start3A_159 = tpu.memref_squeeze %dma_start3A_158 : memref<1x512xi32, #tpu.memory_space<vmem>> -> memref<512xi32, #tpu.memory_space<vmem>>
      tpu.enqueue_dma source(%dma_start3A_159 : memref<512xi32, #tpu.memory_space<vmem>>) target(%dma_start3A_156 : memref<512xi32, #tpu.memory_space<hbm>>) target_semaphore(%run_scoped3A_152 : memref<!tpu.dma_semaphore, #tpu.memory_space<semaphore_mem>>)
      %dma_wait3A = arith.constant 0 : i32
      %dma_wait3A_160 = tpu.memref_slice %arg4[%run_scoped3A_46, %dma_wait3A] : memref<8x512xi32, #tpu.memory_space<vmem>> -> memref<1x512xi32, #tpu.memory_space<vmem>>
      %dma_wait3A_161 = tpu.memref_squeeze %dma_wait3A_160 : memref<1x512xi32, #tpu.memory_space<vmem>> -> memref<512xi32, #tpu.memory_space<vmem>>
      %dma_wait3A_162 = tpu.memref_slice %arg3[%add3A_45] : memref<819200xi32, #tpu.memory_space<hbm>> -> memref<512xi32, #tpu.memory_space<hbm>>
      %dma_wait3A_163 = tpu.memref_slice %arg3[%add3A_45] : memref<819200xi32, #tpu.memory_space<hbm>> -> memref<512xi32, #tpu.memory_space<hbm>>
      %dma_wait3A_164 = arith.constant 0 : i32
      %dma_wait3A_165 = tpu.memref_slice %arg4[%run_scoped3A_46, %dma_wait3A_164] : memref<8x512xi32, #tpu.memory_space<vmem>> -> memref<1x512xi32, #tpu.memory_space<vmem>>
      %dma_wait3A_166 = tpu.memref_squeeze %dma_wait3A_165 : memref<1x512xi32, #tpu.memory_space<vmem>> -> memref<512xi32, #tpu.memory_space<vmem>>
      tpu.wait_dma2 semaphore(%run_scoped3A_152 : memref<!tpu.dma_semaphore, #tpu.memory_space<semaphore_mem>>) src(%dma_wait3A_166 : memref<512xi32, #tpu.memory_space<vmem>>) dst(%dma_wait3A_163 : memref<512xi32, #tpu.memory_space<hbm>>)
      tpu.yield
    }) : () -> ()
    %add3A_47 = arith.constant 245760 : i32
    %add3A_48 = arith.addi %add3A_47, %mul3A_2 : i32
    %run_scoped3A_49 = arith.constant 7 : i32
    "tpu.region"() ({
      %run_scoped3A_152 = tpu.sem_alloc : memref<!tpu.dma_semaphore, #tpu.memory_space<semaphore_mem>>
      %dma_start3A = arith.constant 0 : i32
      %dma_start3A_153 = tpu.memref_slice %arg4[%run_scoped3A_49, %dma_start3A] : memref<8x512xi32, #tpu.memory_space<vmem>> -> memref<1x512xi32, #tpu.memory_space<vmem>>
      %dma_start3A_154 = tpu.memref_squeeze %dma_start3A_153 : memref<1x512xi32, #tpu.memory_space<vmem>> -> memref<512xi32, #tpu.memory_space<vmem>>
      %dma_start3A_155 = tpu.memref_slice %arg3[%add3A_48] : memref<819200xi32, #tpu.memory_space<hbm>> -> memref<512xi32, #tpu.memory_space<hbm>>
      %dma_start3A_156 = tpu.memref_slice %arg3[%add3A_48] : memref<819200xi32, #tpu.memory_space<hbm>> -> memref<512xi32, #tpu.memory_space<hbm>>
      %dma_start3A_157 = arith.constant 0 : i32
      %dma_start3A_158 = tpu.memref_slice %arg4[%run_scoped3A_49, %dma_start3A_157] : memref<8x512xi32, #tpu.memory_space<vmem>> -> memref<1x512xi32, #tpu.memory_space<vmem>>
      %dma_start3A_159 = tpu.memref_squeeze %dma_start3A_158 : memref<1x512xi32, #tpu.memory_space<vmem>> -> memref<512xi32, #tpu.memory_space<vmem>>
      tpu.enqueue_dma source(%dma_start3A_159 : memref<512xi32, #tpu.memory_space<vmem>>) target(%dma_start3A_156 : memref<512xi32, #tpu.memory_space<hbm>>) target_semaphore(%run_scoped3A_152 : memref<!tpu.dma_semaphore, #tpu.memory_space<semaphore_mem>>)
      %dma_wait3A = arith.constant 0 : i32
      %dma_wait3A_160 = tpu.memref_slice %arg4[%run_scoped3A_49, %dma_wait3A] : memref<8x512xi32, #tpu.memory_space<vmem>> -> memref<1x512xi32, #tpu.memory_space<vmem>>
      %dma_wait3A_161 = tpu.memref_squeeze %dma_wait3A_160 : memref<1x512xi32, #tpu.memory_space<vmem>> -> memref<512xi32, #tpu.memory_space<vmem>>
      %dma_wait3A_162 = tpu.memref_slice %arg3[%add3A_48] : memref<819200xi32, #tpu.memory_space<hbm>> -> memref<512xi32, #tpu.memory_space<hbm>>
      %dma_wait3A_163 = tpu.memref_slice %arg3[%add3A_48] : memref<819200xi32, #tpu.memory_space<hbm>> -> memref<512xi32, #tpu.memory_space<hbm>>
      %dma_wait3A_164 = arith.constant 0 : i32
      %dma_wait3A_165 = tpu.memref_slice %arg4[%run_scoped3A_49, %dma_wait3A_164] : memref<8x512xi32, #tpu.memory_space<vmem>> -> memref<1x512xi32, #tpu.memory_space<vmem>>
      %dma_wait3A_166 = tpu.memref_squeeze %dma_wait3A_165 : memref<1x512xi32, #tpu.memory_space<vmem>> -> memref<512xi32, #tpu.memory_space<vmem>>
      tpu.wait_dma2 semaphore(%run_scoped3A_152 : memref<!tpu.dma_semaphore, #tpu.memory_space<semaphore_mem>>) src(%dma_wait3A_166 : memref<512xi32, #tpu.memory_space<vmem>>) dst(%dma_wait3A_163 : memref<512xi32, #tpu.memory_space<hbm>>)
      tpu.yield
    }) : () -> ()
    "tpu.region"() ({
      %run_scoped3A_152 = tpu.sem_alloc : memref<!tpu.dma_semaphore, #tpu.memory_space<semaphore_mem>>
      %dma_start3A = arith.constant 16 : i32
      %dma_start3A_153 = tpu.memref_slice %arg2[%dma_start3A, %mul3A_2] : memref<50x16384xi32, #tpu.memory_space<hbm>> -> memref<8x512xi32, #tpu.memory_space<hbm>>
      %dma_start3A_154 = arith.constant 16 : i32
      %dma_start3A_155 = tpu.memref_slice %arg2[%dma_start3A_154, %mul3A_2] : memref<50x16384xi32, #tpu.memory_space<hbm>> -> memref<8x512xi32, #tpu.memory_space<hbm>>
      tpu.enqueue_dma source(%dma_start3A_155 : memref<8x512xi32, #tpu.memory_space<hbm>>) target(%arg4 : memref<8x512xi32, #tpu.memory_space<vmem>>) target_semaphore(%run_scoped3A_152 : memref<!tpu.dma_semaphore, #tpu.memory_space<semaphore_mem>>)
      %dma_wait3A = arith.constant 16 : i32
      %dma_wait3A_156 = tpu.memref_slice %arg2[%dma_wait3A, %mul3A_2] : memref<50x16384xi32, #tpu.memory_space<hbm>> -> memref<8x512xi32, #tpu.memory_space<hbm>>
      %dma_wait3A_157 = arith.constant 16 : i32
      %dma_wait3A_158 = tpu.memref_slice %arg2[%dma_wait3A_157, %mul3A_2] : memref<50x16384xi32, #tpu.memory_space<hbm>> -> memref<8x512xi32, #tpu.memory_space<hbm>>
      tpu.wait_dma2 semaphore(%run_scoped3A_152 : memref<!tpu.dma_semaphore, #tpu.memory_space<semaphore_mem>>) src(%dma_wait3A_158 : memref<8x512xi32, #tpu.memory_space<hbm>>) dst(%arg4 : memref<8x512xi32, #tpu.memory_space<vmem>>)
      tpu.yield
    }) : () -> ()
    %add3A_50 = arith.constant 262144 : i32
    %add3A_51 = arith.addi %add3A_50, %mul3A_2 : i32
    %run_scoped3A_52 = arith.constant 0 : i32
    "tpu.region"() ({
      %run_scoped3A_152 = tpu.sem_alloc : memref<!tpu.dma_semaphore, #tpu.memory_space<semaphore_mem>>
      %dma_start3A = arith.constant 0 : i32
      %dma_start3A_153 = tpu.memref_slice %arg4[%run_scoped3A_52, %dma_start3A] : memref<8x512xi32, #tpu.memory_space<vmem>> -> memref<1x512xi32, #tpu.memory_space<vmem>>
      %dma_start3A_154 = tpu.memref_squeeze %dma_start3A_153 : memref<1x512xi32, #tpu.memory_space<vmem>> -> memref<512xi32, #tpu.memory_space<vmem>>
      %dma_start3A_155 = tpu.memref_slice %arg3[%add3A_51] : memref<819200xi32, #tpu.memory_space<hbm>> -> memref<512xi32, #tpu.memory_space<hbm>>
      %dma_start3A_156 = tpu.memref_slice %arg3[%add3A_51] : memref<819200xi32, #tpu.memory_space<hbm>> -> memref<512xi32, #tpu.memory_space<hbm>>
      %dma_start3A_157 = arith.constant 0 : i32
      %dma_start3A_158 = tpu.memref_slice %arg4[%run_scoped3A_52, %dma_start3A_157] : memref<8x512xi32, #tpu.memory_space<vmem>> -> memref<1x512xi32, #tpu.memory_space<vmem>>
      %dma_start3A_159 = tpu.memref_squeeze %dma_start3A_158 : memref<1x512xi32, #tpu.memory_space<vmem>> -> memref<512xi32, #tpu.memory_space<vmem>>
      tpu.enqueue_dma source(%dma_start3A_159 : memref<512xi32, #tpu.memory_space<vmem>>) target(%dma_start3A_156 : memref<512xi32, #tpu.memory_space<hbm>>) target_semaphore(%run_scoped3A_152 : memref<!tpu.dma_semaphore, #tpu.memory_space<semaphore_mem>>)
      %dma_wait3A = arith.constant 0 : i32
      %dma_wait3A_160 = tpu.memref_slice %arg4[%run_scoped3A_52, %dma_wait3A] : memref<8x512xi32, #tpu.memory_space<vmem>> -> memref<1x512xi32, #tpu.memory_space<vmem>>
      %dma_wait3A_161 = tpu.memref_squeeze %dma_wait3A_160 : memref<1x512xi32, #tpu.memory_space<vmem>> -> memref<512xi32, #tpu.memory_space<vmem>>
      %dma_wait3A_162 = tpu.memref_slice %arg3[%add3A_51] : memref<819200xi32, #tpu.memory_space<hbm>> -> memref<512xi32, #tpu.memory_space<hbm>>
      %dma_wait3A_163 = tpu.memref_slice %arg3[%add3A_51] : memref<819200xi32, #tpu.memory_space<hbm>> -> memref<512xi32, #tpu.memory_space<hbm>>
      %dma_wait3A_164 = arith.constant 0 : i32
      %dma_wait3A_165 = tpu.memref_slice %arg4[%run_scoped3A_52, %dma_wait3A_164] : memref<8x512xi32, #tpu.memory_space<vmem>> -> memref<1x512xi32, #tpu.memory_space<vmem>>
      %dma_wait3A_166 = tpu.memref_squeeze %dma_wait3A_165 : memref<1x512xi32, #tpu.memory_space<vmem>> -> memref<512xi32, #tpu.memory_space<vmem>>
      tpu.wait_dma2 semaphore(%run_scoped3A_152 : memref<!tpu.dma_semaphore, #tpu.memory_space<semaphore_mem>>) src(%dma_wait3A_166 : memref<512xi32, #tpu.memory_space<vmem>>) dst(%dma_wait3A_163 : memref<512xi32, #tpu.memory_space<hbm>>)
      tpu.yield
    }) : () -> ()
    %add3A_53 = arith.constant 278528 : i32
    %add3A_54 = arith.addi %add3A_53, %mul3A_2 : i32
    %run_scoped3A_55 = arith.constant 1 : i32
    "tpu.region"() ({
      %run_scoped3A_152 = tpu.sem_alloc : memref<!tpu.dma_semaphore, #tpu.memory_space<semaphore_mem>>
      %dma_start3A = arith.constant 0 : i32
      %dma_start3A_153 = tpu.memref_slice %arg4[%run_scoped3A_55, %dma_start3A] : memref<8x512xi32, #tpu.memory_space<vmem>> -> memref<1x512xi32, #tpu.memory_space<vmem>>
      %dma_start3A_154 = tpu.memref_squeeze %dma_start3A_153 : memref<1x512xi32, #tpu.memory_space<vmem>> -> memref<512xi32, #tpu.memory_space<vmem>>
      %dma_start3A_155 = tpu.memref_slice %arg3[%add3A_54] : memref<819200xi32, #tpu.memory_space<hbm>> -> memref<512xi32, #tpu.memory_space<hbm>>
      %dma_start3A_156 = tpu.memref_slice %arg3[%add3A_54] : memref<819200xi32, #tpu.memory_space<hbm>> -> memref<512xi32, #tpu.memory_space<hbm>>
      %dma_start3A_157 = arith.constant 0 : i32
      %dma_start3A_158 = tpu.memref_slice %arg4[%run_scoped3A_55, %dma_start3A_157] : memref<8x512xi32, #tpu.memory_space<vmem>> -> memref<1x512xi32, #tpu.memory_space<vmem>>
      %dma_start3A_159 = tpu.memref_squeeze %dma_start3A_158 : memref<1x512xi32, #tpu.memory_space<vmem>> -> memref<512xi32, #tpu.memory_space<vmem>>
      tpu.enqueue_dma source(%dma_start3A_159 : memref<512xi32, #tpu.memory_space<vmem>>) target(%dma_start3A_156 : memref<512xi32, #tpu.memory_space<hbm>>) target_semaphore(%run_scoped3A_152 : memref<!tpu.dma_semaphore, #tpu.memory_space<semaphore_mem>>)
      %dma_wait3A = arith.constant 0 : i32
      %dma_wait3A_160 = tpu.memref_slice %arg4[%run_scoped3A_55, %dma_wait3A] : memref<8x512xi32, #tpu.memory_space<vmem>> -> memref<1x512xi32, #tpu.memory_space<vmem>>
      %dma_wait3A_161 = tpu.memref_squeeze %dma_wait3A_160 : memref<1x512xi32, #tpu.memory_space<vmem>> -> memref<512xi32, #tpu.memory_space<vmem>>
      %dma_wait3A_162 = tpu.memref_slice %arg3[%add3A_54] : memref<819200xi32, #tpu.memory_space<hbm>> -> memref<512xi32, #tpu.memory_space<hbm>>
      %dma_wait3A_163 = tpu.memref_slice %arg3[%add3A_54] : memref<819200xi32, #tpu.memory_space<hbm>> -> memref<512xi32, #tpu.memory_space<hbm>>
      %dma_wait3A_164 = arith.constant 0 : i32
      %dma_wait3A_165 = tpu.memref_slice %arg4[%run_scoped3A_55, %dma_wait3A_164] : memref<8x512xi32, #tpu.memory_space<vmem>> -> memref<1x512xi32, #tpu.memory_space<vmem>>
      %dma_wait3A_166 = tpu.memref_squeeze %dma_wait3A_165 : memref<1x512xi32, #tpu.memory_space<vmem>> -> memref<512xi32, #tpu.memory_space<vmem>>
      tpu.wait_dma2 semaphore(%run_scoped3A_152 : memref<!tpu.dma_semaphore, #tpu.memory_space<semaphore_mem>>) src(%dma_wait3A_166 : memref<512xi32, #tpu.memory_space<vmem>>) dst(%dma_wait3A_163 : memref<512xi32, #tpu.memory_space<hbm>>)
      tpu.yield
    }) : () -> ()
    %add3A_56 = arith.constant 294912 : i32
    %add3A_57 = arith.addi %add3A_56, %mul3A_2 : i32
    %run_scoped3A_58 = arith.constant 2 : i32
    "tpu.region"() ({
      %run_scoped3A_152 = tpu.sem_alloc : memref<!tpu.dma_semaphore, #tpu.memory_space<semaphore_mem>>
      %dma_start3A = arith.constant 0 : i32
      %dma_start3A_153 = tpu.memref_slice %arg4[%run_scoped3A_58, %dma_start3A] : memref<8x512xi32, #tpu.memory_space<vmem>> -> memref<1x512xi32, #tpu.memory_space<vmem>>
      %dma_start3A_154 = tpu.memref_squeeze %dma_start3A_153 : memref<1x512xi32, #tpu.memory_space<vmem>> -> memref<512xi32, #tpu.memory_space<vmem>>
      %dma_start3A_155 = tpu.memref_slice %arg3[%add3A_57] : memref<819200xi32, #tpu.memory_space<hbm>> -> memref<512xi32, #tpu.memory_space<hbm>>
      %dma_start3A_156 = tpu.memref_slice %arg3[%add3A_57] : memref<819200xi32, #tpu.memory_space<hbm>> -> memref<512xi32, #tpu.memory_space<hbm>>
      %dma_start3A_157 = arith.constant 0 : i32
      %dma_start3A_158 = tpu.memref_slice %arg4[%run_scoped3A_58, %dma_start3A_157] : memref<8x512xi32, #tpu.memory_space<vmem>> -> memref<1x512xi32, #tpu.memory_space<vmem>>
      %dma_start3A_159 = tpu.memref_squeeze %dma_start3A_158 : memref<1x512xi32, #tpu.memory_space<vmem>> -> memref<512xi32, #tpu.memory_space<vmem>>
      tpu.enqueue_dma source(%dma_start3A_159 : memref<512xi32, #tpu.memory_space<vmem>>) target(%dma_start3A_156 : memref<512xi32, #tpu.memory_space<hbm>>) target_semaphore(%run_scoped3A_152 : memref<!tpu.dma_semaphore, #tpu.memory_space<semaphore_mem>>)
      %dma_wait3A = arith.constant 0 : i32
      %dma_wait3A_160 = tpu.memref_slice %arg4[%run_scoped3A_58, %dma_wait3A] : memref<8x512xi32, #tpu.memory_space<vmem>> -> memref<1x512xi32, #tpu.memory_space<vmem>>
      %dma_wait3A_161 = tpu.memref_squeeze %dma_wait3A_160 : memref<1x512xi32, #tpu.memory_space<vmem>> -> memref<512xi32, #tpu.memory_space<vmem>>
      %dma_wait3A_162 = tpu.memref_slice %arg3[%add3A_57] : memref<819200xi32, #tpu.memory_space<hbm>> -> memref<512xi32, #tpu.memory_space<hbm>>
      %dma_wait3A_163 = tpu.memref_slice %arg3[%add3A_57] : memref<819200xi32, #tpu.memory_space<hbm>> -> memref<512xi32, #tpu.memory_space<hbm>>
      %dma_wait3A_164 = arith.constant 0 : i32
      %dma_wait3A_165 = tpu.memref_slice %arg4[%run_scoped3A_58, %dma_wait3A_164] : memref<8x512xi32, #tpu.memory_space<vmem>> -> memref<1x512xi32, #tpu.memory_space<vmem>>
      %dma_wait3A_166 = tpu.memref_squeeze %dma_wait3A_165 : memref<1x512xi32, #tpu.memory_space<vmem>> -> memref<512xi32, #tpu.memory_space<vmem>>
      tpu.wait_dma2 semaphore(%run_scoped3A_152 : memref<!tpu.dma_semaphore, #tpu.memory_space<semaphore_mem>>) src(%dma_wait3A_166 : memref<512xi32, #tpu.memory_space<vmem>>) dst(%dma_wait3A_163 : memref<512xi32, #tpu.memory_space<hbm>>)
      tpu.yield
    }) : () -> ()
    %add3A_59 = arith.constant 311296 : i32
    %add3A_60 = arith.addi %add3A_59, %mul3A_2 : i32
    %run_scoped3A_61 = arith.constant 3 : i32
    "tpu.region"() ({
      %run_scoped3A_152 = tpu.sem_alloc : memref<!tpu.dma_semaphore, #tpu.memory_space<semaphore_mem>>
      %dma_start3A = arith.constant 0 : i32
      %dma_start3A_153 = tpu.memref_slice %arg4[%run_scoped3A_61, %dma_start3A] : memref<8x512xi32, #tpu.memory_space<vmem>> -> memref<1x512xi32, #tpu.memory_space<vmem>>
      %dma_start3A_154 = tpu.memref_squeeze %dma_start3A_153 : memref<1x512xi32, #tpu.memory_space<vmem>> -> memref<512xi32, #tpu.memory_space<vmem>>
      %dma_start3A_155 = tpu.memref_slice %arg3[%add3A_60] : memref<819200xi32, #tpu.memory_space<hbm>> -> memref<512xi32, #tpu.memory_space<hbm>>
      %dma_start3A_156 = tpu.memref_slice %arg3[%add3A_60] : memref<819200xi32, #tpu.memory_space<hbm>> -> memref<512xi32, #tpu.memory_space<hbm>>
      %dma_start3A_157 = arith.constant 0 : i32
      %dma_start3A_158 = tpu.memref_slice %arg4[%run_scoped3A_61, %dma_start3A_157] : memref<8x512xi32, #tpu.memory_space<vmem>> -> memref<1x512xi32, #tpu.memory_space<vmem>>
      %dma_start3A_159 = tpu.memref_squeeze %dma_start3A_158 : memref<1x512xi32, #tpu.memory_space<vmem>> -> memref<512xi32, #tpu.memory_space<vmem>>
      tpu.enqueue_dma source(%dma_start3A_159 : memref<512xi32, #tpu.memory_space<vmem>>) target(%dma_start3A_156 : memref<512xi32, #tpu.memory_space<hbm>>) target_semaphore(%run_scoped3A_152 : memref<!tpu.dma_semaphore, #tpu.memory_space<semaphore_mem>>)
      %dma_wait3A = arith.constant 0 : i32
      %dma_wait3A_160 = tpu.memref_slice %arg4[%run_scoped3A_61, %dma_wait3A] : memref<8x512xi32, #tpu.memory_space<vmem>> -> memref<1x512xi32, #tpu.memory_space<vmem>>
      %dma_wait3A_161 = tpu.memref_squeeze %dma_wait3A_160 : memref<1x512xi32, #tpu.memory_space<vmem>> -> memref<512xi32, #tpu.memory_space<vmem>>
      %dma_wait3A_162 = tpu.memref_slice %arg3[%add3A_60] : memref<819200xi32, #tpu.memory_space<hbm>> -> memref<512xi32, #tpu.memory_space<hbm>>
      %dma_wait3A_163 = tpu.memref_slice %arg3[%add3A_60] : memref<819200xi32, #tpu.memory_space<hbm>> -> memref<512xi32, #tpu.memory_space<hbm>>
      %dma_wait3A_164 = arith.constant 0 : i32
      %dma_wait3A_165 = tpu.memref_slice %arg4[%run_scoped3A_61, %dma_wait3A_164] : memref<8x512xi32, #tpu.memory_space<vmem>> -> memref<1x512xi32, #tpu.memory_space<vmem>>
      %dma_wait3A_166 = tpu.memref_squeeze %dma_wait3A_165 : memref<1x512xi32, #tpu.memory_space<vmem>> -> memref<512xi32, #tpu.memory_space<vmem>>
      tpu.wait_dma2 semaphore(%run_scoped3A_152 : memref<!tpu.dma_semaphore, #tpu.memory_space<semaphore_mem>>) src(%dma_wait3A_166 : memref<512xi32, #tpu.memory_space<vmem>>) dst(%dma_wait3A_163 : memref<512xi32, #tpu.memory_space<hbm>>)
      tpu.yield
    }) : () -> ()
    %add3A_62 = arith.constant 327680 : i32
    %add3A_63 = arith.addi %add3A_62, %mul3A_2 : i32
    %run_scoped3A_64 = arith.constant 4 : i32
    "tpu.region"() ({
      %run_scoped3A_152 = tpu.sem_alloc : memref<!tpu.dma_semaphore, #tpu.memory_space<semaphore_mem>>
      %dma_start3A = arith.constant 0 : i32
      %dma_start3A_153 = tpu.memref_slice %arg4[%run_scoped3A_64, %dma_start3A] : memref<8x512xi32, #tpu.memory_space<vmem>> -> memref<1x512xi32, #tpu.memory_space<vmem>>
      %dma_start3A_154 = tpu.memref_squeeze %dma_start3A_153 : memref<1x512xi32, #tpu.memory_space<vmem>> -> memref<512xi32, #tpu.memory_space<vmem>>
      %dma_start3A_155 = tpu.memref_slice %arg3[%add3A_63] : memref<819200xi32, #tpu.memory_space<hbm>> -> memref<512xi32, #tpu.memory_space<hbm>>
      %dma_start3A_156 = tpu.memref_slice %arg3[%add3A_63] : memref<819200xi32, #tpu.memory_space<hbm>> -> memref<512xi32, #tpu.memory_space<hbm>>
      %dma_start3A_157 = arith.constant 0 : i32
      %dma_start3A_158 = tpu.memref_slice %arg4[%run_scoped3A_64, %dma_start3A_157] : memref<8x512xi32, #tpu.memory_space<vmem>> -> memref<1x512xi32, #tpu.memory_space<vmem>>
      %dma_start3A_159 = tpu.memref_squeeze %dma_start3A_158 : memref<1x512xi32, #tpu.memory_space<vmem>> -> memref<512xi32, #tpu.memory_space<vmem>>
      tpu.enqueue_dma source(%dma_start3A_159 : memref<512xi32, #tpu.memory_space<vmem>>) target(%dma_start3A_156 : memref<512xi32, #tpu.memory_space<hbm>>) target_semaphore(%run_scoped3A_152 : memref<!tpu.dma_semaphore, #tpu.memory_space<semaphore_mem>>)
      %dma_wait3A = arith.constant 0 : i32
      %dma_wait3A_160 = tpu.memref_slice %arg4[%run_scoped3A_64, %dma_wait3A] : memref<8x512xi32, #tpu.memory_space<vmem>> -> memref<1x512xi32, #tpu.memory_space<vmem>>
      %dma_wait3A_161 = tpu.memref_squeeze %dma_wait3A_160 : memref<1x512xi32, #tpu.memory_space<vmem>> -> memref<512xi32, #tpu.memory_space<vmem>>
      %dma_wait3A_162 = tpu.memref_slice %arg3[%add3A_63] : memref<819200xi32, #tpu.memory_space<hbm>> -> memref<512xi32, #tpu.memory_space<hbm>>
      %dma_wait3A_163 = tpu.memref_slice %arg3[%add3A_63] : memref<819200xi32, #tpu.memory_space<hbm>> -> memref<512xi32, #tpu.memory_space<hbm>>
      %dma_wait3A_164 = arith.constant 0 : i32
      %dma_wait3A_165 = tpu.memref_slice %arg4[%run_scoped3A_64, %dma_wait3A_164] : memref<8x512xi32, #tpu.memory_space<vmem>> -> memref<1x512xi32, #tpu.memory_space<vmem>>
      %dma_wait3A_166 = tpu.memref_squeeze %dma_wait3A_165 : memref<1x512xi32, #tpu.memory_space<vmem>> -> memref<512xi32, #tpu.memory_space<vmem>>
      tpu.wait_dma2 semaphore(%run_scoped3A_152 : memref<!tpu.dma_semaphore, #tpu.memory_space<semaphore_mem>>) src(%dma_wait3A_166 : memref<512xi32, #tpu.memory_space<vmem>>) dst(%dma_wait3A_163 : memref<512xi32, #tpu.memory_space<hbm>>)
      tpu.yield
    }) : () -> ()
    %add3A_65 = arith.constant 344064 : i32
    %add3A_66 = arith.addi %add3A_65, %mul3A_2 : i32
    %run_scoped3A_67 = arith.constant 5 : i32
    "tpu.region"() ({
      %run_scoped3A_152 = tpu.sem_alloc : memref<!tpu.dma_semaphore, #tpu.memory_space<semaphore_mem>>
      %dma_start3A = arith.constant 0 : i32
      %dma_start3A_153 = tpu.memref_slice %arg4[%run_scoped3A_67, %dma_start3A] : memref<8x512xi32, #tpu.memory_space<vmem>> -> memref<1x512xi32, #tpu.memory_space<vmem>>
      %dma_start3A_154 = tpu.memref_squeeze %dma_start3A_153 : memref<1x512xi32, #tpu.memory_space<vmem>> -> memref<512xi32, #tpu.memory_space<vmem>>
      %dma_start3A_155 = tpu.memref_slice %arg3[%add3A_66] : memref<819200xi32, #tpu.memory_space<hbm>> -> memref<512xi32, #tpu.memory_space<hbm>>
      %dma_start3A_156 = tpu.memref_slice %arg3[%add3A_66] : memref<819200xi32, #tpu.memory_space<hbm>> -> memref<512xi32, #tpu.memory_space<hbm>>
      %dma_start3A_157 = arith.constant 0 : i32
      %dma_start3A_158 = tpu.memref_slice %arg4[%run_scoped3A_67, %dma_start3A_157] : memref<8x512xi32, #tpu.memory_space<vmem>> -> memref<1x512xi32, #tpu.memory_space<vmem>>
      %dma_start3A_159 = tpu.memref_squeeze %dma_start3A_158 : memref<1x512xi32, #tpu.memory_space<vmem>> -> memref<512xi32, #tpu.memory_space<vmem>>
      tpu.enqueue_dma source(%dma_start3A_159 : memref<512xi32, #tpu.memory_space<vmem>>) target(%dma_start3A_156 : memref<512xi32, #tpu.memory_space<hbm>>) target_semaphore(%run_scoped3A_152 : memref<!tpu.dma_semaphore, #tpu.memory_space<semaphore_mem>>)
      %dma_wait3A = arith.constant 0 : i32
      %dma_wait3A_160 = tpu.memref_slice %arg4[%run_scoped3A_67, %dma_wait3A] : memref<8x512xi32, #tpu.memory_space<vmem>> -> memref<1x512xi32, #tpu.memory_space<vmem>>
      %dma_wait3A_161 = tpu.memref_squeeze %dma_wait3A_160 : memref<1x512xi32, #tpu.memory_space<vmem>> -> memref<512xi32, #tpu.memory_space<vmem>>
      %dma_wait3A_162 = tpu.memref_slice %arg3[%add3A_66] : memref<819200xi32, #tpu.memory_space<hbm>> -> memref<512xi32, #tpu.memory_space<hbm>>
      %dma_wait3A_163 = tpu.memref_slice %arg3[%add3A_66] : memref<819200xi32, #tpu.memory_space<hbm>> -> memref<512xi32, #tpu.memory_space<hbm>>
      %dma_wait3A_164 = arith.constant 0 : i32
      %dma_wait3A_165 = tpu.memref_slice %arg4[%run_scoped3A_67, %dma_wait3A_164] : memref<8x512xi32, #tpu.memory_space<vmem>> -> memref<1x512xi32, #tpu.memory_space<vmem>>
      %dma_wait3A_166 = tpu.memref_squeeze %dma_wait3A_165 : memref<1x512xi32, #tpu.memory_space<vmem>> -> memref<512xi32, #tpu.memory_space<vmem>>
      tpu.wait_dma2 semaphore(%run_scoped3A_152 : memref<!tpu.dma_semaphore, #tpu.memory_space<semaphore_mem>>) src(%dma_wait3A_166 : memref<512xi32, #tpu.memory_space<vmem>>) dst(%dma_wait3A_163 : memref<512xi32, #tpu.memory_space<hbm>>)
      tpu.yield
    }) : () -> ()
    %add3A_68 = arith.constant 360448 : i32
    %add3A_69 = arith.addi %add3A_68, %mul3A_2 : i32
    %run_scoped3A_70 = arith.constant 6 : i32
    "tpu.region"() ({
      %run_scoped3A_152 = tpu.sem_alloc : memref<!tpu.dma_semaphore, #tpu.memory_space<semaphore_mem>>
      %dma_start3A = arith.constant 0 : i32
      %dma_start3A_153 = tpu.memref_slice %arg4[%run_scoped3A_70, %dma_start3A] : memref<8x512xi32, #tpu.memory_space<vmem>> -> memref<1x512xi32, #tpu.memory_space<vmem>>
      %dma_start3A_154 = tpu.memref_squeeze %dma_start3A_153 : memref<1x512xi32, #tpu.memory_space<vmem>> -> memref<512xi32, #tpu.memory_space<vmem>>
      %dma_start3A_155 = tpu.memref_slice %arg3[%add3A_69] : memref<819200xi32, #tpu.memory_space<hbm>> -> memref<512xi32, #tpu.memory_space<hbm>>
      %dma_start3A_156 = tpu.memref_slice %arg3[%add3A_69] : memref<819200xi32, #tpu.memory_space<hbm>> -> memref<512xi32, #tpu.memory_space<hbm>>
      %dma_start3A_157 = arith.constant 0 : i32
      %dma_start3A_158 = tpu.memref_slice %arg4[%run_scoped3A_70, %dma_start3A_157] : memref<8x512xi32, #tpu.memory_space<vmem>> -> memref<1x512xi32, #tpu.memory_space<vmem>>
      %dma_start3A_159 = tpu.memref_squeeze %dma_start3A_158 : memref<1x512xi32, #tpu.memory_space<vmem>> -> memref<512xi32, #tpu.memory_space<vmem>>
      tpu.enqueue_dma source(%dma_start3A_159 : memref<512xi32, #tpu.memory_space<vmem>>) target(%dma_start3A_156 : memref<512xi32, #tpu.memory_space<hbm>>) target_semaphore(%run_scoped3A_152 : memref<!tpu.dma_semaphore, #tpu.memory_space<semaphore_mem>>)
      %dma_wait3A = arith.constant 0 : i32
      %dma_wait3A_160 = tpu.memref_slice %arg4[%run_scoped3A_70, %dma_wait3A] : memref<8x512xi32, #tpu.memory_space<vmem>> -> memref<1x512xi32, #tpu.memory_space<vmem>>
      %dma_wait3A_161 = tpu.memref_squeeze %dma_wait3A_160 : memref<1x512xi32, #tpu.memory_space<vmem>> -> memref<512xi32, #tpu.memory_space<vmem>>
      %dma_wait3A_162 = tpu.memref_slice %arg3[%add3A_69] : memref<819200xi32, #tpu.memory_space<hbm>> -> memref<512xi32, #tpu.memory_space<hbm>>
      %dma_wait3A_163 = tpu.memref_slice %arg3[%add3A_69] : memref<819200xi32, #tpu.memory_space<hbm>> -> memref<512xi32, #tpu.memory_space<hbm>>
      %dma_wait3A_164 = arith.constant 0 : i32
      %dma_wait3A_165 = tpu.memref_slice %arg4[%run_scoped3A_70, %dma_wait3A_164] : memref<8x512xi32, #tpu.memory_space<vmem>> -> memref<1x512xi32, #tpu.memory_space<vmem>>
      %dma_wait3A_166 = tpu.memref_squeeze %dma_wait3A_165 : memref<1x512xi32, #tpu.memory_space<vmem>> -> memref<512xi32, #tpu.memory_space<vmem>>
      tpu.wait_dma2 semaphore(%run_scoped3A_152 : memref<!tpu.dma_semaphore, #tpu.memory_space<semaphore_mem>>) src(%dma_wait3A_166 : memref<512xi32, #tpu.memory_space<vmem>>) dst(%dma_wait3A_163 : memref<512xi32, #tpu.memory_space<hbm>>)
      tpu.yield
    }) : () -> ()
    %add3A_71 = arith.constant 376832 : i32
    %add3A_72 = arith.addi %add3A_71, %mul3A_2 : i32
    %run_scoped3A_73 = arith.constant 7 : i32
    "tpu.region"() ({
      %run_scoped3A_152 = tpu.sem_alloc : memref<!tpu.dma_semaphore, #tpu.memory_space<semaphore_mem>>
      %dma_start3A = arith.constant 0 : i32
      %dma_start3A_153 = tpu.memref_slice %arg4[%run_scoped3A_73, %dma_start3A] : memref<8x512xi32, #tpu.memory_space<vmem>> -> memref<1x512xi32, #tpu.memory_space<vmem>>
      %dma_start3A_154 = tpu.memref_squeeze %dma_start3A_153 : memref<1x512xi32, #tpu.memory_space<vmem>> -> memref<512xi32, #tpu.memory_space<vmem>>
      %dma_start3A_155 = tpu.memref_slice %arg3[%add3A_72] : memref<819200xi32, #tpu.memory_space<hbm>> -> memref<512xi32, #tpu.memory_space<hbm>>
      %dma_start3A_156 = tpu.memref_slice %arg3[%add3A_72] : memref<819200xi32, #tpu.memory_space<hbm>> -> memref<512xi32, #tpu.memory_space<hbm>>
      %dma_start3A_157 = arith.constant 0 : i32
      %dma_start3A_158 = tpu.memref_slice %arg4[%run_scoped3A_73, %dma_start3A_157] : memref<8x512xi32, #tpu.memory_space<vmem>> -> memref<1x512xi32, #tpu.memory_space<vmem>>
      %dma_start3A_159 = tpu.memref_squeeze %dma_start3A_158 : memref<1x512xi32, #tpu.memory_space<vmem>> -> memref<512xi32, #tpu.memory_space<vmem>>
      tpu.enqueue_dma source(%dma_start3A_159 : memref<512xi32, #tpu.memory_space<vmem>>) target(%dma_start3A_156 : memref<512xi32, #tpu.memory_space<hbm>>) target_semaphore(%run_scoped3A_152 : memref<!tpu.dma_semaphore, #tpu.memory_space<semaphore_mem>>)
      %dma_wait3A = arith.constant 0 : i32
      %dma_wait3A_160 = tpu.memref_slice %arg4[%run_scoped3A_73, %dma_wait3A] : memref<8x512xi32, #tpu.memory_space<vmem>> -> memref<1x512xi32, #tpu.memory_space<vmem>>
      %dma_wait3A_161 = tpu.memref_squeeze %dma_wait3A_160 : memref<1x512xi32, #tpu.memory_space<vmem>> -> memref<512xi32, #tpu.memory_space<vmem>>
      %dma_wait3A_162 = tpu.memref_slice %arg3[%add3A_72] : memref<819200xi32, #tpu.memory_space<hbm>> -> memref<512xi32, #tpu.memory_space<hbm>>
      %dma_wait3A_163 = tpu.memref_slice %arg3[%add3A_72] : memref<819200xi32, #tpu.memory_space<hbm>> -> memref<512xi32, #tpu.memory_space<hbm>>
      %dma_wait3A_164 = arith.constant 0 : i32
      %dma_wait3A_165 = tpu.memref_slice %arg4[%run_scoped3A_73, %dma_wait3A_164] : memref<8x512xi32, #tpu.memory_space<vmem>> -> memref<1x512xi32, #tpu.memory_space<vmem>>
      %dma_wait3A_166 = tpu.memref_squeeze %dma_wait3A_165 : memref<1x512xi32, #tpu.memory_space<vmem>> -> memref<512xi32, #tpu.memory_space<vmem>>
      tpu.wait_dma2 semaphore(%run_scoped3A_152 : memref<!tpu.dma_semaphore, #tpu.memory_space<semaphore_mem>>) src(%dma_wait3A_166 : memref<512xi32, #tpu.memory_space<vmem>>) dst(%dma_wait3A_163 : memref<512xi32, #tpu.memory_space<hbm>>)
      tpu.yield
    }) : () -> ()
    "tpu.region"() ({
      %run_scoped3A_152 = tpu.sem_alloc : memref<!tpu.dma_semaphore, #tpu.memory_space<semaphore_mem>>
      %dma_start3A = arith.constant 24 : i32
      %dma_start3A_153 = tpu.memref_slice %arg2[%dma_start3A, %mul3A_2] : memref<50x16384xi32, #tpu.memory_space<hbm>> -> memref<8x512xi32, #tpu.memory_space<hbm>>
      %dma_start3A_154 = arith.constant 24 : i32
      %dma_start3A_155 = tpu.memref_slice %arg2[%dma_start3A_154, %mul3A_2] : memref<50x16384xi32, #tpu.memory_space<hbm>> -> memref<8x512xi32, #tpu.memory_space<hbm>>
      tpu.enqueue_dma source(%dma_start3A_155 : memref<8x512xi32, #tpu.memory_space<hbm>>) target(%arg4 : memref<8x512xi32, #tpu.memory_space<vmem>>) target_semaphore(%run_scoped3A_152 : memref<!tpu.dma_semaphore, #tpu.memory_space<semaphore_mem>>)
      %dma_wait3A = arith.constant 24 : i32
      %dma_wait3A_156 = tpu.memref_slice %arg2[%dma_wait3A, %mul3A_2] : memref<50x16384xi32, #tpu.memory_space<hbm>> -> memref<8x512xi32, #tpu.memory_space<hbm>>
      %dma_wait3A_157 = arith.constant 24 : i32
      %dma_wait3A_158 = tpu.memref_slice %arg2[%dma_wait3A_157, %mul3A_2] : memref<50x16384xi32, #tpu.memory_space<hbm>> -> memref<8x512xi32, #tpu.memory_space<hbm>>
      tpu.wait_dma2 semaphore(%run_scoped3A_152 : memref<!tpu.dma_semaphore, #tpu.memory_space<semaphore_mem>>) src(%dma_wait3A_158 : memref<8x512xi32, #tpu.memory_space<hbm>>) dst(%arg4 : memref<8x512xi32, #tpu.memory_space<vmem>>)
      tpu.yield
    }) : () -> ()
    %add3A_74 = arith.constant 393216 : i32
    %add3A_75 = arith.addi %add3A_74, %mul3A_2 : i32
    %run_scoped3A_76 = arith.constant 0 : i32
    "tpu.region"() ({
      %run_scoped3A_152 = tpu.sem_alloc : memref<!tpu.dma_semaphore, #tpu.memory_space<semaphore_mem>>
      %dma_start3A = arith.constant 0 : i32
      %dma_start3A_153 = tpu.memref_slice %arg4[%run_scoped3A_76, %dma_start3A] : memref<8x512xi32, #tpu.memory_space<vmem>> -> memref<1x512xi32, #tpu.memory_space<vmem>>
      %dma_start3A_154 = tpu.memref_squeeze %dma_start3A_153 : memref<1x512xi32, #tpu.memory_space<vmem>> -> memref<512xi32, #tpu.memory_space<vmem>>
      %dma_start3A_155 = tpu.memref_slice %arg3[%add3A_75] : memref<819200xi32, #tpu.memory_space<hbm>> -> memref<512xi32, #tpu.memory_space<hbm>>
      %dma_start3A_156 = tpu.memref_slice %arg3[%add3A_75] : memref<819200xi32, #tpu.memory_space<hbm>> -> memref<512xi32, #tpu.memory_space<hbm>>
      %dma_start3A_157 = arith.constant 0 : i32
      %dma_start3A_158 = tpu.memref_slice %arg4[%run_scoped3A_76, %dma_start3A_157] : memref<8x512xi32, #tpu.memory_space<vmem>> -> memref<1x512xi32, #tpu.memory_space<vmem>>
      %dma_start3A_159 = tpu.memref_squeeze %dma_start3A_158 : memref<1x512xi32, #tpu.memory_space<vmem>> -> memref<512xi32, #tpu.memory_space<vmem>>
      tpu.enqueue_dma source(%dma_start3A_159 : memref<512xi32, #tpu.memory_space<vmem>>) target(%dma_start3A_156 : memref<512xi32, #tpu.memory_space<hbm>>) target_semaphore(%run_scoped3A_152 : memref<!tpu.dma_semaphore, #tpu.memory_space<semaphore_mem>>)
      %dma_wait3A = arith.constant 0 : i32
      %dma_wait3A_160 = tpu.memref_slice %arg4[%run_scoped3A_76, %dma_wait3A] : memref<8x512xi32, #tpu.memory_space<vmem>> -> memref<1x512xi32, #tpu.memory_space<vmem>>
      %dma_wait3A_161 = tpu.memref_squeeze %dma_wait3A_160 : memref<1x512xi32, #tpu.memory_space<vmem>> -> memref<512xi32, #tpu.memory_space<vmem>>
      %dma_wait3A_162 = tpu.memref_slice %arg3[%add3A_75] : memref<819200xi32, #tpu.memory_space<hbm>> -> memref<512xi32, #tpu.memory_space<hbm>>
      %dma_wait3A_163 = tpu.memref_slice %arg3[%add3A_75] : memref<819200xi32, #tpu.memory_space<hbm>> -> memref<512xi32, #tpu.memory_space<hbm>>
      %dma_wait3A_164 = arith.constant 0 : i32
      %dma_wait3A_165 = tpu.memref_slice %arg4[%run_scoped3A_76, %dma_wait3A_164] : memref<8x512xi32, #tpu.memory_space<vmem>> -> memref<1x512xi32, #tpu.memory_space<vmem>>
      %dma_wait3A_166 = tpu.memref_squeeze %dma_wait3A_165 : memref<1x512xi32, #tpu.memory_space<vmem>> -> memref<512xi32, #tpu.memory_space<vmem>>
      tpu.wait_dma2 semaphore(%run_scoped3A_152 : memref<!tpu.dma_semaphore, #tpu.memory_space<semaphore_mem>>) src(%dma_wait3A_166 : memref<512xi32, #tpu.memory_space<vmem>>) dst(%dma_wait3A_163 : memref<512xi32, #tpu.memory_space<hbm>>)
      tpu.yield
    }) : () -> ()
    %add3A_77 = arith.constant 409600 : i32
    %add3A_78 = arith.addi %add3A_77, %mul3A_2 : i32
    %run_scoped3A_79 = arith.constant 1 : i32
    "tpu.region"() ({
      %run_scoped3A_152 = tpu.sem_alloc : memref<!tpu.dma_semaphore, #tpu.memory_space<semaphore_mem>>
      %dma_start3A = arith.constant 0 : i32
      %dma_start3A_153 = tpu.memref_slice %arg4[%run_scoped3A_79, %dma_start3A] : memref<8x512xi32, #tpu.memory_space<vmem>> -> memref<1x512xi32, #tpu.memory_space<vmem>>
      %dma_start3A_154 = tpu.memref_squeeze %dma_start3A_153 : memref<1x512xi32, #tpu.memory_space<vmem>> -> memref<512xi32, #tpu.memory_space<vmem>>
      %dma_start3A_155 = tpu.memref_slice %arg3[%add3A_78] : memref<819200xi32, #tpu.memory_space<hbm>> -> memref<512xi32, #tpu.memory_space<hbm>>
      %dma_start3A_156 = tpu.memref_slice %arg3[%add3A_78] : memref<819200xi32, #tpu.memory_space<hbm>> -> memref<512xi32, #tpu.memory_space<hbm>>
      %dma_start3A_157 = arith.constant 0 : i32
      %dma_start3A_158 = tpu.memref_slice %arg4[%run_scoped3A_79, %dma_start3A_157] : memref<8x512xi32, #tpu.memory_space<vmem>> -> memref<1x512xi32, #tpu.memory_space<vmem>>
      %dma_start3A_159 = tpu.memref_squeeze %dma_start3A_158 : memref<1x512xi32, #tpu.memory_space<vmem>> -> memref<512xi32, #tpu.memory_space<vmem>>
      tpu.enqueue_dma source(%dma_start3A_159 : memref<512xi32, #tpu.memory_space<vmem>>) target(%dma_start3A_156 : memref<512xi32, #tpu.memory_space<hbm>>) target_semaphore(%run_scoped3A_152 : memref<!tpu.dma_semaphore, #tpu.memory_space<semaphore_mem>>)
      %dma_wait3A = arith.constant 0 : i32
      %dma_wait3A_160 = tpu.memref_slice %arg4[%run_scoped3A_79, %dma_wait3A] : memref<8x512xi32, #tpu.memory_space<vmem>> -> memref<1x512xi32, #tpu.memory_space<vmem>>
      %dma_wait3A_161 = tpu.memref_squeeze %dma_wait3A_160 : memref<1x512xi32, #tpu.memory_space<vmem>> -> memref<512xi32, #tpu.memory_space<vmem>>
      %dma_wait3A_162 = tpu.memref_slice %arg3[%add3A_78] : memref<819200xi32, #tpu.memory_space<hbm>> -> memref<512xi32, #tpu.memory_space<hbm>>
      %dma_wait3A_163 = tpu.memref_slice %arg3[%add3A_78] : memref<819200xi32, #tpu.memory_space<hbm>> -> memref<512xi32, #tpu.memory_space<hbm>>
      %dma_wait3A_164 = arith.constant 0 : i32
      %dma_wait3A_165 = tpu.memref_slice %arg4[%run_scoped3A_79, %dma_wait3A_164] : memref<8x512xi32, #tpu.memory_space<vmem>> -> memref<1x512xi32, #tpu.memory_space<vmem>>
      %dma_wait3A_166 = tpu.memref_squeeze %dma_wait3A_165 : memref<1x512xi32, #tpu.memory_space<vmem>> -> memref<512xi32, #tpu.memory_space<vmem>>
      tpu.wait_dma2 semaphore(%run_scoped3A_152 : memref<!tpu.dma_semaphore, #tpu.memory_space<semaphore_mem>>) src(%dma_wait3A_166 : memref<512xi32, #tpu.memory_space<vmem>>) dst(%dma_wait3A_163 : memref<512xi32, #tpu.memory_space<hbm>>)
      tpu.yield
    }) : () -> ()
    %add3A_80 = arith.constant 425984 : i32
    %add3A_81 = arith.addi %add3A_80, %mul3A_2 : i32
    %run_scoped3A_82 = arith.constant 2 : i32
    "tpu.region"() ({
      %run_scoped3A_152 = tpu.sem_alloc : memref<!tpu.dma_semaphore, #tpu.memory_space<semaphore_mem>>
      %dma_start3A = arith.constant 0 : i32
      %dma_start3A_153 = tpu.memref_slice %arg4[%run_scoped3A_82, %dma_start3A] : memref<8x512xi32, #tpu.memory_space<vmem>> -> memref<1x512xi32, #tpu.memory_space<vmem>>
      %dma_start3A_154 = tpu.memref_squeeze %dma_start3A_153 : memref<1x512xi32, #tpu.memory_space<vmem>> -> memref<512xi32, #tpu.memory_space<vmem>>
      %dma_start3A_155 = tpu.memref_slice %arg3[%add3A_81] : memref<819200xi32, #tpu.memory_space<hbm>> -> memref<512xi32, #tpu.memory_space<hbm>>
      %dma_start3A_156 = tpu.memref_slice %arg3[%add3A_81] : memref<819200xi32, #tpu.memory_space<hbm>> -> memref<512xi32, #tpu.memory_space<hbm>>
      %dma_start3A_157 = arith.constant 0 : i32
      %dma_start3A_158 = tpu.memref_slice %arg4[%run_scoped3A_82, %dma_start3A_157] : memref<8x512xi32, #tpu.memory_space<vmem>> -> memref<1x512xi32, #tpu.memory_space<vmem>>
      %dma_start3A_159 = tpu.memref_squeeze %dma_start3A_158 : memref<1x512xi32, #tpu.memory_space<vmem>> -> memref<512xi32, #tpu.memory_space<vmem>>
      tpu.enqueue_dma source(%dma_start3A_159 : memref<512xi32, #tpu.memory_space<vmem>>) target(%dma_start3A_156 : memref<512xi32, #tpu.memory_space<hbm>>) target_semaphore(%run_scoped3A_152 : memref<!tpu.dma_semaphore, #tpu.memory_space<semaphore_mem>>)
      %dma_wait3A = arith.constant 0 : i32
      %dma_wait3A_160 = tpu.memref_slice %arg4[%run_scoped3A_82, %dma_wait3A] : memref<8x512xi32, #tpu.memory_space<vmem>> -> memref<1x512xi32, #tpu.memory_space<vmem>>
      %dma_wait3A_161 = tpu.memref_squeeze %dma_wait3A_160 : memref<1x512xi32, #tpu.memory_space<vmem>> -> memref<512xi32, #tpu.memory_space<vmem>>
      %dma_wait3A_162 = tpu.memref_slice %arg3[%add3A_81] : memref<819200xi32, #tpu.memory_space<hbm>> -> memref<512xi32, #tpu.memory_space<hbm>>
      %dma_wait3A_163 = tpu.memref_slice %arg3[%add3A_81] : memref<819200xi32, #tpu.memory_space<hbm>> -> memref<512xi32, #tpu.memory_space<hbm>>
      %dma_wait3A_164 = arith.constant 0 : i32
      %dma_wait3A_165 = tpu.memref_slice %arg4[%run_scoped3A_82, %dma_wait3A_164] : memref<8x512xi32, #tpu.memory_space<vmem>> -> memref<1x512xi32, #tpu.memory_space<vmem>>
      %dma_wait3A_166 = tpu.memref_squeeze %dma_wait3A_165 : memref<1x512xi32, #tpu.memory_space<vmem>> -> memref<512xi32, #tpu.memory_space<vmem>>
      tpu.wait_dma2 semaphore(%run_scoped3A_152 : memref<!tpu.dma_semaphore, #tpu.memory_space<semaphore_mem>>) src(%dma_wait3A_166 : memref<512xi32, #tpu.memory_space<vmem>>) dst(%dma_wait3A_163 : memref<512xi32, #tpu.memory_space<hbm>>)
      tpu.yield
    }) : () -> ()
    %add3A_83 = arith.constant 442368 : i32
    %add3A_84 = arith.addi %add3A_83, %mul3A_2 : i32
    %run_scoped3A_85 = arith.constant 3 : i32
    "tpu.region"() ({
      %run_scoped3A_152 = tpu.sem_alloc : memref<!tpu.dma_semaphore, #tpu.memory_space<semaphore_mem>>
      %dma_start3A = arith.constant 0 : i32
      %dma_start3A_153 = tpu.memref_slice %arg4[%run_scoped3A_85, %dma_start3A] : memref<8x512xi32, #tpu.memory_space<vmem>> -> memref<1x512xi32, #tpu.memory_space<vmem>>
      %dma_start3A_154 = tpu.memref_squeeze %dma_start3A_153 : memref<1x512xi32, #tpu.memory_space<vmem>> -> memref<512xi32, #tpu.memory_space<vmem>>
      %dma_start3A_155 = tpu.memref_slice %arg3[%add3A_84] : memref<819200xi32, #tpu.memory_space<hbm>> -> memref<512xi32, #tpu.memory_space<hbm>>
      %dma_start3A_156 = tpu.memref_slice %arg3[%add3A_84] : memref<819200xi32, #tpu.memory_space<hbm>> -> memref<512xi32, #tpu.memory_space<hbm>>
      %dma_start3A_157 = arith.constant 0 : i32
      %dma_start3A_158 = tpu.memref_slice %arg4[%run_scoped3A_85, %dma_start3A_157] : memref<8x512xi32, #tpu.memory_space<vmem>> -> memref<1x512xi32, #tpu.memory_space<vmem>>
      %dma_start3A_159 = tpu.memref_squeeze %dma_start3A_158 : memref<1x512xi32, #tpu.memory_space<vmem>> -> memref<512xi32, #tpu.memory_space<vmem>>
      tpu.enqueue_dma source(%dma_start3A_159 : memref<512xi32, #tpu.memory_space<vmem>>) target(%dma_start3A_156 : memref<512xi32, #tpu.memory_space<hbm>>) target_semaphore(%run_scoped3A_152 : memref<!tpu.dma_semaphore, #tpu.memory_space<semaphore_mem>>)
      %dma_wait3A = arith.constant 0 : i32
      %dma_wait3A_160 = tpu.memref_slice %arg4[%run_scoped3A_85, %dma_wait3A] : memref<8x512xi32, #tpu.memory_space<vmem>> -> memref<1x512xi32, #tpu.memory_space<vmem>>
      %dma_wait3A_161 = tpu.memref_squeeze %dma_wait3A_160 : memref<1x512xi32, #tpu.memory_space<vmem>> -> memref<512xi32, #tpu.memory_space<vmem>>
      %dma_wait3A_162 = tpu.memref_slice %arg3[%add3A_84] : memref<819200xi32, #tpu.memory_space<hbm>> -> memref<512xi32, #tpu.memory_space<hbm>>
      %dma_wait3A_163 = tpu.memref_slice %arg3[%add3A_84] : memref<819200xi32, #tpu.memory_space<hbm>> -> memref<512xi32, #tpu.memory_space<hbm>>
      %dma_wait3A_164 = arith.constant 0 : i32
      %dma_wait3A_165 = tpu.memref_slice %arg4[%run_scoped3A_85, %dma_wait3A_164] : memref<8x512xi32, #tpu.memory_space<vmem>> -> memref<1x512xi32, #tpu.memory_space<vmem>>
      %dma_wait3A_166 = tpu.memref_squeeze %dma_wait3A_165 : memref<1x512xi32, #tpu.memory_space<vmem>> -> memref<512xi32, #tpu.memory_space<vmem>>
      tpu.wait_dma2 semaphore(%run_scoped3A_152 : memref<!tpu.dma_semaphore, #tpu.memory_space<semaphore_mem>>) src(%dma_wait3A_166 : memref<512xi32, #tpu.memory_space<vmem>>) dst(%dma_wait3A_163 : memref<512xi32, #tpu.memory_space<hbm>>)
      tpu.yield
    }) : () -> ()
    %add3A_86 = arith.constant 458752 : i32
    %add3A_87 = arith.addi %add3A_86, %mul3A_2 : i32
    %run_scoped3A_88 = arith.constant 4 : i32
    "tpu.region"() ({
      %run_scoped3A_152 = tpu.sem_alloc : memref<!tpu.dma_semaphore, #tpu.memory_space<semaphore_mem>>
      %dma_start3A = arith.constant 0 : i32
      %dma_start3A_153 = tpu.memref_slice %arg4[%run_scoped3A_88, %dma_start3A] : memref<8x512xi32, #tpu.memory_space<vmem>> -> memref<1x512xi32, #tpu.memory_space<vmem>>
      %dma_start3A_154 = tpu.memref_squeeze %dma_start3A_153 : memref<1x512xi32, #tpu.memory_space<vmem>> -> memref<512xi32, #tpu.memory_space<vmem>>
      %dma_start3A_155 = tpu.memref_slice %arg3[%add3A_87] : memref<819200xi32, #tpu.memory_space<hbm>> -> memref<512xi32, #tpu.memory_space<hbm>>
      %dma_start3A_156 = tpu.memref_slice %arg3[%add3A_87] : memref<819200xi32, #tpu.memory_space<hbm>> -> memref<512xi32, #tpu.memory_space<hbm>>
      %dma_start3A_157 = arith.constant 0 : i32
      %dma_start3A_158 = tpu.memref_slice %arg4[%run_scoped3A_88, %dma_start3A_157] : memref<8x512xi32, #tpu.memory_space<vmem>> -> memref<1x512xi32, #tpu.memory_space<vmem>>
      %dma_start3A_159 = tpu.memref_squeeze %dma_start3A_158 : memref<1x512xi32, #tpu.memory_space<vmem>> -> memref<512xi32, #tpu.memory_space<vmem>>
      tpu.enqueue_dma source(%dma_start3A_159 : memref<512xi32, #tpu.memory_space<vmem>>) target(%dma_start3A_156 : memref<512xi32, #tpu.memory_space<hbm>>) target_semaphore(%run_scoped3A_152 : memref<!tpu.dma_semaphore, #tpu.memory_space<semaphore_mem>>)
      %dma_wait3A = arith.constant 0 : i32
      %dma_wait3A_160 = tpu.memref_slice %arg4[%run_scoped3A_88, %dma_wait3A] : memref<8x512xi32, #tpu.memory_space<vmem>> -> memref<1x512xi32, #tpu.memory_space<vmem>>
      %dma_wait3A_161 = tpu.memref_squeeze %dma_wait3A_160 : memref<1x512xi32, #tpu.memory_space<vmem>> -> memref<512xi32, #tpu.memory_space<vmem>>
      %dma_wait3A_162 = tpu.memref_slice %arg3[%add3A_87] : memref<819200xi32, #tpu.memory_space<hbm>> -> memref<512xi32, #tpu.memory_space<hbm>>
      %dma_wait3A_163 = tpu.memref_slice %arg3[%add3A_87] : memref<819200xi32, #tpu.memory_space<hbm>> -> memref<512xi32, #tpu.memory_space<hbm>>
      %dma_wait3A_164 = arith.constant 0 : i32
      %dma_wait3A_165 = tpu.memref_slice %arg4[%run_scoped3A_88, %dma_wait3A_164] : memref<8x512xi32, #tpu.memory_space<vmem>> -> memref<1x512xi32, #tpu.memory_space<vmem>>
      %dma_wait3A_166 = tpu.memref_squeeze %dma_wait3A_165 : memref<1x512xi32, #tpu.memory_space<vmem>> -> memref<512xi32, #tpu.memory_space<vmem>>
      tpu.wait_dma2 semaphore(%run_scoped3A_152 : memref<!tpu.dma_semaphore, #tpu.memory_space<semaphore_mem>>) src(%dma_wait3A_166 : memref<512xi32, #tpu.memory_space<vmem>>) dst(%dma_wait3A_163 : memref<512xi32, #tpu.memory_space<hbm>>)
      tpu.yield
    }) : () -> ()
    %add3A_89 = arith.constant 475136 : i32
    %add3A_90 = arith.addi %add3A_89, %mul3A_2 : i32
    %run_scoped3A_91 = arith.constant 5 : i32
    "tpu.region"() ({
      %run_scoped3A_152 = tpu.sem_alloc : memref<!tpu.dma_semaphore, #tpu.memory_space<semaphore_mem>>
      %dma_start3A = arith.constant 0 : i32
      %dma_start3A_153 = tpu.memref_slice %arg4[%run_scoped3A_91, %dma_start3A] : memref<8x512xi32, #tpu.memory_space<vmem>> -> memref<1x512xi32, #tpu.memory_space<vmem>>
      %dma_start3A_154 = tpu.memref_squeeze %dma_start3A_153 : memref<1x512xi32, #tpu.memory_space<vmem>> -> memref<512xi32, #tpu.memory_space<vmem>>
      %dma_start3A_155 = tpu.memref_slice %arg3[%add3A_90] : memref<819200xi32, #tpu.memory_space<hbm>> -> memref<512xi32, #tpu.memory_space<hbm>>
      %dma_start3A_156 = tpu.memref_slice %arg3[%add3A_90] : memref<819200xi32, #tpu.memory_space<hbm>> -> memref<512xi32, #tpu.memory_space<hbm>>
      %dma_start3A_157 = arith.constant 0 : i32
      %dma_start3A_158 = tpu.memref_slice %arg4[%run_scoped3A_91, %dma_start3A_157] : memref<8x512xi32, #tpu.memory_space<vmem>> -> memref<1x512xi32, #tpu.memory_space<vmem>>
      %dma_start3A_159 = tpu.memref_squeeze %dma_start3A_158 : memref<1x512xi32, #tpu.memory_space<vmem>> -> memref<512xi32, #tpu.memory_space<vmem>>
      tpu.enqueue_dma source(%dma_start3A_159 : memref<512xi32, #tpu.memory_space<vmem>>) target(%dma_start3A_156 : memref<512xi32, #tpu.memory_space<hbm>>) target_semaphore(%run_scoped3A_152 : memref<!tpu.dma_semaphore, #tpu.memory_space<semaphore_mem>>)
      %dma_wait3A = arith.constant 0 : i32
      %dma_wait3A_160 = tpu.memref_slice %arg4[%run_scoped3A_91, %dma_wait3A] : memref<8x512xi32, #tpu.memory_space<vmem>> -> memref<1x512xi32, #tpu.memory_space<vmem>>
      %dma_wait3A_161 = tpu.memref_squeeze %dma_wait3A_160 : memref<1x512xi32, #tpu.memory_space<vmem>> -> memref<512xi32, #tpu.memory_space<vmem>>
      %dma_wait3A_162 = tpu.memref_slice %arg3[%add3A_90] : memref<819200xi32, #tpu.memory_space<hbm>> -> memref<512xi32, #tpu.memory_space<hbm>>
      %dma_wait3A_163 = tpu.memref_slice %arg3[%add3A_90] : memref<819200xi32, #tpu.memory_space<hbm>> -> memref<512xi32, #tpu.memory_space<hbm>>
      %dma_wait3A_164 = arith.constant 0 : i32
      %dma_wait3A_165 = tpu.memref_slice %arg4[%run_scoped3A_91, %dma_wait3A_164] : memref<8x512xi32, #tpu.memory_space<vmem>> -> memref<1x512xi32, #tpu.memory_space<vmem>>
      %dma_wait3A_166 = tpu.memref_squeeze %dma_wait3A_165 : memref<1x512xi32, #tpu.memory_space<vmem>> -> memref<512xi32, #tpu.memory_space<vmem>>
      tpu.wait_dma2 semaphore(%run_scoped3A_152 : memref<!tpu.dma_semaphore, #tpu.memory_space<semaphore_mem>>) src(%dma_wait3A_166 : memref<512xi32, #tpu.memory_space<vmem>>) dst(%dma_wait3A_163 : memref<512xi32, #tpu.memory_space<hbm>>)
      tpu.yield
    }) : () -> ()
    %add3A_92 = arith.constant 491520 : i32
    %add3A_93 = arith.addi %add3A_92, %mul3A_2 : i32
    %run_scoped3A_94 = arith.constant 6 : i32
    "tpu.region"() ({
      %run_scoped3A_152 = tpu.sem_alloc : memref<!tpu.dma_semaphore, #tpu.memory_space<semaphore_mem>>
      %dma_start3A = arith.constant 0 : i32
      %dma_start3A_153 = tpu.memref_slice %arg4[%run_scoped3A_94, %dma_start3A] : memref<8x512xi32, #tpu.memory_space<vmem>> -> memref<1x512xi32, #tpu.memory_space<vmem>>
      %dma_start3A_154 = tpu.memref_squeeze %dma_start3A_153 : memref<1x512xi32, #tpu.memory_space<vmem>> -> memref<512xi32, #tpu.memory_space<vmem>>
      %dma_start3A_155 = tpu.memref_slice %arg3[%add3A_93] : memref<819200xi32, #tpu.memory_space<hbm>> -> memref<512xi32, #tpu.memory_space<hbm>>
      %dma_start3A_156 = tpu.memref_slice %arg3[%add3A_93] : memref<819200xi32, #tpu.memory_space<hbm>> -> memref<512xi32, #tpu.memory_space<hbm>>
      %dma_start3A_157 = arith.constant 0 : i32
      %dma_start3A_158 = tpu.memref_slice %arg4[%run_scoped3A_94, %dma_start3A_157] : memref<8x512xi32, #tpu.memory_space<vmem>> -> memref<1x512xi32, #tpu.memory_space<vmem>>
      %dma_start3A_159 = tpu.memref_squeeze %dma_start3A_158 : memref<1x512xi32, #tpu.memory_space<vmem>> -> memref<512xi32, #tpu.memory_space<vmem>>
      tpu.enqueue_dma source(%dma_start3A_159 : memref<512xi32, #tpu.memory_space<vmem>>) target(%dma_start3A_156 : memref<512xi32, #tpu.memory_space<hbm>>) target_semaphore(%run_scoped3A_152 : memref<!tpu.dma_semaphore, #tpu.memory_space<semaphore_mem>>)
      %dma_wait3A = arith.constant 0 : i32
      %dma_wait3A_160 = tpu.memref_slice %arg4[%run_scoped3A_94, %dma_wait3A] : memref<8x512xi32, #tpu.memory_space<vmem>> -> memref<1x512xi32, #tpu.memory_space<vmem>>
      %dma_wait3A_161 = tpu.memref_squeeze %dma_wait3A_160 : memref<1x512xi32, #tpu.memory_space<vmem>> -> memref<512xi32, #tpu.memory_space<vmem>>
      %dma_wait3A_162 = tpu.memref_slice %arg3[%add3A_93] : memref<819200xi32, #tpu.memory_space<hbm>> -> memref<512xi32, #tpu.memory_space<hbm>>
      %dma_wait3A_163 = tpu.memref_slice %arg3[%add3A_93] : memref<819200xi32, #tpu.memory_space<hbm>> -> memref<512xi32, #tpu.memory_space<hbm>>
      %dma_wait3A_164 = arith.constant 0 : i32
      %dma_wait3A_165 = tpu.memref_slice %arg4[%run_scoped3A_94, %dma_wait3A_164] : memref<8x512xi32, #tpu.memory_space<vmem>> -> memref<1x512xi32, #tpu.memory_space<vmem>>
      %dma_wait3A_166 = tpu.memref_squeeze %dma_wait3A_165 : memref<1x512xi32, #tpu.memory_space<vmem>> -> memref<512xi32, #tpu.memory_space<vmem>>
      tpu.wait_dma2 semaphore(%run_scoped3A_152 : memref<!tpu.dma_semaphore, #tpu.memory_space<semaphore_mem>>) src(%dma_wait3A_166 : memref<512xi32, #tpu.memory_space<vmem>>) dst(%dma_wait3A_163 : memref<512xi32, #tpu.memory_space<hbm>>)
      tpu.yield
    }) : () -> ()
    %add3A_95 = arith.constant 507904 : i32
    %add3A_96 = arith.addi %add3A_95, %mul3A_2 : i32
    %run_scoped3A_97 = arith.constant 7 : i32
    "tpu.region"() ({
      %run_scoped3A_152 = tpu.sem_alloc : memref<!tpu.dma_semaphore, #tpu.memory_space<semaphore_mem>>
      %dma_start3A = arith.constant 0 : i32
      %dma_start3A_153 = tpu.memref_slice %arg4[%run_scoped3A_97, %dma_start3A] : memref<8x512xi32, #tpu.memory_space<vmem>> -> memref<1x512xi32, #tpu.memory_space<vmem>>
      %dma_start3A_154 = tpu.memref_squeeze %dma_start3A_153 : memref<1x512xi32, #tpu.memory_space<vmem>> -> memref<512xi32, #tpu.memory_space<vmem>>
      %dma_start3A_155 = tpu.memref_slice %arg3[%add3A_96] : memref<819200xi32, #tpu.memory_space<hbm>> -> memref<512xi32, #tpu.memory_space<hbm>>
      %dma_start3A_156 = tpu.memref_slice %arg3[%add3A_96] : memref<819200xi32, #tpu.memory_space<hbm>> -> memref<512xi32, #tpu.memory_space<hbm>>
      %dma_start3A_157 = arith.constant 0 : i32
      %dma_start3A_158 = tpu.memref_slice %arg4[%run_scoped3A_97, %dma_start3A_157] : memref<8x512xi32, #tpu.memory_space<vmem>> -> memref<1x512xi32, #tpu.memory_space<vmem>>
      %dma_start3A_159 = tpu.memref_squeeze %dma_start3A_158 : memref<1x512xi32, #tpu.memory_space<vmem>> -> memref<512xi32, #tpu.memory_space<vmem>>
      tpu.enqueue_dma source(%dma_start3A_159 : memref<512xi32, #tpu.memory_space<vmem>>) target(%dma_start3A_156 : memref<512xi32, #tpu.memory_space<hbm>>) target_semaphore(%run_scoped3A_152 : memref<!tpu.dma_semaphore, #tpu.memory_space<semaphore_mem>>)
      %dma_wait3A = arith.constant 0 : i32
      %dma_wait3A_160 = tpu.memref_slice %arg4[%run_scoped3A_97, %dma_wait3A] : memref<8x512xi32, #tpu.memory_space<vmem>> -> memref<1x512xi32, #tpu.memory_space<vmem>>
      %dma_wait3A_161 = tpu.memref_squeeze %dma_wait3A_160 : memref<1x512xi32, #tpu.memory_space<vmem>> -> memref<512xi32, #tpu.memory_space<vmem>>
      %dma_wait3A_162 = tpu.memref_slice %arg3[%add3A_96] : memref<819200xi32, #tpu.memory_space<hbm>> -> memref<512xi32, #tpu.memory_space<hbm>>
      %dma_wait3A_163 = tpu.memref_slice %arg3[%add3A_96] : memref<819200xi32, #tpu.memory_space<hbm>> -> memref<512xi32, #tpu.memory_space<hbm>>
      %dma_wait3A_164 = arith.constant 0 : i32
      %dma_wait3A_165 = tpu.memref_slice %arg4[%run_scoped3A_97, %dma_wait3A_164] : memref<8x512xi32, #tpu.memory_space<vmem>> -> memref<1x512xi32, #tpu.memory_space<vmem>>
      %dma_wait3A_166 = tpu.memref_squeeze %dma_wait3A_165 : memref<1x512xi32, #tpu.memory_space<vmem>> -> memref<512xi32, #tpu.memory_space<vmem>>
      tpu.wait_dma2 semaphore(%run_scoped3A_152 : memref<!tpu.dma_semaphore, #tpu.memory_space<semaphore_mem>>) src(%dma_wait3A_166 : memref<512xi32, #tpu.memory_space<vmem>>) dst(%dma_wait3A_163 : memref<512xi32, #tpu.memory_space<hbm>>)
      tpu.yield
    }) : () -> ()
    "tpu.region"() ({
      %run_scoped3A_152 = tpu.sem_alloc : memref<!tpu.dma_semaphore, #tpu.memory_space<semaphore_mem>>
      %dma_start3A = arith.constant 32 : i32
      %dma_start3A_153 = tpu.memref_slice %arg2[%dma_start3A, %mul3A_2] : memref<50x16384xi32, #tpu.memory_space<hbm>> -> memref<8x512xi32, #tpu.memory_space<hbm>>
      %dma_start3A_154 = arith.constant 32 : i32
      %dma_start3A_155 = tpu.memref_slice %arg2[%dma_start3A_154, %mul3A_2] : memref<50x16384xi32, #tpu.memory_space<hbm>> -> memref<8x512xi32, #tpu.memory_space<hbm>>
      tpu.enqueue_dma source(%dma_start3A_155 : memref<8x512xi32, #tpu.memory_space<hbm>>) target(%arg4 : memref<8x512xi32, #tpu.memory_space<vmem>>) target_semaphore(%run_scoped3A_152 : memref<!tpu.dma_semaphore, #tpu.memory_space<semaphore_mem>>)
      %dma_wait3A = arith.constant 32 : i32
      %dma_wait3A_156 = tpu.memref_slice %arg2[%dma_wait3A, %mul3A_2] : memref<50x16384xi32, #tpu.memory_space<hbm>> -> memref<8x512xi32, #tpu.memory_space<hbm>>
      %dma_wait3A_157 = arith.constant 32 : i32
      %dma_wait3A_158 = tpu.memref_slice %arg2[%dma_wait3A_157, %mul3A_2] : memref<50x16384xi32, #tpu.memory_space<hbm>> -> memref<8x512xi32, #tpu.memory_space<hbm>>
      tpu.wait_dma2 semaphore(%run_scoped3A_152 : memref<!tpu.dma_semaphore, #tpu.memory_space<semaphore_mem>>) src(%dma_wait3A_158 : memref<8x512xi32, #tpu.memory_space<hbm>>) dst(%arg4 : memref<8x512xi32, #tpu.memory_space<vmem>>)
      tpu.yield
    }) : () -> ()
    %add3A_98 = arith.constant 524288 : i32
    %add3A_99 = arith.addi %add3A_98, %mul3A_2 : i32
    %run_scoped3A_100 = arith.constant 0 : i32
    "tpu.region"() ({
      %run_scoped3A_152 = tpu.sem_alloc : memref<!tpu.dma_semaphore, #tpu.memory_space<semaphore_mem>>
      %dma_start3A = arith.constant 0 : i32
      %dma_start3A_153 = tpu.memref_slice %arg4[%run_scoped3A_100, %dma_start3A] : memref<8x512xi32, #tpu.memory_space<vmem>> -> memref<1x512xi32, #tpu.memory_space<vmem>>
      %dma_start3A_154 = tpu.memref_squeeze %dma_start3A_153 : memref<1x512xi32, #tpu.memory_space<vmem>> -> memref<512xi32, #tpu.memory_space<vmem>>
      %dma_start3A_155 = tpu.memref_slice %arg3[%add3A_99] : memref<819200xi32, #tpu.memory_space<hbm>> -> memref<512xi32, #tpu.memory_space<hbm>>
      %dma_start3A_156 = tpu.memref_slice %arg3[%add3A_99] : memref<819200xi32, #tpu.memory_space<hbm>> -> memref<512xi32, #tpu.memory_space<hbm>>
      %dma_start3A_157 = arith.constant 0 : i32
      %dma_start3A_158 = tpu.memref_slice %arg4[%run_scoped3A_100, %dma_start3A_157] : memref<8x512xi32, #tpu.memory_space<vmem>> -> memref<1x512xi32, #tpu.memory_space<vmem>>
      %dma_start3A_159 = tpu.memref_squeeze %dma_start3A_158 : memref<1x512xi32, #tpu.memory_space<vmem>> -> memref<512xi32, #tpu.memory_space<vmem>>
      tpu.enqueue_dma source(%dma_start3A_159 : memref<512xi32, #tpu.memory_space<vmem>>) target(%dma_start3A_156 : memref<512xi32, #tpu.memory_space<hbm>>) target_semaphore(%run_scoped3A_152 : memref<!tpu.dma_semaphore, #tpu.memory_space<semaphore_mem>>)
      %dma_wait3A = arith.constant 0 : i32
      %dma_wait3A_160 = tpu.memref_slice %arg4[%run_scoped3A_100, %dma_wait3A] : memref<8x512xi32, #tpu.memory_space<vmem>> -> memref<1x512xi32, #tpu.memory_space<vmem>>
      %dma_wait3A_161 = tpu.memref_squeeze %dma_wait3A_160 : memref<1x512xi32, #tpu.memory_space<vmem>> -> memref<512xi32, #tpu.memory_space<vmem>>
      %dma_wait3A_162 = tpu.memref_slice %arg3[%add3A_99] : memref<819200xi32, #tpu.memory_space<hbm>> -> memref<512xi32, #tpu.memory_space<hbm>>
      %dma_wait3A_163 = tpu.memref_slice %arg3[%add3A_99] : memref<819200xi32, #tpu.memory_space<hbm>> -> memref<512xi32, #tpu.memory_space<hbm>>
      %dma_wait3A_164 = arith.constant 0 : i32
      %dma_wait3A_165 = tpu.memref_slice %arg4[%run_scoped3A_100, %dma_wait3A_164] : memref<8x512xi32, #tpu.memory_space<vmem>> -> memref<1x512xi32, #tpu.memory_space<vmem>>
      %dma_wait3A_166 = tpu.memref_squeeze %dma_wait3A_165 : memref<1x512xi32, #tpu.memory_space<vmem>> -> memref<512xi32, #tpu.memory_space<vmem>>
      tpu.wait_dma2 semaphore(%run_scoped3A_152 : memref<!tpu.dma_semaphore, #tpu.memory_space<semaphore_mem>>) src(%dma_wait3A_166 : memref<512xi32, #tpu.memory_space<vmem>>) dst(%dma_wait3A_163 : memref<512xi32, #tpu.memory_space<hbm>>)
      tpu.yield
    }) : () -> ()
    %add3A_101 = arith.constant 540672 : i32
    %add3A_102 = arith.addi %add3A_101, %mul3A_2 : i32
    %run_scoped3A_103 = arith.constant 1 : i32
    "tpu.region"() ({
      %run_scoped3A_152 = tpu.sem_alloc : memref<!tpu.dma_semaphore, #tpu.memory_space<semaphore_mem>>
      %dma_start3A = arith.constant 0 : i32
      %dma_start3A_153 = tpu.memref_slice %arg4[%run_scoped3A_103, %dma_start3A] : memref<8x512xi32, #tpu.memory_space<vmem>> -> memref<1x512xi32, #tpu.memory_space<vmem>>
      %dma_start3A_154 = tpu.memref_squeeze %dma_start3A_153 : memref<1x512xi32, #tpu.memory_space<vmem>> -> memref<512xi32, #tpu.memory_space<vmem>>
      %dma_start3A_155 = tpu.memref_slice %arg3[%add3A_102] : memref<819200xi32, #tpu.memory_space<hbm>> -> memref<512xi32, #tpu.memory_space<hbm>>
      %dma_start3A_156 = tpu.memref_slice %arg3[%add3A_102] : memref<819200xi32, #tpu.memory_space<hbm>> -> memref<512xi32, #tpu.memory_space<hbm>>
      %dma_start3A_157 = arith.constant 0 : i32
      %dma_start3A_158 = tpu.memref_slice %arg4[%run_scoped3A_103, %dma_start3A_157] : memref<8x512xi32, #tpu.memory_space<vmem>> -> memref<1x512xi32, #tpu.memory_space<vmem>>
      %dma_start3A_159 = tpu.memref_squeeze %dma_start3A_158 : memref<1x512xi32, #tpu.memory_space<vmem>> -> memref<512xi32, #tpu.memory_space<vmem>>
      tpu.enqueue_dma source(%dma_start3A_159 : memref<512xi32, #tpu.memory_space<vmem>>) target(%dma_start3A_156 : memref<512xi32, #tpu.memory_space<hbm>>) target_semaphore(%run_scoped3A_152 : memref<!tpu.dma_semaphore, #tpu.memory_space<semaphore_mem>>)
      %dma_wait3A = arith.constant 0 : i32
      %dma_wait3A_160 = tpu.memref_slice %arg4[%run_scoped3A_103, %dma_wait3A] : memref<8x512xi32, #tpu.memory_space<vmem>> -> memref<1x512xi32, #tpu.memory_space<vmem>>
      %dma_wait3A_161 = tpu.memref_squeeze %dma_wait3A_160 : memref<1x512xi32, #tpu.memory_space<vmem>> -> memref<512xi32, #tpu.memory_space<vmem>>
      %dma_wait3A_162 = tpu.memref_slice %arg3[%add3A_102] : memref<819200xi32, #tpu.memory_space<hbm>> -> memref<512xi32, #tpu.memory_space<hbm>>
      %dma_wait3A_163 = tpu.memref_slice %arg3[%add3A_102] : memref<819200xi32, #tpu.memory_space<hbm>> -> memref<512xi32, #tpu.memory_space<hbm>>
      %dma_wait3A_164 = arith.constant 0 : i32
      %dma_wait3A_165 = tpu.memref_slice %arg4[%run_scoped3A_103, %dma_wait3A_164] : memref<8x512xi32, #tpu.memory_space<vmem>> -> memref<1x512xi32, #tpu.memory_space<vmem>>
      %dma_wait3A_166 = tpu.memref_squeeze %dma_wait3A_165 : memref<1x512xi32, #tpu.memory_space<vmem>> -> memref<512xi32, #tpu.memory_space<vmem>>
      tpu.wait_dma2 semaphore(%run_scoped3A_152 : memref<!tpu.dma_semaphore, #tpu.memory_space<semaphore_mem>>) src(%dma_wait3A_166 : memref<512xi32, #tpu.memory_space<vmem>>) dst(%dma_wait3A_163 : memref<512xi32, #tpu.memory_space<hbm>>)
      tpu.yield
    }) : () -> ()
    %add3A_104 = arith.constant 557056 : i32
    %add3A_105 = arith.addi %add3A_104, %mul3A_2 : i32
    %run_scoped3A_106 = arith.constant 2 : i32
    "tpu.region"() ({
      %run_scoped3A_152 = tpu.sem_alloc : memref<!tpu.dma_semaphore, #tpu.memory_space<semaphore_mem>>
      %dma_start3A = arith.constant 0 : i32
      %dma_start3A_153 = tpu.memref_slice %arg4[%run_scoped3A_106, %dma_start3A] : memref<8x512xi32, #tpu.memory_space<vmem>> -> memref<1x512xi32, #tpu.memory_space<vmem>>
      %dma_start3A_154 = tpu.memref_squeeze %dma_start3A_153 : memref<1x512xi32, #tpu.memory_space<vmem>> -> memref<512xi32, #tpu.memory_space<vmem>>
      %dma_start3A_155 = tpu.memref_slice %arg3[%add3A_105] : memref<819200xi32, #tpu.memory_space<hbm>> -> memref<512xi32, #tpu.memory_space<hbm>>
      %dma_start3A_156 = tpu.memref_slice %arg3[%add3A_105] : memref<819200xi32, #tpu.memory_space<hbm>> -> memref<512xi32, #tpu.memory_space<hbm>>
      %dma_start3A_157 = arith.constant 0 : i32
      %dma_start3A_158 = tpu.memref_slice %arg4[%run_scoped3A_106, %dma_start3A_157] : memref<8x512xi32, #tpu.memory_space<vmem>> -> memref<1x512xi32, #tpu.memory_space<vmem>>
      %dma_start3A_159 = tpu.memref_squeeze %dma_start3A_158 : memref<1x512xi32, #tpu.memory_space<vmem>> -> memref<512xi32, #tpu.memory_space<vmem>>
      tpu.enqueue_dma source(%dma_start3A_159 : memref<512xi32, #tpu.memory_space<vmem>>) target(%dma_start3A_156 : memref<512xi32, #tpu.memory_space<hbm>>) target_semaphore(%run_scoped3A_152 : memref<!tpu.dma_semaphore, #tpu.memory_space<semaphore_mem>>)
      %dma_wait3A = arith.constant 0 : i32
      %dma_wait3A_160 = tpu.memref_slice %arg4[%run_scoped3A_106, %dma_wait3A] : memref<8x512xi32, #tpu.memory_space<vmem>> -> memref<1x512xi32, #tpu.memory_space<vmem>>
      %dma_wait3A_161 = tpu.memref_squeeze %dma_wait3A_160 : memref<1x512xi32, #tpu.memory_space<vmem>> -> memref<512xi32, #tpu.memory_space<vmem>>
      %dma_wait3A_162 = tpu.memref_slice %arg3[%add3A_105] : memref<819200xi32, #tpu.memory_space<hbm>> -> memref<512xi32, #tpu.memory_space<hbm>>
      %dma_wait3A_163 = tpu.memref_slice %arg3[%add3A_105] : memref<819200xi32, #tpu.memory_space<hbm>> -> memref<512xi32, #tpu.memory_space<hbm>>
      %dma_wait3A_164 = arith.constant 0 : i32
      %dma_wait3A_165 = tpu.memref_slice %arg4[%run_scoped3A_106, %dma_wait3A_164] : memref<8x512xi32, #tpu.memory_space<vmem>> -> memref<1x512xi32, #tpu.memory_space<vmem>>
      %dma_wait3A_166 = tpu.memref_squeeze %dma_wait3A_165 : memref<1x512xi32, #tpu.memory_space<vmem>> -> memref<512xi32, #tpu.memory_space<vmem>>
      tpu.wait_dma2 semaphore(%run_scoped3A_152 : memref<!tpu.dma_semaphore, #tpu.memory_space<semaphore_mem>>) src(%dma_wait3A_166 : memref<512xi32, #tpu.memory_space<vmem>>) dst(%dma_wait3A_163 : memref<512xi32, #tpu.memory_space<hbm>>)
      tpu.yield
    }) : () -> ()
    %add3A_107 = arith.constant 573440 : i32
    %add3A_108 = arith.addi %add3A_107, %mul3A_2 : i32
    %run_scoped3A_109 = arith.constant 3 : i32
    "tpu.region"() ({
      %run_scoped3A_152 = tpu.sem_alloc : memref<!tpu.dma_semaphore, #tpu.memory_space<semaphore_mem>>
      %dma_start3A = arith.constant 0 : i32
      %dma_start3A_153 = tpu.memref_slice %arg4[%run_scoped3A_109, %dma_start3A] : memref<8x512xi32, #tpu.memory_space<vmem>> -> memref<1x512xi32, #tpu.memory_space<vmem>>
      %dma_start3A_154 = tpu.memref_squeeze %dma_start3A_153 : memref<1x512xi32, #tpu.memory_space<vmem>> -> memref<512xi32, #tpu.memory_space<vmem>>
      %dma_start3A_155 = tpu.memref_slice %arg3[%add3A_108] : memref<819200xi32, #tpu.memory_space<hbm>> -> memref<512xi32, #tpu.memory_space<hbm>>
      %dma_start3A_156 = tpu.memref_slice %arg3[%add3A_108] : memref<819200xi32, #tpu.memory_space<hbm>> -> memref<512xi32, #tpu.memory_space<hbm>>
      %dma_start3A_157 = arith.constant 0 : i32
      %dma_start3A_158 = tpu.memref_slice %arg4[%run_scoped3A_109, %dma_start3A_157] : memref<8x512xi32, #tpu.memory_space<vmem>> -> memref<1x512xi32, #tpu.memory_space<vmem>>
      %dma_start3A_159 = tpu.memref_squeeze %dma_start3A_158 : memref<1x512xi32, #tpu.memory_space<vmem>> -> memref<512xi32, #tpu.memory_space<vmem>>
      tpu.enqueue_dma source(%dma_start3A_159 : memref<512xi32, #tpu.memory_space<vmem>>) target(%dma_start3A_156 : memref<512xi32, #tpu.memory_space<hbm>>) target_semaphore(%run_scoped3A_152 : memref<!tpu.dma_semaphore, #tpu.memory_space<semaphore_mem>>)
      %dma_wait3A = arith.constant 0 : i32
      %dma_wait3A_160 = tpu.memref_slice %arg4[%run_scoped3A_109, %dma_wait3A] : memref<8x512xi32, #tpu.memory_space<vmem>> -> memref<1x512xi32, #tpu.memory_space<vmem>>
      %dma_wait3A_161 = tpu.memref_squeeze %dma_wait3A_160 : memref<1x512xi32, #tpu.memory_space<vmem>> -> memref<512xi32, #tpu.memory_space<vmem>>
      %dma_wait3A_162 = tpu.memref_slice %arg3[%add3A_108] : memref<819200xi32, #tpu.memory_space<hbm>> -> memref<512xi32, #tpu.memory_space<hbm>>
      %dma_wait3A_163 = tpu.memref_slice %arg3[%add3A_108] : memref<819200xi32, #tpu.memory_space<hbm>> -> memref<512xi32, #tpu.memory_space<hbm>>
      %dma_wait3A_164 = arith.constant 0 : i32
      %dma_wait3A_165 = tpu.memref_slice %arg4[%run_scoped3A_109, %dma_wait3A_164] : memref<8x512xi32, #tpu.memory_space<vmem>> -> memref<1x512xi32, #tpu.memory_space<vmem>>
      %dma_wait3A_166 = tpu.memref_squeeze %dma_wait3A_165 : memref<1x512xi32, #tpu.memory_space<vmem>> -> memref<512xi32, #tpu.memory_space<vmem>>
      tpu.wait_dma2 semaphore(%run_scoped3A_152 : memref<!tpu.dma_semaphore, #tpu.memory_space<semaphore_mem>>) src(%dma_wait3A_166 : memref<512xi32, #tpu.memory_space<vmem>>) dst(%dma_wait3A_163 : memref<512xi32, #tpu.memory_space<hbm>>)
      tpu.yield
    }) : () -> ()
    %add3A_110 = arith.constant 589824 : i32
    %add3A_111 = arith.addi %add3A_110, %mul3A_2 : i32
    %run_scoped3A_112 = arith.constant 4 : i32
    "tpu.region"() ({
      %run_scoped3A_152 = tpu.sem_alloc : memref<!tpu.dma_semaphore, #tpu.memory_space<semaphore_mem>>
      %dma_start3A = arith.constant 0 : i32
      %dma_start3A_153 = tpu.memref_slice %arg4[%run_scoped3A_112, %dma_start3A] : memref<8x512xi32, #tpu.memory_space<vmem>> -> memref<1x512xi32, #tpu.memory_space<vmem>>
      %dma_start3A_154 = tpu.memref_squeeze %dma_start3A_153 : memref<1x512xi32, #tpu.memory_space<vmem>> -> memref<512xi32, #tpu.memory_space<vmem>>
      %dma_start3A_155 = tpu.memref_slice %arg3[%add3A_111] : memref<819200xi32, #tpu.memory_space<hbm>> -> memref<512xi32, #tpu.memory_space<hbm>>
      %dma_start3A_156 = tpu.memref_slice %arg3[%add3A_111] : memref<819200xi32, #tpu.memory_space<hbm>> -> memref<512xi32, #tpu.memory_space<hbm>>
      %dma_start3A_157 = arith.constant 0 : i32
      %dma_start3A_158 = tpu.memref_slice %arg4[%run_scoped3A_112, %dma_start3A_157] : memref<8x512xi32, #tpu.memory_space<vmem>> -> memref<1x512xi32, #tpu.memory_space<vmem>>
      %dma_start3A_159 = tpu.memref_squeeze %dma_start3A_158 : memref<1x512xi32, #tpu.memory_space<vmem>> -> memref<512xi32, #tpu.memory_space<vmem>>
      tpu.enqueue_dma source(%dma_start3A_159 : memref<512xi32, #tpu.memory_space<vmem>>) target(%dma_start3A_156 : memref<512xi32, #tpu.memory_space<hbm>>) target_semaphore(%run_scoped3A_152 : memref<!tpu.dma_semaphore, #tpu.memory_space<semaphore_mem>>)
      %dma_wait3A = arith.constant 0 : i32
      %dma_wait3A_160 = tpu.memref_slice %arg4[%run_scoped3A_112, %dma_wait3A] : memref<8x512xi32, #tpu.memory_space<vmem>> -> memref<1x512xi32, #tpu.memory_space<vmem>>
      %dma_wait3A_161 = tpu.memref_squeeze %dma_wait3A_160 : memref<1x512xi32, #tpu.memory_space<vmem>> -> memref<512xi32, #tpu.memory_space<vmem>>
      %dma_wait3A_162 = tpu.memref_slice %arg3[%add3A_111] : memref<819200xi32, #tpu.memory_space<hbm>> -> memref<512xi32, #tpu.memory_space<hbm>>
      %dma_wait3A_163 = tpu.memref_slice %arg3[%add3A_111] : memref<819200xi32, #tpu.memory_space<hbm>> -> memref<512xi32, #tpu.memory_space<hbm>>
      %dma_wait3A_164 = arith.constant 0 : i32
      %dma_wait3A_165 = tpu.memref_slice %arg4[%run_scoped3A_112, %dma_wait3A_164] : memref<8x512xi32, #tpu.memory_space<vmem>> -> memref<1x512xi32, #tpu.memory_space<vmem>>
      %dma_wait3A_166 = tpu.memref_squeeze %dma_wait3A_165 : memref<1x512xi32, #tpu.memory_space<vmem>> -> memref<512xi32, #tpu.memory_space<vmem>>
      tpu.wait_dma2 semaphore(%run_scoped3A_152 : memref<!tpu.dma_semaphore, #tpu.memory_space<semaphore_mem>>) src(%dma_wait3A_166 : memref<512xi32, #tpu.memory_space<vmem>>) dst(%dma_wait3A_163 : memref<512xi32, #tpu.memory_space<hbm>>)
      tpu.yield
    }) : () -> ()
    %add3A_113 = arith.constant 606208 : i32
    %add3A_114 = arith.addi %add3A_113, %mul3A_2 : i32
    %run_scoped3A_115 = arith.constant 5 : i32
    "tpu.region"() ({
      %run_scoped3A_152 = tpu.sem_alloc : memref<!tpu.dma_semaphore, #tpu.memory_space<semaphore_mem>>
      %dma_start3A = arith.constant 0 : i32
      %dma_start3A_153 = tpu.memref_slice %arg4[%run_scoped3A_115, %dma_start3A] : memref<8x512xi32, #tpu.memory_space<vmem>> -> memref<1x512xi32, #tpu.memory_space<vmem>>
      %dma_start3A_154 = tpu.memref_squeeze %dma_start3A_153 : memref<1x512xi32, #tpu.memory_space<vmem>> -> memref<512xi32, #tpu.memory_space<vmem>>
      %dma_start3A_155 = tpu.memref_slice %arg3[%add3A_114] : memref<819200xi32, #tpu.memory_space<hbm>> -> memref<512xi32, #tpu.memory_space<hbm>>
      %dma_start3A_156 = tpu.memref_slice %arg3[%add3A_114] : memref<819200xi32, #tpu.memory_space<hbm>> -> memref<512xi32, #tpu.memory_space<hbm>>
      %dma_start3A_157 = arith.constant 0 : i32
      %dma_start3A_158 = tpu.memref_slice %arg4[%run_scoped3A_115, %dma_start3A_157] : memref<8x512xi32, #tpu.memory_space<vmem>> -> memref<1x512xi32, #tpu.memory_space<vmem>>
      %dma_start3A_159 = tpu.memref_squeeze %dma_start3A_158 : memref<1x512xi32, #tpu.memory_space<vmem>> -> memref<512xi32, #tpu.memory_space<vmem>>
      tpu.enqueue_dma source(%dma_start3A_159 : memref<512xi32, #tpu.memory_space<vmem>>) target(%dma_start3A_156 : memref<512xi32, #tpu.memory_space<hbm>>) target_semaphore(%run_scoped3A_152 : memref<!tpu.dma_semaphore, #tpu.memory_space<semaphore_mem>>)
      %dma_wait3A = arith.constant 0 : i32
      %dma_wait3A_160 = tpu.memref_slice %arg4[%run_scoped3A_115, %dma_wait3A] : memref<8x512xi32, #tpu.memory_space<vmem>> -> memref<1x512xi32, #tpu.memory_space<vmem>>
      %dma_wait3A_161 = tpu.memref_squeeze %dma_wait3A_160 : memref<1x512xi32, #tpu.memory_space<vmem>> -> memref<512xi32, #tpu.memory_space<vmem>>
      %dma_wait3A_162 = tpu.memref_slice %arg3[%add3A_114] : memref<819200xi32, #tpu.memory_space<hbm>> -> memref<512xi32, #tpu.memory_space<hbm>>
      %dma_wait3A_163 = tpu.memref_slice %arg3[%add3A_114] : memref<819200xi32, #tpu.memory_space<hbm>> -> memref<512xi32, #tpu.memory_space<hbm>>
      %dma_wait3A_164 = arith.constant 0 : i32
      %dma_wait3A_165 = tpu.memref_slice %arg4[%run_scoped3A_115, %dma_wait3A_164] : memref<8x512xi32, #tpu.memory_space<vmem>> -> memref<1x512xi32, #tpu.memory_space<vmem>>
      %dma_wait3A_166 = tpu.memref_squeeze %dma_wait3A_165 : memref<1x512xi32, #tpu.memory_space<vmem>> -> memref<512xi32, #tpu.memory_space<vmem>>
      tpu.wait_dma2 semaphore(%run_scoped3A_152 : memref<!tpu.dma_semaphore, #tpu.memory_space<semaphore_mem>>) src(%dma_wait3A_166 : memref<512xi32, #tpu.memory_space<vmem>>) dst(%dma_wait3A_163 : memref<512xi32, #tpu.memory_space<hbm>>)
      tpu.yield
    }) : () -> ()
    %add3A_116 = arith.constant 622592 : i32
    %add3A_117 = arith.addi %add3A_116, %mul3A_2 : i32
    %run_scoped3A_118 = arith.constant 6 : i32
    "tpu.region"() ({
      %run_scoped3A_152 = tpu.sem_alloc : memref<!tpu.dma_semaphore, #tpu.memory_space<semaphore_mem>>
      %dma_start3A = arith.constant 0 : i32
      %dma_start3A_153 = tpu.memref_slice %arg4[%run_scoped3A_118, %dma_start3A] : memref<8x512xi32, #tpu.memory_space<vmem>> -> memref<1x512xi32, #tpu.memory_space<vmem>>
      %dma_start3A_154 = tpu.memref_squeeze %dma_start3A_153 : memref<1x512xi32, #tpu.memory_space<vmem>> -> memref<512xi32, #tpu.memory_space<vmem>>
      %dma_start3A_155 = tpu.memref_slice %arg3[%add3A_117] : memref<819200xi32, #tpu.memory_space<hbm>> -> memref<512xi32, #tpu.memory_space<hbm>>
      %dma_start3A_156 = tpu.memref_slice %arg3[%add3A_117] : memref<819200xi32, #tpu.memory_space<hbm>> -> memref<512xi32, #tpu.memory_space<hbm>>
      %dma_start3A_157 = arith.constant 0 : i32
      %dma_start3A_158 = tpu.memref_slice %arg4[%run_scoped3A_118, %dma_start3A_157] : memref<8x512xi32, #tpu.memory_space<vmem>> -> memref<1x512xi32, #tpu.memory_space<vmem>>
      %dma_start3A_159 = tpu.memref_squeeze %dma_start3A_158 : memref<1x512xi32, #tpu.memory_space<vmem>> -> memref<512xi32, #tpu.memory_space<vmem>>
      tpu.enqueue_dma source(%dma_start3A_159 : memref<512xi32, #tpu.memory_space<vmem>>) target(%dma_start3A_156 : memref<512xi32, #tpu.memory_space<hbm>>) target_semaphore(%run_scoped3A_152 : memref<!tpu.dma_semaphore, #tpu.memory_space<semaphore_mem>>)
      %dma_wait3A = arith.constant 0 : i32
      %dma_wait3A_160 = tpu.memref_slice %arg4[%run_scoped3A_118, %dma_wait3A] : memref<8x512xi32, #tpu.memory_space<vmem>> -> memref<1x512xi32, #tpu.memory_space<vmem>>
      %dma_wait3A_161 = tpu.memref_squeeze %dma_wait3A_160 : memref<1x512xi32, #tpu.memory_space<vmem>> -> memref<512xi32, #tpu.memory_space<vmem>>
      %dma_wait3A_162 = tpu.memref_slice %arg3[%add3A_117] : memref<819200xi32, #tpu.memory_space<hbm>> -> memref<512xi32, #tpu.memory_space<hbm>>
      %dma_wait3A_163 = tpu.memref_slice %arg3[%add3A_117] : memref<819200xi32, #tpu.memory_space<hbm>> -> memref<512xi32, #tpu.memory_space<hbm>>
      %dma_wait3A_164 = arith.constant 0 : i32
      %dma_wait3A_165 = tpu.memref_slice %arg4[%run_scoped3A_118, %dma_wait3A_164] : memref<8x512xi32, #tpu.memory_space<vmem>> -> memref<1x512xi32, #tpu.memory_space<vmem>>
      %dma_wait3A_166 = tpu.memref_squeeze %dma_wait3A_165 : memref<1x512xi32, #tpu.memory_space<vmem>> -> memref<512xi32, #tpu.memory_space<vmem>>
      tpu.wait_dma2 semaphore(%run_scoped3A_152 : memref<!tpu.dma_semaphore, #tpu.memory_space<semaphore_mem>>) src(%dma_wait3A_166 : memref<512xi32, #tpu.memory_space<vmem>>) dst(%dma_wait3A_163 : memref<512xi32, #tpu.memory_space<hbm>>)
      tpu.yield
    }) : () -> ()
    %add3A_119 = arith.constant 638976 : i32
    %add3A_120 = arith.addi %add3A_119, %mul3A_2 : i32
    %run_scoped3A_121 = arith.constant 7 : i32
    "tpu.region"() ({
      %run_scoped3A_152 = tpu.sem_alloc : memref<!tpu.dma_semaphore, #tpu.memory_space<semaphore_mem>>
      %dma_start3A = arith.constant 0 : i32
      %dma_start3A_153 = tpu.memref_slice %arg4[%run_scoped3A_121, %dma_start3A] : memref<8x512xi32, #tpu.memory_space<vmem>> -> memref<1x512xi32, #tpu.memory_space<vmem>>
      %dma_start3A_154 = tpu.memref_squeeze %dma_start3A_153 : memref<1x512xi32, #tpu.memory_space<vmem>> -> memref<512xi32, #tpu.memory_space<vmem>>
      %dma_start3A_155 = tpu.memref_slice %arg3[%add3A_120] : memref<819200xi32, #tpu.memory_space<hbm>> -> memref<512xi32, #tpu.memory_space<hbm>>
      %dma_start3A_156 = tpu.memref_slice %arg3[%add3A_120] : memref<819200xi32, #tpu.memory_space<hbm>> -> memref<512xi32, #tpu.memory_space<hbm>>
      %dma_start3A_157 = arith.constant 0 : i32
      %dma_start3A_158 = tpu.memref_slice %arg4[%run_scoped3A_121, %dma_start3A_157] : memref<8x512xi32, #tpu.memory_space<vmem>> -> memref<1x512xi32, #tpu.memory_space<vmem>>
      %dma_start3A_159 = tpu.memref_squeeze %dma_start3A_158 : memref<1x512xi32, #tpu.memory_space<vmem>> -> memref<512xi32, #tpu.memory_space<vmem>>
      tpu.enqueue_dma source(%dma_start3A_159 : memref<512xi32, #tpu.memory_space<vmem>>) target(%dma_start3A_156 : memref<512xi32, #tpu.memory_space<hbm>>) target_semaphore(%run_scoped3A_152 : memref<!tpu.dma_semaphore, #tpu.memory_space<semaphore_mem>>)
      %dma_wait3A = arith.constant 0 : i32
      %dma_wait3A_160 = tpu.memref_slice %arg4[%run_scoped3A_121, %dma_wait3A] : memref<8x512xi32, #tpu.memory_space<vmem>> -> memref<1x512xi32, #tpu.memory_space<vmem>>
      %dma_wait3A_161 = tpu.memref_squeeze %dma_wait3A_160 : memref<1x512xi32, #tpu.memory_space<vmem>> -> memref<512xi32, #tpu.memory_space<vmem>>
      %dma_wait3A_162 = tpu.memref_slice %arg3[%add3A_120] : memref<819200xi32, #tpu.memory_space<hbm>> -> memref<512xi32, #tpu.memory_space<hbm>>
      %dma_wait3A_163 = tpu.memref_slice %arg3[%add3A_120] : memref<819200xi32, #tpu.memory_space<hbm>> -> memref<512xi32, #tpu.memory_space<hbm>>
      %dma_wait3A_164 = arith.constant 0 : i32
      %dma_wait3A_165 = tpu.memref_slice %arg4[%run_scoped3A_121, %dma_wait3A_164] : memref<8x512xi32, #tpu.memory_space<vmem>> -> memref<1x512xi32, #tpu.memory_space<vmem>>
      %dma_wait3A_166 = tpu.memref_squeeze %dma_wait3A_165 : memref<1x512xi32, #tpu.memory_space<vmem>> -> memref<512xi32, #tpu.memory_space<vmem>>
      tpu.wait_dma2 semaphore(%run_scoped3A_152 : memref<!tpu.dma_semaphore, #tpu.memory_space<semaphore_mem>>) src(%dma_wait3A_166 : memref<512xi32, #tpu.memory_space<vmem>>) dst(%dma_wait3A_163 : memref<512xi32, #tpu.memory_space<hbm>>)
      tpu.yield
    }) : () -> ()
    "tpu.region"() ({
      %run_scoped3A_152 = tpu.sem_alloc : memref<!tpu.dma_semaphore, #tpu.memory_space<semaphore_mem>>
      %dma_start3A = arith.constant 40 : i32
      %dma_start3A_153 = tpu.memref_slice %arg2[%dma_start3A, %mul3A_2] : memref<50x16384xi32, #tpu.memory_space<hbm>> -> memref<8x512xi32, #tpu.memory_space<hbm>>
      %dma_start3A_154 = arith.constant 40 : i32
      %dma_start3A_155 = tpu.memref_slice %arg2[%dma_start3A_154, %mul3A_2] : memref<50x16384xi32, #tpu.memory_space<hbm>> -> memref<8x512xi32, #tpu.memory_space<hbm>>
      tpu.enqueue_dma source(%dma_start3A_155 : memref<8x512xi32, #tpu.memory_space<hbm>>) target(%arg4 : memref<8x512xi32, #tpu.memory_space<vmem>>) target_semaphore(%run_scoped3A_152 : memref<!tpu.dma_semaphore, #tpu.memory_space<semaphore_mem>>)
      %dma_wait3A = arith.constant 40 : i32
      %dma_wait3A_156 = tpu.memref_slice %arg2[%dma_wait3A, %mul3A_2] : memref<50x16384xi32, #tpu.memory_space<hbm>> -> memref<8x512xi32, #tpu.memory_space<hbm>>
      %dma_wait3A_157 = arith.constant 40 : i32
      %dma_wait3A_158 = tpu.memref_slice %arg2[%dma_wait3A_157, %mul3A_2] : memref<50x16384xi32, #tpu.memory_space<hbm>> -> memref<8x512xi32, #tpu.memory_space<hbm>>
      tpu.wait_dma2 semaphore(%run_scoped3A_152 : memref<!tpu.dma_semaphore, #tpu.memory_space<semaphore_mem>>) src(%dma_wait3A_158 : memref<8x512xi32, #tpu.memory_space<hbm>>) dst(%arg4 : memref<8x512xi32, #tpu.memory_space<vmem>>)
      tpu.yield
    }) : () -> ()
    %add3A_122 = arith.constant 655360 : i32
    %add3A_123 = arith.addi %add3A_122, %mul3A_2 : i32
    %run_scoped3A_124 = arith.constant 0 : i32
    "tpu.region"() ({
      %run_scoped3A_152 = tpu.sem_alloc : memref<!tpu.dma_semaphore, #tpu.memory_space<semaphore_mem>>
      %dma_start3A = arith.constant 0 : i32
      %dma_start3A_153 = tpu.memref_slice %arg4[%run_scoped3A_124, %dma_start3A] : memref<8x512xi32, #tpu.memory_space<vmem>> -> memref<1x512xi32, #tpu.memory_space<vmem>>
      %dma_start3A_154 = tpu.memref_squeeze %dma_start3A_153 : memref<1x512xi32, #tpu.memory_space<vmem>> -> memref<512xi32, #tpu.memory_space<vmem>>
      %dma_start3A_155 = tpu.memref_slice %arg3[%add3A_123] : memref<819200xi32, #tpu.memory_space<hbm>> -> memref<512xi32, #tpu.memory_space<hbm>>
      %dma_start3A_156 = tpu.memref_slice %arg3[%add3A_123] : memref<819200xi32, #tpu.memory_space<hbm>> -> memref<512xi32, #tpu.memory_space<hbm>>
      %dma_start3A_157 = arith.constant 0 : i32
      %dma_start3A_158 = tpu.memref_slice %arg4[%run_scoped3A_124, %dma_start3A_157] : memref<8x512xi32, #tpu.memory_space<vmem>> -> memref<1x512xi32, #tpu.memory_space<vmem>>
      %dma_start3A_159 = tpu.memref_squeeze %dma_start3A_158 : memref<1x512xi32, #tpu.memory_space<vmem>> -> memref<512xi32, #tpu.memory_space<vmem>>
      tpu.enqueue_dma source(%dma_start3A_159 : memref<512xi32, #tpu.memory_space<vmem>>) target(%dma_start3A_156 : memref<512xi32, #tpu.memory_space<hbm>>) target_semaphore(%run_scoped3A_152 : memref<!tpu.dma_semaphore, #tpu.memory_space<semaphore_mem>>)
      %dma_wait3A = arith.constant 0 : i32
      %dma_wait3A_160 = tpu.memref_slice %arg4[%run_scoped3A_124, %dma_wait3A] : memref<8x512xi32, #tpu.memory_space<vmem>> -> memref<1x512xi32, #tpu.memory_space<vmem>>
      %dma_wait3A_161 = tpu.memref_squeeze %dma_wait3A_160 : memref<1x512xi32, #tpu.memory_space<vmem>> -> memref<512xi32, #tpu.memory_space<vmem>>
      %dma_wait3A_162 = tpu.memref_slice %arg3[%add3A_123] : memref<819200xi32, #tpu.memory_space<hbm>> -> memref<512xi32, #tpu.memory_space<hbm>>
      %dma_wait3A_163 = tpu.memref_slice %arg3[%add3A_123] : memref<819200xi32, #tpu.memory_space<hbm>> -> memref<512xi32, #tpu.memory_space<hbm>>
      %dma_wait3A_164 = arith.constant 0 : i32
      %dma_wait3A_165 = tpu.memref_slice %arg4[%run_scoped3A_124, %dma_wait3A_164] : memref<8x512xi32, #tpu.memory_space<vmem>> -> memref<1x512xi32, #tpu.memory_space<vmem>>
      %dma_wait3A_166 = tpu.memref_squeeze %dma_wait3A_165 : memref<1x512xi32, #tpu.memory_space<vmem>> -> memref<512xi32, #tpu.memory_space<vmem>>
      tpu.wait_dma2 semaphore(%run_scoped3A_152 : memref<!tpu.dma_semaphore, #tpu.memory_space<semaphore_mem>>) src(%dma_wait3A_166 : memref<512xi32, #tpu.memory_space<vmem>>) dst(%dma_wait3A_163 : memref<512xi32, #tpu.memory_space<hbm>>)
      tpu.yield
    }) : () -> ()
    %add3A_125 = arith.constant 671744 : i32
    %add3A_126 = arith.addi %add3A_125, %mul3A_2 : i32
    %run_scoped3A_127 = arith.constant 1 : i32
    "tpu.region"() ({
      %run_scoped3A_152 = tpu.sem_alloc : memref<!tpu.dma_semaphore, #tpu.memory_space<semaphore_mem>>
      %dma_start3A = arith.constant 0 : i32
      %dma_start3A_153 = tpu.memref_slice %arg4[%run_scoped3A_127, %dma_start3A] : memref<8x512xi32, #tpu.memory_space<vmem>> -> memref<1x512xi32, #tpu.memory_space<vmem>>
      %dma_start3A_154 = tpu.memref_squeeze %dma_start3A_153 : memref<1x512xi32, #tpu.memory_space<vmem>> -> memref<512xi32, #tpu.memory_space<vmem>>
      %dma_start3A_155 = tpu.memref_slice %arg3[%add3A_126] : memref<819200xi32, #tpu.memory_space<hbm>> -> memref<512xi32, #tpu.memory_space<hbm>>
      %dma_start3A_156 = tpu.memref_slice %arg3[%add3A_126] : memref<819200xi32, #tpu.memory_space<hbm>> -> memref<512xi32, #tpu.memory_space<hbm>>
      %dma_start3A_157 = arith.constant 0 : i32
      %dma_start3A_158 = tpu.memref_slice %arg4[%run_scoped3A_127, %dma_start3A_157] : memref<8x512xi32, #tpu.memory_space<vmem>> -> memref<1x512xi32, #tpu.memory_space<vmem>>
      %dma_start3A_159 = tpu.memref_squeeze %dma_start3A_158 : memref<1x512xi32, #tpu.memory_space<vmem>> -> memref<512xi32, #tpu.memory_space<vmem>>
      tpu.enqueue_dma source(%dma_start3A_159 : memref<512xi32, #tpu.memory_space<vmem>>) target(%dma_start3A_156 : memref<512xi32, #tpu.memory_space<hbm>>) target_semaphore(%run_scoped3A_152 : memref<!tpu.dma_semaphore, #tpu.memory_space<semaphore_mem>>)
      %dma_wait3A = arith.constant 0 : i32
      %dma_wait3A_160 = tpu.memref_slice %arg4[%run_scoped3A_127, %dma_wait3A] : memref<8x512xi32, #tpu.memory_space<vmem>> -> memref<1x512xi32, #tpu.memory_space<vmem>>
      %dma_wait3A_161 = tpu.memref_squeeze %dma_wait3A_160 : memref<1x512xi32, #tpu.memory_space<vmem>> -> memref<512xi32, #tpu.memory_space<vmem>>
      %dma_wait3A_162 = tpu.memref_slice %arg3[%add3A_126] : memref<819200xi32, #tpu.memory_space<hbm>> -> memref<512xi32, #tpu.memory_space<hbm>>
      %dma_wait3A_163 = tpu.memref_slice %arg3[%add3A_126] : memref<819200xi32, #tpu.memory_space<hbm>> -> memref<512xi32, #tpu.memory_space<hbm>>
      %dma_wait3A_164 = arith.constant 0 : i32
      %dma_wait3A_165 = tpu.memref_slice %arg4[%run_scoped3A_127, %dma_wait3A_164] : memref<8x512xi32, #tpu.memory_space<vmem>> -> memref<1x512xi32, #tpu.memory_space<vmem>>
      %dma_wait3A_166 = tpu.memref_squeeze %dma_wait3A_165 : memref<1x512xi32, #tpu.memory_space<vmem>> -> memref<512xi32, #tpu.memory_space<vmem>>
      tpu.wait_dma2 semaphore(%run_scoped3A_152 : memref<!tpu.dma_semaphore, #tpu.memory_space<semaphore_mem>>) src(%dma_wait3A_166 : memref<512xi32, #tpu.memory_space<vmem>>) dst(%dma_wait3A_163 : memref<512xi32, #tpu.memory_space<hbm>>)
      tpu.yield
    }) : () -> ()
    %add3A_128 = arith.constant 688128 : i32
    %add3A_129 = arith.addi %add3A_128, %mul3A_2 : i32
    %run_scoped3A_130 = arith.constant 2 : i32
    "tpu.region"() ({
      %run_scoped3A_152 = tpu.sem_alloc : memref<!tpu.dma_semaphore, #tpu.memory_space<semaphore_mem>>
      %dma_start3A = arith.constant 0 : i32
      %dma_start3A_153 = tpu.memref_slice %arg4[%run_scoped3A_130, %dma_start3A] : memref<8x512xi32, #tpu.memory_space<vmem>> -> memref<1x512xi32, #tpu.memory_space<vmem>>
      %dma_start3A_154 = tpu.memref_squeeze %dma_start3A_153 : memref<1x512xi32, #tpu.memory_space<vmem>> -> memref<512xi32, #tpu.memory_space<vmem>>
      %dma_start3A_155 = tpu.memref_slice %arg3[%add3A_129] : memref<819200xi32, #tpu.memory_space<hbm>> -> memref<512xi32, #tpu.memory_space<hbm>>
      %dma_start3A_156 = tpu.memref_slice %arg3[%add3A_129] : memref<819200xi32, #tpu.memory_space<hbm>> -> memref<512xi32, #tpu.memory_space<hbm>>
      %dma_start3A_157 = arith.constant 0 : i32
      %dma_start3A_158 = tpu.memref_slice %arg4[%run_scoped3A_130, %dma_start3A_157] : memref<8x512xi32, #tpu.memory_space<vmem>> -> memref<1x512xi32, #tpu.memory_space<vmem>>
      %dma_start3A_159 = tpu.memref_squeeze %dma_start3A_158 : memref<1x512xi32, #tpu.memory_space<vmem>> -> memref<512xi32, #tpu.memory_space<vmem>>
      tpu.enqueue_dma source(%dma_start3A_159 : memref<512xi32, #tpu.memory_space<vmem>>) target(%dma_start3A_156 : memref<512xi32, #tpu.memory_space<hbm>>) target_semaphore(%run_scoped3A_152 : memref<!tpu.dma_semaphore, #tpu.memory_space<semaphore_mem>>)
      %dma_wait3A = arith.constant 0 : i32
      %dma_wait3A_160 = tpu.memref_slice %arg4[%run_scoped3A_130, %dma_wait3A] : memref<8x512xi32, #tpu.memory_space<vmem>> -> memref<1x512xi32, #tpu.memory_space<vmem>>
      %dma_wait3A_161 = tpu.memref_squeeze %dma_wait3A_160 : memref<1x512xi32, #tpu.memory_space<vmem>> -> memref<512xi32, #tpu.memory_space<vmem>>
      %dma_wait3A_162 = tpu.memref_slice %arg3[%add3A_129] : memref<819200xi32, #tpu.memory_space<hbm>> -> memref<512xi32, #tpu.memory_space<hbm>>
      %dma_wait3A_163 = tpu.memref_slice %arg3[%add3A_129] : memref<819200xi32, #tpu.memory_space<hbm>> -> memref<512xi32, #tpu.memory_space<hbm>>
      %dma_wait3A_164 = arith.constant 0 : i32
      %dma_wait3A_165 = tpu.memref_slice %arg4[%run_scoped3A_130, %dma_wait3A_164] : memref<8x512xi32, #tpu.memory_space<vmem>> -> memref<1x512xi32, #tpu.memory_space<vmem>>
      %dma_wait3A_166 = tpu.memref_squeeze %dma_wait3A_165 : memref<1x512xi32, #tpu.memory_space<vmem>> -> memref<512xi32, #tpu.memory_space<vmem>>
      tpu.wait_dma2 semaphore(%run_scoped3A_152 : memref<!tpu.dma_semaphore, #tpu.memory_space<semaphore_mem>>) src(%dma_wait3A_166 : memref<512xi32, #tpu.memory_space<vmem>>) dst(%dma_wait3A_163 : memref<512xi32, #tpu.memory_space<hbm>>)
      tpu.yield
    }) : () -> ()
    %add3A_131 = arith.constant 704512 : i32
    %add3A_132 = arith.addi %add3A_131, %mul3A_2 : i32
    %run_scoped3A_133 = arith.constant 3 : i32
    "tpu.region"() ({
      %run_scoped3A_152 = tpu.sem_alloc : memref<!tpu.dma_semaphore, #tpu.memory_space<semaphore_mem>>
      %dma_start3A = arith.constant 0 : i32
      %dma_start3A_153 = tpu.memref_slice %arg4[%run_scoped3A_133, %dma_start3A] : memref<8x512xi32, #tpu.memory_space<vmem>> -> memref<1x512xi32, #tpu.memory_space<vmem>>
      %dma_start3A_154 = tpu.memref_squeeze %dma_start3A_153 : memref<1x512xi32, #tpu.memory_space<vmem>> -> memref<512xi32, #tpu.memory_space<vmem>>
      %dma_start3A_155 = tpu.memref_slice %arg3[%add3A_132] : memref<819200xi32, #tpu.memory_space<hbm>> -> memref<512xi32, #tpu.memory_space<hbm>>
      %dma_start3A_156 = tpu.memref_slice %arg3[%add3A_132] : memref<819200xi32, #tpu.memory_space<hbm>> -> memref<512xi32, #tpu.memory_space<hbm>>
      %dma_start3A_157 = arith.constant 0 : i32
      %dma_start3A_158 = tpu.memref_slice %arg4[%run_scoped3A_133, %dma_start3A_157] : memref<8x512xi32, #tpu.memory_space<vmem>> -> memref<1x512xi32, #tpu.memory_space<vmem>>
      %dma_start3A_159 = tpu.memref_squeeze %dma_start3A_158 : memref<1x512xi32, #tpu.memory_space<vmem>> -> memref<512xi32, #tpu.memory_space<vmem>>
      tpu.enqueue_dma source(%dma_start3A_159 : memref<512xi32, #tpu.memory_space<vmem>>) target(%dma_start3A_156 : memref<512xi32, #tpu.memory_space<hbm>>) target_semaphore(%run_scoped3A_152 : memref<!tpu.dma_semaphore, #tpu.memory_space<semaphore_mem>>)
      %dma_wait3A = arith.constant 0 : i32
      %dma_wait3A_160 = tpu.memref_slice %arg4[%run_scoped3A_133, %dma_wait3A] : memref<8x512xi32, #tpu.memory_space<vmem>> -> memref<1x512xi32, #tpu.memory_space<vmem>>
      %dma_wait3A_161 = tpu.memref_squeeze %dma_wait3A_160 : memref<1x512xi32, #tpu.memory_space<vmem>> -> memref<512xi32, #tpu.memory_space<vmem>>
      %dma_wait3A_162 = tpu.memref_slice %arg3[%add3A_132] : memref<819200xi32, #tpu.memory_space<hbm>> -> memref<512xi32, #tpu.memory_space<hbm>>
      %dma_wait3A_163 = tpu.memref_slice %arg3[%add3A_132] : memref<819200xi32, #tpu.memory_space<hbm>> -> memref<512xi32, #tpu.memory_space<hbm>>
      %dma_wait3A_164 = arith.constant 0 : i32
      %dma_wait3A_165 = tpu.memref_slice %arg4[%run_scoped3A_133, %dma_wait3A_164] : memref<8x512xi32, #tpu.memory_space<vmem>> -> memref<1x512xi32, #tpu.memory_space<vmem>>
      %dma_wait3A_166 = tpu.memref_squeeze %dma_wait3A_165 : memref<1x512xi32, #tpu.memory_space<vmem>> -> memref<512xi32, #tpu.memory_space<vmem>>
      tpu.wait_dma2 semaphore(%run_scoped3A_152 : memref<!tpu.dma_semaphore, #tpu.memory_space<semaphore_mem>>) src(%dma_wait3A_166 : memref<512xi32, #tpu.memory_space<vmem>>) dst(%dma_wait3A_163 : memref<512xi32, #tpu.memory_space<hbm>>)
      tpu.yield
    }) : () -> ()
    %add3A_134 = arith.constant 720896 : i32
    %add3A_135 = arith.addi %add3A_134, %mul3A_2 : i32
    %run_scoped3A_136 = arith.constant 4 : i32
    "tpu.region"() ({
      %run_scoped3A_152 = tpu.sem_alloc : memref<!tpu.dma_semaphore, #tpu.memory_space<semaphore_mem>>
      %dma_start3A = arith.constant 0 : i32
      %dma_start3A_153 = tpu.memref_slice %arg4[%run_scoped3A_136, %dma_start3A] : memref<8x512xi32, #tpu.memory_space<vmem>> -> memref<1x512xi32, #tpu.memory_space<vmem>>
      %dma_start3A_154 = tpu.memref_squeeze %dma_start3A_153 : memref<1x512xi32, #tpu.memory_space<vmem>> -> memref<512xi32, #tpu.memory_space<vmem>>
      %dma_start3A_155 = tpu.memref_slice %arg3[%add3A_135] : memref<819200xi32, #tpu.memory_space<hbm>> -> memref<512xi32, #tpu.memory_space<hbm>>
      %dma_start3A_156 = tpu.memref_slice %arg3[%add3A_135] : memref<819200xi32, #tpu.memory_space<hbm>> -> memref<512xi32, #tpu.memory_space<hbm>>
      %dma_start3A_157 = arith.constant 0 : i32
      %dma_start3A_158 = tpu.memref_slice %arg4[%run_scoped3A_136, %dma_start3A_157] : memref<8x512xi32, #tpu.memory_space<vmem>> -> memref<1x512xi32, #tpu.memory_space<vmem>>
      %dma_start3A_159 = tpu.memref_squeeze %dma_start3A_158 : memref<1x512xi32, #tpu.memory_space<vmem>> -> memref<512xi32, #tpu.memory_space<vmem>>
      tpu.enqueue_dma source(%dma_start3A_159 : memref<512xi32, #tpu.memory_space<vmem>>) target(%dma_start3A_156 : memref<512xi32, #tpu.memory_space<hbm>>) target_semaphore(%run_scoped3A_152 : memref<!tpu.dma_semaphore, #tpu.memory_space<semaphore_mem>>)
      %dma_wait3A = arith.constant 0 : i32
      %dma_wait3A_160 = tpu.memref_slice %arg4[%run_scoped3A_136, %dma_wait3A] : memref<8x512xi32, #tpu.memory_space<vmem>> -> memref<1x512xi32, #tpu.memory_space<vmem>>
      %dma_wait3A_161 = tpu.memref_squeeze %dma_wait3A_160 : memref<1x512xi32, #tpu.memory_space<vmem>> -> memref<512xi32, #tpu.memory_space<vmem>>
      %dma_wait3A_162 = tpu.memref_slice %arg3[%add3A_135] : memref<819200xi32, #tpu.memory_space<hbm>> -> memref<512xi32, #tpu.memory_space<hbm>>
      %dma_wait3A_163 = tpu.memref_slice %arg3[%add3A_135] : memref<819200xi32, #tpu.memory_space<hbm>> -> memref<512xi32, #tpu.memory_space<hbm>>
      %dma_wait3A_164 = arith.constant 0 : i32
      %dma_wait3A_165 = tpu.memref_slice %arg4[%run_scoped3A_136, %dma_wait3A_164] : memref<8x512xi32, #tpu.memory_space<vmem>> -> memref<1x512xi32, #tpu.memory_space<vmem>>
      %dma_wait3A_166 = tpu.memref_squeeze %dma_wait3A_165 : memref<1x512xi32, #tpu.memory_space<vmem>> -> memref<512xi32, #tpu.memory_space<vmem>>
      tpu.wait_dma2 semaphore(%run_scoped3A_152 : memref<!tpu.dma_semaphore, #tpu.memory_space<semaphore_mem>>) src(%dma_wait3A_166 : memref<512xi32, #tpu.memory_space<vmem>>) dst(%dma_wait3A_163 : memref<512xi32, #tpu.memory_space<hbm>>)
      tpu.yield
    }) : () -> ()
    %add3A_137 = arith.constant 737280 : i32
    %add3A_138 = arith.addi %add3A_137, %mul3A_2 : i32
    %run_scoped3A_139 = arith.constant 5 : i32
    "tpu.region"() ({
      %run_scoped3A_152 = tpu.sem_alloc : memref<!tpu.dma_semaphore, #tpu.memory_space<semaphore_mem>>
      %dma_start3A = arith.constant 0 : i32
      %dma_start3A_153 = tpu.memref_slice %arg4[%run_scoped3A_139, %dma_start3A] : memref<8x512xi32, #tpu.memory_space<vmem>> -> memref<1x512xi32, #tpu.memory_space<vmem>>
      %dma_start3A_154 = tpu.memref_squeeze %dma_start3A_153 : memref<1x512xi32, #tpu.memory_space<vmem>> -> memref<512xi32, #tpu.memory_space<vmem>>
      %dma_start3A_155 = tpu.memref_slice %arg3[%add3A_138] : memref<819200xi32, #tpu.memory_space<hbm>> -> memref<512xi32, #tpu.memory_space<hbm>>
      %dma_start3A_156 = tpu.memref_slice %arg3[%add3A_138] : memref<819200xi32, #tpu.memory_space<hbm>> -> memref<512xi32, #tpu.memory_space<hbm>>
      %dma_start3A_157 = arith.constant 0 : i32
      %dma_start3A_158 = tpu.memref_slice %arg4[%run_scoped3A_139, %dma_start3A_157] : memref<8x512xi32, #tpu.memory_space<vmem>> -> memref<1x512xi32, #tpu.memory_space<vmem>>
      %dma_start3A_159 = tpu.memref_squeeze %dma_start3A_158 : memref<1x512xi32, #tpu.memory_space<vmem>> -> memref<512xi32, #tpu.memory_space<vmem>>
      tpu.enqueue_dma source(%dma_start3A_159 : memref<512xi32, #tpu.memory_space<vmem>>) target(%dma_start3A_156 : memref<512xi32, #tpu.memory_space<hbm>>) target_semaphore(%run_scoped3A_152 : memref<!tpu.dma_semaphore, #tpu.memory_space<semaphore_mem>>)
      %dma_wait3A = arith.constant 0 : i32
      %dma_wait3A_160 = tpu.memref_slice %arg4[%run_scoped3A_139, %dma_wait3A] : memref<8x512xi32, #tpu.memory_space<vmem>> -> memref<1x512xi32, #tpu.memory_space<vmem>>
      %dma_wait3A_161 = tpu.memref_squeeze %dma_wait3A_160 : memref<1x512xi32, #tpu.memory_space<vmem>> -> memref<512xi32, #tpu.memory_space<vmem>>
      %dma_wait3A_162 = tpu.memref_slice %arg3[%add3A_138] : memref<819200xi32, #tpu.memory_space<hbm>> -> memref<512xi32, #tpu.memory_space<hbm>>
      %dma_wait3A_163 = tpu.memref_slice %arg3[%add3A_138] : memref<819200xi32, #tpu.memory_space<hbm>> -> memref<512xi32, #tpu.memory_space<hbm>>
      %dma_wait3A_164 = arith.constant 0 : i32
      %dma_wait3A_165 = tpu.memref_slice %arg4[%run_scoped3A_139, %dma_wait3A_164] : memref<8x512xi32, #tpu.memory_space<vmem>> -> memref<1x512xi32, #tpu.memory_space<vmem>>
      %dma_wait3A_166 = tpu.memref_squeeze %dma_wait3A_165 : memref<1x512xi32, #tpu.memory_space<vmem>> -> memref<512xi32, #tpu.memory_space<vmem>>
      tpu.wait_dma2 semaphore(%run_scoped3A_152 : memref<!tpu.dma_semaphore, #tpu.memory_space<semaphore_mem>>) src(%dma_wait3A_166 : memref<512xi32, #tpu.memory_space<vmem>>) dst(%dma_wait3A_163 : memref<512xi32, #tpu.memory_space<hbm>>)
      tpu.yield
    }) : () -> ()
    %add3A_140 = arith.constant 753664 : i32
    %add3A_141 = arith.addi %add3A_140, %mul3A_2 : i32
    %run_scoped3A_142 = arith.constant 6 : i32
    "tpu.region"() ({
      %run_scoped3A_152 = tpu.sem_alloc : memref<!tpu.dma_semaphore, #tpu.memory_space<semaphore_mem>>
      %dma_start3A = arith.constant 0 : i32
      %dma_start3A_153 = tpu.memref_slice %arg4[%run_scoped3A_142, %dma_start3A] : memref<8x512xi32, #tpu.memory_space<vmem>> -> memref<1x512xi32, #tpu.memory_space<vmem>>
      %dma_start3A_154 = tpu.memref_squeeze %dma_start3A_153 : memref<1x512xi32, #tpu.memory_space<vmem>> -> memref<512xi32, #tpu.memory_space<vmem>>
      %dma_start3A_155 = tpu.memref_slice %arg3[%add3A_141] : memref<819200xi32, #tpu.memory_space<hbm>> -> memref<512xi32, #tpu.memory_space<hbm>>
      %dma_start3A_156 = tpu.memref_slice %arg3[%add3A_141] : memref<819200xi32, #tpu.memory_space<hbm>> -> memref<512xi32, #tpu.memory_space<hbm>>
      %dma_start3A_157 = arith.constant 0 : i32
      %dma_start3A_158 = tpu.memref_slice %arg4[%run_scoped3A_142, %dma_start3A_157] : memref<8x512xi32, #tpu.memory_space<vmem>> -> memref<1x512xi32, #tpu.memory_space<vmem>>
      %dma_start3A_159 = tpu.memref_squeeze %dma_start3A_158 : memref<1x512xi32, #tpu.memory_space<vmem>> -> memref<512xi32, #tpu.memory_space<vmem>>
      tpu.enqueue_dma source(%dma_start3A_159 : memref<512xi32, #tpu.memory_space<vmem>>) target(%dma_start3A_156 : memref<512xi32, #tpu.memory_space<hbm>>) target_semaphore(%run_scoped3A_152 : memref<!tpu.dma_semaphore, #tpu.memory_space<semaphore_mem>>)
      %dma_wait3A = arith.constant 0 : i32
      %dma_wait3A_160 = tpu.memref_slice %arg4[%run_scoped3A_142, %dma_wait3A] : memref<8x512xi32, #tpu.memory_space<vmem>> -> memref<1x512xi32, #tpu.memory_space<vmem>>
      %dma_wait3A_161 = tpu.memref_squeeze %dma_wait3A_160 : memref<1x512xi32, #tpu.memory_space<vmem>> -> memref<512xi32, #tpu.memory_space<vmem>>
      %dma_wait3A_162 = tpu.memref_slice %arg3[%add3A_141] : memref<819200xi32, #tpu.memory_space<hbm>> -> memref<512xi32, #tpu.memory_space<hbm>>
      %dma_wait3A_163 = tpu.memref_slice %arg3[%add3A_141] : memref<819200xi32, #tpu.memory_space<hbm>> -> memref<512xi32, #tpu.memory_space<hbm>>
      %dma_wait3A_164 = arith.constant 0 : i32
      %dma_wait3A_165 = tpu.memref_slice %arg4[%run_scoped3A_142, %dma_wait3A_164] : memref<8x512xi32, #tpu.memory_space<vmem>> -> memref<1x512xi32, #tpu.memory_space<vmem>>
      %dma_wait3A_166 = tpu.memref_squeeze %dma_wait3A_165 : memref<1x512xi32, #tpu.memory_space<vmem>> -> memref<512xi32, #tpu.memory_space<vmem>>
      tpu.wait_dma2 semaphore(%run_scoped3A_152 : memref<!tpu.dma_semaphore, #tpu.memory_space<semaphore_mem>>) src(%dma_wait3A_166 : memref<512xi32, #tpu.memory_space<vmem>>) dst(%dma_wait3A_163 : memref<512xi32, #tpu.memory_space<hbm>>)
      tpu.yield
    }) : () -> ()
    %add3A_143 = arith.constant 770048 : i32
    %add3A_144 = arith.addi %add3A_143, %mul3A_2 : i32
    %run_scoped3A_145 = arith.constant 7 : i32
    "tpu.region"() ({
      %run_scoped3A_152 = tpu.sem_alloc : memref<!tpu.dma_semaphore, #tpu.memory_space<semaphore_mem>>
      %dma_start3A = arith.constant 0 : i32
      %dma_start3A_153 = tpu.memref_slice %arg4[%run_scoped3A_145, %dma_start3A] : memref<8x512xi32, #tpu.memory_space<vmem>> -> memref<1x512xi32, #tpu.memory_space<vmem>>
      %dma_start3A_154 = tpu.memref_squeeze %dma_start3A_153 : memref<1x512xi32, #tpu.memory_space<vmem>> -> memref<512xi32, #tpu.memory_space<vmem>>
      %dma_start3A_155 = tpu.memref_slice %arg3[%add3A_144] : memref<819200xi32, #tpu.memory_space<hbm>> -> memref<512xi32, #tpu.memory_space<hbm>>
      %dma_start3A_156 = tpu.memref_slice %arg3[%add3A_144] : memref<819200xi32, #tpu.memory_space<hbm>> -> memref<512xi32, #tpu.memory_space<hbm>>
      %dma_start3A_157 = arith.constant 0 : i32
      %dma_start3A_158 = tpu.memref_slice %arg4[%run_scoped3A_145, %dma_start3A_157] : memref<8x512xi32, #tpu.memory_space<vmem>> -> memref<1x512xi32, #tpu.memory_space<vmem>>
      %dma_start3A_159 = tpu.memref_squeeze %dma_start3A_158 : memref<1x512xi32, #tpu.memory_space<vmem>> -> memref<512xi32, #tpu.memory_space<vmem>>
      tpu.enqueue_dma source(%dma_start3A_159 : memref<512xi32, #tpu.memory_space<vmem>>) target(%dma_start3A_156 : memref<512xi32, #tpu.memory_space<hbm>>) target_semaphore(%run_scoped3A_152 : memref<!tpu.dma_semaphore, #tpu.memory_space<semaphore_mem>>)
      %dma_wait3A = arith.constant 0 : i32
      %dma_wait3A_160 = tpu.memref_slice %arg4[%run_scoped3A_145, %dma_wait3A] : memref<8x512xi32, #tpu.memory_space<vmem>> -> memref<1x512xi32, #tpu.memory_space<vmem>>
      %dma_wait3A_161 = tpu.memref_squeeze %dma_wait3A_160 : memref<1x512xi32, #tpu.memory_space<vmem>> -> memref<512xi32, #tpu.memory_space<vmem>>
      %dma_wait3A_162 = tpu.memref_slice %arg3[%add3A_144] : memref<819200xi32, #tpu.memory_space<hbm>> -> memref<512xi32, #tpu.memory_space<hbm>>
      %dma_wait3A_163 = tpu.memref_slice %arg3[%add3A_144] : memref<819200xi32, #tpu.memory_space<hbm>> -> memref<512xi32, #tpu.memory_space<hbm>>
      %dma_wait3A_164 = arith.constant 0 : i32
      %dma_wait3A_165 = tpu.memref_slice %arg4[%run_scoped3A_145, %dma_wait3A_164] : memref<8x512xi32, #tpu.memory_space<vmem>> -> memref<1x512xi32, #tpu.memory_space<vmem>>
      %dma_wait3A_166 = tpu.memref_squeeze %dma_wait3A_165 : memref<1x512xi32, #tpu.memory_space<vmem>> -> memref<512xi32, #tpu.memory_space<vmem>>
      tpu.wait_dma2 semaphore(%run_scoped3A_152 : memref<!tpu.dma_semaphore, #tpu.memory_space<semaphore_mem>>) src(%dma_wait3A_166 : memref<512xi32, #tpu.memory_space<vmem>>) dst(%dma_wait3A_163 : memref<512xi32, #tpu.memory_space<hbm>>)
      tpu.yield
    }) : () -> ()
    "tpu.region"() ({
      %run_scoped3A_152 = tpu.sem_alloc : memref<!tpu.dma_semaphore, #tpu.memory_space<semaphore_mem>>
      %dma_start3A = arith.constant 48 : i32
      %dma_start3A_153 = tpu.memref_slice %arg2[%dma_start3A, %mul3A_2] : memref<50x16384xi32, #tpu.memory_space<hbm>> -> memref<2x512xi32, #tpu.memory_space<hbm>>
      %dma_start3A_154 = arith.constant 48 : i32
      %dma_start3A_155 = tpu.memref_slice %arg2[%dma_start3A_154, %mul3A_2] : memref<50x16384xi32, #tpu.memory_space<hbm>> -> memref<2x512xi32, #tpu.memory_space<hbm>>
      tpu.enqueue_dma source(%dma_start3A_155 : memref<2x512xi32, #tpu.memory_space<hbm>>) target(%arg5 : memref<2x512xi32, #tpu.memory_space<vmem>>) target_semaphore(%run_scoped3A_152 : memref<!tpu.dma_semaphore, #tpu.memory_space<semaphore_mem>>)
      %dma_wait3A = arith.constant 48 : i32
      %dma_wait3A_156 = tpu.memref_slice %arg2[%dma_wait3A, %mul3A_2] : memref<50x16384xi32, #tpu.memory_space<hbm>> -> memref<2x512xi32, #tpu.memory_space<hbm>>
      %dma_wait3A_157 = arith.constant 48 : i32
      %dma_wait3A_158 = tpu.memref_slice %arg2[%dma_wait3A_157, %mul3A_2] : memref<50x16384xi32, #tpu.memory_space<hbm>> -> memref<2x512xi32, #tpu.memory_space<hbm>>
      tpu.wait_dma2 semaphore(%run_scoped3A_152 : memref<!tpu.dma_semaphore, #tpu.memory_space<semaphore_mem>>) src(%dma_wait3A_158 : memref<2x512xi32, #tpu.memory_space<hbm>>) dst(%arg5 : memref<2x512xi32, #tpu.memory_space<vmem>>)
      tpu.yield
    }) : () -> ()
    %add3A_146 = arith.constant 786432 : i32
    %add3A_147 = arith.addi %add3A_146, %mul3A_2 : i32
    %run_scoped3A_148 = arith.constant 0 : i32
    "tpu.region"() ({
      %run_scoped3A_152 = tpu.sem_alloc : memref<!tpu.dma_semaphore, #tpu.memory_space<semaphore_mem>>
      %dma_start3A = arith.constant 0 : i32
      %dma_start3A_153 = tpu.memref_slice %arg5[%run_scoped3A_148, %dma_start3A] : memref<2x512xi32, #tpu.memory_space<vmem>> -> memref<1x512xi32, #tpu.memory_space<vmem>>
      %dma_start3A_154 = tpu.memref_squeeze %dma_start3A_153 : memref<1x512xi32, #tpu.memory_space<vmem>> -> memref<512xi32, #tpu.memory_space<vmem>>
      %dma_start3A_155 = tpu.memref_slice %arg3[%add3A_147] : memref<819200xi32, #tpu.memory_space<hbm>> -> memref<512xi32, #tpu.memory_space<hbm>>
      %dma_start3A_156 = tpu.memref_slice %arg3[%add3A_147] : memref<819200xi32, #tpu.memory_space<hbm>> -> memref<512xi32, #tpu.memory_space<hbm>>
      %dma_start3A_157 = arith.constant 0 : i32
      %dma_start3A_158 = tpu.memref_slice %arg5[%run_scoped3A_148, %dma_start3A_157] : memref<2x512xi32, #tpu.memory_space<vmem>> -> memref<1x512xi32, #tpu.memory_space<vmem>>
      %dma_start3A_159 = tpu.memref_squeeze %dma_start3A_158 : memref<1x512xi32, #tpu.memory_space<vmem>> -> memref<512xi32, #tpu.memory_space<vmem>>
      tpu.enqueue_dma source(%dma_start3A_159 : memref<512xi32, #tpu.memory_space<vmem>>) target(%dma_start3A_156 : memref<512xi32, #tpu.memory_space<hbm>>) target_semaphore(%run_scoped3A_152 : memref<!tpu.dma_semaphore, #tpu.memory_space<semaphore_mem>>)
      %dma_wait3A = arith.constant 0 : i32
      %dma_wait3A_160 = tpu.memref_slice %arg5[%run_scoped3A_148, %dma_wait3A] : memref<2x512xi32, #tpu.memory_space<vmem>> -> memref<1x512xi32, #tpu.memory_space<vmem>>
      %dma_wait3A_161 = tpu.memref_squeeze %dma_wait3A_160 : memref<1x512xi32, #tpu.memory_space<vmem>> -> memref<512xi32, #tpu.memory_space<vmem>>
      %dma_wait3A_162 = tpu.memref_slice %arg3[%add3A_147] : memref<819200xi32, #tpu.memory_space<hbm>> -> memref<512xi32, #tpu.memory_space<hbm>>
      %dma_wait3A_163 = tpu.memref_slice %arg3[%add3A_147] : memref<819200xi32, #tpu.memory_space<hbm>> -> memref<512xi32, #tpu.memory_space<hbm>>
      %dma_wait3A_164 = arith.constant 0 : i32
      %dma_wait3A_165 = tpu.memref_slice %arg5[%run_scoped3A_148, %dma_wait3A_164] : memref<2x512xi32, #tpu.memory_space<vmem>> -> memref<1x512xi32, #tpu.memory_space<vmem>>
      %dma_wait3A_166 = tpu.memref_squeeze %dma_wait3A_165 : memref<1x512xi32, #tpu.memory_space<vmem>> -> memref<512xi32, #tpu.memory_space<vmem>>
      tpu.wait_dma2 semaphore(%run_scoped3A_152 : memref<!tpu.dma_semaphore, #tpu.memory_space<semaphore_mem>>) src(%dma_wait3A_166 : memref<512xi32, #tpu.memory_space<vmem>>) dst(%dma_wait3A_163 : memref<512xi32, #tpu.memory_space<hbm>>)
      tpu.yield
    }) : () -> ()
    %add3A_149 = arith.constant 802816 : i32
    %add3A_150 = arith.addi %add3A_149, %mul3A_2 : i32
    %run_scoped3A_151 = arith.constant 1 : i32
    "tpu.region"() ({
      %run_scoped3A_152 = tpu.sem_alloc : memref<!tpu.dma_semaphore, #tpu.memory_space<semaphore_mem>>
      %dma_start3A = arith.constant 0 : i32
      %dma_start3A_153 = tpu.memref_slice %arg5[%run_scoped3A_151, %dma_start3A] : memref<2x512xi32, #tpu.memory_space<vmem>> -> memref<1x512xi32, #tpu.memory_space<vmem>>
      %dma_start3A_154 = tpu.memref_squeeze %dma_start3A_153 : memref<1x512xi32, #tpu.memory_space<vmem>> -> memref<512xi32, #tpu.memory_space<vmem>>
      %dma_start3A_155 = tpu.memref_slice %arg3[%add3A_150] : memref<819200xi32, #tpu.memory_space<hbm>> -> memref<512xi32, #tpu.memory_space<hbm>>
      %dma_start3A_156 = tpu.memref_slice %arg3[%add3A_150] : memref<819200xi32, #tpu.memory_space<hbm>> -> memref<512xi32, #tpu.memory_space<hbm>>
      %dma_start3A_157 = arith.constant 0 : i32
      %dma_start3A_158 = tpu.memref_slice %arg5[%run_scoped3A_151, %dma_start3A_157] : memref<2x512xi32, #tpu.memory_space<vmem>> -> memref<1x512xi32, #tpu.memory_space<vmem>>
      %dma_start3A_159 = tpu.memref_squeeze %dma_start3A_158 : memref<1x512xi32, #tpu.memory_space<vmem>> -> memref<512xi32, #tpu.memory_space<vmem>>
      tpu.enqueue_dma source(%dma_start3A_159 : memref<512xi32, #tpu.memory_space<vmem>>) target(%dma_start3A_156 : memref<512xi32, #tpu.memory_space<hbm>>) target_semaphore(%run_scoped3A_152 : memref<!tpu.dma_semaphore, #tpu.memory_space<semaphore_mem>>)
      %dma_wait3A = arith.constant 0 : i32
      %dma_wait3A_160 = tpu.memref_slice %arg5[%run_scoped3A_151, %dma_wait3A] : memref<2x512xi32, #tpu.memory_space<vmem>> -> memref<1x512xi32, #tpu.memory_space<vmem>>
      %dma_wait3A_161 = tpu.memref_squeeze %dma_wait3A_160 : memref<1x512xi32, #tpu.memory_space<vmem>> -> memref<512xi32, #tpu.memory_space<vmem>>
      %dma_wait3A_162 = tpu.memref_slice %arg3[%add3A_150] : memref<819200xi32, #tpu.memory_space<hbm>> -> memref<512xi32, #tpu.memory_space<hbm>>
      %dma_wait3A_163 = tpu.memref_slice %arg3[%add3A_150] : memref<819200xi32, #tpu.memory_space<hbm>> -> memref<512xi32, #tpu.memory_space<hbm>>
      %dma_wait3A_164 = arith.constant 0 : i32
      %dma_wait3A_165 = tpu.memref_slice %arg5[%run_scoped3A_151, %dma_wait3A_164] : memref<2x512xi32, #tpu.memory_space<vmem>> -> memref<1x512xi32, #tpu.memory_space<vmem>>
      %dma_wait3A_166 = tpu.memref_squeeze %dma_wait3A_165 : memref<1x512xi32, #tpu.memory_space<vmem>> -> memref<512xi32, #tpu.memory_space<vmem>>
      tpu.wait_dma2 semaphore(%run_scoped3A_152 : memref<!tpu.dma_semaphore, #tpu.memory_space<semaphore_mem>>) src(%dma_wait3A_166 : memref<512xi32, #tpu.memory_space<vmem>>) dst(%dma_wait3A_163 : memref<512xi32, #tpu.memory_space<hbm>>)
      tpu.yield
    }) : () -> ()
    return
  }
}

#map = affine_map<(d0, d1) -> (0)>
#map1 = affine_map<(d0, d1) -> (0, 0)>
#map2 = affine_map<(d0, d1) -> (0, 0, 0)>
module attributes {stable_mosaic.version = 14 : i64} {
  func.func @_gather_body(%arg0: i32, %arg1: i32, %arg2: memref<819200xi32, #tpu.memory_space<hbm>>, %arg3: memref<1000000x32xf32, #tpu.memory_space<hbm>>, %arg4: memref<50x16384x32xf32, #tpu.memory_space<hbm>>, %arg5: memref<2x512xi32, #tpu.memory_space<vmem>>, %arg6: memref<2x512x32xf32, #tpu.memory_space<vmem>>, %arg7: memref<!tpu.dma_semaphore, #tpu.memory_space<semaphore_mem>>, %arg8: memref<!tpu.dma_semaphore, #tpu.memory_space<semaphore_mem>>, %arg9: memref<!tpu.dma_semaphore, #tpu.memory_space<semaphore_mem>>, %arg10: memref<!tpu.dma_semaphore, #tpu.memory_space<semaphore_mem>>) attributes {dimension_semantics = [#tpu.dimension_semantics<core_parallel>, #tpu.dimension_semantics<subcore_parallel>], iteration_bounds = array<i64: 2, 16>, scalar_prefetch = 0 : i64, scratch_operands = 6 : i64, tpu.core_type = #tpu.core_type<sc_vector_subcore>, window_params = [{transform_indices = #map}, {transform_indices = #map1}, {transform_indices = #map2}]} {
    %mul3A = arith.constant 2 : i32
    %mul3A_0 = arith.muli %arg1, %mul3A : i32
    %add3A = arith.addi %mul3A_0, %arg0 : i32
    %mul3A_1 = arith.constant 512 : i32
    %mul3A_2 = arith.muli %add3A, %mul3A_1 : i32
    %add3A_3 = arith.constant 0 : i32
    %add3A_4 = arith.addi %add3A_3, %mul3A_2 : i32
    %run_scoped3A = arith.constant 0 : i32
    "tpu.region"() ({
      %run_scoped3A_138 = tpu.sem_alloc : memref<!tpu.dma_semaphore, #tpu.memory_space<semaphore_mem>>
      %dma_start3A_139 = arith.constant 0 : i32
      %dma_start3A_140 = tpu.memref_slice %arg5[%run_scoped3A, %dma_start3A_139] : memref<2x512xi32, #tpu.memory_space<vmem>> -> memref<1x512xi32, #tpu.memory_space<vmem>>
      %dma_start3A_141 = tpu.memref_squeeze %dma_start3A_140 : memref<1x512xi32, #tpu.memory_space<vmem>> -> memref<512xi32, #tpu.memory_space<vmem>>
      %dma_start3A_142 = tpu.memref_slice %arg2[%add3A_4] : memref<819200xi32, #tpu.memory_space<hbm>> -> memref<512xi32, #tpu.memory_space<hbm>>
      %dma_start3A_143 = arith.constant 0 : i32
      %dma_start3A_144 = tpu.memref_slice %arg5[%run_scoped3A, %dma_start3A_143] : memref<2x512xi32, #tpu.memory_space<vmem>> -> memref<1x512xi32, #tpu.memory_space<vmem>>
      %dma_start3A_145 = tpu.memref_squeeze %dma_start3A_144 : memref<1x512xi32, #tpu.memory_space<vmem>> -> memref<512xi32, #tpu.memory_space<vmem>>
      %dma_start3A_146 = tpu.memref_slice %arg2[%add3A_4] : memref<819200xi32, #tpu.memory_space<hbm>> -> memref<512xi32, #tpu.memory_space<hbm>>
      tpu.enqueue_dma source(%dma_start3A_146 : memref<512xi32, #tpu.memory_space<hbm>>) target(%dma_start3A_145 : memref<512xi32, #tpu.memory_space<vmem>>) target_semaphore(%run_scoped3A_138 : memref<!tpu.dma_semaphore, #tpu.memory_space<semaphore_mem>>)
      %dma_wait3A_147 = arith.constant 0 : i32
      %dma_wait3A_148 = tpu.memref_slice %arg5[%run_scoped3A, %dma_wait3A_147] : memref<2x512xi32, #tpu.memory_space<vmem>> -> memref<1x512xi32, #tpu.memory_space<vmem>>
      %dma_wait3A_149 = tpu.memref_squeeze %dma_wait3A_148 : memref<1x512xi32, #tpu.memory_space<vmem>> -> memref<512xi32, #tpu.memory_space<vmem>>
      %dma_wait3A_150 = tpu.memref_slice %arg2[%add3A_4] : memref<819200xi32, #tpu.memory_space<hbm>> -> memref<512xi32, #tpu.memory_space<hbm>>
      %dma_wait3A_151 = arith.constant 0 : i32
      %dma_wait3A_152 = tpu.memref_slice %arg5[%run_scoped3A, %dma_wait3A_151] : memref<2x512xi32, #tpu.memory_space<vmem>> -> memref<1x512xi32, #tpu.memory_space<vmem>>
      %dma_wait3A_153 = tpu.memref_squeeze %dma_wait3A_152 : memref<1x512xi32, #tpu.memory_space<vmem>> -> memref<512xi32, #tpu.memory_space<vmem>>
      %dma_wait3A_154 = tpu.memref_slice %arg2[%add3A_4] : memref<819200xi32, #tpu.memory_space<hbm>> -> memref<512xi32, #tpu.memory_space<hbm>>
      tpu.wait_dma2 semaphore(%run_scoped3A_138 : memref<!tpu.dma_semaphore, #tpu.memory_space<semaphore_mem>>) src(%dma_wait3A_154 : memref<512xi32, #tpu.memory_space<hbm>>) dst(%dma_wait3A_153 : memref<512xi32, #tpu.memory_space<vmem>>)
      tpu.yield
    }) : () -> ()
    %dma_start3A = arith.constant 0 : i32
    %dma_start3A_5 = arith.constant 0 : i32
    %dma_start3A_6 = arith.constant 0 : i32
    %dma_start3A_7 = arith.constant 0 : i32
    %dma_start3A_8 = tpu.memref_slice %arg6[%dma_start3A_5, %dma_start3A_6, %dma_start3A_7] : memref<2x512x32xf32, #tpu.memory_space<vmem>> -> memref<1x128x32xf32, #tpu.memory_space<vmem>>
    %dma_start3A_9 = tpu.memref_squeeze %dma_start3A_8 : memref<1x128x32xf32, #tpu.memory_space<vmem>> -> memref<128x32xf32, #tpu.memory_space<vmem>>
    %dma_start3A_10 = arith.constant 0 : i32
    %dma_start3A_11 = tpu.memref_slice %arg5[%dma_start3A, %dma_start3A_10] : memref<2x512xi32, #tpu.memory_space<vmem>> -> memref<1x128xi32, #tpu.memory_space<vmem>>
    %dma_start3A_12 = tpu.memref_squeeze %dma_start3A_11 : memref<1x128xi32, #tpu.memory_space<vmem>> -> memref<128xi32, #tpu.memory_space<vmem>>
    %dma_start3A_13 = arith.constant 0 : i32
    %dma_start3A_14 = arith.constant 0 : i32
    %dma_start3A_15 = tpu.memref_slice %arg3[%dma_start3A_13, %dma_start3A_14] : memref<1000000x32xf32, #tpu.memory_space<hbm>> -> memref<1000000x32xf32, #tpu.memory_space<hbm>>
    tpu.enqueue_indirect_dma source(%dma_start3A_15 : memref<1000000x32xf32, #tpu.memory_space<hbm>>) target(%dma_start3A_9 : memref<128x32xf32, #tpu.memory_space<vmem>>) offsets(%dma_start3A_12 : memref<128xi32, #tpu.memory_space<vmem>>) semaphore(%arg7 : memref<!tpu.dma_semaphore, #tpu.memory_space<semaphore_mem>>)
    %dma_start3A_16 = arith.constant 0 : i32
    %dma_start3A_17 = arith.constant 0 : i32
    %dma_start3A_18 = arith.constant 128 : i32
    %dma_start3A_19 = arith.constant 0 : i32
    %dma_start3A_20 = tpu.memref_slice %arg6[%dma_start3A_17, %dma_start3A_18, %dma_start3A_19] : memref<2x512x32xf32, #tpu.memory_space<vmem>> -> memref<1x128x32xf32, #tpu.memory_space<vmem>>
    %dma_start3A_21 = tpu.memref_squeeze %dma_start3A_20 : memref<1x128x32xf32, #tpu.memory_space<vmem>> -> memref<128x32xf32, #tpu.memory_space<vmem>>
    %dma_start3A_22 = arith.constant 128 : i32
    %dma_start3A_23 = tpu.memref_slice %arg5[%dma_start3A_16, %dma_start3A_22] : memref<2x512xi32, #tpu.memory_space<vmem>> -> memref<1x128xi32, #tpu.memory_space<vmem>>
    %dma_start3A_24 = tpu.memref_squeeze %dma_start3A_23 : memref<1x128xi32, #tpu.memory_space<vmem>> -> memref<128xi32, #tpu.memory_space<vmem>>
    %dma_start3A_25 = arith.constant 0 : i32
    %dma_start3A_26 = arith.constant 0 : i32
    %dma_start3A_27 = tpu.memref_slice %arg3[%dma_start3A_25, %dma_start3A_26] : memref<1000000x32xf32, #tpu.memory_space<hbm>> -> memref<1000000x32xf32, #tpu.memory_space<hbm>>
    tpu.enqueue_indirect_dma source(%dma_start3A_27 : memref<1000000x32xf32, #tpu.memory_space<hbm>>) target(%dma_start3A_21 : memref<128x32xf32, #tpu.memory_space<vmem>>) offsets(%dma_start3A_24 : memref<128xi32, #tpu.memory_space<vmem>>) semaphore(%arg7 : memref<!tpu.dma_semaphore, #tpu.memory_space<semaphore_mem>>)
    %dma_start3A_28 = arith.constant 0 : i32
    %dma_start3A_29 = arith.constant 0 : i32
    %dma_start3A_30 = arith.constant 256 : i32
    %dma_start3A_31 = arith.constant 0 : i32
    %dma_start3A_32 = tpu.memref_slice %arg6[%dma_start3A_29, %dma_start3A_30, %dma_start3A_31] : memref<2x512x32xf32, #tpu.memory_space<vmem>> -> memref<1x128x32xf32, #tpu.memory_space<vmem>>
    %dma_start3A_33 = tpu.memref_squeeze %dma_start3A_32 : memref<1x128x32xf32, #tpu.memory_space<vmem>> -> memref<128x32xf32, #tpu.memory_space<vmem>>
    %dma_start3A_34 = arith.constant 256 : i32
    %dma_start3A_35 = tpu.memref_slice %arg5[%dma_start3A_28, %dma_start3A_34] : memref<2x512xi32, #tpu.memory_space<vmem>> -> memref<1x128xi32, #tpu.memory_space<vmem>>
    %dma_start3A_36 = tpu.memref_squeeze %dma_start3A_35 : memref<1x128xi32, #tpu.memory_space<vmem>> -> memref<128xi32, #tpu.memory_space<vmem>>
    %dma_start3A_37 = arith.constant 0 : i32
    %dma_start3A_38 = arith.constant 0 : i32
    %dma_start3A_39 = tpu.memref_slice %arg3[%dma_start3A_37, %dma_start3A_38] : memref<1000000x32xf32, #tpu.memory_space<hbm>> -> memref<1000000x32xf32, #tpu.memory_space<hbm>>
    tpu.enqueue_indirect_dma source(%dma_start3A_39 : memref<1000000x32xf32, #tpu.memory_space<hbm>>) target(%dma_start3A_33 : memref<128x32xf32, #tpu.memory_space<vmem>>) offsets(%dma_start3A_36 : memref<128xi32, #tpu.memory_space<vmem>>) semaphore(%arg7 : memref<!tpu.dma_semaphore, #tpu.memory_space<semaphore_mem>>)
    %dma_start3A_40 = arith.constant 0 : i32
    %dma_start3A_41 = arith.constant 0 : i32
    %dma_start3A_42 = arith.constant 384 : i32
    %dma_start3A_43 = arith.constant 0 : i32
    %dma_start3A_44 = tpu.memref_slice %arg6[%dma_start3A_41, %dma_start3A_42, %dma_start3A_43] : memref<2x512x32xf32, #tpu.memory_space<vmem>> -> memref<1x128x32xf32, #tpu.memory_space<vmem>>
    %dma_start3A_45 = tpu.memref_squeeze %dma_start3A_44 : memref<1x128x32xf32, #tpu.memory_space<vmem>> -> memref<128x32xf32, #tpu.memory_space<vmem>>
    %dma_start3A_46 = arith.constant 384 : i32
    %dma_start3A_47 = tpu.memref_slice %arg5[%dma_start3A_40, %dma_start3A_46] : memref<2x512xi32, #tpu.memory_space<vmem>> -> memref<1x128xi32, #tpu.memory_space<vmem>>
    %dma_start3A_48 = tpu.memref_squeeze %dma_start3A_47 : memref<1x128xi32, #tpu.memory_space<vmem>> -> memref<128xi32, #tpu.memory_space<vmem>>
    %dma_start3A_49 = arith.constant 0 : i32
    %dma_start3A_50 = arith.constant 0 : i32
    %dma_start3A_51 = tpu.memref_slice %arg3[%dma_start3A_49, %dma_start3A_50] : memref<1000000x32xf32, #tpu.memory_space<hbm>> -> memref<1000000x32xf32, #tpu.memory_space<hbm>>
    tpu.enqueue_indirect_dma source(%dma_start3A_51 : memref<1000000x32xf32, #tpu.memory_space<hbm>>) target(%dma_start3A_45 : memref<128x32xf32, #tpu.memory_space<vmem>>) offsets(%dma_start3A_48 : memref<128xi32, #tpu.memory_space<vmem>>) semaphore(%arg7 : memref<!tpu.dma_semaphore, #tpu.memory_space<semaphore_mem>>)
    %add3A_52 = arith.constant 16384 : i32
    %add3A_53 = arith.addi %add3A_52, %mul3A_2 : i32
    %run_scoped3A_54 = arith.constant 1 : i32
    "tpu.region"() ({
      %run_scoped3A_138 = tpu.sem_alloc : memref<!tpu.dma_semaphore, #tpu.memory_space<semaphore_mem>>
      %dma_start3A_139 = arith.constant 0 : i32
      %dma_start3A_140 = tpu.memref_slice %arg5[%run_scoped3A_54, %dma_start3A_139] : memref<2x512xi32, #tpu.memory_space<vmem>> -> memref<1x512xi32, #tpu.memory_space<vmem>>
      %dma_start3A_141 = tpu.memref_squeeze %dma_start3A_140 : memref<1x512xi32, #tpu.memory_space<vmem>> -> memref<512xi32, #tpu.memory_space<vmem>>
      %dma_start3A_142 = tpu.memref_slice %arg2[%add3A_53] : memref<819200xi32, #tpu.memory_space<hbm>> -> memref<512xi32, #tpu.memory_space<hbm>>
      %dma_start3A_143 = arith.constant 0 : i32
      %dma_start3A_144 = tpu.memref_slice %arg5[%run_scoped3A_54, %dma_start3A_143] : memref<2x512xi32, #tpu.memory_space<vmem>> -> memref<1x512xi32, #tpu.memory_space<vmem>>
      %dma_start3A_145 = tpu.memref_squeeze %dma_start3A_144 : memref<1x512xi32, #tpu.memory_space<vmem>> -> memref<512xi32, #tpu.memory_space<vmem>>
      %dma_start3A_146 = tpu.memref_slice %arg2[%add3A_53] : memref<819200xi32, #tpu.memory_space<hbm>> -> memref<512xi32, #tpu.memory_space<hbm>>
      tpu.enqueue_dma source(%dma_start3A_146 : memref<512xi32, #tpu.memory_space<hbm>>) target(%dma_start3A_145 : memref<512xi32, #tpu.memory_space<vmem>>) target_semaphore(%run_scoped3A_138 : memref<!tpu.dma_semaphore, #tpu.memory_space<semaphore_mem>>)
      %dma_wait3A_147 = arith.constant 0 : i32
      %dma_wait3A_148 = tpu.memref_slice %arg5[%run_scoped3A_54, %dma_wait3A_147] : memref<2x512xi32, #tpu.memory_space<vmem>> -> memref<1x512xi32, #tpu.memory_space<vmem>>
      %dma_wait3A_149 = tpu.memref_squeeze %dma_wait3A_148 : memref<1x512xi32, #tpu.memory_space<vmem>> -> memref<512xi32, #tpu.memory_space<vmem>>
      %dma_wait3A_150 = tpu.memref_slice %arg2[%add3A_53] : memref<819200xi32, #tpu.memory_space<hbm>> -> memref<512xi32, #tpu.memory_space<hbm>>
      %dma_wait3A_151 = arith.constant 0 : i32
      %dma_wait3A_152 = tpu.memref_slice %arg5[%run_scoped3A_54, %dma_wait3A_151] : memref<2x512xi32, #tpu.memory_space<vmem>> -> memref<1x512xi32, #tpu.memory_space<vmem>>
      %dma_wait3A_153 = tpu.memref_squeeze %dma_wait3A_152 : memref<1x512xi32, #tpu.memory_space<vmem>> -> memref<512xi32, #tpu.memory_space<vmem>>
      %dma_wait3A_154 = tpu.memref_slice %arg2[%add3A_53] : memref<819200xi32, #tpu.memory_space<hbm>> -> memref<512xi32, #tpu.memory_space<hbm>>
      tpu.wait_dma2 semaphore(%run_scoped3A_138 : memref<!tpu.dma_semaphore, #tpu.memory_space<semaphore_mem>>) src(%dma_wait3A_154 : memref<512xi32, #tpu.memory_space<hbm>>) dst(%dma_wait3A_153 : memref<512xi32, #tpu.memory_space<vmem>>)
      tpu.yield
    }) : () -> ()
    %dma_start3A_55 = arith.constant 1 : i32
    %dma_start3A_56 = arith.constant 1 : i32
    %dma_start3A_57 = arith.constant 0 : i32
    %dma_start3A_58 = arith.constant 0 : i32
    %dma_start3A_59 = tpu.memref_slice %arg6[%dma_start3A_56, %dma_start3A_57, %dma_start3A_58] : memref<2x512x32xf32, #tpu.memory_space<vmem>> -> memref<1x128x32xf32, #tpu.memory_space<vmem>>
    %dma_start3A_60 = tpu.memref_squeeze %dma_start3A_59 : memref<1x128x32xf32, #tpu.memory_space<vmem>> -> memref<128x32xf32, #tpu.memory_space<vmem>>
    %dma_start3A_61 = arith.constant 0 : i32
    %dma_start3A_62 = tpu.memref_slice %arg5[%dma_start3A_55, %dma_start3A_61] : memref<2x512xi32, #tpu.memory_space<vmem>> -> memref<1x128xi32, #tpu.memory_space<vmem>>
    %dma_start3A_63 = tpu.memref_squeeze %dma_start3A_62 : memref<1x128xi32, #tpu.memory_space<vmem>> -> memref<128xi32, #tpu.memory_space<vmem>>
    %dma_start3A_64 = arith.constant 0 : i32
    %dma_start3A_65 = arith.constant 0 : i32
    %dma_start3A_66 = tpu.memref_slice %arg3[%dma_start3A_64, %dma_start3A_65] : memref<1000000x32xf32, #tpu.memory_space<hbm>> -> memref<1000000x32xf32, #tpu.memory_space<hbm>>
    tpu.enqueue_indirect_dma source(%dma_start3A_66 : memref<1000000x32xf32, #tpu.memory_space<hbm>>) target(%dma_start3A_60 : memref<128x32xf32, #tpu.memory_space<vmem>>) offsets(%dma_start3A_63 : memref<128xi32, #tpu.memory_space<vmem>>) semaphore(%arg8 : memref<!tpu.dma_semaphore, #tpu.memory_space<semaphore_mem>>)
    %dma_start3A_67 = arith.constant 1 : i32
    %dma_start3A_68 = arith.constant 1 : i32
    %dma_start3A_69 = arith.constant 128 : i32
    %dma_start3A_70 = arith.constant 0 : i32
    %dma_start3A_71 = tpu.memref_slice %arg6[%dma_start3A_68, %dma_start3A_69, %dma_start3A_70] : memref<2x512x32xf32, #tpu.memory_space<vmem>> -> memref<1x128x32xf32, #tpu.memory_space<vmem>>
    %dma_start3A_72 = tpu.memref_squeeze %dma_start3A_71 : memref<1x128x32xf32, #tpu.memory_space<vmem>> -> memref<128x32xf32, #tpu.memory_space<vmem>>
    %dma_start3A_73 = arith.constant 128 : i32
    %dma_start3A_74 = tpu.memref_slice %arg5[%dma_start3A_67, %dma_start3A_73] : memref<2x512xi32, #tpu.memory_space<vmem>> -> memref<1x128xi32, #tpu.memory_space<vmem>>
    %dma_start3A_75 = tpu.memref_squeeze %dma_start3A_74 : memref<1x128xi32, #tpu.memory_space<vmem>> -> memref<128xi32, #tpu.memory_space<vmem>>
    %dma_start3A_76 = arith.constant 0 : i32
    %dma_start3A_77 = arith.constant 0 : i32
    %dma_start3A_78 = tpu.memref_slice %arg3[%dma_start3A_76, %dma_start3A_77] : memref<1000000x32xf32, #tpu.memory_space<hbm>> -> memref<1000000x32xf32, #tpu.memory_space<hbm>>
    tpu.enqueue_indirect_dma source(%dma_start3A_78 : memref<1000000x32xf32, #tpu.memory_space<hbm>>) target(%dma_start3A_72 : memref<128x32xf32, #tpu.memory_space<vmem>>) offsets(%dma_start3A_75 : memref<128xi32, #tpu.memory_space<vmem>>) semaphore(%arg8 : memref<!tpu.dma_semaphore, #tpu.memory_space<semaphore_mem>>)
    %dma_start3A_79 = arith.constant 1 : i32
    %dma_start3A_80 = arith.constant 1 : i32
    %dma_start3A_81 = arith.constant 256 : i32
    %dma_start3A_82 = arith.constant 0 : i32
    %dma_start3A_83 = tpu.memref_slice %arg6[%dma_start3A_80, %dma_start3A_81, %dma_start3A_82] : memref<2x512x32xf32, #tpu.memory_space<vmem>> -> memref<1x128x32xf32, #tpu.memory_space<vmem>>
    %dma_start3A_84 = tpu.memref_squeeze %dma_start3A_83 : memref<1x128x32xf32, #tpu.memory_space<vmem>> -> memref<128x32xf32, #tpu.memory_space<vmem>>
    %dma_start3A_85 = arith.constant 256 : i32
    %dma_start3A_86 = tpu.memref_slice %arg5[%dma_start3A_79, %dma_start3A_85] : memref<2x512xi32, #tpu.memory_space<vmem>> -> memref<1x128xi32, #tpu.memory_space<vmem>>
    %dma_start3A_87 = tpu.memref_squeeze %dma_start3A_86 : memref<1x128xi32, #tpu.memory_space<vmem>> -> memref<128xi32, #tpu.memory_space<vmem>>
    %dma_start3A_88 = arith.constant 0 : i32
    %dma_start3A_89 = arith.constant 0 : i32
    %dma_start3A_90 = tpu.memref_slice %arg3[%dma_start3A_88, %dma_start3A_89] : memref<1000000x32xf32, #tpu.memory_space<hbm>> -> memref<1000000x32xf32, #tpu.memory_space<hbm>>
    tpu.enqueue_indirect_dma source(%dma_start3A_90 : memref<1000000x32xf32, #tpu.memory_space<hbm>>) target(%dma_start3A_84 : memref<128x32xf32, #tpu.memory_space<vmem>>) offsets(%dma_start3A_87 : memref<128xi32, #tpu.memory_space<vmem>>) semaphore(%arg8 : memref<!tpu.dma_semaphore, #tpu.memory_space<semaphore_mem>>)
    %dma_start3A_91 = arith.constant 1 : i32
    %dma_start3A_92 = arith.constant 1 : i32
    %dma_start3A_93 = arith.constant 384 : i32
    %dma_start3A_94 = arith.constant 0 : i32
    %dma_start3A_95 = tpu.memref_slice %arg6[%dma_start3A_92, %dma_start3A_93, %dma_start3A_94] : memref<2x512x32xf32, #tpu.memory_space<vmem>> -> memref<1x128x32xf32, #tpu.memory_space<vmem>>
    %dma_start3A_96 = tpu.memref_squeeze %dma_start3A_95 : memref<1x128x32xf32, #tpu.memory_space<vmem>> -> memref<128x32xf32, #tpu.memory_space<vmem>>
    %dma_start3A_97 = arith.constant 384 : i32
    %dma_start3A_98 = tpu.memref_slice %arg5[%dma_start3A_91, %dma_start3A_97] : memref<2x512xi32, #tpu.memory_space<vmem>> -> memref<1x128xi32, #tpu.memory_space<vmem>>
    %dma_start3A_99 = tpu.memref_squeeze %dma_start3A_98 : memref<1x128xi32, #tpu.memory_space<vmem>> -> memref<128xi32, #tpu.memory_space<vmem>>
    %dma_start3A_100 = arith.constant 0 : i32
    %dma_start3A_101 = arith.constant 0 : i32
    %dma_start3A_102 = tpu.memref_slice %arg3[%dma_start3A_100, %dma_start3A_101] : memref<1000000x32xf32, #tpu.memory_space<hbm>> -> memref<1000000x32xf32, #tpu.memory_space<hbm>>
    tpu.enqueue_indirect_dma source(%dma_start3A_102 : memref<1000000x32xf32, #tpu.memory_space<hbm>>) target(%dma_start3A_96 : memref<128x32xf32, #tpu.memory_space<vmem>>) offsets(%dma_start3A_99 : memref<128xi32, #tpu.memory_space<vmem>>) semaphore(%arg8 : memref<!tpu.dma_semaphore, #tpu.memory_space<semaphore_mem>>)
    %scan3A = arith.constant 0 : i32
    %scan3A_103 = arith.constant 25 : i32
    %scan3A_104 = arith.addi %scan3A, %scan3A_103 : i32
    %scan3A_105 = arith.constant 1 : i32
    scf.for %scan3A_138 = %scan3A to %scan3A_104 step %scan3A_105  : i32 {
      %mul3A_139 = arith.constant 2 : i32
      %mul3A_140 = arith.muli %scan3A_138, %mul3A_139 : i32
      %add3A_141 = arith.constant 0 : i32
      %add3A_142 = arith.addi %add3A_141, %mul3A_140 : i32
      %dma_wait3A_143 = arith.constant 0 : i32
      %dma_wait3A_144 = arith.constant 0 : i32
      %dma_wait3A_145 = arith.constant 0 : i32
      %dma_wait3A_146 = arith.constant 0 : i32
      %dma_wait3A_147 = tpu.memref_slice %arg6[%dma_wait3A_144, %dma_wait3A_145, %dma_wait3A_146] : memref<2x512x32xf32, #tpu.memory_space<vmem>> -> memref<1x128x32xf32, #tpu.memory_space<vmem>>
      %dma_wait3A_148 = tpu.memref_squeeze %dma_wait3A_147 : memref<1x128x32xf32, #tpu.memory_space<vmem>> -> memref<128x32xf32, #tpu.memory_space<vmem>>
      %dma_wait3A_149 = arith.constant 0 : i32
      %dma_wait3A_150 = tpu.memref_slice %arg5[%dma_wait3A_143, %dma_wait3A_149] : memref<2x512xi32, #tpu.memory_space<vmem>> -> memref<1x128xi32, #tpu.memory_space<vmem>>
      %dma_wait3A_151 = tpu.memref_squeeze %dma_wait3A_150 : memref<1x128xi32, #tpu.memory_space<vmem>> -> memref<128xi32, #tpu.memory_space<vmem>>
      %dma_wait3A_152 = arith.constant 0 : i32
      %dma_wait3A_153 = arith.constant 0 : i32
      %dma_wait3A_154 = tpu.memref_slice %arg3[%dma_wait3A_152, %dma_wait3A_153] : memref<1000000x32xf32, #tpu.memory_space<hbm>> -> memref<1000000x32xf32, #tpu.memory_space<hbm>>
      tpu.wait_indirect_dma semaphore(%arg7 : memref<!tpu.dma_semaphore, #tpu.memory_space<semaphore_mem>>) src(%dma_wait3A_154 : memref<1000000x32xf32, #tpu.memory_space<hbm>>) dst(%dma_wait3A_148 : memref<128x32xf32, #tpu.memory_space<vmem>>)
      %dma_wait3A_155 = arith.constant 0 : i32
      %dma_wait3A_156 = arith.constant 0 : i32
      %dma_wait3A_157 = arith.constant 128 : i32
      %dma_wait3A_158 = arith.constant 0 : i32
      %dma_wait3A_159 = tpu.memref_slice %arg6[%dma_wait3A_156, %dma_wait3A_157, %dma_wait3A_158] : memref<2x512x32xf32, #tpu.memory_space<vmem>> -> memref<1x128x32xf32, #tpu.memory_space<vmem>>
      %dma_wait3A_160 = tpu.memref_squeeze %dma_wait3A_159 : memref<1x128x32xf32, #tpu.memory_space<vmem>> -> memref<128x32xf32, #tpu.memory_space<vmem>>
      %dma_wait3A_161 = arith.constant 128 : i32
      %dma_wait3A_162 = tpu.memref_slice %arg5[%dma_wait3A_155, %dma_wait3A_161] : memref<2x512xi32, #tpu.memory_space<vmem>> -> memref<1x128xi32, #tpu.memory_space<vmem>>
      %dma_wait3A_163 = tpu.memref_squeeze %dma_wait3A_162 : memref<1x128xi32, #tpu.memory_space<vmem>> -> memref<128xi32, #tpu.memory_space<vmem>>
      %dma_wait3A_164 = arith.constant 0 : i32
      %dma_wait3A_165 = arith.constant 0 : i32
      %dma_wait3A_166 = tpu.memref_slice %arg3[%dma_wait3A_164, %dma_wait3A_165] : memref<1000000x32xf32, #tpu.memory_space<hbm>> -> memref<1000000x32xf32, #tpu.memory_space<hbm>>
      tpu.wait_indirect_dma semaphore(%arg7 : memref<!tpu.dma_semaphore, #tpu.memory_space<semaphore_mem>>) src(%dma_wait3A_166 : memref<1000000x32xf32, #tpu.memory_space<hbm>>) dst(%dma_wait3A_160 : memref<128x32xf32, #tpu.memory_space<vmem>>)
      %dma_wait3A_167 = arith.constant 0 : i32
      %dma_wait3A_168 = arith.constant 0 : i32
      %dma_wait3A_169 = arith.constant 256 : i32
      %dma_wait3A_170 = arith.constant 0 : i32
      %dma_wait3A_171 = tpu.memref_slice %arg6[%dma_wait3A_168, %dma_wait3A_169, %dma_wait3A_170] : memref<2x512x32xf32, #tpu.memory_space<vmem>> -> memref<1x128x32xf32, #tpu.memory_space<vmem>>
      %dma_wait3A_172 = tpu.memref_squeeze %dma_wait3A_171 : memref<1x128x32xf32, #tpu.memory_space<vmem>> -> memref<128x32xf32, #tpu.memory_space<vmem>>
      %dma_wait3A_173 = arith.constant 256 : i32
      %dma_wait3A_174 = tpu.memref_slice %arg5[%dma_wait3A_167, %dma_wait3A_173] : memref<2x512xi32, #tpu.memory_space<vmem>> -> memref<1x128xi32, #tpu.memory_space<vmem>>
      %dma_wait3A_175 = tpu.memref_squeeze %dma_wait3A_174 : memref<1x128xi32, #tpu.memory_space<vmem>> -> memref<128xi32, #tpu.memory_space<vmem>>
      %dma_wait3A_176 = arith.constant 0 : i32
      %dma_wait3A_177 = arith.constant 0 : i32
      %dma_wait3A_178 = tpu.memref_slice %arg3[%dma_wait3A_176, %dma_wait3A_177] : memref<1000000x32xf32, #tpu.memory_space<hbm>> -> memref<1000000x32xf32, #tpu.memory_space<hbm>>
      tpu.wait_indirect_dma semaphore(%arg7 : memref<!tpu.dma_semaphore, #tpu.memory_space<semaphore_mem>>) src(%dma_wait3A_178 : memref<1000000x32xf32, #tpu.memory_space<hbm>>) dst(%dma_wait3A_172 : memref<128x32xf32, #tpu.memory_space<vmem>>)
      %dma_wait3A_179 = arith.constant 0 : i32
      %dma_wait3A_180 = arith.constant 0 : i32
      %dma_wait3A_181 = arith.constant 384 : i32
      %dma_wait3A_182 = arith.constant 0 : i32
      %dma_wait3A_183 = tpu.memref_slice %arg6[%dma_wait3A_180, %dma_wait3A_181, %dma_wait3A_182] : memref<2x512x32xf32, #tpu.memory_space<vmem>> -> memref<1x128x32xf32, #tpu.memory_space<vmem>>
      %dma_wait3A_184 = tpu.memref_squeeze %dma_wait3A_183 : memref<1x128x32xf32, #tpu.memory_space<vmem>> -> memref<128x32xf32, #tpu.memory_space<vmem>>
      %dma_wait3A_185 = arith.constant 384 : i32
      %dma_wait3A_186 = tpu.memref_slice %arg5[%dma_wait3A_179, %dma_wait3A_185] : memref<2x512xi32, #tpu.memory_space<vmem>> -> memref<1x128xi32, #tpu.memory_space<vmem>>
      %dma_wait3A_187 = tpu.memref_squeeze %dma_wait3A_186 : memref<1x128xi32, #tpu.memory_space<vmem>> -> memref<128xi32, #tpu.memory_space<vmem>>
      %dma_wait3A_188 = arith.constant 0 : i32
      %dma_wait3A_189 = arith.constant 0 : i32
      %dma_wait3A_190 = tpu.memref_slice %arg3[%dma_wait3A_188, %dma_wait3A_189] : memref<1000000x32xf32, #tpu.memory_space<hbm>> -> memref<1000000x32xf32, #tpu.memory_space<hbm>>
      tpu.wait_indirect_dma semaphore(%arg7 : memref<!tpu.dma_semaphore, #tpu.memory_space<semaphore_mem>>) src(%dma_wait3A_190 : memref<1000000x32xf32, #tpu.memory_space<hbm>>) dst(%dma_wait3A_184 : memref<128x32xf32, #tpu.memory_space<vmem>>)
      %dma_start3A_191 = arith.constant 0 : i32
      %dma_start3A_192 = arith.constant 0 : i32
      %dma_start3A_193 = arith.constant 0 : i32
      %dma_start3A_194 = tpu.memref_slice %arg6[%dma_start3A_191, %dma_start3A_192, %dma_start3A_193] : memref<2x512x32xf32, #tpu.memory_space<vmem>> -> memref<1x512x32xf32, #tpu.memory_space<vmem>>
      %dma_start3A_195 = tpu.memref_squeeze %dma_start3A_194 : memref<1x512x32xf32, #tpu.memory_space<vmem>> -> memref<512x32xf32, #tpu.memory_space<vmem>>
      %dma_start3A_196 = arith.constant 0 : i32
      %dma_start3A_197 = tpu.memref_slice %arg4[%add3A_142, %mul3A_2, %dma_start3A_196] : memref<50x16384x32xf32, #tpu.memory_space<hbm>> -> memref<1x512x32xf32, #tpu.memory_space<hbm>>
      %dma_start3A_198 = tpu.memref_squeeze %dma_start3A_197 : memref<1x512x32xf32, #tpu.memory_space<hbm>> -> memref<512x32xf32, #tpu.memory_space<hbm>>
      %dma_start3A_199 = arith.constant 0 : i32
      %dma_start3A_200 = tpu.memref_slice %arg4[%add3A_142, %mul3A_2, %dma_start3A_199] : memref<50x16384x32xf32, #tpu.memory_space<hbm>> -> memref<1x512x32xf32, #tpu.memory_space<hbm>>
      %dma_start3A_201 = tpu.memref_squeeze %dma_start3A_200 : memref<1x512x32xf32, #tpu.memory_space<hbm>> -> memref<512x32xf32, #tpu.memory_space<hbm>>
      %dma_start3A_202 = arith.constant 0 : i32
      %dma_start3A_203 = arith.constant 0 : i32
      %dma_start3A_204 = tpu.memref_slice %arg6[%dma_start3A_191, %dma_start3A_202, %dma_start3A_203] : memref<2x512x32xf32, #tpu.memory_space<vmem>> -> memref<1x512x32xf32, #tpu.memory_space<vmem>>
      %dma_start3A_205 = tpu.memref_squeeze %dma_start3A_204 : memref<1x512x32xf32, #tpu.memory_space<vmem>> -> memref<512x32xf32, #tpu.memory_space<vmem>>
      tpu.enqueue_dma source(%dma_start3A_205 : memref<512x32xf32, #tpu.memory_space<vmem>>) target(%dma_start3A_201 : memref<512x32xf32, #tpu.memory_space<hbm>>) target_semaphore(%arg9 : memref<!tpu.dma_semaphore, #tpu.memory_space<semaphore_mem>>)
      %add3A_206 = arith.constant 2 : i32
      %add3A_207 = arith.addi %add3A_142, %add3A_206 : i32
      %lt3A = arith.constant 50 : i32
      %lt3A_208 = arith.cmpi slt, %add3A_207, %lt3A : i32
      %convert_element_type3A = arith.extui %lt3A_208 : i1 to i32
      %cond3A = arith.constant 0 : i32
      %cond3A_209 = arith.cmpi ne, %convert_element_type3A, %cond3A : i32
      scf.if %cond3A_209 {
        %dma_wait3A_282 = arith.constant 0 : i32
        %dma_wait3A_283 = arith.constant 0 : i32
        %dma_wait3A_284 = arith.constant 0 : i32
        %dma_wait3A_285 = tpu.memref_slice %arg6[%dma_wait3A_282, %dma_wait3A_283, %dma_wait3A_284] : memref<2x512x32xf32, #tpu.memory_space<vmem>> -> memref<1x512x32xf32, #tpu.memory_space<vmem>>
        %dma_wait3A_286 = tpu.memref_squeeze %dma_wait3A_285 : memref<1x512x32xf32, #tpu.memory_space<vmem>> -> memref<512x32xf32, #tpu.memory_space<vmem>>
        %dma_wait3A_287 = arith.constant 0 : i32
        %dma_wait3A_288 = tpu.memref_slice %arg4[%add3A_142, %mul3A_2, %dma_wait3A_287] : memref<50x16384x32xf32, #tpu.memory_space<hbm>> -> memref<1x512x32xf32, #tpu.memory_space<hbm>>
        %dma_wait3A_289 = tpu.memref_squeeze %dma_wait3A_288 : memref<1x512x32xf32, #tpu.memory_space<hbm>> -> memref<512x32xf32, #tpu.memory_space<hbm>>
        %dma_wait3A_290 = arith.constant 0 : i32
        %dma_wait3A_291 = tpu.memref_slice %arg4[%add3A_142, %mul3A_2, %dma_wait3A_290] : memref<50x16384x32xf32, #tpu.memory_space<hbm>> -> memref<1x512x32xf32, #tpu.memory_space<hbm>>
        %dma_wait3A_292 = tpu.memref_squeeze %dma_wait3A_291 : memref<1x512x32xf32, #tpu.memory_space<hbm>> -> memref<512x32xf32, #tpu.memory_space<hbm>>
        %dma_wait3A_293 = arith.constant 0 : i32
        %dma_wait3A_294 = arith.constant 0 : i32
        %dma_wait3A_295 = tpu.memref_slice %arg6[%dma_wait3A_282, %dma_wait3A_293, %dma_wait3A_294] : memref<2x512x32xf32, #tpu.memory_space<vmem>> -> memref<1x512x32xf32, #tpu.memory_space<vmem>>
        %dma_wait3A_296 = tpu.memref_squeeze %dma_wait3A_295 : memref<1x512x32xf32, #tpu.memory_space<vmem>> -> memref<512x32xf32, #tpu.memory_space<vmem>>
        tpu.wait_dma2 semaphore(%arg9 : memref<!tpu.dma_semaphore, #tpu.memory_space<semaphore_mem>>) src(%dma_wait3A_296 : memref<512x32xf32, #tpu.memory_space<vmem>>) dst(%dma_wait3A_292 : memref<512x32xf32, #tpu.memory_space<hbm>>)
        %add3A_297 = arith.constant 2 : i32
        %add3A_298 = arith.addi %add3A_142, %add3A_297 : i32
        %mul3A_299 = arith.constant 16384 : i32
        %mul3A_300 = arith.muli %add3A_298, %mul3A_299 : i32
        %add3A_301 = arith.addi %mul3A_300, %mul3A_2 : i32
        %run_scoped3A_302 = arith.constant 0 : i32
        "tpu.region"() ({
          %run_scoped3A_351 = tpu.sem_alloc : memref<!tpu.dma_semaphore, #tpu.memory_space<semaphore_mem>>
          %dma_start3A_352 = arith.constant 0 : i32
          %dma_start3A_353 = tpu.memref_slice %arg5[%run_scoped3A_302, %dma_start3A_352] : memref<2x512xi32, #tpu.memory_space<vmem>> -> memref<1x512xi32, #tpu.memory_space<vmem>>
          %dma_start3A_354 = tpu.memref_squeeze %dma_start3A_353 : memref<1x512xi32, #tpu.memory_space<vmem>> -> memref<512xi32, #tpu.memory_space<vmem>>
          %dma_start3A_355 = tpu.memref_slice %arg2[%add3A_301] : memref<819200xi32, #tpu.memory_space<hbm>> -> memref<512xi32, #tpu.memory_space<hbm>>
          %dma_start3A_356 = arith.constant 0 : i32
          %dma_start3A_357 = tpu.memref_slice %arg5[%run_scoped3A_302, %dma_start3A_356] : memref<2x512xi32, #tpu.memory_space<vmem>> -> memref<1x512xi32, #tpu.memory_space<vmem>>
          %dma_start3A_358 = tpu.memref_squeeze %dma_start3A_357 : memref<1x512xi32, #tpu.memory_space<vmem>> -> memref<512xi32, #tpu.memory_space<vmem>>
          %dma_start3A_359 = tpu.memref_slice %arg2[%add3A_301] : memref<819200xi32, #tpu.memory_space<hbm>> -> memref<512xi32, #tpu.memory_space<hbm>>
          tpu.enqueue_dma source(%dma_start3A_359 : memref<512xi32, #tpu.memory_space<hbm>>) target(%dma_start3A_358 : memref<512xi32, #tpu.memory_space<vmem>>) target_semaphore(%run_scoped3A_351 : memref<!tpu.dma_semaphore, #tpu.memory_space<semaphore_mem>>)
          %dma_wait3A_360 = arith.constant 0 : i32
          %dma_wait3A_361 = tpu.memref_slice %arg5[%run_scoped3A_302, %dma_wait3A_360] : memref<2x512xi32, #tpu.memory_space<vmem>> -> memref<1x512xi32, #tpu.memory_space<vmem>>
          %dma_wait3A_362 = tpu.memref_squeeze %dma_wait3A_361 : memref<1x512xi32, #tpu.memory_space<vmem>> -> memref<512xi32, #tpu.memory_space<vmem>>
          %dma_wait3A_363 = tpu.memref_slice %arg2[%add3A_301] : memref<819200xi32, #tpu.memory_space<hbm>> -> memref<512xi32, #tpu.memory_space<hbm>>
          %dma_wait3A_364 = arith.constant 0 : i32
          %dma_wait3A_365 = tpu.memref_slice %arg5[%run_scoped3A_302, %dma_wait3A_364] : memref<2x512xi32, #tpu.memory_space<vmem>> -> memref<1x512xi32, #tpu.memory_space<vmem>>
          %dma_wait3A_366 = tpu.memref_squeeze %dma_wait3A_365 : memref<1x512xi32, #tpu.memory_space<vmem>> -> memref<512xi32, #tpu.memory_space<vmem>>
          %dma_wait3A_367 = tpu.memref_slice %arg2[%add3A_301] : memref<819200xi32, #tpu.memory_space<hbm>> -> memref<512xi32, #tpu.memory_space<hbm>>
          tpu.wait_dma2 semaphore(%run_scoped3A_351 : memref<!tpu.dma_semaphore, #tpu.memory_space<semaphore_mem>>) src(%dma_wait3A_367 : memref<512xi32, #tpu.memory_space<hbm>>) dst(%dma_wait3A_366 : memref<512xi32, #tpu.memory_space<vmem>>)
          tpu.yield
        }) : () -> ()
        %dma_start3A_303 = arith.constant 0 : i32
        %dma_start3A_304 = arith.constant 0 : i32
        %dma_start3A_305 = arith.constant 0 : i32
        %dma_start3A_306 = arith.constant 0 : i32
        %dma_start3A_307 = tpu.memref_slice %arg6[%dma_start3A_304, %dma_start3A_305, %dma_start3A_306] : memref<2x512x32xf32, #tpu.memory_space<vmem>> -> memref<1x128x32xf32, #tpu.memory_space<vmem>>
        %dma_start3A_308 = tpu.memref_squeeze %dma_start3A_307 : memref<1x128x32xf32, #tpu.memory_space<vmem>> -> memref<128x32xf32, #tpu.memory_space<vmem>>
        %dma_start3A_309 = arith.constant 0 : i32
        %dma_start3A_310 = tpu.memref_slice %arg5[%dma_start3A_303, %dma_start3A_309] : memref<2x512xi32, #tpu.memory_space<vmem>> -> memref<1x128xi32, #tpu.memory_space<vmem>>
        %dma_start3A_311 = tpu.memref_squeeze %dma_start3A_310 : memref<1x128xi32, #tpu.memory_space<vmem>> -> memref<128xi32, #tpu.memory_space<vmem>>
        %dma_start3A_312 = arith.constant 0 : i32
        %dma_start3A_313 = arith.constant 0 : i32
        %dma_start3A_314 = tpu.memref_slice %arg3[%dma_start3A_312, %dma_start3A_313] : memref<1000000x32xf32, #tpu.memory_space<hbm>> -> memref<1000000x32xf32, #tpu.memory_space<hbm>>
        tpu.enqueue_indirect_dma source(%dma_start3A_314 : memref<1000000x32xf32, #tpu.memory_space<hbm>>) target(%dma_start3A_308 : memref<128x32xf32, #tpu.memory_space<vmem>>) offsets(%dma_start3A_311 : memref<128xi32, #tpu.memory_space<vmem>>) semaphore(%arg7 : memref<!tpu.dma_semaphore, #tpu.memory_space<semaphore_mem>>)
        %dma_start3A_315 = arith.constant 0 : i32
        %dma_start3A_316 = arith.constant 0 : i32
        %dma_start3A_317 = arith.constant 128 : i32
        %dma_start3A_318 = arith.constant 0 : i32
        %dma_start3A_319 = tpu.memref_slice %arg6[%dma_start3A_316, %dma_start3A_317, %dma_start3A_318] : memref<2x512x32xf32, #tpu.memory_space<vmem>> -> memref<1x128x32xf32, #tpu.memory_space<vmem>>
        %dma_start3A_320 = tpu.memref_squeeze %dma_start3A_319 : memref<1x128x32xf32, #tpu.memory_space<vmem>> -> memref<128x32xf32, #tpu.memory_space<vmem>>
        %dma_start3A_321 = arith.constant 128 : i32
        %dma_start3A_322 = tpu.memref_slice %arg5[%dma_start3A_315, %dma_start3A_321] : memref<2x512xi32, #tpu.memory_space<vmem>> -> memref<1x128xi32, #tpu.memory_space<vmem>>
        %dma_start3A_323 = tpu.memref_squeeze %dma_start3A_322 : memref<1x128xi32, #tpu.memory_space<vmem>> -> memref<128xi32, #tpu.memory_space<vmem>>
        %dma_start3A_324 = arith.constant 0 : i32
        %dma_start3A_325 = arith.constant 0 : i32
        %dma_start3A_326 = tpu.memref_slice %arg3[%dma_start3A_324, %dma_start3A_325] : memref<1000000x32xf32, #tpu.memory_space<hbm>> -> memref<1000000x32xf32, #tpu.memory_space<hbm>>
        tpu.enqueue_indirect_dma source(%dma_start3A_326 : memref<1000000x32xf32, #tpu.memory_space<hbm>>) target(%dma_start3A_320 : memref<128x32xf32, #tpu.memory_space<vmem>>) offsets(%dma_start3A_323 : memref<128xi32, #tpu.memory_space<vmem>>) semaphore(%arg7 : memref<!tpu.dma_semaphore, #tpu.memory_space<semaphore_mem>>)
        %dma_start3A_327 = arith.constant 0 : i32
        %dma_start3A_328 = arith.constant 0 : i32
        %dma_start3A_329 = arith.constant 256 : i32
        %dma_start3A_330 = arith.constant 0 : i32
        %dma_start3A_331 = tpu.memref_slice %arg6[%dma_start3A_328, %dma_start3A_329, %dma_start3A_330] : memref<2x512x32xf32, #tpu.memory_space<vmem>> -> memref<1x128x32xf32, #tpu.memory_space<vmem>>
        %dma_start3A_332 = tpu.memref_squeeze %dma_start3A_331 : memref<1x128x32xf32, #tpu.memory_space<vmem>> -> memref<128x32xf32, #tpu.memory_space<vmem>>
        %dma_start3A_333 = arith.constant 256 : i32
        %dma_start3A_334 = tpu.memref_slice %arg5[%dma_start3A_327, %dma_start3A_333] : memref<2x512xi32, #tpu.memory_space<vmem>> -> memref<1x128xi32, #tpu.memory_space<vmem>>
        %dma_start3A_335 = tpu.memref_squeeze %dma_start3A_334 : memref<1x128xi32, #tpu.memory_space<vmem>> -> memref<128xi32, #tpu.memory_space<vmem>>
        %dma_start3A_336 = arith.constant 0 : i32
        %dma_start3A_337 = arith.constant 0 : i32
        %dma_start3A_338 = tpu.memref_slice %arg3[%dma_start3A_336, %dma_start3A_337] : memref<1000000x32xf32, #tpu.memory_space<hbm>> -> memref<1000000x32xf32, #tpu.memory_space<hbm>>
        tpu.enqueue_indirect_dma source(%dma_start3A_338 : memref<1000000x32xf32, #tpu.memory_space<hbm>>) target(%dma_start3A_332 : memref<128x32xf32, #tpu.memory_space<vmem>>) offsets(%dma_start3A_335 : memref<128xi32, #tpu.memory_space<vmem>>) semaphore(%arg7 : memref<!tpu.dma_semaphore, #tpu.memory_space<semaphore_mem>>)
        %dma_start3A_339 = arith.constant 0 : i32
        %dma_start3A_340 = arith.constant 0 : i32
        %dma_start3A_341 = arith.constant 384 : i32
        %dma_start3A_342 = arith.constant 0 : i32
        %dma_start3A_343 = tpu.memref_slice %arg6[%dma_start3A_340, %dma_start3A_341, %dma_start3A_342] : memref<2x512x32xf32, #tpu.memory_space<vmem>> -> memref<1x128x32xf32, #tpu.memory_space<vmem>>
        %dma_start3A_344 = tpu.memref_squeeze %dma_start3A_343 : memref<1x128x32xf32, #tpu.memory_space<vmem>> -> memref<128x32xf32, #tpu.memory_space<vmem>>
        %dma_start3A_345 = arith.constant 384 : i32
        %dma_start3A_346 = tpu.memref_slice %arg5[%dma_start3A_339, %dma_start3A_345] : memref<2x512xi32, #tpu.memory_space<vmem>> -> memref<1x128xi32, #tpu.memory_space<vmem>>
        %dma_start3A_347 = tpu.memref_squeeze %dma_start3A_346 : memref<1x128xi32, #tpu.memory_space<vmem>> -> memref<128xi32, #tpu.memory_space<vmem>>
        %dma_start3A_348 = arith.constant 0 : i32
        %dma_start3A_349 = arith.constant 0 : i32
        %dma_start3A_350 = tpu.memref_slice %arg3[%dma_start3A_348, %dma_start3A_349] : memref<1000000x32xf32, #tpu.memory_space<hbm>> -> memref<1000000x32xf32, #tpu.memory_space<hbm>>
        tpu.enqueue_indirect_dma source(%dma_start3A_350 : memref<1000000x32xf32, #tpu.memory_space<hbm>>) target(%dma_start3A_344 : memref<128x32xf32, #tpu.memory_space<vmem>>) offsets(%dma_start3A_347 : memref<128xi32, #tpu.memory_space<vmem>>) semaphore(%arg7 : memref<!tpu.dma_semaphore, #tpu.memory_space<semaphore_mem>>)
      } else {
      }
      %dma_wait3A_210 = arith.constant 1 : i32
      %dma_wait3A_211 = arith.constant 1 : i32
      %dma_wait3A_212 = arith.constant 0 : i32
      %dma_wait3A_213 = arith.constant 0 : i32
      %dma_wait3A_214 = tpu.memref_slice %arg6[%dma_wait3A_211, %dma_wait3A_212, %dma_wait3A_213] : memref<2x512x32xf32, #tpu.memory_space<vmem>> -> memref<1x128x32xf32, #tpu.memory_space<vmem>>
      %dma_wait3A_215 = tpu.memref_squeeze %dma_wait3A_214 : memref<1x128x32xf32, #tpu.memory_space<vmem>> -> memref<128x32xf32, #tpu.memory_space<vmem>>
      %dma_wait3A_216 = arith.constant 0 : i32
      %dma_wait3A_217 = tpu.memref_slice %arg5[%dma_wait3A_210, %dma_wait3A_216] : memref<2x512xi32, #tpu.memory_space<vmem>> -> memref<1x128xi32, #tpu.memory_space<vmem>>
      %dma_wait3A_218 = tpu.memref_squeeze %dma_wait3A_217 : memref<1x128xi32, #tpu.memory_space<vmem>> -> memref<128xi32, #tpu.memory_space<vmem>>
      %dma_wait3A_219 = arith.constant 0 : i32
      %dma_wait3A_220 = arith.constant 0 : i32
      %dma_wait3A_221 = tpu.memref_slice %arg3[%dma_wait3A_219, %dma_wait3A_220] : memref<1000000x32xf32, #tpu.memory_space<hbm>> -> memref<1000000x32xf32, #tpu.memory_space<hbm>>
      tpu.wait_indirect_dma semaphore(%arg8 : memref<!tpu.dma_semaphore, #tpu.memory_space<semaphore_mem>>) src(%dma_wait3A_221 : memref<1000000x32xf32, #tpu.memory_space<hbm>>) dst(%dma_wait3A_215 : memref<128x32xf32, #tpu.memory_space<vmem>>)
      %dma_wait3A_222 = arith.constant 1 : i32
      %dma_wait3A_223 = arith.constant 1 : i32
      %dma_wait3A_224 = arith.constant 128 : i32
      %dma_wait3A_225 = arith.constant 0 : i32
      %dma_wait3A_226 = tpu.memref_slice %arg6[%dma_wait3A_223, %dma_wait3A_224, %dma_wait3A_225] : memref<2x512x32xf32, #tpu.memory_space<vmem>> -> memref<1x128x32xf32, #tpu.memory_space<vmem>>
      %dma_wait3A_227 = tpu.memref_squeeze %dma_wait3A_226 : memref<1x128x32xf32, #tpu.memory_space<vmem>> -> memref<128x32xf32, #tpu.memory_space<vmem>>
      %dma_wait3A_228 = arith.constant 128 : i32
      %dma_wait3A_229 = tpu.memref_slice %arg5[%dma_wait3A_222, %dma_wait3A_228] : memref<2x512xi32, #tpu.memory_space<vmem>> -> memref<1x128xi32, #tpu.memory_space<vmem>>
      %dma_wait3A_230 = tpu.memref_squeeze %dma_wait3A_229 : memref<1x128xi32, #tpu.memory_space<vmem>> -> memref<128xi32, #tpu.memory_space<vmem>>
      %dma_wait3A_231 = arith.constant 0 : i32
      %dma_wait3A_232 = arith.constant 0 : i32
      %dma_wait3A_233 = tpu.memref_slice %arg3[%dma_wait3A_231, %dma_wait3A_232] : memref<1000000x32xf32, #tpu.memory_space<hbm>> -> memref<1000000x32xf32, #tpu.memory_space<hbm>>
      tpu.wait_indirect_dma semaphore(%arg8 : memref<!tpu.dma_semaphore, #tpu.memory_space<semaphore_mem>>) src(%dma_wait3A_233 : memref<1000000x32xf32, #tpu.memory_space<hbm>>) dst(%dma_wait3A_227 : memref<128x32xf32, #tpu.memory_space<vmem>>)
      %dma_wait3A_234 = arith.constant 1 : i32
      %dma_wait3A_235 = arith.constant 1 : i32
      %dma_wait3A_236 = arith.constant 256 : i32
      %dma_wait3A_237 = arith.constant 0 : i32
      %dma_wait3A_238 = tpu.memref_slice %arg6[%dma_wait3A_235, %dma_wait3A_236, %dma_wait3A_237] : memref<2x512x32xf32, #tpu.memory_space<vmem>> -> memref<1x128x32xf32, #tpu.memory_space<vmem>>
      %dma_wait3A_239 = tpu.memref_squeeze %dma_wait3A_238 : memref<1x128x32xf32, #tpu.memory_space<vmem>> -> memref<128x32xf32, #tpu.memory_space<vmem>>
      %dma_wait3A_240 = arith.constant 256 : i32
      %dma_wait3A_241 = tpu.memref_slice %arg5[%dma_wait3A_234, %dma_wait3A_240] : memref<2x512xi32, #tpu.memory_space<vmem>> -> memref<1x128xi32, #tpu.memory_space<vmem>>
      %dma_wait3A_242 = tpu.memref_squeeze %dma_wait3A_241 : memref<1x128xi32, #tpu.memory_space<vmem>> -> memref<128xi32, #tpu.memory_space<vmem>>
      %dma_wait3A_243 = arith.constant 0 : i32
      %dma_wait3A_244 = arith.constant 0 : i32
      %dma_wait3A_245 = tpu.memref_slice %arg3[%dma_wait3A_243, %dma_wait3A_244] : memref<1000000x32xf32, #tpu.memory_space<hbm>> -> memref<1000000x32xf32, #tpu.memory_space<hbm>>
      tpu.wait_indirect_dma semaphore(%arg8 : memref<!tpu.dma_semaphore, #tpu.memory_space<semaphore_mem>>) src(%dma_wait3A_245 : memref<1000000x32xf32, #tpu.memory_space<hbm>>) dst(%dma_wait3A_239 : memref<128x32xf32, #tpu.memory_space<vmem>>)
      %dma_wait3A_246 = arith.constant 1 : i32
      %dma_wait3A_247 = arith.constant 1 : i32
      %dma_wait3A_248 = arith.constant 384 : i32
      %dma_wait3A_249 = arith.constant 0 : i32
      %dma_wait3A_250 = tpu.memref_slice %arg6[%dma_wait3A_247, %dma_wait3A_248, %dma_wait3A_249] : memref<2x512x32xf32, #tpu.memory_space<vmem>> -> memref<1x128x32xf32, #tpu.memory_space<vmem>>
      %dma_wait3A_251 = tpu.memref_squeeze %dma_wait3A_250 : memref<1x128x32xf32, #tpu.memory_space<vmem>> -> memref<128x32xf32, #tpu.memory_space<vmem>>
      %dma_wait3A_252 = arith.constant 384 : i32
      %dma_wait3A_253 = tpu.memref_slice %arg5[%dma_wait3A_246, %dma_wait3A_252] : memref<2x512xi32, #tpu.memory_space<vmem>> -> memref<1x128xi32, #tpu.memory_space<vmem>>
      %dma_wait3A_254 = tpu.memref_squeeze %dma_wait3A_253 : memref<1x128xi32, #tpu.memory_space<vmem>> -> memref<128xi32, #tpu.memory_space<vmem>>
      %dma_wait3A_255 = arith.constant 0 : i32
      %dma_wait3A_256 = arith.constant 0 : i32
      %dma_wait3A_257 = tpu.memref_slice %arg3[%dma_wait3A_255, %dma_wait3A_256] : memref<1000000x32xf32, #tpu.memory_space<hbm>> -> memref<1000000x32xf32, #tpu.memory_space<hbm>>
      tpu.wait_indirect_dma semaphore(%arg8 : memref<!tpu.dma_semaphore, #tpu.memory_space<semaphore_mem>>) src(%dma_wait3A_257 : memref<1000000x32xf32, #tpu.memory_space<hbm>>) dst(%dma_wait3A_251 : memref<128x32xf32, #tpu.memory_space<vmem>>)
      %add3A_258 = arith.constant 1 : i32
      %add3A_259 = arith.addi %add3A_142, %add3A_258 : i32
      %dma_start3A_260 = arith.constant 1 : i32
      %dma_start3A_261 = arith.constant 0 : i32
      %dma_start3A_262 = arith.constant 0 : i32
      %dma_start3A_263 = tpu.memref_slice %arg6[%dma_start3A_260, %dma_start3A_261, %dma_start3A_262] : memref<2x512x32xf32, #tpu.memory_space<vmem>> -> memref<1x512x32xf32, #tpu.memory_space<vmem>>
      %dma_start3A_264 = tpu.memref_squeeze %dma_start3A_263 : memref<1x512x32xf32, #tpu.memory_space<vmem>> -> memref<512x32xf32, #tpu.memory_space<vmem>>
      %dma_start3A_265 = arith.constant 0 : i32
      %dma_start3A_266 = tpu.memref_slice %arg4[%add3A_259, %mul3A_2, %dma_start3A_265] : memref<50x16384x32xf32, #tpu.memory_space<hbm>> -> memref<1x512x32xf32, #tpu.memory_space<hbm>>
      %dma_start3A_267 = tpu.memref_squeeze %dma_start3A_266 : memref<1x512x32xf32, #tpu.memory_space<hbm>> -> memref<512x32xf32, #tpu.memory_space<hbm>>
      %dma_start3A_268 = arith.constant 0 : i32
      %dma_start3A_269 = tpu.memref_slice %arg4[%add3A_259, %mul3A_2, %dma_start3A_268] : memref<50x16384x32xf32, #tpu.memory_space<hbm>> -> memref<1x512x32xf32, #tpu.memory_space<hbm>>
      %dma_start3A_270 = tpu.memref_squeeze %dma_start3A_269 : memref<1x512x32xf32, #tpu.memory_space<hbm>> -> memref<512x32xf32, #tpu.memory_space<hbm>>
      %dma_start3A_271 = arith.constant 0 : i32
      %dma_start3A_272 = arith.constant 0 : i32
      %dma_start3A_273 = tpu.memref_slice %arg6[%dma_start3A_260, %dma_start3A_271, %dma_start3A_272] : memref<2x512x32xf32, #tpu.memory_space<vmem>> -> memref<1x512x32xf32, #tpu.memory_space<vmem>>
      %dma_start3A_274 = tpu.memref_squeeze %dma_start3A_273 : memref<1x512x32xf32, #tpu.memory_space<vmem>> -> memref<512x32xf32, #tpu.memory_space<vmem>>
      tpu.enqueue_dma source(%dma_start3A_274 : memref<512x32xf32, #tpu.memory_space<vmem>>) target(%dma_start3A_270 : memref<512x32xf32, #tpu.memory_space<hbm>>) target_semaphore(%arg10 : memref<!tpu.dma_semaphore, #tpu.memory_space<semaphore_mem>>)
      %add3A_275 = arith.constant 3 : i32
      %add3A_276 = arith.addi %add3A_142, %add3A_275 : i32
      %lt3A_277 = arith.constant 50 : i32
      %lt3A_278 = arith.cmpi slt, %add3A_276, %lt3A_277 : i32
      %convert_element_type3A_279 = arith.extui %lt3A_278 : i1 to i32
      %cond3A_280 = arith.constant 0 : i32
      %cond3A_281 = arith.cmpi ne, %convert_element_type3A_279, %cond3A_280 : i32
      scf.if %cond3A_281 {
        %add3A_282 = arith.constant 1 : i32
        %add3A_283 = arith.addi %add3A_142, %add3A_282 : i32
        %dma_wait3A_284 = arith.constant 1 : i32
        %dma_wait3A_285 = arith.constant 0 : i32
        %dma_wait3A_286 = arith.constant 0 : i32
        %dma_wait3A_287 = tpu.memref_slice %arg6[%dma_wait3A_284, %dma_wait3A_285, %dma_wait3A_286] : memref<2x512x32xf32, #tpu.memory_space<vmem>> -> memref<1x512x32xf32, #tpu.memory_space<vmem>>
        %dma_wait3A_288 = tpu.memref_squeeze %dma_wait3A_287 : memref<1x512x32xf32, #tpu.memory_space<vmem>> -> memref<512x32xf32, #tpu.memory_space<vmem>>
        %dma_wait3A_289 = arith.constant 0 : i32
        %dma_wait3A_290 = tpu.memref_slice %arg4[%add3A_283, %mul3A_2, %dma_wait3A_289] : memref<50x16384x32xf32, #tpu.memory_space<hbm>> -> memref<1x512x32xf32, #tpu.memory_space<hbm>>
        %dma_wait3A_291 = tpu.memref_squeeze %dma_wait3A_290 : memref<1x512x32xf32, #tpu.memory_space<hbm>> -> memref<512x32xf32, #tpu.memory_space<hbm>>
        %dma_wait3A_292 = arith.constant 0 : i32
        %dma_wait3A_293 = tpu.memref_slice %arg4[%add3A_283, %mul3A_2, %dma_wait3A_292] : memref<50x16384x32xf32, #tpu.memory_space<hbm>> -> memref<1x512x32xf32, #tpu.memory_space<hbm>>
        %dma_wait3A_294 = tpu.memref_squeeze %dma_wait3A_293 : memref<1x512x32xf32, #tpu.memory_space<hbm>> -> memref<512x32xf32, #tpu.memory_space<hbm>>
        %dma_wait3A_295 = arith.constant 0 : i32
        %dma_wait3A_296 = arith.constant 0 : i32
        %dma_wait3A_297 = tpu.memref_slice %arg6[%dma_wait3A_284, %dma_wait3A_295, %dma_wait3A_296] : memref<2x512x32xf32, #tpu.memory_space<vmem>> -> memref<1x512x32xf32, #tpu.memory_space<vmem>>
        %dma_wait3A_298 = tpu.memref_squeeze %dma_wait3A_297 : memref<1x512x32xf32, #tpu.memory_space<vmem>> -> memref<512x32xf32, #tpu.memory_space<vmem>>
        tpu.wait_dma2 semaphore(%arg10 : memref<!tpu.dma_semaphore, #tpu.memory_space<semaphore_mem>>) src(%dma_wait3A_298 : memref<512x32xf32, #tpu.memory_space<vmem>>) dst(%dma_wait3A_294 : memref<512x32xf32, #tpu.memory_space<hbm>>)
        %add3A_299 = arith.constant 3 : i32
        %add3A_300 = arith.addi %add3A_142, %add3A_299 : i32
        %mul3A_301 = arith.constant 16384 : i32
        %mul3A_302 = arith.muli %add3A_300, %mul3A_301 : i32
        %add3A_303 = arith.addi %mul3A_302, %mul3A_2 : i32
        %run_scoped3A_304 = arith.constant 1 : i32
        "tpu.region"() ({
          %run_scoped3A_353 = tpu.sem_alloc : memref<!tpu.dma_semaphore, #tpu.memory_space<semaphore_mem>>
          %dma_start3A_354 = arith.constant 0 : i32
          %dma_start3A_355 = tpu.memref_slice %arg5[%run_scoped3A_304, %dma_start3A_354] : memref<2x512xi32, #tpu.memory_space<vmem>> -> memref<1x512xi32, #tpu.memory_space<vmem>>
          %dma_start3A_356 = tpu.memref_squeeze %dma_start3A_355 : memref<1x512xi32, #tpu.memory_space<vmem>> -> memref<512xi32, #tpu.memory_space<vmem>>
          %dma_start3A_357 = tpu.memref_slice %arg2[%add3A_303] : memref<819200xi32, #tpu.memory_space<hbm>> -> memref<512xi32, #tpu.memory_space<hbm>>
          %dma_start3A_358 = arith.constant 0 : i32
          %dma_start3A_359 = tpu.memref_slice %arg5[%run_scoped3A_304, %dma_start3A_358] : memref<2x512xi32, #tpu.memory_space<vmem>> -> memref<1x512xi32, #tpu.memory_space<vmem>>
          %dma_start3A_360 = tpu.memref_squeeze %dma_start3A_359 : memref<1x512xi32, #tpu.memory_space<vmem>> -> memref<512xi32, #tpu.memory_space<vmem>>
          %dma_start3A_361 = tpu.memref_slice %arg2[%add3A_303] : memref<819200xi32, #tpu.memory_space<hbm>> -> memref<512xi32, #tpu.memory_space<hbm>>
          tpu.enqueue_dma source(%dma_start3A_361 : memref<512xi32, #tpu.memory_space<hbm>>) target(%dma_start3A_360 : memref<512xi32, #tpu.memory_space<vmem>>) target_semaphore(%run_scoped3A_353 : memref<!tpu.dma_semaphore, #tpu.memory_space<semaphore_mem>>)
          %dma_wait3A_362 = arith.constant 0 : i32
          %dma_wait3A_363 = tpu.memref_slice %arg5[%run_scoped3A_304, %dma_wait3A_362] : memref<2x512xi32, #tpu.memory_space<vmem>> -> memref<1x512xi32, #tpu.memory_space<vmem>>
          %dma_wait3A_364 = tpu.memref_squeeze %dma_wait3A_363 : memref<1x512xi32, #tpu.memory_space<vmem>> -> memref<512xi32, #tpu.memory_space<vmem>>
          %dma_wait3A_365 = tpu.memref_slice %arg2[%add3A_303] : memref<819200xi32, #tpu.memory_space<hbm>> -> memref<512xi32, #tpu.memory_space<hbm>>
          %dma_wait3A_366 = arith.constant 0 : i32
          %dma_wait3A_367 = tpu.memref_slice %arg5[%run_scoped3A_304, %dma_wait3A_366] : memref<2x512xi32, #tpu.memory_space<vmem>> -> memref<1x512xi32, #tpu.memory_space<vmem>>
          %dma_wait3A_368 = tpu.memref_squeeze %dma_wait3A_367 : memref<1x512xi32, #tpu.memory_space<vmem>> -> memref<512xi32, #tpu.memory_space<vmem>>
          %dma_wait3A_369 = tpu.memref_slice %arg2[%add3A_303] : memref<819200xi32, #tpu.memory_space<hbm>> -> memref<512xi32, #tpu.memory_space<hbm>>
          tpu.wait_dma2 semaphore(%run_scoped3A_353 : memref<!tpu.dma_semaphore, #tpu.memory_space<semaphore_mem>>) src(%dma_wait3A_369 : memref<512xi32, #tpu.memory_space<hbm>>) dst(%dma_wait3A_368 : memref<512xi32, #tpu.memory_space<vmem>>)
          tpu.yield
        }) : () -> ()
        %dma_start3A_305 = arith.constant 1 : i32
        %dma_start3A_306 = arith.constant 1 : i32
        %dma_start3A_307 = arith.constant 0 : i32
        %dma_start3A_308 = arith.constant 0 : i32
        %dma_start3A_309 = tpu.memref_slice %arg6[%dma_start3A_306, %dma_start3A_307, %dma_start3A_308] : memref<2x512x32xf32, #tpu.memory_space<vmem>> -> memref<1x128x32xf32, #tpu.memory_space<vmem>>
        %dma_start3A_310 = tpu.memref_squeeze %dma_start3A_309 : memref<1x128x32xf32, #tpu.memory_space<vmem>> -> memref<128x32xf32, #tpu.memory_space<vmem>>
        %dma_start3A_311 = arith.constant 0 : i32
        %dma_start3A_312 = tpu.memref_slice %arg5[%dma_start3A_305, %dma_start3A_311] : memref<2x512xi32, #tpu.memory_space<vmem>> -> memref<1x128xi32, #tpu.memory_space<vmem>>
        %dma_start3A_313 = tpu.memref_squeeze %dma_start3A_312 : memref<1x128xi32, #tpu.memory_space<vmem>> -> memref<128xi32, #tpu.memory_space<vmem>>
        %dma_start3A_314 = arith.constant 0 : i32
        %dma_start3A_315 = arith.constant 0 : i32
        %dma_start3A_316 = tpu.memref_slice %arg3[%dma_start3A_314, %dma_start3A_315] : memref<1000000x32xf32, #tpu.memory_space<hbm>> -> memref<1000000x32xf32, #tpu.memory_space<hbm>>
        tpu.enqueue_indirect_dma source(%dma_start3A_316 : memref<1000000x32xf32, #tpu.memory_space<hbm>>) target(%dma_start3A_310 : memref<128x32xf32, #tpu.memory_space<vmem>>) offsets(%dma_start3A_313 : memref<128xi32, #tpu.memory_space<vmem>>) semaphore(%arg8 : memref<!tpu.dma_semaphore, #tpu.memory_space<semaphore_mem>>)
        %dma_start3A_317 = arith.constant 1 : i32
        %dma_start3A_318 = arith.constant 1 : i32
        %dma_start3A_319 = arith.constant 128 : i32
        %dma_start3A_320 = arith.constant 0 : i32
        %dma_start3A_321 = tpu.memref_slice %arg6[%dma_start3A_318, %dma_start3A_319, %dma_start3A_320] : memref<2x512x32xf32, #tpu.memory_space<vmem>> -> memref<1x128x32xf32, #tpu.memory_space<vmem>>
        %dma_start3A_322 = tpu.memref_squeeze %dma_start3A_321 : memref<1x128x32xf32, #tpu.memory_space<vmem>> -> memref<128x32xf32, #tpu.memory_space<vmem>>
        %dma_start3A_323 = arith.constant 128 : i32
        %dma_start3A_324 = tpu.memref_slice %arg5[%dma_start3A_317, %dma_start3A_323] : memref<2x512xi32, #tpu.memory_space<vmem>> -> memref<1x128xi32, #tpu.memory_space<vmem>>
        %dma_start3A_325 = tpu.memref_squeeze %dma_start3A_324 : memref<1x128xi32, #tpu.memory_space<vmem>> -> memref<128xi32, #tpu.memory_space<vmem>>
        %dma_start3A_326 = arith.constant 0 : i32
        %dma_start3A_327 = arith.constant 0 : i32
        %dma_start3A_328 = tpu.memref_slice %arg3[%dma_start3A_326, %dma_start3A_327] : memref<1000000x32xf32, #tpu.memory_space<hbm>> -> memref<1000000x32xf32, #tpu.memory_space<hbm>>
        tpu.enqueue_indirect_dma source(%dma_start3A_328 : memref<1000000x32xf32, #tpu.memory_space<hbm>>) target(%dma_start3A_322 : memref<128x32xf32, #tpu.memory_space<vmem>>) offsets(%dma_start3A_325 : memref<128xi32, #tpu.memory_space<vmem>>) semaphore(%arg8 : memref<!tpu.dma_semaphore, #tpu.memory_space<semaphore_mem>>)
        %dma_start3A_329 = arith.constant 1 : i32
        %dma_start3A_330 = arith.constant 1 : i32
        %dma_start3A_331 = arith.constant 256 : i32
        %dma_start3A_332 = arith.constant 0 : i32
        %dma_start3A_333 = tpu.memref_slice %arg6[%dma_start3A_330, %dma_start3A_331, %dma_start3A_332] : memref<2x512x32xf32, #tpu.memory_space<vmem>> -> memref<1x128x32xf32, #tpu.memory_space<vmem>>
        %dma_start3A_334 = tpu.memref_squeeze %dma_start3A_333 : memref<1x128x32xf32, #tpu.memory_space<vmem>> -> memref<128x32xf32, #tpu.memory_space<vmem>>
        %dma_start3A_335 = arith.constant 256 : i32
        %dma_start3A_336 = tpu.memref_slice %arg5[%dma_start3A_329, %dma_start3A_335] : memref<2x512xi32, #tpu.memory_space<vmem>> -> memref<1x128xi32, #tpu.memory_space<vmem>>
        %dma_start3A_337 = tpu.memref_squeeze %dma_start3A_336 : memref<1x128xi32, #tpu.memory_space<vmem>> -> memref<128xi32, #tpu.memory_space<vmem>>
        %dma_start3A_338 = arith.constant 0 : i32
        %dma_start3A_339 = arith.constant 0 : i32
        %dma_start3A_340 = tpu.memref_slice %arg3[%dma_start3A_338, %dma_start3A_339] : memref<1000000x32xf32, #tpu.memory_space<hbm>> -> memref<1000000x32xf32, #tpu.memory_space<hbm>>
        tpu.enqueue_indirect_dma source(%dma_start3A_340 : memref<1000000x32xf32, #tpu.memory_space<hbm>>) target(%dma_start3A_334 : memref<128x32xf32, #tpu.memory_space<vmem>>) offsets(%dma_start3A_337 : memref<128xi32, #tpu.memory_space<vmem>>) semaphore(%arg8 : memref<!tpu.dma_semaphore, #tpu.memory_space<semaphore_mem>>)
        %dma_start3A_341 = arith.constant 1 : i32
        %dma_start3A_342 = arith.constant 1 : i32
        %dma_start3A_343 = arith.constant 384 : i32
        %dma_start3A_344 = arith.constant 0 : i32
        %dma_start3A_345 = tpu.memref_slice %arg6[%dma_start3A_342, %dma_start3A_343, %dma_start3A_344] : memref<2x512x32xf32, #tpu.memory_space<vmem>> -> memref<1x128x32xf32, #tpu.memory_space<vmem>>
        %dma_start3A_346 = tpu.memref_squeeze %dma_start3A_345 : memref<1x128x32xf32, #tpu.memory_space<vmem>> -> memref<128x32xf32, #tpu.memory_space<vmem>>
        %dma_start3A_347 = arith.constant 384 : i32
        %dma_start3A_348 = tpu.memref_slice %arg5[%dma_start3A_341, %dma_start3A_347] : memref<2x512xi32, #tpu.memory_space<vmem>> -> memref<1x128xi32, #tpu.memory_space<vmem>>
        %dma_start3A_349 = tpu.memref_squeeze %dma_start3A_348 : memref<1x128xi32, #tpu.memory_space<vmem>> -> memref<128xi32, #tpu.memory_space<vmem>>
        %dma_start3A_350 = arith.constant 0 : i32
        %dma_start3A_351 = arith.constant 0 : i32
        %dma_start3A_352 = tpu.memref_slice %arg3[%dma_start3A_350, %dma_start3A_351] : memref<1000000x32xf32, #tpu.memory_space<hbm>> -> memref<1000000x32xf32, #tpu.memory_space<hbm>>
        tpu.enqueue_indirect_dma source(%dma_start3A_352 : memref<1000000x32xf32, #tpu.memory_space<hbm>>) target(%dma_start3A_346 : memref<128x32xf32, #tpu.memory_space<vmem>>) offsets(%dma_start3A_349 : memref<128xi32, #tpu.memory_space<vmem>>) semaphore(%arg8 : memref<!tpu.dma_semaphore, #tpu.memory_space<semaphore_mem>>)
      } else {
      }
    }
    %scan3A_106 = arith.constant 25 : i32
    %dma_wait3A = arith.constant 0 : i32
    %dma_wait3A_107 = arith.constant 48 : i32
    %dma_wait3A_108 = arith.constant 0 : i32
    %dma_wait3A_109 = arith.constant 0 : i32
    %dma_wait3A_110 = tpu.memref_slice %arg6[%dma_wait3A, %dma_wait3A_108, %dma_wait3A_109] : memref<2x512x32xf32, #tpu.memory_space<vmem>> -> memref<1x512x32xf32, #tpu.memory_space<vmem>>
    %dma_wait3A_111 = tpu.memref_squeeze %dma_wait3A_110 : memref<1x512x32xf32, #tpu.memory_space<vmem>> -> memref<512x32xf32, #tpu.memory_space<vmem>>
    %dma_wait3A_112 = arith.constant 0 : i32
    %dma_wait3A_113 = tpu.memref_slice %arg4[%dma_wait3A_107, %mul3A_2, %dma_wait3A_112] : memref<50x16384x32xf32, #tpu.memory_space<hbm>> -> memref<1x512x32xf32, #tpu.memory_space<hbm>>
    %dma_wait3A_114 = tpu.memref_squeeze %dma_wait3A_113 : memref<1x512x32xf32, #tpu.memory_space<hbm>> -> memref<512x32xf32, #tpu.memory_space<hbm>>
    %dma_wait3A_115 = arith.constant 0 : i32
    %dma_wait3A_116 = tpu.memref_slice %arg4[%dma_wait3A_107, %mul3A_2, %dma_wait3A_115] : memref<50x16384x32xf32, #tpu.memory_space<hbm>> -> memref<1x512x32xf32, #tpu.memory_space<hbm>>
    %dma_wait3A_117 = tpu.memref_squeeze %dma_wait3A_116 : memref<1x512x32xf32, #tpu.memory_space<hbm>> -> memref<512x32xf32, #tpu.memory_space<hbm>>
    %dma_wait3A_118 = arith.constant 0 : i32
    %dma_wait3A_119 = arith.constant 0 : i32
    %dma_wait3A_120 = tpu.memref_slice %arg6[%dma_wait3A, %dma_wait3A_118, %dma_wait3A_119] : memref<2x512x32xf32, #tpu.memory_space<vmem>> -> memref<1x512x32xf32, #tpu.memory_space<vmem>>
    %dma_wait3A_121 = tpu.memref_squeeze %dma_wait3A_120 : memref<1x512x32xf32, #tpu.memory_space<vmem>> -> memref<512x32xf32, #tpu.memory_space<vmem>>
    tpu.wait_dma2 semaphore(%arg9 : memref<!tpu.dma_semaphore, #tpu.memory_space<semaphore_mem>>) src(%dma_wait3A_121 : memref<512x32xf32, #tpu.memory_space<vmem>>) dst(%dma_wait3A_117 : memref<512x32xf32, #tpu.memory_space<hbm>>)
    %dma_wait3A_122 = arith.constant 1 : i32
    %dma_wait3A_123 = arith.constant 49 : i32
    %dma_wait3A_124 = arith.constant 0 : i32
    %dma_wait3A_125 = arith.constant 0 : i32
    %dma_wait3A_126 = tpu.memref_slice %arg6[%dma_wait3A_122, %dma_wait3A_124, %dma_wait3A_125] : memref<2x512x32xf32, #tpu.memory_space<vmem>> -> memref<1x512x32xf32, #tpu.memory_space<vmem>>
    %dma_wait3A_127 = tpu.memref_squeeze %dma_wait3A_126 : memref<1x512x32xf32, #tpu.memory_space<vmem>> -> memref<512x32xf32, #tpu.memory_space<vmem>>
    %dma_wait3A_128 = arith.constant 0 : i32
    %dma_wait3A_129 = tpu.memref_slice %arg4[%dma_wait3A_123, %mul3A_2, %dma_wait3A_128] : memref<50x16384x32xf32, #tpu.memory_space<hbm>> -> memref<1x512x32xf32, #tpu.memory_space<hbm>>
    %dma_wait3A_130 = tpu.memref_squeeze %dma_wait3A_129 : memref<1x512x32xf32, #tpu.memory_space<hbm>> -> memref<512x32xf32, #tpu.memory_space<hbm>>
    %dma_wait3A_131 = arith.constant 0 : i32
    %dma_wait3A_132 = tpu.memref_slice %arg4[%dma_wait3A_123, %mul3A_2, %dma_wait3A_131] : memref<50x16384x32xf32, #tpu.memory_space<hbm>> -> memref<1x512x32xf32, #tpu.memory_space<hbm>>
    %dma_wait3A_133 = tpu.memref_squeeze %dma_wait3A_132 : memref<1x512x32xf32, #tpu.memory_space<hbm>> -> memref<512x32xf32, #tpu.memory_space<hbm>>
    %dma_wait3A_134 = arith.constant 0 : i32
    %dma_wait3A_135 = arith.constant 0 : i32
    %dma_wait3A_136 = tpu.memref_slice %arg6[%dma_wait3A_122, %dma_wait3A_134, %dma_wait3A_135] : memref<2x512x32xf32, #tpu.memory_space<vmem>> -> memref<1x512x32xf32, #tpu.memory_space<vmem>>
    %dma_wait3A_137 = tpu.memref_squeeze %dma_wait3A_136 : memref<1x512x32xf32, #tpu.memory_space<vmem>> -> memref<512x32xf32, #tpu.memory_space<vmem>>
    tpu.wait_dma2 semaphore(%arg10 : memref<!tpu.dma_semaphore, #tpu.memory_space<semaphore_mem>>) src(%dma_wait3A_137 : memref<512x32xf32, #tpu.memory_space<vmem>>) dst(%dma_wait3A_133 : memref<512x32xf32, #tpu.memory_space<hbm>>)
    return
  }
}

</mosaic_0001>

<sc_bundles>
// kernel: _embedding_sc.4.cloned.1.call-start
scs
__scs_entry_jumppad:
0x0: {  	(pc) =	sbr.rel $0x88, $3  }
0x1: {  	(tag) =	ssettag $0x0;
	lr =	simm.s32 $0x1  }
0x2: {  	[smem:$0x3F9F] =	sst lr;
	_ =	strace $0xD0000000  }
0x3: {  	_ = 	snop  }
0x4: {  	_ = 	snop  }
0x5: {  	_ = 	snop  }
0x6: {  	_ = 	snop  }
0x7: {  	_ = 	snop  }
__scs_overlays_trampoline_lowered:
0x8: {  	[smem:$0x3FAE] =	sst s0  }
0x9: {  	[smem:$0x3FAF] =	sst s1  }
0xa: {  	[smem:$0x3FB0] =	sst s2  }
0xb: {  	[smem:$0x3FB1] =	sst s3  }
0xc: {  	[smem:$0x3FB2] =	sst s4  }
0xd: {  	[smem:$0x3FB3] =	sst s5  }
0xe: {  	[smem:$0x3FB4] =	sst s6  }
0xf: {  	[smem:$0x3FB5] =	sst s7  }
0x10: {  	[smem:$0x3FB6] =	sst s8  }
0x11: {  	[smem:$0x3FB7] =	sst s9;
	s0 =	simm.s32 @!p0 $0x0  }
0x12: {  	s1 =	sld [smem:$0x3F9D];
	s0 =	simm.s32 @p0 $0x1  }
0x13: {  	[smem:$0x3FB8] =	sst s0;
	s0 =	simm.s32 @!p1 $0x0  }
0x14: {  	s2 =	sld [smem:$0x3F9C];
	s0 =	simm.s32 @p1 $0x1  }
0x15: {  	[smem:$0x3FB9] =	sst s0;
	s0 =	simm.s32 @!p2 $0x0  }
0x16: {  	s3 =	sld [smem:$0x3FDB];
	s0 =	simm.s32 @p2 $0x1  }
0x17: {  	s4 =	simm.s32 $0x1BF5;
	[smem:$0x3FBB] =	sst s0  }
0x18: {  	s0 =	sld [smem:$0x3F9E];
	_ =	swait.ge [sflag:s4], $0x0  }
0x19: {  	s7 =	sld [smem:$0x3F9F]  }
0x1a: {  	s8 =	sadd.s32 $0xFFFFE003, lr  }
0x1b: {  	s9 =	sadd.s32 $0xFFFFFEF7, lr;
	s5 =	simm.s32 $0xFFFFFFFF;
	p2 =	slt.u32 s8, $0xFFFFF086  }
0x1c: {  	p1 =	slt.u32 s9, $0xF7A;
	s5 =	simm.s32 @!p2 $0x0  }
0x1d: {  	s5 =	simm.s32 @p1 $0x1;
	p0 =	seq.s32 s7, s2  }
0x1e: {  	s7 =	smul.u32 @!p0 $0xF7A, s2;
	p2 =	seq.s32 @!p0 s5, $0x0  }
0x1f: {  	s9 =	smul.u32 $0xF7A, s1;
	s8 =	simm.s32 @!p0 $0x1BF5;
	p2 =	por !p2, p0  }
0x20: {  	[sflag:s8] =	ssyncset.s32 @!p0 $0xFFFFF086;
	s6 =	sadd.s32 @!p0 s3, s7;
	s7 =	simm.s32 @!p0 $0x108  }
0x21: {  	s3 =	sadd.s32 s3, s9;
	s6 =	sadd.s32 @!p0 $0x88, s6;
	s7 =	simm.s32 @p2 $0x1082  }
0x22: {  	[simem:s7], [sflag:s8] =	dma.local @!p0 [hbm:s6], $0xF7A  }
0x23: {  	s9 =	sor.u32 $0xD0000000, s2;
	s6 =	simm.s32 $0x108;
	_ =	swait.ge @!p0 [sflag:s8], $0x0  }
0x24: {  	s3 =	sadd.s32 $0x88, s3;
	s6 =	simm.s32 @!p1 $0x1082;
	[sflag:s4] =	ssyncset.s32 $0xFFFFF086  }
0x25: {  	[simem:s6], [sflag:s4] =	dma.local [hbm:s3], $0xF7A  }
0x26: {  	[smem:$0x3F9F] =	sst s1;
	(tag) =	ssettag s2;
	_ =	strace s9  }
0x27: {  	s1 =	sld [smem:$0x3FAF]  }
0x28: {  	s2 =	sld [smem:$0x3FB0]  }
0x29: {  	s4 =	sld [smem:$0x3FB2]  }
0x2a: {  	p0 =	seq.s32 s5, $0x0;
	s5 =	sld [smem:$0x3FB3]  }
0x2b: {  	s6 =	sld [smem:$0x3FB4]  }
0x2c: {  	s7 =	sld [smem:$0x3FB5]  }
0x2d: {  	s3 =	simm.s32 $0x108;
	s8 =	sld [smem:$0x3FB6]  }
0x2e: {  	s3 =	simm.s32 @!p0 $0x1082;
	s9 =	sld [smem:$0x3FB7]  }
0x2f: {  	lr =	sadd.s32 s0, s3;
	s0 =	sld [smem:$0x3FAE]  }
0x30: {  	s3 =	sld [smem:$0x3FB1]  }
0x31: {  	[smem:$0x3FBA] =	sst s10  }
0x32: {  	s10 =	sld [smem:$0x3FB8];
	_ =	sdelay $0x3  }
0x33: {  	p0 =	seq.s32 s10, $0x1;
	s10 =	sld [smem:$0x3FBA];
	_ =	sdelay $0x3  }
0x34: {  	[smem:$0x3FBA] =	sst s10  }
0x35: {  	s10 =	sld [smem:$0x3FB9];
	_ =	sdelay $0x3  }
0x36: {  	p1 =	seq.s32 s10, $0x1;
	s10 =	sld [smem:$0x3FBA];
	_ =	sdelay $0x3  }
0x37: {  	[smem:$0x3FBA] =	sst s10  }
0x38: {  	s10 =	sld [smem:$0x3FBB]  }
0x39: {  	_ = 	snop;
	(pc) =	sbr.ind lr, $3  }
0x3a: {  	_ = 	snop  }
0x3b: {  	_ = 	snop  }
0x3c: {  	p2 =	seq.s32 s10, $0x1;
	s10 =	sld [smem:$0x3FBA]  }
0x3d: {  	_ =	shalt  }
0x3e: {  	_ =	shalt  }
0x3f: {  	_ =	shalt  }
0x40: {  	_ =	shalt  }
0x41: {  	_ =	shalt  }
0x42: {  	_ =	shalt  }
0x43: {  	_ =	shalt  }
0x44: {  	_ =	shalt  }
0x45: {  	_ =	shalt  }
0x46: {  	_ =	shalt  }
0x47: {  	_ =	shalt  }
0x48: {  	_ =	shalt  }
0x49: {  	_ =	shalt  }
0x4a: {  	_ =	shalt  }
0x4b: {  	_ =	shalt  }
0x4c: {  	_ =	shalt  }
0x4d: {  	_ =	shalt  }
0x4e: {  	_ =	shalt  }
0x4f: {  	_ =	shalt  }
0x50: {  	_ =	shalt  }
0x51: {  	_ =	shalt  }
0x52: {  	_ =	shalt  }
0x53: {  	_ =	shalt  }
0x54: {  	_ =	shalt  }
0x55: {  	_ =	shalt  }
0x56: {  	_ =	shalt  }
0x57: {  	_ =	shalt  }
0x58: {  	_ =	shalt  }
0x59: {  	_ =	shalt  }
0x5a: {  	_ =	shalt  }
0x5b: {  	_ =	shalt  }
0x5c: {  	_ =	shalt  }
0x5d: {  	_ =	shalt  }
0x5e: {  	_ =	shalt  }
0x5f: {  	_ =	shalt  }
0x60: {  	_ =	shalt  }
0x61: {  	_ =	shalt  }
0x62: {  	_ =	shalt  }
0x63: {  	_ =	shalt  }
0x64: {  	_ =	shalt  }
0x65: {  	_ =	shalt  }
0x66: {  	_ =	shalt  }
0x67: {  	_ =	shalt  }
0x68: {  	_ =	shalt  }
0x69: {  	_ =	shalt  }
0x6a: {  	_ =	shalt  }
0x6b: {  	_ =	shalt  }
0x6c: {  	_ =	shalt  }
0x6d: {  	_ =	shalt  }
0x6e: {  	_ =	shalt  }
0x6f: {  	_ =	shalt  }
0x70: {  	_ =	shalt  }
0x71: {  	_ =	shalt  }
0x72: {  	_ =	shalt  }
0x73: {  	_ =	shalt  }
0x74: {  	_ =	shalt  }
0x75: {  	_ =	shalt  }
0x76: {  	_ =	shalt  }
0x77: {  	_ =	shalt  }
0x78: {  	_ =	shalt  }
0x79: {  	_ =	shalt  }
0x7a: {  	_ =	shalt  }
0x7b: {  	_ =	shalt  }
0x7c: {  	_ =	shalt  }
0x7d: {  	_ =	shalt  }
0x7e: {  	_ =	shalt  }
0x7f: {  	_ =	shalt  }
0x80: {  	_ =	shalt  }
0x81: {  	_ =	shalt  }
0x82: {  	_ =	shalt  }
0x83: {  	_ =	shalt  }
0x84: {  	_ =	shalt  }
0x85: {  	_ =	shalt  }
0x86: {  	_ =	shalt  }
0x87: {  	_ =	shalt  }
.Lfunc_end0:
.L_simem_size_0:
called_computation.1_lowered:
.L_overlay_start_0:
0x88: {  	s2 =	sld [smem:$0x3FD9]  }
0x89: {  	s3 =	sld [smem:$0x3FFE];
	_ =	sdelay $0x1  }
0x8a: {  	s1 =	srdreg.scid  }
0x8b: {  	s0 =	sand.u32 $0x1, s1  }
0x8c: {  	s17 =	sshll.u32 s0, $0xA;
	s2 =	sadd.s32 s3, s2  }
0x8d: {  	s2 =	sadd.s32 s2, s17  }
0x8e: {  	[smem:$0x3FC6] =	sst s2  }
0x8f: {  	_ = 	snop  }
0x90: {  	s2 =	sld [smem:$0x3FC9];
	(tm) =	ssettm $0x1  }
0x91: {  	s18 =	sld [smem:$0x3FFB];
	_ =	sdelay $0x3  }
0x92: {  	_ =	strace s18  }
0x93: {  	s3 =	sld [smem:$0x3FFC];
	_ =	sdelay $0x3  }
0x94: {  	_ =	strace s3  }
0x95: {  	s3 =	sld [smem:$0x3FFD];
	_ =	sdelay $0x3  }
0x96: {  	_ =	strace s3  }
0x97: {  	_ =	strace $0x8FFFFFFF  }
0x98: {  	s19 =	sld [smem:$0x3FDB];
	_ =	sdelay $0x1  }
0x99: {  	s4 =	simm.s32 $_scs_section_size  }
0x9a: {  	s5 =	simm.s32 $_size__tile_overlayer_lowered;
	s6 =	simm.s32 $_tile_overlayer_lowered  }
0x9b: {  	s22 =	simm.s32 $0x1BFF;
	s21 =	sshll.u32 s6, $0x1;
	s3 =	sadd.s32 s4, s19  }
0x9c: {  	s7 =	simm.s32 $0x0;
	s20 =	sshll.u32 s5, $0x1;
	s5 =	sadd.s32 s21, s3  }
0x9d: {  	[timem:s7], [sflag:s22] =	dma.local [hbm:s5], s20  }
0x9e: {  	_ =	swait.ge [sflag:s22], s20  }
0x9f: {  	s4 =	ssub.s32 $0x0, s20;
	[sflag:s22] =	ssyncset.done $0x0  }
0xa0: {  	[sflag:s22] =	ssyncadd.s32 s4;
	_ =	sdelay $0x1  }
0xa1: {  	s23 =	simm.s32 $0x1B8B  }
0xa2: {  	_ =	swait.ge [sflag:s23], $0x1  }
0xa3: {  	[sflag:s23] =	ssyncset.done $0x0  }
0xa4: {  	s25 =	simm.s32 $0x1B8E;
	s24 =	sld [smem:$0x3FFE];
	[sflag:s23] =	ssyncadd.s32 $0xFFFFFFFF  }
0xa5: {  	s26 =	simm.s32 $execute0_lowered;
	[smem:$0x3FD2] =	sst s25  }
0xa6: {  	s5 =	sshll.u32 s26, $0x1;
	_ =	strace $0x80000046;
	[dreg:$0x1] =	wrdreg $0xFFFFFFFF  }
0xa7: {  	s28 =	simm.s32 $_size_execute0_lowered;
	s3 =	sadd.s32 s3, s5;
	[dreg:$0x0] =	wrdreg $0x0  }
0xa8: {  	s5 =	sshll.u32 s28, $0x1;
	[dreg:$0x2] =	wrdreg s3  }
0xa9: {  	[dreg:$0x3] =	wrdreg s5  }
0xaa: {  	[dreg:$0x4] =	wrdreg $0xC0  }
0xab: {  	_ =	task [dreg:s7], $0x5FFFF  }
0xac: {  	[dreg:$0x1] =	wrdreg $0xFFFFFFFF  }
0xad: {  	[dreg:$0x0] =	wrdreg $0x60  }
0xae: {  	[dreg:$0x2] =	wrdreg s2  }
0xaf: {  	[dreg:$0x3] =	wrdreg s24  }
0xb0: {  	[dreg:$0x4] =	wrdreg $0x9  }
0xb1: {  	_ =	task.clear_ibuf [dreg:s7], $0x5FFFF;
	_ =	strace $0x90000046  }
0xb2: {  	s29 =	simm.s32 $0x9;
	_ =	strace $0x80000048  }
0xb3: {  	_ =	swait.ge [sflag:s29], $0x1  }
0xb4: {  	[sflag:s29] =	ssyncadd.s32 $0xFFFFFFFF  }
0xb5: {  	_ =	strace $0x90000048  }
0xb6: {  	_ =	sfence  }
0xb7: {  	s30 =	sld [smem:$0x0];
	_ =	sdelay $0x2  }
0xb8: {  	s31 =	sshll.u32 s1, $0xD;
	s1 =	sshrl.u32 s1, $0x2  }
0xb9: {  	s3 =	sand.u32 $0x4000, s31;
	s1 =	sadd.s32 s1, s30  }
0xba: {  	s0 =	sor.u32 s3, s0;
	s1 =	sshll.u32 s1, $0x11  }
0xbb: {  	s0 =	sor.u32 s1, s0  }
0xbc: {  	s0 =	sadd.s32 $0x8F2B, s0  }
0xbd: {  	[sflag:s0] =	ssyncadd.remote.s32 $0x1  }
0xbe: {  	_ =	sfence.sel $0xFFFF  }
0xbf: {  	[dreg:$0x0] =	wrdreg $0xFFFFFFFF;
	(pc) =	sbr.abs _section_cstart, $3  }
0xc0: {  	[dreg:$0x1] =	wrdreg $0xFFFFFFFF  }
0xc1: {  	_ =	task.clear_ibuf [dreg:s7], $0x2FFFF;
	_ =	strace $0x9FFFFFFF  }
0xc2: {  	(tm) =	ssettm $0x7FFFFFFF  }
0xc3: {  	_ =	shalt  }
tec
execute0_lowered:
.L_overlay_start_1:
0x0: {  	(tag) =	ssettag $0x1  }
0x1: {  	s0 =	rddreg [dreg:$0x0]  }
0x2: {  	s1 =	rddreg [dreg:$0x1]  }
0x3: {  	s2 =	simm.s32 $0x0;
	s3 =	srdreg.scid;
	s5 =	stileid.u32  }
0x4: {  	[smem:$0x7FF] =	sst s2;
	s3 =	sand.u32 $0x1, s3;
	s5 =	sshll.u32 s5, $0xA  }
0x5: {  	s1 =	sadd.s32 $0xC00, s1;
	s4 =	ssub.s32 $0x2, s3;
	s3 =	sshll.u32 s3, $0x9  }
0x6: {  	_ =	strace $0x80000047;
	s6 =	sshrl.u32 s4, $0x1;
	s3 =	sor.u32 s3, s5  }
0x7: {  	s5 =	sadd.s32 s0, s3;
	s22 =	sshrl.u32 s3, $0x3;
	s23 =	sor.u32 $0x4000, s3  }
0x8: {  	s7 =	sor.u32 $0x8000, s3;
	[dreg:$0x3] =	wrdreg s5;
	s15 =	sadd.s32 s0, s23  }
0x9: {  	s8 =	sor.u32 $0xC000, s3;
	s20 =	sadd.s32 s0, s7;
	[dreg:$0x4] =	wrdreg s15  }
0xa: {  	s12 =	sadd.s32 s1, s22;
	s22 =	sadd.s32 s0, s8;
	[dreg:$0x5] =	wrdreg s20  }
0xb: {  	s25 =	sshrl.u32 s7, $0x3;
	s7 =	simm.s32 $0x1100;
	[dreg:$0x6] =	wrdreg s22  }
0xc: {  	s4 =	ssub.s32 s4, s6;
	s31 =	sor.u32 $0x10000, s3;
	[dreg:$0xa] =	wrdreg s7  }
0xd: {  	s9 =	sshrl.u32 s8, $0x3;
	s6 =	sadd.s32 s1, s25;
	[smem:$0x7FD] =	sst s12  }
0xe: {  	s11 =	sshrl.u32 s31, $0x3;
	s26 =	sadd.s32 s1, s9;
	[smem:$0x7DD] =	sst s6  }
0xf: {  	s9 =	sadd.s32 s1, s11;
	[smem:$0x7DE] =	sst s26  }
0x10: {  	s16 =	sadd.s32 $0x3800, s12;
	[smem:$0x7DF] =	sst s9  }
0x11: {  	s17 =	sadd.s32 $0x4000, s12;
	[smem:$0x7E2] =	sst s16  }
0x12: {  	s18 =	sadd.s32 $0x4800, s12;
	[smem:$0x7E3] =	sst s17  }
0x13: {  	s19 =	sadd.s32 $0x5000, s12;
	[smem:$0x7E4] =	sst s18  }
0x14: {  	s21 =	sadd.s32 $0x5800, s12;
	[smem:$0x7E5] =	sst s19  }
0x15: {  	s24 =	sshrl.u32 s23, $0x3;
	s23 =	sadd.s32 $0x6000, s12;
	[smem:$0x7E6] =	sst s21  }
0x16: {  	s25 =	sadd.s32 $0x6800, s12;
	[smem:$0x7E7] =	sst s23  }
0x17: {  	s14 =	sadd.s32 s1, s24;
	s24 =	sadd.s32 s0, s31;
	[smem:$0x7E8] =	sst s25  }
0x18: {  	s31 =	sadd.s32 $0x7000, s12;
	[dreg:$0x7] =	wrdreg s24  }
0x19: {  	s8 =	sadd.s32 $0x8000, s12;
	[smem:$0x7E9] =	sst s31  }
0x1a: {  	s15 =	simm.s32 $0x1080;
	[smem:$0x7EB] =	sst s8  }
0x1b: {  	s10 =	sor.u32 $0x14000, s3;
	s22 =	sadd.s32 $0xA800, s12;
	[dreg:$0xd] =	wrdreg s15  }
0x1c: {  	s20 =	smax.u32 s4, $0x1;
	s4 =	sadd.s32 $0xE800, s12;
	[smem:$0x7F0] =	sst s22  }
0x1d: {  	s3 =	sor.u32 $0x18000, s3;
	s5 =	sadd.s32 $0xF000, s12;
	[smem:$0x7F8] =	sst s4  }
0x1e: {  	s13 =	sshrl.u32 s10, $0x3;
	s7 =	sadd.s32 $0x10000, s12;
	[dreg:$0x1f] =	wrdreg s5  }
0x1f: {  	s11 =	sshrl.u32 s3, $0x3;
	s9 =	sadd.s32 s1, s13;
	[dreg:$0x1d] =	wrdreg s7  }
0x20: {  	s1 =	sadd.s32 s1, s11;
	[smem:$0x7E0] =	sst s9  }
0x21: {  	s26 =	sadd.s32 s0, s10;
	[smem:$0x7E1] =	sst s1  }
0x22: {  	s6 =	sadd.s32 $0x7800, s12;
	[dreg:$0x8] =	wrdreg s26  }
0x23: {  	s0 =	sadd.s32 s0, s3;
	[smem:$0x7EA] =	sst s6  }
0x24: {  	s10 =	sadd.s32 $0x8800, s12;
	[dreg:$0x9] =	wrdreg s0  }
0x25: {  	s13 =	sadd.s32 $0x9000, s12;
	[smem:$0x7EC] =	sst s10  }
0x26: {  	s11 =	simm.s32 $0x1300;
	[smem:$0x7ED] =	sst s13  }
0x27: {  	s16 =	sadd.s32 $0x9800, s12;
	[dreg:$0xc] =	wrdreg s11  }
0x28: {  	s18 =	sadd.s32 $0xA000, s12;
	[smem:$0x7EE] =	sst s16  }
0x29: {  	s17 =	simm.s32 $0x1180;
	[smem:$0x7EF] =	sst s18  }
0x2a: {  	s19 =	simm.s32 $0x1280;
	[dreg:$0xe] =	wrdreg s17  }
0x2b: {  	s21 =	simm.s32 $0x1380;
	[dreg:$0xf] =	wrdreg s19  }
0x2c: {  	s23 =	sadd.s32 $0xB000, s12;
	[dreg:$0x10] =	wrdreg s21  }
0x2d: {  	s24 =	sadd.s32 $0xB800, s12;
	[smem:$0x7F1] =	sst s23  }
0x2e: {  	s25 =	sadd.s32 $0xC000, s12;
	[smem:$0x7F2] =	sst s24  }
0x2f: {  	s31 =	sadd.s32 $0xD000, s12;
	[smem:$0x7F3] =	sst s25  }
0x30: {  	s3 =	sadd.s32 $0xE000, s12;
	[smem:$0x7F5] =	sst s31  }
0x31: {  	s8 =	sadd.s32 $0x10800, s12;
	[smem:$0x7F7] =	sst s3  }
0x32: {  	s22 =	sadd.s32 $0x16000, s12;
	[dreg:$0x1c] =	wrdreg s8  }
0x33: {  	s9 =	simm.s32 $0x1200;
	[dreg:$0x12] =	wrdreg s22  }
0x34: {  	p0 =	por $0x0, $0x0;
	s26 =	sadd.s32 $0xC800, s12;
	[dreg:$0xb] =	wrdreg s9  }
0x35: {  	s30 =	simm.s32 $0x100;
	s1 =	sadd.s32 $0xD800, s12;
	[smem:$0x7F4] =	sst s26  }
0x36: {  	s29 =	simm.s32 $0xB00;
	s6 =	sadd.s32 $0xF800, s12;
	[smem:$0x7F6] =	sst s1  }
0x37: {  	s28 =	simm.s32 $0xF00;
	s10 =	sadd.s32 $0x11800, s12;
	[dreg:$0x1e] =	wrdreg s6  }
0x38: {  	p1 =	sne.s32 s20, $0x1;
	s11 =	sadd.s32 $0x12000, s12;
	[dreg:$0x1a] =	wrdreg s10  }
0x39: {  	s15 =	sadd.s32 $0xFFFFFFFF, s20;
	s13 =	sadd.s32 $0x12800, s12;
	[dreg:$0x19] =	wrdreg s11  }
0x3a: {  	s20 =	sadd.s32 $0x14000, s12;
	s16 =	sadd.s32 $0x13000, s12;
	[dreg:$0x18] =	wrdreg s13  }
0x3b: {  	s7 =	simm.s32 $0x680;
	s17 =	sadd.s32 $0x13800, s12;
	[dreg:$0x17] =	wrdreg s16  }
0x3c: {  	s5 =	simm.s32 $0xA80;
	s18 =	sadd.s32 $0x14800, s12;
	[dreg:$0x16] =	wrdreg s17  }
0x3d: {  	s4 =	simm.s32 $0xE80;
	s19 =	sadd.s32 $0x15000, s12;
	[dreg:$0x15] =	wrdreg s18  }
0x3e: {  	s21 =	sadd.s32 $0x15800, s12;
	s23 =	sadd.s32 $0x16800, s12;
	[dreg:$0x14] =	wrdreg s19  }
0x3f: {  	s24 =	sadd.s32 $0x17000, s12;
	s25 =	sadd.s32 $0x17800, s12;
	[dreg:$0x13] =	wrdreg s21  }
0x40: {  	s31 =	sadd.s32 $0x18800, s12;
	s3 =	simm.s32 $0x1;
	[smem:$0x7F9] =	sst s23  }
0x41: {  	s8 =	simm.s32 $0x400;
	s22 =	simm.s32 $0xD80;
	[smem:$0x7FA] =	sst s24  }
0x42: {  	s0 =	simm.s32 $0x700;
	s9 =	sadd.s32 $0x11000, s12;
	[smem:$0x7FB] =	sst s25  }
0x43: {  	s26 =	sadd.s32 $0x18000, s12;
	[dreg:$0x11] =	wrdreg s31;
	s6 =	simm.s32 $0xD00  }
.Ltmp0:
0x44: {  	s13 =	simm.s32 $0x180;
	s23 =	simm.s32 $0x980;
	(pc) =	sbr.rel @!p1 .LBB2_5-.Ltmp0, $4  }
0x45: {  	s18 =	simm.s32 $0x200;
	s16 =	simm.s32 $0x600;
	s12 =	simm.s32 $0xA00  }
0x46: {  	s10 =	simm.s32 $0xE00;
	s11 =	simm.s32 $0x280;
	s1 =	simm.s32 $0x300  }
0x47: {  	s25 =	simm.s32 $0x780;
	s17 =	simm.s32 $0xB80;
	[dreg:$0x1b] =	wrdreg s9  }
0x48: {  	[smem:$0x7FC] =	sst s26;
	s9 =	simm.s32 $0x580;
	s26 =	simm.s32 $0x380  }
0x49: {  	[smem:$0x7DC] =	sst s15  }
0x4a: {  	s21 =	rddreg [dreg:$0x3]  }
0x4b: {  	[tilespmem:s2], [sflag:$0x1] =	stream.linear.gather [hbm4b:s21+s2], $0x1000, $0x38;
	[tilespmem:$0x1400] =	vst v63  }
0x4c: {  	_ =	swait.ge [sflag:s3], $0x1000  }
0x4d: {  	s24 =	sld [smem:$0x7FD]  }
0x4e: {  	[sflag:s3] =	ssyncset.done $0x0  }
0x4f: {  	[sflag:s3] =	ssyncadd.s32 $0xFFFFF000  }
0x50: {  	[hbm4b:s24+s2] =	stream.linear.scatter [tilespmem:s2], [sflag:$0x1], $0x80, $0x38;
	[tilespmem:$0x1400] =	vst v63  }
0x51: {  	s31 =	sadd.s32 $0x10, s24  }
0x52: {  	s15 =	sadd.s32 $0x30, s24;
	[smem:$0x744] =	sst s31  }
0x53: {  	[hbm4b:s31+s2] =	stream.linear.scatter [tilespmem:s8], [sflag:$0x1], $0x80, $0x38;
	[tilespmem:$0x1400] =	vst v63  }
0x54: {  	s19 =	simm.s32 $0x800;
	[smem:$0x746] =	sst s15;
	s31 =	sadd.s32 $0x20, s24  }
0x55: {  	[hbm4b:s31+s2] =	stream.linear.scatter [tilespmem:s19], [sflag:$0x1], $0x80, $0x38;
	[tilespmem:$0x1400] =	vst v63  }
0x56: {  	[smem:$0x745] =	sst s31;
	s19 =	simm.s32 $0xC00  }
0x57: {  	[hbm4b:s15+s2] =	stream.linear.scatter [tilespmem:s19], [sflag:$0x1], $0x80, $0x38;
	[tilespmem:$0x1400] =	vst v63  }
0x58: {  	_ =	swait.ge [sflag:s3], $0x200  }
0x59: {  	[sflag:s3] =	ssyncset.done $0x0  }
0x5a: {  	s21 =	simm.s32 $0x80;
	s24 =	sadd.s32 $0x10, s14;
	[sflag:s3] =	ssyncadd.s32 $0xFFFFFE00  }
0x5b: {  	[hbm4b:s14+s2] =	stream.linear.scatter [tilespmem:s21], [sflag:$0x1], $0x80, $0x38;
	[tilespmem:$0x1400] =	vst v63  }
0x5c: {  	s31 =	simm.s32 $0x480;
	s15 =	sadd.s32 $0x20, s14;
	[smem:$0x747] =	sst s24  }
0x5d: {  	[hbm4b:s24+s2] =	stream.linear.scatter [tilespmem:s31], [sflag:$0x1], $0x80, $0x38;
	[tilespmem:$0x1400] =	vst v63  }
0x5e: {  	s19 =	simm.s32 $0x880;
	[smem:$0x748] =	sst s15;
	s21 =	sadd.s32 $0x30, s14  }
0x5f: {  	[hbm4b:s15+s2] =	stream.linear.scatter [tilespmem:s19], [sflag:$0x1], $0x80, $0x38;
	[tilespmem:$0x1400] =	vst v63  }
0x60: {  	[smem:$0x749] =	sst s21;
	s24 =	simm.s32 $0xC80  }
0x61: {  	[hbm4b:s21+s2] =	stream.linear.scatter [tilespmem:s24], [sflag:$0x1], $0x80, $0x38;
	[tilespmem:$0x1400] =	vst v63  }
0x62: {  	_ =	swait.ge [sflag:s3], $0x200  }
0x63: {  	s31 =	sld [smem:$0x7DD]  }
0x64: {  	[sflag:s3] =	ssyncset.done $0x0  }
0x65: {  	[sflag:s3] =	ssyncadd.s32 $0xFFFFFE00  }
0x66: {  	[hbm4b:s31+s2] =	stream.linear.scatter [tilespmem:s30], [sflag:$0x1], $0x80, $0x38;
	[tilespmem:$0x1400] =	vst v63  }
0x67: {  	s19 =	sadd.s32 $0x10, s31  }
0x68: {  	s21 =	simm.s32 $0x500;
	s24 =	sadd.s32 $0x20, s31;
	[smem:$0x74A] =	sst s19  }
0x69: {  	[hbm4b:s19+s2] =	stream.linear.scatter [tilespmem:s21], [sflag:$0x1], $0x80, $0x38;
	[tilespmem:$0x1400] =	vst v63  }
0x6a: {  	s30 =	simm.s32 $0x900;
	s8 =	sadd.s32 $0x30, s31;
	[smem:$0x74B] =	sst s24  }
0x6b: {  	[hbm4b:s24+s2] =	stream.linear.scatter [tilespmem:s30], [sflag:$0x1], $0x80, $0x38;
	[tilespmem:$0x1400] =	vst v63  }
0x6c: {  	[smem:$0x74C] =	sst s8  }
0x6d: {  	[hbm4b:s8+s2] =	stream.linear.scatter [tilespmem:s6], [sflag:$0x1], $0x80, $0x38;
	[tilespmem:$0x1400] =	vst v63  }
0x6e: {  	_ =	swait.ge [sflag:s3], $0x200  }
0x6f: {  	s31 =	sld [smem:$0x7DE]  }
0x70: {  	[sflag:s3] =	ssyncset.done $0x0  }
0x71: {  	[sflag:s3] =	ssyncadd.s32 $0xFFFFFE00  }
0x72: {  	[hbm4b:s31+s2] =	stream.linear.scatter [tilespmem:s13], [sflag:$0x1], $0x80, $0x38;
	[tilespmem:$0x1400] =	vst v63  }
0x73: {  	s15 =	sadd.s32 $0x10, s31  }
0x74: {  	s19 =	sadd.s32 $0x20, s31;
	[smem:$0x74D] =	sst s15  }
0x75: {  	[hbm4b:s15+s2] =	stream.linear.scatter [tilespmem:s9], [sflag:$0x1], $0x80, $0x38;
	[tilespmem:$0x1400] =	vst v63  }
0x76: {  	s6 =	sadd.s32 $0x30, s31;
	[smem:$0x74E] =	sst s19  }
0x77: {  	[hbm4b:s19+s2] =	stream.linear.scatter [tilespmem:s23], [sflag:$0x1], $0x80, $0x38;
	[tilespmem:$0x1400] =	vst v63  }
0x78: {  	[smem:$0x74F] =	sst s6  }
0x79: {  	[hbm4b:s6+s2] =	stream.linear.scatter [tilespmem:s22], [sflag:$0x1], $0x80, $0x38;
	[tilespmem:$0x1400] =	vst v63  }
0x7a: {  	_ =	swait.ge [sflag:s3], $0x200  }
0x7b: {  	s21 =	sld [smem:$0x7DF]  }
0x7c: {  	[sflag:s3] =	ssyncset.done $0x0  }
0x7d: {  	[sflag:s3] =	ssyncadd.s32 $0xFFFFFE00  }
0x7e: {  	[hbm4b:s21+s2] =	stream.linear.scatter [tilespmem:s18], [sflag:$0x1], $0x80, $0x38;
	[tilespmem:$0x1400] =	vst v63  }
0x7f: {  	s22 =	sadd.s32 $0x10, s21  }
0x80: {  	s23 =	sadd.s32 $0x20, s21;
	[smem:$0x750] =	sst s22  }
0x81: {  	[hbm4b:s22+s2] =	stream.linear.scatter [tilespmem:s16], [sflag:$0x1], $0x80, $0x38;
	[tilespmem:$0x1400] =	vst v63  }
0x82: {  	s6 =	sadd.s32 $0x30, s21;
	[smem:$0x751] =	sst s23  }
0x83: {  	[hbm4b:s23+s2] =	stream.linear.scatter [tilespmem:s12], [sflag:$0x1], $0x80, $0x38;
	[tilespmem:$0x1400] =	vst v63  }
0x84: {  	[smem:$0x752] =	sst s6  }
0x85: {  	[hbm4b:s6+s2] =	stream.linear.scatter [tilespmem:s10], [sflag:$0x1], $0x80, $0x38;
	[tilespmem:$0x1400] =	vst v63  }
0x86: {  	_ =	swait.ge [sflag:s3], $0x200  }
0x87: {  	s24 =	sld [smem:$0x7E0]  }
0x88: {  	[sflag:s3] =	ssyncset.done $0x0  }
0x89: {  	[sflag:s3] =	ssyncadd.s32 $0xFFFFFE00  }
0x8a: {  	[hbm4b:s24+s2] =	stream.linear.scatter [tilespmem:s11], [sflag:$0x1], $0x80, $0x38;
	[tilespmem:$0x1400] =	vst v63  }
0x8b: {  	s30 =	sadd.s32 $0x10, s24  }
0x8c: {  	s31 =	sadd.s32 $0x20, s24;
	[smem:$0x753] =	sst s30  }
0x8d: {  	[hbm4b:s30+s2] =	stream.linear.scatter [tilespmem:s7], [sflag:$0x1], $0x80, $0x38;
	[tilespmem:$0x1400] =	vst v63  }
0x8e: {  	s8 =	sadd.s32 $0x30, s24;
	[smem:$0x754] =	sst s31  }
0x8f: {  	[hbm4b:s31+s2] =	stream.linear.scatter [tilespmem:s5], [sflag:$0x1], $0x80, $0x38;
	[tilespmem:$0x1400] =	vst v63  }
0x90: {  	[smem:$0x755] =	sst s8  }
0x91: {  	[hbm4b:s8+s2] =	stream.linear.scatter [tilespmem:s4], [sflag:$0x1], $0x80, $0x38;
	[tilespmem:$0x1400] =	vst v63  }
0x92: {  	_ =	swait.ge [sflag:s3], $0x200  }
0x93: {  	s9 =	sld [smem:$0x7E1]  }
0x94: {  	[sflag:s3] =	ssyncset.done $0x0  }
0x95: {  	[sflag:s3] =	ssyncadd.s32 $0xFFFFFE00  }
0x96: {  	[hbm4b:s9+s2] =	stream.linear.scatter [tilespmem:s1], [sflag:$0x1], $0x80, $0x38;
	[tilespmem:$0x1400] =	vst v63  }
0x97: {  	s10 =	sadd.s32 $0x10, s9  }
0x98: {  	s11 =	sadd.s32 $0x20, s9;
	[smem:$0x756] =	sst s10  }
0x99: {  	[hbm4b:s10+s2] =	stream.linear.scatter [tilespmem:s0], [sflag:$0x1], $0x80, $0x38;
	[tilespmem:$0x1400] =	vst v63  }
0x9a: {  	s12 =	sadd.s32 $0x30, s9;
	[smem:$0x757] =	sst s11  }
0x9b: {  	[hbm4b:s11+s2] =	stream.linear.scatter [tilespmem:s29], [sflag:$0x1], $0x80, $0x38;
	[tilespmem:$0x1400] =	vst v63  }
0x9c: {  	[smem:$0x758] =	sst s12  }
0x9d: {  	[hbm4b:s12+s2] =	stream.linear.scatter [tilespmem:s28], [sflag:$0x1], $0x80, $0x38;
	[tilespmem:$0x1400] =	vst v63  }
0x9e: {  	_ =	swait.ge [sflag:s3], $0x200  }
0x9f: {  	s13 =	sld [smem:$0x7E2]  }
0xa0: {  	[sflag:s3] =	ssyncset.done $0x0  }
0xa1: {  	[sflag:s3] =	ssyncadd.s32 $0xFFFFFE00  }
0xa2: {  	[hbm4b:s13+s2] =	stream.linear.scatter [tilespmem:s26], [sflag:$0x1], $0x80, $0x38;
	[tilespmem:$0x1400] =	vst v63  }
0xa3: {  	[smem:$0x75B] =	sst s14;
	s15 =	sadd.s32 $0x10, s13  }
0xa4: {  	s16 =	sadd.s32 $0x20, s13;
	[smem:$0x759] =	sst s15  }
0xa5: {  	[hbm4b:s15+s2] =	stream.linear.scatter [tilespmem:s25], [sflag:$0x1], $0x80, $0x38;
	[tilespmem:$0x1400] =	vst v63  }
0xa6: {  	s0 =	sadd.s32 $0x30, s13;
	[smem:$0x75A] =	sst s16  }
0xa7: {  	[hbm4b:s16+s2] =	stream.linear.scatter [tilespmem:s17], [sflag:$0x1], $0x80, $0x38;
	[tilespmem:$0x1400] =	vst v63  }
0xa8: {  	s29 =	simm.s32 $0xF80;
	[smem:$0x75C] =	sst s0  }
0xa9: {  	[hbm4b:s0+s2] =	stream.linear.scatter [tilespmem:s29], [sflag:$0x1], $0x80, $0x38;
	[tilespmem:$0x1400] =	vst v63  }
0xaa: {  	_ =	swait.ge [sflag:s3], $0x200  }
0xab: {  	[sflag:s3] =	ssyncset.done $0x0  }
0xac: {  	s0 =	rddreg [dreg:$0x4];
	[sflag:s3] =	ssyncadd.s32 $0xFFFFFE00  }
0xad: {  	[tilespmem:s2], [sflag:$0x1] =	stream.linear.gather [hbm4b:s0+s2], $0x1000, $0x38;
	[tilespmem:$0x1400] =	vst v63  }
0xae: {  	_ =	swait.ge [sflag:s3], $0x1000  }
0xaf: {  	s7 =	sld [smem:$0x7E3]  }
0xb0: {  	[sflag:s3] =	ssyncset.done $0x0  }
0xb1: {  	[sflag:s3] =	ssyncadd.s32 $0xFFFFF000  }
0xb2: {  	[hbm4b:s7+s2] =	stream.linear.scatter [tilespmem:s2], [sflag:$0x1], $0x80, $0x38;
	[tilespmem:$0x1400] =	vst v63  }
0xb3: {  	s12 =	sadd.s32 $0x10, s7  }
0xb4: {  	s18 =	simm.s32 $0x400;
	s14 =	sadd.s32 $0x20, s7;
	[smem:$0x75D] =	sst s12  }
0xb5: {  	[hbm4b:s12+s2] =	stream.linear.scatter [tilespmem:s18], [sflag:$0x1], $0x80, $0x38;
	[tilespmem:$0x1400] =	vst v63  }
0xb6: {  	s29 =	simm.s32 $0x800;
	s0 =	sadd.s32 $0x30, s7;
	[smem:$0x75E] =	sst s14  }
0xb7: {  	[hbm4b:s14+s2] =	stream.linear.scatter [tilespmem:s29], [sflag:$0x1], $0x80, $0x38;
	[tilespmem:$0x1400] =	vst v63  }
0xb8: {  	s7 =	simm.s32 $0xC00;
	[smem:$0x75F] =	sst s0  }
0xb9: {  	[hbm4b:s0+s2] =	stream.linear.scatter [tilespmem:s7], [sflag:$0x1], $0x80, $0x38;
	[tilespmem:$0x1400] =	vst v63  }
0xba: {  	_ =	swait.ge [sflag:s3], $0x200  }
0xbb: {  	s0 =	sld [smem:$0x7E4]  }
0xbc: {  	[sflag:s3] =	ssyncset.done $0x0  }
0xbd: {  	s8 =	simm.s32 $0x80;
	[sflag:s3] =	ssyncadd.s32 $0xFFFFFE00  }
0xbe: {  	[hbm4b:s0+s2] =	stream.linear.scatter [tilespmem:s8], [sflag:$0x1], $0x80, $0x38;
	[tilespmem:$0x1400] =	vst v63  }
0xbf: {  	s16 =	sadd.s32 $0x10, s0  }
0xc0: {  	s12 =	simm.s32 $0x480;
	s18 =	sadd.s32 $0x20, s0;
	[smem:$0x760] =	sst s16  }
0xc1: {  	[hbm4b:s16+s2] =	stream.linear.scatter [tilespmem:s12], [sflag:$0x1], $0x80, $0x38;
	[tilespmem:$0x1400] =	vst v63  }
0xc2: {  	s14 =	simm.s32 $0x880;
	s0 =	sadd.s32 $0x30, s0;
	[smem:$0x761] =	sst s18  }
0xc3: {  	[hbm4b:s18+s2] =	stream.linear.scatter [tilespmem:s14], [sflag:$0x1], $0x80, $0x38;
	[tilespmem:$0x1400] =	vst v63  }
0xc4: {  	[smem:$0x762] =	sst s0;
	s16 =	simm.s32 $0xC80  }
0xc5: {  	[hbm4b:s0+s2] =	stream.linear.scatter [tilespmem:s16], [sflag:$0x1], $0x80, $0x38;
	[tilespmem:$0x1400] =	vst v63  }
0xc6: {  	_ =	swait.ge [sflag:s3], $0x200  }
0xc7: {  	s0 =	sld [smem:$0x7E5]  }
0xc8: {  	[sflag:s3] =	ssyncset.done $0x0  }
0xc9: {  	s13 =	simm.s32 $0x100;
	[sflag:s3] =	ssyncadd.s32 $0xFFFFFE00  }
0xca: {  	[hbm4b:s0+s2] =	stream.linear.scatter [tilespmem:s13], [sflag:$0x1], $0x80, $0x38;
	[tilespmem:$0x1400] =	vst v63  }
0xcb: {  	s13 =	sadd.s32 $0x10, s0  }
0xcc: {  	s18 =	simm.s32 $0x500;
	s15 =	sadd.s32 $0x20, s0;
	[smem:$0x763] =	sst s13  }
0xcd: {  	[hbm4b:s13+s2] =	stream.linear.scatter [tilespmem:s18], [sflag:$0x1], $0x80, $0x38;
	[tilespmem:$0x1400] =	vst v63  }
0xce: {  	s0 =	sadd.s32 $0x30, s0;
	[smem:$0x764] =	sst s15;
	s13 =	simm.s32 $0x900  }
0xcf: {  	[hbm4b:s15+s2] =	stream.linear.scatter [tilespmem:s13], [sflag:$0x1], $0x80, $0x38;
	[tilespmem:$0x1400] =	vst v63  }
0xd0: {  	s1 =	simm.s32 $0xD00;
	[smem:$0x765] =	sst s0  }
0xd1: {  	[hbm4b:s0+s2] =	stream.linear.scatter [tilespmem:s1], [sflag:$0x1], $0x80, $0x38;
	[tilespmem:$0x1400] =	vst v63  }
0xd2: {  	_ =	swait.ge [sflag:s3], $0x200  }
0xd3: {  	s0 =	sld [smem:$0x7E6]  }
0xd4: {  	[sflag:s3] =	ssyncset.done $0x0  }
0xd5: {  	s4 =	simm.s32 $0x180;
	[sflag:s3] =	ssyncadd.s32 $0xFFFFFE00  }
0xd6: {  	[hbm4b:s0+s2] =	stream.linear.scatter [tilespmem:s4], [sflag:$0x1], $0x80, $0x38;
	[tilespmem:$0x1400] =	vst v63  }
0xd7: {  	s1 =	sadd.s32 $0x10, s0  }
0xd8: {  	s5 =	simm.s32 $0x580;
	s4 =	sadd.s32 $0x20, s0;
	[smem:$0x766] =	sst s1  }
0xd9: {  	[hbm4b:s1+s2] =	stream.linear.scatter [tilespmem:s5], [sflag:$0x1], $0x80, $0x38;
	[tilespmem:$0x1400] =	vst v63  }
0xda: {  	s9 =	simm.s32 $0x980;
	s0 =	sadd.s32 $0x30, s0;
	[smem:$0x767] =	sst s4  }
0xdb: {  	[hbm4b:s4+s2] =	stream.linear.scatter [tilespmem:s9], [sflag:$0x1], $0x80, $0x38;
	[tilespmem:$0x1400] =	vst v63  }
0xdc: {  	s10 =	simm.s32 $0xD80;
	[smem:$0x768] =	sst s0  }
0xdd: {  	[hbm4b:s0+s2] =	stream.linear.scatter [tilespmem:s10], [sflag:$0x1], $0x80, $0x38;
	[tilespmem:$0x1400] =	vst v63  }
0xde: {  	_ =	swait.ge [sflag:s3], $0x200  }
0xdf: {  	s5 =	sld [smem:$0x7E7]  }
0xe0: {  	[sflag:s3] =	ssyncset.done $0x0  }
0xe1: {  	s11 =	simm.s32 $0x200;
	[sflag:s3] =	ssyncadd.s32 $0xFFFFFE00  }
0xe2: {  	[hbm4b:s5+s2] =	stream.linear.scatter [tilespmem:s11], [sflag:$0x1], $0x80, $0x38;
	[tilespmem:$0x1400] =	vst v63  }
0xe3: {  	s9 =	sadd.s32 $0x10, s5  }
0xe4: {  	s17 =	simm.s32 $0x600;
	s10 =	sadd.s32 $0x20, s5;
	[smem:$0x769] =	sst s9  }
0xe5: {  	[hbm4b:s9+s2] =	stream.linear.scatter [tilespmem:s17], [sflag:$0x1], $0x80, $0x38;
	[tilespmem:$0x1400] =	vst v63  }
0xe6: {  	s19 =	simm.s32 $0xA00;
	s0 =	sadd.s32 $0x30, s5;
	[smem:$0x76A] =	sst s10  }
0xe7: {  	[hbm4b:s10+s2] =	stream.linear.scatter [tilespmem:s19], [sflag:$0x1], $0x80, $0x38;
	[tilespmem:$0x1400] =	vst v63  }
0xe8: {  	s21 =	simm.s32 $0xE00;
	[smem:$0x76B] =	sst s0  }
0xe9: {  	[hbm4b:s0+s2] =	stream.linear.scatter [tilespmem:s21], [sflag:$0x1], $0x80, $0x38;
	[tilespmem:$0x1400] =	vst v63  }
0xea: {  	_ =	swait.ge [sflag:s3], $0x200  }
0xeb: {  	s11 =	sld [smem:$0x7E8]  }
0xec: {  	[sflag:s3] =	ssyncset.done $0x0  }
0xed: {  	s22 =	simm.s32 $0x280;
	[sflag:s3] =	ssyncadd.s32 $0xFFFFFE00  }
0xee: {  	[hbm4b:s11+s2] =	stream.linear.scatter [tilespmem:s22], [sflag:$0x1], $0x80, $0x38;
	[tilespmem:$0x1400] =	vst v63  }
0xef: {  	s19 =	sadd.s32 $0x10, s11  }
0xf0: {  	s23 =	simm.s32 $0x680;
	s21 =	sadd.s32 $0x20, s11;
	[smem:$0x76C] =	sst s19  }
0xf1: {  	[hbm4b:s19+s2] =	stream.linear.scatter [tilespmem:s23], [sflag:$0x1], $0x80, $0x38;
	[tilespmem:$0x1400] =	vst v63  }
0xf2: {  	s24 =	simm.s32 $0xA80;
	s0 =	sadd.s32 $0x30, s11;
	[smem:$0x76D] =	sst s21  }
0xf3: {  	[hbm4b:s21+s2] =	stream.linear.scatter [tilespmem:s24], [sflag:$0x1], $0x80, $0x38;
	[tilespmem:$0x1400] =	vst v63  }
0xf4: {  	s25 =	simm.s32 $0xE80;
	[smem:$0x76E] =	sst s0  }
0xf5: {  	[hbm4b:s0+s2] =	stream.linear.scatter [tilespmem:s25], [sflag:$0x1], $0x80, $0x38;
	[tilespmem:$0x1400] =	vst v63  }
0xf6: {  	_ =	swait.ge [sflag:s3], $0x200  }
0xf7: {  	s22 =	sld [smem:$0x7E9]  }
0xf8: {  	[sflag:s3] =	ssyncset.done $0x0  }
0xf9: {  	s28 =	simm.s32 $0x300;
	[sflag:s3] =	ssyncadd.s32 $0xFFFFFE00  }
0xfa: {  	[hbm4b:s22+s2] =	stream.linear.scatter [tilespmem:s28], [sflag:$0x1], $0x80, $0x38;
	[tilespmem:$0x1400] =	vst v63  }
0xfb: {  	s6 =	smov.u32 s20;
	s24 =	sadd.s32 $0x10, s22  }
0xfc: {  	s5 =	simm.s32 $0x700;
	s25 =	sadd.s32 $0x20, s22;
	[smem:$0x76F] =	sst s24  }
0xfd: {  	[hbm4b:s24+s2] =	stream.linear.scatter [tilespmem:s5], [sflag:$0x1], $0x80, $0x38;
	[tilespmem:$0x1400] =	vst v63  }
0xfe: {  	s20 =	simm.s32 $0xB00;
	s0 =	sadd.s32 $0x30, s22;
	[smem:$0x770] =	sst s25  }
0xff: {  	[hbm4b:s25+s2] =	stream.linear.scatter [tilespmem:s20], [sflag:$0x1], $0x80, $0x38;
	[tilespmem:$0x1400] =	vst v63  }
0x100: {  	s26 =	simm.s32 $0xF00;
	[smem:$0x771] =	sst s0  }
0x101: {  	[hbm4b:s0+s2] =	stream.linear.scatter [tilespmem:s26], [sflag:$0x1], $0x80, $0x38;
	[tilespmem:$0x1400] =	vst v63  }
0x102: {  	_ =	swait.ge [sflag:s3], $0x200  }
0x103: {  	s26 =	sld [smem:$0x7EA]  }
0x104: {  	[sflag:s3] =	ssyncset.done $0x0  }
0x105: {  	s30 =	simm.s32 $0x380;
	[sflag:s3] =	ssyncadd.s32 $0xFFFFFE00  }
0x106: {  	[hbm4b:s26+s2] =	stream.linear.scatter [tilespmem:s30], [sflag:$0x1], $0x80, $0x38;
	[tilespmem:$0x1400] =	vst v63  }
0x107: {  	s9 =	sadd.s32 $0x10, s26  }
0x108: {  	s31 =	simm.s32 $0x780;
	s19 =	sadd.s32 $0x20, s26;
	[smem:$0x772] =	sst s9  }
0x109: {  	[hbm4b:s9+s2] =	stream.linear.scatter [tilespmem:s31], [sflag:$0x1], $0x80, $0x38;
	[tilespmem:$0x1400] =	vst v63  }
0x10a: {  	s21 =	simm.s32 $0xB80;
	s0 =	sadd.s32 $0x30, s26;
	[smem:$0x773] =	sst s19  }
0x10b: {  	[hbm4b:s19+s2] =	stream.linear.scatter [tilespmem:s21], [sflag:$0x1], $0x80, $0x38;
	[tilespmem:$0x1400] =	vst v63  }
0x10c: {  	s22 =	simm.s32 $0xF80;
	[smem:$0x774] =	sst s0  }
0x10d: {  	[hbm4b:s0+s2] =	stream.linear.scatter [tilespmem:s22], [sflag:$0x1], $0x80, $0x38;
	[tilespmem:$0x1400] =	vst v63  }
0x10e: {  	_ =	swait.ge [sflag:s3], $0x200  }
0x10f: {  	[sflag:s3] =	ssyncset.done $0x0  }
0x110: {  	s24 =	rddreg [dreg:$0x5];
	[sflag:s3] =	ssyncadd.s32 $0xFFFFFE00  }
0x111: {  	[tilespmem:s2], [sflag:$0x1] =	stream.linear.gather [hbm4b:s24+s2], $0x1000, $0x38;
	[tilespmem:$0x1400] =	vst v63  }
0x112: {  	_ =	swait.ge [sflag:s3], $0x1000  }
0x113: {  	s25 =	sld [smem:$0x7EB]  }
0x114: {  	[sflag:s3] =	ssyncset.done $0x0  }
0x115: {  	[sflag:s3] =	ssyncadd.s32 $0xFFFFF000  }
0x116: {  	[hbm4b:s25+s2] =	stream.linear.scatter [tilespmem:s2], [sflag:$0x1], $0x80, $0x38;
	[tilespmem:$0x1400] =	vst v63  }
0x117: {  	s26 =	sadd.s32 $0x10, s25  }
0x118: {  	s30 =	simm.s32 $0x400;
	s31 =	sadd.s32 $0x20, s25;
	[smem:$0x775] =	sst s26  }
0x119: {  	[hbm4b:s26+s2] =	stream.linear.scatter [tilespmem:s30], [sflag:$0x1], $0x80, $0x38;
	[tilespmem:$0x1400] =	vst v63  }
0x11a: {  	s0 =	sadd.s32 $0x30, s25;
	[smem:$0x776] =	sst s31  }
0x11b: {  	[hbm4b:s31+s2] =	stream.linear.scatter [tilespmem:s29], [sflag:$0x1], $0x80, $0x38;
	[tilespmem:$0x1400] =	vst v63  }
0x11c: {  	[smem:$0x777] =	sst s0  }
0x11d: {  	[hbm4b:s0+s2] =	stream.linear.scatter [tilespmem:s7], [sflag:$0x1], $0x80, $0x38;
	[tilespmem:$0x1400] =	vst v63  }
0x11e: {  	_ =	swait.ge [sflag:s3], $0x200  }
0x11f: {  	s7 =	sld [smem:$0x7EC]  }
0x120: {  	[sflag:s3] =	ssyncset.done $0x0  }
0x121: {  	[sflag:s3] =	ssyncadd.s32 $0xFFFFFE00  }
0x122: {  	[hbm4b:s7+s2] =	stream.linear.scatter [tilespmem:s8], [sflag:$0x1], $0x80, $0x38;
	[tilespmem:$0x1400] =	vst v63  }
0x123: {  	s8 =	sadd.s32 $0x10, s7  }
0x124: {  	s0 =	sadd.s32 $0x30, s7;
	[smem:$0x778] =	sst s8  }
0x125: {  	[hbm4b:s8+s2] =	stream.linear.scatter [tilespmem:s12], [sflag:$0x1], $0x80, $0x38;
	[tilespmem:$0x1400] =	vst v63  }
0x126: {  	[smem:$0x77A] =	sst s0;
	s12 =	sadd.s32 $0x20, s7  }
0x127: {  	[hbm4b:s12+s2] =	stream.linear.scatter [tilespmem:s14], [sflag:$0x1], $0x80, $0x38;
	[tilespmem:$0x1400] =	vst v63  }
0x128: {  	[smem:$0x779] =	sst s12  }
0x129: {  	[hbm4b:s0+s2] =	stream.linear.scatter [tilespmem:s16], [sflag:$0x1], $0x80, $0x38;
	[tilespmem:$0x1400] =	vst v63  }
0x12a: {  	_ =	swait.ge [sflag:s3], $0x200  }
0x12b: {  	s16 =	sld [smem:$0x7ED]  }
0x12c: {  	[sflag:s3] =	ssyncset.done $0x0  }
0x12d: {  	s25 =	simm.s32 $0x100;
	[sflag:s3] =	ssyncadd.s32 $0xFFFFFE00  }
0x12e: {  	[hbm4b:s16+s2] =	stream.linear.scatter [tilespmem:s25], [sflag:$0x1], $0x80, $0x38;
	[tilespmem:$0x1400] =	vst v63  }
0x12f: {  	s26 =	sadd.s32 $0x10, s16  }
0x130: {  	s29 =	sadd.s32 $0x20, s16;
	[smem:$0x77B] =	sst s26  }
0x131: {  	[hbm4b:s26+s2] =	stream.linear.scatter [tilespmem:s18], [sflag:$0x1], $0x80, $0x38;
	[tilespmem:$0x1400] =	vst v63  }
0x132: {  	s0 =	sadd.s32 $0x30, s16;
	[smem:$0x77C] =	sst s29  }
0x133: {  	[hbm4b:s29+s2] =	stream.linear.scatter [tilespmem:s13], [sflag:$0x1], $0x80, $0x38;
	[tilespmem:$0x1400] =	vst v63  }
0x134: {  	s31 =	simm.s32 $0xD00;
	[smem:$0x77D] =	sst s0  }
0x135: {  	[hbm4b:s0+s2] =	stream.linear.scatter [tilespmem:s31], [sflag:$0x1], $0x80, $0x38;
	[tilespmem:$0x1400] =	vst v63  }
0x136: {  	_ =	swait.ge [sflag:s3], $0x200  }
0x137: {  	s14 =	sld [smem:$0x7EE]  }
0x138: {  	[sflag:s3] =	ssyncset.done $0x0  }
0x139: {  	s15 =	simm.s32 $0x180;
	[sflag:s3] =	ssyncadd.s32 $0xFFFFFE00  }
0x13a: {  	[hbm4b:s14+s2] =	stream.linear.scatter [tilespmem:s15], [sflag:$0x1], $0x80, $0x38;
	[tilespmem:$0x1400] =	vst v63  }
0x13b: {  	s16 =	sadd.s32 $0x10, s14  }
0x13c: {  	s18 =	simm.s32 $0x580;
	s25 =	sadd.s32 $0x20, s14;
	[smem:$0x77E] =	sst s16  }
0x13d: {  	[hbm4b:s16+s2] =	stream.linear.scatter [tilespmem:s18], [sflag:$0x1], $0x80, $0x38;
	[tilespmem:$0x1400] =	vst v63  }
0x13e: {  	s26 =	simm.s32 $0x980;
	s0 =	sadd.s32 $0x30, s14;
	[smem:$0x77F] =	sst s25  }
0x13f: {  	[hbm4b:s25+s2] =	stream.linear.scatter [tilespmem:s26], [sflag:$0x1], $0x80, $0x38;
	[tilespmem:$0x1400] =	vst v63  }
0x140: {  	s14 =	simm.s32 $0xD80;
	[smem:$0x780] =	sst s0  }
0x141: {  	[hbm4b:s0+s2] =	stream.linear.scatter [tilespmem:s14], [sflag:$0x1], $0x80, $0x38;
	[tilespmem:$0x1400] =	vst v63  }
0x142: {  	_ =	swait.ge [sflag:s3], $0x200  }
0x143: {  	s0 =	sld [smem:$0x7EF]  }
0x144: {  	[sflag:s3] =	ssyncset.done $0x0  }
0x145: {  	s15 =	simm.s32 $0x200;
	[sflag:s3] =	ssyncadd.s32 $0xFFFFFE00  }
0x146: {  	[hbm4b:s0+s2] =	stream.linear.scatter [tilespmem:s15], [sflag:$0x1], $0x80, $0x38;
	[tilespmem:$0x1400] =	vst v63  }
0x147: {  	s16 =	sadd.s32 $0x10, s0  }
0x148: {  	s18 =	simm.s32 $0x600;
	s13 =	sadd.s32 $0x20, s0;
	[smem:$0x781] =	sst s16  }
0x149: {  	[hbm4b:s16+s2] =	stream.linear.scatter [tilespmem:s18], [sflag:$0x1], $0x80, $0x38;
	[tilespmem:$0x1400] =	vst v63  }
0x14a: {  	s14 =	simm.s32 $0xA00;
	s0 =	sadd.s32 $0x30, s0;
	[smem:$0x782] =	sst s13  }
0x14b: {  	[hbm4b:s13+s2] =	stream.linear.scatter [tilespmem:s14], [sflag:$0x1], $0x80, $0x38;
	[tilespmem:$0x1400] =	vst v63  }
0x14c: {  	s17 =	simm.s32 $0xE00;
	[smem:$0x783] =	sst s0  }
0x14d: {  	[hbm4b:s0+s2] =	stream.linear.scatter [tilespmem:s17], [sflag:$0x1], $0x80, $0x38;
	[tilespmem:$0x1400] =	vst v63  }
0x14e: {  	_ =	swait.ge [sflag:s3], $0x200  }
0x14f: {  	s0 =	sld [smem:$0x7F0]  }
0x150: {  	[sflag:s3] =	ssyncset.done $0x0  }
0x151: {  	s4 =	simm.s32 $0x280;
	[sflag:s3] =	ssyncadd.s32 $0xFFFFFE00  }
0x152: {  	[hbm4b:s0+s2] =	stream.linear.scatter [tilespmem:s4], [sflag:$0x1], $0x80, $0x38;
	[tilespmem:$0x1400] =	vst v63  }
0x153: {  	s16 =	sadd.s32 $0x10, s0  }
0x154: {  	s1 =	simm.s32 $0x680;
	s4 =	sadd.s32 $0x20, s0;
	[smem:$0x784] =	sst s16  }
0x155: {  	[hbm4b:s16+s2] =	stream.linear.scatter [tilespmem:s1], [sflag:$0x1], $0x80, $0x38;
	[tilespmem:$0x1400] =	vst v63  }
0x156: {  	s0 =	sadd.s32 $0x30, s0;
	[smem:$0x785] =	sst s4;
	s16 =	simm.s32 $0xA80  }
0x157: {  	[hbm4b:s4+s2] =	stream.linear.scatter [tilespmem:s16], [sflag:$0x1], $0x80, $0x38;
	[tilespmem:$0x1400] =	vst v63  }
0x158: {  	s23 =	simm.s32 $0xE80;
	[smem:$0x786] =	sst s0  }
0x159: {  	[hbm4b:s0+s2] =	stream.linear.scatter [tilespmem:s23], [sflag:$0x1], $0x80, $0x38;
	[tilespmem:$0x1400] =	vst v63  }
0x15a: {  	_ =	swait.ge [sflag:s3], $0x200  }
0x15b: {  	s0 =	sld [smem:$0x7F1]  }
0x15c: {  	[sflag:s3] =	ssyncset.done $0x0  }
0x15d: {  	s11 =	simm.s32 $0x300;
	[sflag:s3] =	ssyncadd.s32 $0xFFFFFE00  }
0x15e: {  	[hbm4b:s0+s2] =	stream.linear.scatter [tilespmem:s11], [sflag:$0x1], $0x80, $0x38;
	[tilespmem:$0x1400] =	vst v63  }
0x15f: {  	s4 =	sadd.s32 $0x10, s0  }
0x160: {  	[hbm4b:s4+s2] =	stream.linear.scatter [tilespmem:s5], [sflag:$0x1], $0x80, $0x38;
	[tilespmem:$0x1400] =	vst v63  }
0x161: {  	[smem:$0x787] =	sst s4;
	s5 =	sadd.s32 $0x20, s0  }
0x162: {  	s11 =	simm.s32 $0xB00;
	s0 =	sadd.s32 $0x30, s0;
	[smem:$0x788] =	sst s5  }
0x163: {  	[hbm4b:s5+s2] =	stream.linear.scatter [tilespmem:s11], [sflag:$0x1], $0x80, $0x38;
	[tilespmem:$0x1400] =	vst v63  }
0x164: {  	s20 =	simm.s32 $0xF00;
	[smem:$0x789] =	sst s0  }
0x165: {  	[hbm4b:s0+s2] =	stream.linear.scatter [tilespmem:s20], [sflag:$0x1], $0x80, $0x38;
	[tilespmem:$0x1400] =	vst v63  }
0x166: {  	_ =	swait.ge [sflag:s3], $0x200  }
0x167: {  	s0 =	sld [smem:$0x7F2]  }
0x168: {  	[sflag:s3] =	ssyncset.done $0x0  }
0x169: {  	s10 =	simm.s32 $0x380;
	[sflag:s3] =	ssyncadd.s32 $0xFFFFFE00  }
0x16a: {  	[hbm4b:s0+s2] =	stream.linear.scatter [tilespmem:s10], [sflag:$0x1], $0x80, $0x38;
	[tilespmem:$0x1400] =	vst v63  }
0x16b: {  	s9 =	simm.s32 $0x780;
	s20 =	sadd.s32 $0x10, s0  }
0x16c: {  	[hbm4b:s20+s2] =	stream.linear.scatter [tilespmem:s9], [sflag:$0x1], $0x80, $0x38;
	[tilespmem:$0x1400] =	vst v63  }
0x16d: {  	[smem:$0x78A] =	sst s20;
	s9 =	sadd.s32 $0x20, s0  }
0x16e: {  	s20 =	simm.s32 $0xB80;
	s0 =	sadd.s32 $0x30, s0;
	[smem:$0x78B] =	sst s9  }
0x16f: {  	[hbm4b:s9+s2] =	stream.linear.scatter [tilespmem:s20], [sflag:$0x1], $0x80, $0x38;
	[tilespmem:$0x1400] =	vst v63  }
0x170: {  	s19 =	simm.s32 $0xF80;
	[smem:$0x78C] =	sst s0  }
0x171: {  	[hbm4b:s0+s2] =	stream.linear.scatter [tilespmem:s19], [sflag:$0x1], $0x80, $0x38;
	[tilespmem:$0x1400] =	vst v63  }
0x172: {  	_ =	swait.ge [sflag:s3], $0x200  }
0x173: {  	[sflag:s3] =	ssyncset.done $0x0  }
0x174: {  	s0 =	rddreg [dreg:$0x6];
	[sflag:s3] =	ssyncadd.s32 $0xFFFFFE00  }
0x175: {  	[tilespmem:s2], [sflag:$0x1] =	stream.linear.gather [hbm4b:s0+s2], $0x1000, $0x38;
	[tilespmem:$0x1400] =	vst v63  }
0x176: {  	_ =	swait.ge [sflag:s3], $0x1000  }
0x177: {  	s0 =	sld [smem:$0x7F3]  }
0x178: {  	[sflag:s3] =	ssyncset.done $0x0  }
0x179: {  	[sflag:s3] =	ssyncadd.s32 $0xFFFFF000  }
0x17a: {  	[hbm4b:s0+s2] =	stream.linear.scatter [tilespmem:s2], [sflag:$0x1], $0x80, $0x38;
	[tilespmem:$0x1400] =	vst v63  }
0x17b: {  	s19 =	sadd.s32 $0x10, s0  }
0x17c: {  	s21 =	simm.s32 $0x400;
	s20 =	sadd.s32 $0x20, s0;
	[smem:$0x78D] =	sst s19  }
0x17d: {  	[hbm4b:s19+s2] =	stream.linear.scatter [tilespmem:s21], [sflag:$0x1], $0x80, $0x38;
	[tilespmem:$0x1400] =	vst v63  }
0x17e: {  	s0 =	sadd.s32 $0x30, s0;
	[smem:$0x78E] =	sst s20;
	s21 =	simm.s32 $0x800  }
0x17f: {  	[hbm4b:s20+s2] =	stream.linear.scatter [tilespmem:s21], [sflag:$0x1], $0x80, $0x38;
	[tilespmem:$0x1400] =	vst v63  }
0x180: {  	s22 =	simm.s32 $0xC00;
	[smem:$0x78F] =	sst s0  }
0x181: {  	[hbm4b:s0+s2] =	stream.linear.scatter [tilespmem:s22], [sflag:$0x1], $0x80, $0x38;
	[tilespmem:$0x1400] =	vst v63  }
0x182: {  	_ =	swait.ge [sflag:s3], $0x200  }
0x183: {  	s0 =	sld [smem:$0x7F4]  }
0x184: {  	[sflag:s3] =	ssyncset.done $0x0  }
0x185: {  	s30 =	simm.s32 $0x80;
	[sflag:s3] =	ssyncadd.s32 $0xFFFFFE00  }
0x186: {  	[hbm4b:s0+s2] =	stream.linear.scatter [tilespmem:s30], [sflag:$0x1], $0x80, $0x38;
	[tilespmem:$0x1400] =	vst v63  }
0x187: {  	s30 =	sadd.s32 $0x10, s0  }
0x188: {  	s8 =	simm.s32 $0x480;
	s22 =	sadd.s32 $0x20, s0;
	[smem:$0x790] =	sst s30  }
0x189: {  	[hbm4b:s30+s2] =	stream.linear.scatter [tilespmem:s8], [sflag:$0x1], $0x80, $0x38;
	[tilespmem:$0x1400] =	vst v63  }
0x18a: {  	s0 =	sadd.s32 $0x30, s0;
	[smem:$0x791] =	sst s22;
	s30 =	simm.s32 $0x880  }
0x18b: {  	[hbm4b:s22+s2] =	stream.linear.scatter [tilespmem:s30], [sflag:$0x1], $0x80, $0x38;
	[tilespmem:$0x1400] =	vst v63  }
0x18c: {  	s7 =	simm.s32 $0xC80;
	[smem:$0x792] =	sst s0  }
0x18d: {  	[hbm4b:s0+s2] =	stream.linear.scatter [tilespmem:s7], [sflag:$0x1], $0x80, $0x38;
	[tilespmem:$0x1400] =	vst v63  }
0x18e: {  	_ =	swait.ge [sflag:s3], $0x200  }
0x18f: {  	s0 =	sld [smem:$0x7F5]  }
0x190: {  	[sflag:s3] =	ssyncset.done $0x0  }
0x191: {  	s24 =	simm.s32 $0x100;
	[sflag:s3] =	ssyncadd.s32 $0xFFFFFE00  }
0x192: {  	[hbm4b:s0+s2] =	stream.linear.scatter [tilespmem:s24], [sflag:$0x1], $0x80, $0x38;
	[tilespmem:$0x1400] =	vst v63  }
0x193: {  	s24 =	sadd.s32 $0x10, s0  }
0x194: {  	s12 =	simm.s32 $0x500;
	s15 =	sadd.s32 $0x20, s0;
	[smem:$0x793] =	sst s24  }
0x195: {  	[hbm4b:s24+s2] =	stream.linear.scatter [tilespmem:s12], [sflag:$0x1], $0x80, $0x38;
	[tilespmem:$0x1400] =	vst v63  }
0x196: {  	s0 =	sadd.s32 $0x30, s0;
	[smem:$0x794] =	sst s15;
	s24 =	simm.s32 $0x900  }
0x197: {  	[hbm4b:s15+s2] =	stream.linear.scatter [tilespmem:s24], [sflag:$0x1], $0x80, $0x38;
	[tilespmem:$0x1400] =	vst v63  }
0x198: {  	s31 =	simm.s32 $0xD00;
	[smem:$0x795] =	sst s0  }
0x199: {  	[hbm4b:s0+s2] =	stream.linear.scatter [tilespmem:s31], [sflag:$0x1], $0x80, $0x38;
	[tilespmem:$0x1400] =	vst v63  }
0x19a: {  	_ =	swait.ge [sflag:s3], $0x200  }
0x19b: {  	s0 =	sld [smem:$0x7F6]  }
0x19c: {  	[sflag:s3] =	ssyncset.done $0x0  }
0x19d: {  	s29 =	simm.s32 $0x180;
	[sflag:s3] =	ssyncadd.s32 $0xFFFFFE00  }
0x19e: {  	[hbm4b:s0+s2] =	stream.linear.scatter [tilespmem:s29], [sflag:$0x1], $0x80, $0x38;
	[tilespmem:$0x1400] =	vst v63  }
0x19f: {  	s31 =	sadd.s32 $0x10, s0  }
0x1a0: {  	s28 =	simm.s32 $0x580;
	s24 =	sadd.s32 $0x20, s0;
	[smem:$0x796] =	sst s31  }
0x1a1: {  	[hbm4b:s31+s2] =	stream.linear.scatter [tilespmem:s28], [sflag:$0x1], $0x80, $0x38;
	[tilespmem:$0x1400] =	vst v63  }
0x1a2: {  	s29 =	simm.s32 $0x980;
	s0 =	sadd.s32 $0x30, s0;
	[smem:$0x797] =	sst s24  }
0x1a3: {  	[hbm4b:s24+s2] =	stream.linear.scatter [tilespmem:s29], [sflag:$0x1], $0x80, $0x38;
	[tilespmem:$0x1400] =	vst v63  }
0x1a4: {  	s26 =	simm.s32 $0xD80;
	[smem:$0x798] =	sst s0  }
0x1a5: {  	[hbm4b:s0+s2] =	stream.linear.scatter [tilespmem:s26], [sflag:$0x1], $0x80, $0x38;
	[tilespmem:$0x1400] =	vst v63  }
0x1a6: {  	_ =	swait.ge [sflag:s3], $0x200  }
0x1a7: {  	s0 =	sld [smem:$0x7F7]  }
0x1a8: {  	[sflag:s3] =	ssyncset.done $0x0  }
0x1a9: {  	s25 =	simm.s32 $0x200;
	[sflag:s3] =	ssyncadd.s32 $0xFFFFFE00  }
0x1aa: {  	[hbm4b:s0+s2] =	stream.linear.scatter [tilespmem:s25], [sflag:$0x1], $0x80, $0x38;
	[tilespmem:$0x1400] =	vst v63  }
0x1ab: {  	s18 =	simm.s32 $0x600;
	s29 =	sadd.s32 $0x10, s0  }
0x1ac: {  	[hbm4b:s29+s2] =	stream.linear.scatter [tilespmem:s18], [sflag:$0x1], $0x80, $0x38;
	[tilespmem:$0x1400] =	vst v63  }
0x1ad: {  	[smem:$0x799] =	sst s29;
	s18 =	sadd.s32 $0x20, s0  }
0x1ae: {  	s25 =	simm.s32 $0xA00;
	s0 =	sadd.s32 $0x30, s0;
	[smem:$0x79A] =	sst s18  }
0x1af: {  	[hbm4b:s18+s2] =	stream.linear.scatter [tilespmem:s25], [sflag:$0x1], $0x80, $0x38;
	[tilespmem:$0x1400] =	vst v63  }
0x1b0: {  	s17 =	simm.s32 $0xE00;
	[smem:$0x79B] =	sst s0  }
0x1b1: {  	[hbm4b:s0+s2] =	stream.linear.scatter [tilespmem:s17], [sflag:$0x1], $0x80, $0x38;
	[tilespmem:$0x1400] =	vst v63  }
0x1b2: {  	_ =	swait.ge [sflag:s3], $0x200  }
0x1b3: {  	s0 =	sld [smem:$0x7F8]  }
0x1b4: {  	[sflag:s3] =	ssyncset.done $0x0  }
0x1b5: {  	s14 =	simm.s32 $0x280;
	[sflag:s3] =	ssyncadd.s32 $0xFFFFFE00  }
0x1b6: {  	[hbm4b:s0+s2] =	stream.linear.scatter [tilespmem:s14], [sflag:$0x1], $0x80, $0x38;
	[tilespmem:$0x1400] =	vst v63  }
0x1b7: {  	s13 =	simm.s32 $0x680;
	s29 =	sadd.s32 $0x10, s0  }
0x1b8: {  	[hbm4b:s29+s2] =	stream.linear.scatter [tilespmem:s13], [sflag:$0x1], $0x80, $0x38;
	[tilespmem:$0x1400] =	vst v63  }
0x1b9: {  	[smem:$0x79C] =	sst s29;
	s13 =	sadd.s32 $0x20, s0  }
0x1ba: {  	s25 =	simm.s32 $0xA80;
	s0 =	sadd.s32 $0x30, s0;
	[smem:$0x79D] =	sst s13  }
0x1bb: {  	[hbm4b:s13+s2] =	stream.linear.scatter [tilespmem:s25], [sflag:$0x1], $0x80, $0x38;
	[tilespmem:$0x1400] =	vst v63  }
0x1bc: {  	s1 =	simm.s32 $0xE80;
	[smem:$0x79E] =	sst s0  }
0x1bd: {  	[hbm4b:s0+s2] =	stream.linear.scatter [tilespmem:s1], [sflag:$0x1], $0x80, $0x38;
	[tilespmem:$0x1400] =	vst v63  }
0x1be: {  	_ =	swait.ge [sflag:s3], $0x200  }
0x1bf: {  	[sflag:s3] =	ssyncset.done $0x0;
	s0 =	rddreg [dreg:$0x1f]  }
0x1c0: {  	s16 =	simm.s32 $0x300;
	[sflag:s3] =	ssyncadd.s32 $0xFFFFFE00;
	s29 =	sadd.s32 $0x10, s0  }
0x1c1: {  	[hbm4b:s0+s2] =	stream.linear.scatter [tilespmem:s16], [sflag:$0x1], $0x80, $0x38;
	[tilespmem:$0x1400] =	vst v63  }
0x1c2: {  	s4 =	simm.s32 $0x700;
	s1 =	sadd.s32 $0x20, s0;
	[smem:$0x79F] =	sst s29  }
0x1c3: {  	[hbm4b:s29+s2] =	stream.linear.scatter [tilespmem:s4], [sflag:$0x1], $0x80, $0x38;
	[tilespmem:$0x1400] =	vst v63  }
0x1c4: {  	s23 =	simm.s32 $0xB00;
	[smem:$0x7A0] =	sst s1;
	s0 =	sadd.s32 $0x30, s0  }
0x1c5: {  	[hbm4b:s1+s2] =	stream.linear.scatter [tilespmem:s23], [sflag:$0x1], $0x80, $0x38;
	[tilespmem:$0x1400] =	vst v63  }
0x1c6: {  	s11 =	simm.s32 $0xF00;
	[smem:$0x7A1] =	sst s0  }
0x1c7: {  	[hbm4b:s0+s2] =	stream.linear.scatter [tilespmem:s11], [sflag:$0x1], $0x80, $0x38;
	[tilespmem:$0x1400] =	vst v63  }
0x1c8: {  	_ =	swait.ge [sflag:s3], $0x200  }
0x1c9: {  	[sflag:s3] =	ssyncset.done $0x0;
	s4 =	rddreg [dreg:$0x1e]  }
0x1ca: {  	s5 =	simm.s32 $0x380;
	[sflag:s3] =	ssyncadd.s32 $0xFFFFFE00;
	s0 =	sadd.s32 $0x30, s4  }
0x1cb: {  	[hbm4b:s4+s2] =	stream.linear.scatter [tilespmem:s5], [sflag:$0x1], $0x80, $0x38;
	[tilespmem:$0x1400] =	vst v63  }
0x1cc: {  	s10 =	simm.s32 $0x780;
	s5 =	sadd.s32 $0x10, s4;
	[smem:$0x7A4] =	sst s0  }
0x1cd: {  	[hbm4b:s5+s2] =	stream.linear.scatter [tilespmem:s10], [sflag:$0x1], $0x80, $0x38;
	[tilespmem:$0x1400] =	vst v63  }
0x1ce: {  	s29 =	simm.s32 $0xB80;
	[smem:$0x7A2] =	sst s5;
	s10 =	sadd.s32 $0x20, s4  }
0x1cf: {  	[hbm4b:s10+s2] =	stream.linear.scatter [tilespmem:s29], [sflag:$0x1], $0x80, $0x38;
	[tilespmem:$0x1400] =	vst v63  }
0x1d0: {  	s9 =	simm.s32 $0xF80;
	[smem:$0x7A3] =	sst s10  }
0x1d1: {  	[hbm4b:s0+s2] =	stream.linear.scatter [tilespmem:s9], [sflag:$0x1], $0x80, $0x38;
	[tilespmem:$0x1400] =	vst v63  }
0x1d2: {  	_ =	swait.ge [sflag:s3], $0x200  }
0x1d3: {  	[sflag:s3] =	ssyncset.done $0x0  }
0x1d4: {  	s1 =	rddreg [dreg:$0x7];
	[sflag:s3] =	ssyncadd.s32 $0xFFFFFE00  }
0x1d5: {  	[tilespmem:s2], [sflag:$0x1] =	stream.linear.gather [hbm4b:s1+s2], $0x1000, $0x38;
	[tilespmem:$0x1400] =	vst v63  }
0x1d6: {  	_ =	swait.ge [sflag:s3], $0x1000  }
0x1d7: {  	[sflag:s3] =	ssyncset.done $0x0;
	s0 =	rddreg [dreg:$0x1d]  }
0x1d8: {  	[sflag:s3] =	ssyncadd.s32 $0xFFFFF000;
	s4 =	sadd.s32 $0x10, s0  }
0x1d9: {  	[hbm4b:s0+s2] =	stream.linear.scatter [tilespmem:s2], [sflag:$0x1], $0x80, $0x38;
	[tilespmem:$0x1400] =	vst v63  }
0x1da: {  	s19 =	simm.s32 $0x400;
	s9 =	sadd.s32 $0x20, s0;
	[smem:$0x7A5] =	sst s4  }
0x1db: {  	[hbm4b:s4+s2] =	stream.linear.scatter [tilespmem:s19], [sflag:$0x1], $0x80, $0x38;
	[tilespmem:$0x1400] =	vst v63  }
0x1dc: {  	s10 =	simm.s32 $0x800;
	[smem:$0x7A6] =	sst s9;
	s0 =	sadd.s32 $0x30, s0  }
0x1dd: {  	[hbm4b:s9+s2] =	stream.linear.scatter [tilespmem:s10], [sflag:$0x1], $0x80, $0x38;
	[tilespmem:$0x1400] =	vst v63  }
0x1de: {  	s20 =	simm.s32 $0xC00;
	[smem:$0x7A7] =	sst s0  }
0x1df: {  	[hbm4b:s0+s2] =	stream.linear.scatter [tilespmem:s20], [sflag:$0x1], $0x80, $0x38;
	[tilespmem:$0x1400] =	vst v63  }
0x1e0: {  	_ =	swait.ge [sflag:s3], $0x200  }
0x1e1: {  	[sflag:s3] =	ssyncset.done $0x0;
	s19 =	rddreg [dreg:$0x1c]  }
0x1e2: {  	s21 =	simm.s32 $0x80;
	[sflag:s3] =	ssyncadd.s32 $0xFFFFFE00;
	s20 =	sadd.s32 $0x10, s19  }
0x1e3: {  	[hbm4b:s19+s2] =	stream.linear.scatter [tilespmem:s21], [sflag:$0x1], $0x80, $0x38;
	[tilespmem:$0x1400] =	vst v63  }
0x1e4: {  	s8 =	simm.s32 $0x480;
	s0 =	sadd.s32 $0x30, s19;
	[smem:$0x7A8] =	sst s20  }
0x1e5: {  	[hbm4b:s20+s2] =	stream.linear.scatter [tilespmem:s8], [sflag:$0x1], $0x80, $0x38;
	[tilespmem:$0x1400] =	vst v63  }
0x1e6: {  	s22 =	simm.s32 $0x880;
	s21 =	sadd.s32 $0x20, s19;
	[smem:$0x7AA] =	sst s0  }
0x1e7: {  	[hbm4b:s21+s2] =	stream.linear.scatter [tilespmem:s22], [sflag:$0x1], $0x80, $0x38;
	[tilespmem:$0x1400] =	vst v63  }
0x1e8: {  	s7 =	simm.s32 $0xC80;
	[smem:$0x7A9] =	sst s21  }
0x1e9: {  	[hbm4b:s0+s2] =	stream.linear.scatter [tilespmem:s7], [sflag:$0x1], $0x80, $0x38;
	[tilespmem:$0x1400] =	vst v63  }
0x1ea: {  	_ =	swait.ge [sflag:s3], $0x200  }
0x1eb: {  	[sflag:s3] =	ssyncset.done $0x0;
	s8 =	rddreg [dreg:$0x1b]  }
0x1ec: {  	s30 =	simm.s32 $0x100;
	[sflag:s3] =	ssyncadd.s32 $0xFFFFFE00;
	s10 =	sadd.s32 $0x10, s8  }
0x1ed: {  	[hbm4b:s8+s2] =	stream.linear.scatter [tilespmem:s30], [sflag:$0x1], $0x80, $0x38;
	[tilespmem:$0x1400] =	vst v63  }
0x1ee: {  	s12 =	simm.s32 $0x500;
	s19 =	sadd.s32 $0x20, s8;
	[smem:$0x7AB] =	sst s10  }
0x1ef: {  	[hbm4b:s10+s2] =	stream.linear.scatter [tilespmem:s12], [sflag:$0x1], $0x80, $0x38;
	[tilespmem:$0x1400] =	vst v63  }
0x1f0: {  	s20 =	simm.s32 $0x900;
	s0 =	sadd.s32 $0x30, s8;
	[smem:$0x7AC] =	sst s19  }
0x1f1: {  	[hbm4b:s19+s2] =	stream.linear.scatter [tilespmem:s20], [sflag:$0x1], $0x80, $0x38;
	[tilespmem:$0x1400] =	vst v63  }
0x1f2: {  	[smem:$0x7AD] =	sst s0;
	s30 =	simm.s32 $0xD00  }
0x1f3: {  	[hbm4b:s0+s2] =	stream.linear.scatter [tilespmem:s30], [sflag:$0x1], $0x80, $0x38;
	[tilespmem:$0x1400] =	vst v63  }
0x1f4: {  	_ =	swait.ge [sflag:s3], $0x200  }
0x1f5: {  	[sflag:s3] =	ssyncset.done $0x0;
	s8 =	rddreg [dreg:$0x1a]  }
0x1f6: {  	s10 =	simm.s32 $0x180;
	[sflag:s3] =	ssyncadd.s32 $0xFFFFFE00;
	s12 =	sadd.s32 $0x10, s8  }
0x1f7: {  	[hbm4b:s8+s2] =	stream.linear.scatter [tilespmem:s10], [sflag:$0x1], $0x80, $0x38;
	[tilespmem:$0x1400] =	vst v63  }
0x1f8: {  	s31 =	simm.s32 $0x580;
	s19 =	sadd.s32 $0x20, s8;
	[smem:$0x7AE] =	sst s12  }
0x1f9: {  	[hbm4b:s12+s2] =	stream.linear.scatter [tilespmem:s31], [sflag:$0x1], $0x80, $0x38;
	[tilespmem:$0x1400] =	vst v63  }
0x1fa: {  	s0 =	sadd.s32 $0x30, s8;
	[smem:$0x7AF] =	sst s19;
	s31 =	simm.s32 $0x980  }
0x1fb: {  	[hbm4b:s19+s2] =	stream.linear.scatter [tilespmem:s31], [sflag:$0x1], $0x80, $0x38;
	[tilespmem:$0x1400] =	vst v63  }
0x1fc: {  	s28 =	simm.s32 $0xD80;
	[smem:$0x7B0] =	sst s0  }
0x1fd: {  	[hbm4b:s0+s2] =	stream.linear.scatter [tilespmem:s28], [sflag:$0x1], $0x80, $0x38;
	[tilespmem:$0x1400] =	vst v63  }
0x1fe: {  	_ =	swait.ge [sflag:s3], $0x200  }
0x1ff: {  	[sflag:s3] =	ssyncset.done $0x0;
	s8 =	rddreg [dreg:$0x19]  }
0x200: {  	s26 =	simm.s32 $0x200;
	[sflag:s3] =	ssyncadd.s32 $0xFFFFFE00;
	s10 =	sadd.s32 $0x10, s8  }
0x201: {  	[hbm4b:s8+s2] =	stream.linear.scatter [tilespmem:s26], [sflag:$0x1], $0x80, $0x38;
	[tilespmem:$0x1400] =	vst v63  }
0x202: {  	s24 =	simm.s32 $0x600;
	s0 =	sadd.s32 $0x30, s8;
	[smem:$0x7B1] =	sst s10  }
0x203: {  	[hbm4b:s10+s2] =	stream.linear.scatter [tilespmem:s24], [sflag:$0x1], $0x80, $0x38;
	[tilespmem:$0x1400] =	vst v63  }
0x204: {  	s26 =	simm.s32 $0xA00;
	[smem:$0x7B3] =	sst s0;
	s24 =	sadd.s32 $0x20, s8  }
0x205: {  	[hbm4b:s24+s2] =	stream.linear.scatter [tilespmem:s26], [sflag:$0x1], $0x80, $0x38;
	[tilespmem:$0x1400] =	vst v63  }
0x206: {  	s18 =	simm.s32 $0xE00;
	[smem:$0x7B2] =	sst s24  }
0x207: {  	[hbm4b:s0+s2] =	stream.linear.scatter [tilespmem:s18], [sflag:$0x1], $0x80, $0x38;
	[tilespmem:$0x1400] =	vst v63  }
0x208: {  	_ =	swait.ge [sflag:s3], $0x200  }
0x209: {  	[sflag:s3] =	ssyncset.done $0x0;
	s0 =	rddreg [dreg:$0x18]  }
0x20a: {  	s17 =	simm.s32 $0x280;
	[sflag:s3] =	ssyncadd.s32 $0xFFFFFE00;
	s7 =	sadd.s32 $0x10, s0  }
0x20b: {  	[hbm4b:s0+s2] =	stream.linear.scatter [tilespmem:s17], [sflag:$0x1], $0x80, $0x38;
	[tilespmem:$0x1400] =	vst v63  }
0x20c: {  	s14 =	simm.s32 $0x680;
	[smem:$0x7B4] =	sst s7;
	s17 =	sadd.s32 $0x20, s0  }
0x20d: {  	[hbm4b:s7+s2] =	stream.linear.scatter [tilespmem:s14], [sflag:$0x1], $0x80, $0x38;
	[tilespmem:$0x1400] =	vst v63  }
0x20e: {  	s18 =	simm.s32 $0xA80;
	s0 =	sadd.s32 $0x30, s0;
	[smem:$0x7B5] =	sst s17  }
0x20f: {  	[hbm4b:s17+s2] =	stream.linear.scatter [tilespmem:s18], [sflag:$0x1], $0x80, $0x38;
	[tilespmem:$0x1400] =	vst v63  }
0x210: {  	s13 =	simm.s32 $0xE80;
	[smem:$0x7B6] =	sst s0  }
0x211: {  	[hbm4b:s0+s2] =	stream.linear.scatter [tilespmem:s13], [sflag:$0x1], $0x80, $0x38;
	[tilespmem:$0x1400] =	vst v63  }
0x212: {  	_ =	swait.ge [sflag:s3], $0x200  }
0x213: {  	[sflag:s3] =	ssyncset.done $0x0  }
0x214: {  	s25 =	simm.s32 $0x300;
	s0 =	rddreg [dreg:$0x17];
	[sflag:s3] =	ssyncadd.s32 $0xFFFFFE00  }
0x215: {  	[hbm4b:s0+s2] =	stream.linear.scatter [tilespmem:s25], [sflag:$0x1], $0x80, $0x38;
	[tilespmem:$0x1400] =	vst v63  }
0x216: {  	s16 =	simm.s32 $0x700;
	s14 =	sadd.s32 $0x10, s0  }
0x217: {  	[hbm4b:s14+s2] =	stream.linear.scatter [tilespmem:s16], [sflag:$0x1], $0x80, $0x38;
	[tilespmem:$0x1400] =	vst v63  }
0x218: {  	[smem:$0x7B7] =	sst s14;
	s16 =	sadd.s32 $0x20, s0  }
0x219: {  	s17 =	simm.s32 $0xB00;
	s0 =	sadd.s32 $0x30, s0;
	[smem:$0x7B8] =	sst s16  }
0x21a: {  	[hbm4b:s16+s2] =	stream.linear.scatter [tilespmem:s17], [sflag:$0x1], $0x80, $0x38;
	[tilespmem:$0x1400] =	vst v63  }
0x21b: {  	s23 =	simm.s32 $0xF00;
	[smem:$0x7B9] =	sst s0  }
0x21c: {  	[hbm4b:s0+s2] =	stream.linear.scatter [tilespmem:s23], [sflag:$0x1], $0x80, $0x38;
	[tilespmem:$0x1400] =	vst v63  }
0x21d: {  	_ =	swait.ge [sflag:s3], $0x200  }
0x21e: {  	[sflag:s3] =	ssyncset.done $0x0  }
0x21f: {  	s11 =	simm.s32 $0x380;
	s0 =	rddreg [dreg:$0x16];
	[sflag:s3] =	ssyncadd.s32 $0xFFFFFE00  }
0x220: {  	[hbm4b:s0+s2] =	stream.linear.scatter [tilespmem:s11], [sflag:$0x1], $0x80, $0x38;
	[tilespmem:$0x1400] =	vst v63  }
0x221: {  	s5 =	simm.s32 $0x780;
	s16 =	sadd.s32 $0x10, s0  }
0x222: {  	[hbm4b:s16+s2] =	stream.linear.scatter [tilespmem:s5], [sflag:$0x1], $0x80, $0x38;
	[tilespmem:$0x1400] =	vst v63  }
0x223: {  	[smem:$0x7BA] =	sst s16;
	s5 =	sadd.s32 $0x20, s0  }
0x224: {  	s11 =	simm.s32 $0xB80;
	s0 =	sadd.s32 $0x30, s0;
	[smem:$0x7BB] =	sst s5  }
0x225: {  	[hbm4b:s5+s2] =	stream.linear.scatter [tilespmem:s11], [sflag:$0x1], $0x80, $0x38;
	[tilespmem:$0x1400] =	vst v63  }
0x226: {  	s29 =	simm.s32 $0xF80;
	[smem:$0x7BC] =	sst s0  }
0x227: {  	[hbm4b:s0+s2] =	stream.linear.scatter [tilespmem:s29], [sflag:$0x1], $0x80, $0x38;
	[tilespmem:$0x1400] =	vst v63  }
0x228: {  	_ =	swait.ge [sflag:s3], $0x200  }
0x229: {  	[sflag:s3] =	ssyncset.done $0x0  }
0x22a: {  	s0 =	rddreg [dreg:$0x8];
	[sflag:s3] =	ssyncadd.s32 $0xFFFFFE00  }
0x22b: {  	[tilespmem:s2], [sflag:$0x1] =	stream.linear.gather [hbm4b:s0+s2], $0x1000, $0x38;
	[tilespmem:$0x1400] =	vst v63  }
0x22c: {  	_ =	swait.ge [sflag:s3], $0x1000  }
0x22d: {  	[sflag:s3] =	ssyncset.done $0x0  }
0x22e: {  	s15 =	sadd.s32 $0x10, s6;
	[sflag:s3] =	ssyncadd.s32 $0xFFFFF000  }
0x22f: {  	[hbm4b:s6+s2] =	stream.linear.scatter [tilespmem:s2], [sflag:$0x1], $0x80, $0x38;
	[tilespmem:$0x1400] =	vst v63  }
0x230: {  	s29 =	simm.s32 $0x400;
	s0 =	sadd.s32 $0x20, s6;
	[smem:$0x7BD] =	sst s15  }
0x231: {  	[hbm4b:s15+s2] =	stream.linear.scatter [tilespmem:s29], [sflag:$0x1], $0x80, $0x38;
	[tilespmem:$0x1400] =	vst v63  }
0x232: {  	[smem:$0x7BE] =	sst s0;
	s15 =	simm.s32 $0x800  }
0x233: {  	[hbm4b:s0+s2] =	stream.linear.scatter [tilespmem:s15], [sflag:$0x1], $0x80, $0x38;
	[tilespmem:$0x1400] =	vst v63  }
0x234: {  	[smem:$0x7BF] =	sst s6;
	s15 =	sadd.s32 $0x30, s6  }
0x235: {  	s4 =	simm.s32 $0xC00;
	[smem:$0x7C0] =	sst s15  }
0x236: {  	[hbm4b:s15+s2] =	stream.linear.scatter [tilespmem:s4], [sflag:$0x1], $0x80, $0x38;
	[tilespmem:$0x1400] =	vst v63  }
0x237: {  	_ =	swait.ge [sflag:s3], $0x200  }
0x238: {  	[sflag:s3] =	ssyncset.done $0x0;
	s15 =	rddreg [dreg:$0x15]  }
0x239: {  	s9 =	simm.s32 $0x80;
	[sflag:s3] =	ssyncadd.s32 $0xFFFFFE00;
	s4 =	sadd.s32 $0x10, s15  }
0x23a: {  	[hbm4b:s15+s2] =	stream.linear.scatter [tilespmem:s9], [sflag:$0x1], $0x80, $0x38;
	[tilespmem:$0x1400] =	vst v63  }
0x23b: {  	s1 =	simm.s32 $0x480;
	s6 =	sadd.s32 $0x20, s15;
	[smem:$0x7C1] =	sst s4  }
0x23c: {  	[hbm4b:s4+s2] =	stream.linear.scatter [tilespmem:s1], [sflag:$0x1], $0x80, $0x38;
	[tilespmem:$0x1400] =	vst v63  }
0x23d: {  	[smem:$0x7C2] =	sst s6;
	s9 =	simm.s32 $0x880;
	s15 =	sadd.s32 $0x30, s15  }
0x23e: {  	[hbm4b:s6+s2] =	stream.linear.scatter [tilespmem:s9], [sflag:$0x1], $0x80, $0x38;
	[tilespmem:$0x1400] =	vst v63  }
0x23f: {  	s21 =	simm.s32 $0xC80;
	[smem:$0x7C3] =	sst s15  }
0x240: {  	[hbm4b:s15+s2] =	stream.linear.scatter [tilespmem:s21], [sflag:$0x1], $0x80, $0x38;
	[tilespmem:$0x1400] =	vst v63  }
0x241: {  	_ =	swait.ge [sflag:s3], $0x200  }
0x242: {  	[sflag:s3] =	ssyncset.done $0x0;
	s21 =	rddreg [dreg:$0x14]  }
0x243: {  	s4 =	simm.s32 $0x100;
	[sflag:s3] =	ssyncadd.s32 $0xFFFFFE00;
	s1 =	sadd.s32 $0x10, s21  }
0x244: {  	[hbm4b:s21+s2] =	stream.linear.scatter [tilespmem:s4], [sflag:$0x1], $0x80, $0x38;
	[tilespmem:$0x1400] =	vst v63  }
0x245: {  	s22 =	simm.s32 $0x500;
	s6 =	sadd.s32 $0x20, s21;
	[smem:$0x7C4] =	sst s1  }
0x246: {  	[hbm4b:s1+s2] =	stream.linear.scatter [tilespmem:s22], [sflag:$0x1], $0x80, $0x38;
	[tilespmem:$0x1400] =	vst v63  }
0x247: {  	s9 =	simm.s32 $0x900;
	s15 =	sadd.s32 $0x30, s21;
	[smem:$0x7C5] =	sst s6  }
0x248: {  	[hbm4b:s6+s2] =	stream.linear.scatter [tilespmem:s9], [sflag:$0x1], $0x80, $0x38;
	[tilespmem:$0x1400] =	vst v63  }
0x249: {  	[smem:$0x7C6] =	sst s15;
	s21 =	simm.s32 $0xD00  }
0x24a: {  	[hbm4b:s15+s2] =	stream.linear.scatter [tilespmem:s21], [sflag:$0x1], $0x80, $0x38;
	[tilespmem:$0x1400] =	vst v63  }
0x24b: {  	_ =	swait.ge [sflag:s3], $0x200  }
0x24c: {  	s20 =	simm.s32 $0x580;
	[sflag:s3] =	ssyncset.done $0x0;
	s22 =	rddreg [dreg:$0x13]  }
0x24d: {  	s30 =	simm.s32 $0x180;
	[sflag:s3] =	ssyncadd.s32 $0xFFFFFE00;
	s1 =	sadd.s32 $0x20, s22  }
0x24e: {  	[hbm4b:s22+s2] =	stream.linear.scatter [tilespmem:s30], [sflag:$0x1], $0x80, $0x38;
	[tilespmem:$0x1400] =	vst v63  }
0x24f: {  	s6 =	sadd.s32 $0x30, s22;
	s30 =	sadd.s32 $0x10, s22;
	[smem:$0x7C8] =	sst s1  }
0x250: {  	[hbm4b:s30+s2] =	stream.linear.scatter [tilespmem:s20], [sflag:$0x1], $0x80, $0x38;
	[tilespmem:$0x1400] =	vst v63  }
0x251: {  	s31 =	simm.s32 $0x980;
	[smem:$0x7C9] =	sst s6  }
0x252: {  	[hbm4b:s1+s2] =	stream.linear.scatter [tilespmem:s31], [sflag:$0x1], $0x80, $0x38;
	[tilespmem:$0x1400] =	vst v63  }
0x253: {  	s19 =	simm.s32 $0xD80;
	[smem:$0x7C7] =	sst s30  }
0x254: {  	[hbm4b:s6+s2] =	stream.linear.scatter [tilespmem:s19], [sflag:$0x1], $0x80, $0x38;
	[tilespmem:$0x1400] =	vst v63  }
0x255: {  	_ =	swait.ge [sflag:s3], $0x200  }
0x256: {  	[sflag:s3] =	ssyncset.done $0x0;
	s9 =	rddreg [dreg:$0x12]  }
0x257: {  	s12 =	simm.s32 $0x200;
	[sflag:s3] =	ssyncadd.s32 $0xFFFFFE00;
	s19 =	sadd.s32 $0x10, s9  }
0x258: {  	[hbm4b:s9+s2] =	stream.linear.scatter [tilespmem:s12], [sflag:$0x1], $0x80, $0x38;
	[tilespmem:$0x1400] =	vst v63  }
0x259: {  	s10 =	simm.s32 $0x600;
	s20 =	sadd.s32 $0x20, s9;
	[smem:$0x7CA] =	sst s19  }
0x25a: {  	[hbm4b:s19+s2] =	stream.linear.scatter [tilespmem:s10], [sflag:$0x1], $0x80, $0x38;
	[tilespmem:$0x1400] =	vst v63  }
0x25b: {  	s26 =	simm.s32 $0xA00;
	s21 =	sadd.s32 $0x30, s9;
	[smem:$0x7CB] =	sst s20  }
0x25c: {  	[hbm4b:s20+s2] =	stream.linear.scatter [tilespmem:s26], [sflag:$0x1], $0x80, $0x38;
	[tilespmem:$0x1400] =	vst v63  }
0x25d: {  	s8 =	simm.s32 $0xE00;
	[smem:$0x7CC] =	sst s21  }
0x25e: {  	[hbm4b:s21+s2] =	stream.linear.scatter [tilespmem:s8], [sflag:$0x1], $0x80, $0x38;
	[tilespmem:$0x1400] =	vst v63  }
0x25f: {  	_ =	swait.ge [sflag:s3], $0x200  }
0x260: {  	s22 =	sld [smem:$0x7F9]  }
0x261: {  	[sflag:s3] =	ssyncset.done $0x0  }
0x262: {  	s28 =	simm.s32 $0x280;
	[sflag:s3] =	ssyncadd.s32 $0xFFFFFE00  }
0x263: {  	[hbm4b:s22+s2] =	stream.linear.scatter [tilespmem:s28], [sflag:$0x1], $0x80, $0x38;
	[tilespmem:$0x1400] =	vst v63  }
0x264: {  	s26 =	sadd.s32 $0x10, s22  }
0x265: {  	s24 =	simm.s32 $0x680;
	s30 =	sadd.s32 $0x20, s22;
	[smem:$0x7CD] =	sst s26  }
0x266: {  	[hbm4b:s26+s2] =	stream.linear.scatter [tilespmem:s24], [sflag:$0x1], $0x80, $0x38;
	[tilespmem:$0x1400] =	vst v63  }
0x267: {  	s7 =	simm.s32 $0xA80;
	s0 =	sadd.s32 $0x30, s22;
	[smem:$0x7CE] =	sst s30  }
0x268: {  	[hbm4b:s30+s2] =	stream.linear.scatter [tilespmem:s7], [sflag:$0x1], $0x80, $0x38;
	[tilespmem:$0x1400] =	vst v63  }
0x269: {  	s18 =	simm.s32 $0xE80;
	[smem:$0x7CF] =	sst s0  }
0x26a: {  	[hbm4b:s0+s2] =	stream.linear.scatter [tilespmem:s18], [sflag:$0x1], $0x80, $0x38;
	[tilespmem:$0x1400] =	vst v63  }
0x26b: {  	_ =	swait.ge [sflag:s3], $0x200  }
0x26c: {  	s31 =	sld [smem:$0x7FA]  }
0x26d: {  	[sflag:s3] =	ssyncset.done $0x0  }
0x26e: {  	s25 =	simm.s32 $0x300;
	[sflag:s3] =	ssyncadd.s32 $0xFFFFFE00  }
0x26f: {  	[hbm4b:s31+s2] =	stream.linear.scatter [tilespmem:s25], [sflag:$0x1], $0x80, $0x38;
	[tilespmem:$0x1400] =	vst v63  }
0x270: {  	s6 =	sadd.s32 $0x10, s31  }
0x271: {  	s14 =	simm.s32 $0x700;
	s7 =	sadd.s32 $0x20, s31;
	[smem:$0x7D0] =	sst s6  }
0x272: {  	[hbm4b:s6+s2] =	stream.linear.scatter [tilespmem:s14], [sflag:$0x1], $0x80, $0x38;
	[tilespmem:$0x1400] =	vst v63  }
0x273: {  	s13 =	simm.s32 $0xB00;
	s0 =	sadd.s32 $0x30, s31;
	[smem:$0x7D1] =	sst s7  }
0x274: {  	[hbm4b:s7+s2] =	stream.linear.scatter [tilespmem:s13], [sflag:$0x1], $0x80, $0x38;
	[tilespmem:$0x1400] =	vst v63  }
0x275: {  	s23 =	simm.s32 $0xF00;
	[smem:$0x7D2] =	sst s0  }
0x276: {  	[hbm4b:s0+s2] =	stream.linear.scatter [tilespmem:s23], [sflag:$0x1], $0x80, $0x38;
	[tilespmem:$0x1400] =	vst v63  }
0x277: {  	_ =	swait.ge [sflag:s3], $0x200  }
0x278: {  	s8 =	sld [smem:$0x7FB]  }
0x279: {  	[sflag:s3] =	ssyncset.done $0x0  }
0x27a: {  	s17 =	simm.s32 $0x380;
	[sflag:s3] =	ssyncadd.s32 $0xFFFFFE00  }
0x27b: {  	[hbm4b:s8+s2] =	stream.linear.scatter [tilespmem:s17], [sflag:$0x1], $0x80, $0x38;
	[tilespmem:$0x1400] =	vst v63  }
0x27c: {  	s9 =	sadd.s32 $0x10, s8  }
0x27d: {  	s16 =	simm.s32 $0x780;
	s10 =	sadd.s32 $0x20, s8;
	[smem:$0x7D3] =	sst s9  }
0x27e: {  	[hbm4b:s9+s2] =	stream.linear.scatter [tilespmem:s16], [sflag:$0x1], $0x80, $0x38;
	[tilespmem:$0x1400] =	vst v63  }
0x27f: {  	s5 =	simm.s32 $0xB80;
	s0 =	sadd.s32 $0x30, s8;
	[smem:$0x7D4] =	sst s10  }
0x280: {  	[hbm4b:s10+s2] =	stream.linear.scatter [tilespmem:s5], [sflag:$0x1], $0x80, $0x38;
	[tilespmem:$0x1400] =	vst v63  }
0x281: {  	s11 =	simm.s32 $0xF80;
	[smem:$0x7D5] =	sst s0  }
0x282: {  	[hbm4b:s0+s2] =	stream.linear.scatter [tilespmem:s11], [sflag:$0x1], $0x80, $0x38;
	[tilespmem:$0x1400] =	vst v63  }
0x283: {  	_ =	swait.ge [sflag:s3], $0x200  }
0x284: {  	[sflag:s3] =	ssyncset.done $0x0  }
0x285: {  	s13 =	simm.s32 $0x1000;
	s12 =	rddreg [dreg:$0x9];
	[sflag:s3] =	ssyncadd.s32 $0xFFFFFE00  }
0x286: {  	[tilespmem:s13], [sflag:$0x1] =	stream.strided.gather [hbm4b:s12+s4], $0x400, s29, s4, $0x38;
	[tilespmem:$0x1400] =	vst v63  }
0x287: {  	_ =	swait.ge [sflag:s3], $0x400  }
0x288: {  	s16 =	sld [smem:$0x7FC]  }
0x289: {  	[sflag:s3] =	ssyncset.done $0x0;
	s14 =	rddreg [dreg:$0xa]  }
0x28a: {  	s18 =	rddreg [dreg:$0xb];
	[sflag:s3] =	ssyncadd.s32 $0xFFFFFC00  }
0x28b: {  	[hbm4b:s16+s2] =	stream.linear.scatter [tilespmem:s13], [sflag:$0x1], $0x80, $0x38;
	[tilespmem:$0x1400] =	vst v63  }
0x28c: {  	s20 =	rddreg [dreg:$0xc];
	s17 =	sadd.s32 $0x10, s16  }
0x28d: {  	s19 =	sadd.s32 $0x20, s16;
	[smem:$0x7D6] =	sst s17  }
0x28e: {  	[hbm4b:s17+s2] =	stream.linear.scatter [tilespmem:s14], [sflag:$0x1], $0x80, $0x38;
	[tilespmem:$0x1400] =	vst v63  }
0x28f: {  	s0 =	sadd.s32 $0x30, s16;
	[smem:$0x7D7] =	sst s19  }
0x290: {  	[hbm4b:s19+s2] =	stream.linear.scatter [tilespmem:s18], [sflag:$0x1], $0x80, $0x38;
	[tilespmem:$0x1400] =	vst v63  }
0x291: {  	[smem:$0x7D8] =	sst s0  }
0x292: {  	[hbm4b:s0+s2] =	stream.linear.scatter [tilespmem:s20], [sflag:$0x1], $0x80, $0x38;
	[tilespmem:$0x1400] =	vst v63  }
0x293: {  	_ =	swait.ge [sflag:s3], $0x200  }
0x294: {  	s21 =	rddreg [dreg:$0xd]  }
0x295: {  	s22 =	rddreg [dreg:$0xe]  }
0x296: {  	s23 =	rddreg [dreg:$0x11]  }
0x297: {  	[sflag:s3] =	ssyncset.done $0x0;
	s25 =	rddreg [dreg:$0xf]  }
0x298: {  	s31 =	sld [smem:$0x7DC];
	[sflag:s3] =	ssyncadd.s32 $0xFFFFFE00  }
0x299: {  	[hbm4b:s23+s2] =	stream.linear.scatter [tilespmem:s21], [sflag:$0x1], $0x80, $0x38;
	[tilespmem:$0x1400] =	vst v63  }
0x29a: {  	s29 =	rddreg [dreg:$0x10];
	s24 =	sadd.s32 $0x10, s23  }
0x29b: {  	[hbm4b:s24+s2] =	stream.linear.scatter [tilespmem:s22], [sflag:$0x1], $0x80, $0x38;
	[tilespmem:$0x1400] =	vst v63  }
0x29c: {  	s26 =	sadd.s32 $0x20, s23;
	[smem:$0x7D9] =	sst s24;
	p1 =	sne.s32 s31, $0x1  }
0x29d: {  	[hbm4b:s26+s2] =	stream.linear.scatter [tilespmem:s25], [sflag:$0x1], $0x80, $0x38;
	[tilespmem:$0x1400] =	vst v63  }
.Ltmp1:
0x29e: {  	s30 =	sadd.s32 $0x30, s23;
	[smem:$0x7DA] =	sst s26;
	(pc) =	sbr.rel @!p1 .LBB2_2-.Ltmp1, $4  }
0x29f: {  	[smem:$0x7DB] =	sst s30  }
0x2a0: {  	[hbm4b:s30+s2] =	stream.linear.scatter [tilespmem:s29], [sflag:$0x1], $0x80, $0x38;
	[tilespmem:$0x1400] =	vst v63  }
0x2a1: {  	_ =	swait.ge [sflag:s3], $0x200  }
0x2a2: {  	p0 =	por $0x1, $0x1;
	s28 =	sadd.s32 $0xFFFFFFFF, s31;
	[sflag:s3] =	ssyncset.done $0x0  }
.LBB2_3:
0x2a3: {  	s17 =	rddreg [dreg:$0x3];
	[sflag:s3] =	ssyncadd.s32 $0xFFFFFE00  }
0x2a4: {  	[tilespmem:s2], [sflag:$0x1] =	stream.linear.gather [hbm4b:s17+s2], $0x1000, $0x38;
	[tilespmem:$0x1400] =	vst v63  }
0x2a5: {  	_ =	swait.ge [sflag:s3], $0x1000  }
0x2a6: {  	s0 =	sld [smem:$0x7FD]  }
0x2a7: {  	[sflag:s3] =	ssyncset.done $0x0  }
0x2a8: {  	s11 =	sld [smem:$0x744];
	[sflag:s3] =	ssyncadd.s32 $0xFFFFF000  }
0x2a9: {  	[hbm4b:s0+s2] =	stream.linear.scatter [tilespmem:s2], [sflag:$0x1], $0x80, $0x38;
	[tilespmem:$0x1400] =	vst v63  }
0x2aa: {  	s1 =	simm.s32 $0x400;
	s13 =	sld [smem:$0x745]  }
0x2ab: {  	[hbm4b:s11+s2] =	stream.linear.scatter [tilespmem:s1], [sflag:$0x1], $0x80, $0x38;
	[tilespmem:$0x1400] =	vst v63  }
0x2ac: {  	s12 =	simm.s32 $0x800;
	s15 =	sld [smem:$0x746]  }
0x2ad: {  	[hbm4b:s13+s2] =	stream.linear.scatter [tilespmem:s12], [sflag:$0x1], $0x80, $0x38;
	[tilespmem:$0x1400] =	vst v63  }
0x2ae: {  	s14 =	simm.s32 $0xC00  }
0x2af: {  	[hbm4b:s15+s2] =	stream.linear.scatter [tilespmem:s14], [sflag:$0x1], $0x80, $0x38;
	[tilespmem:$0x1400] =	vst v63  }
0x2b0: {  	_ =	swait.ge [sflag:s3], $0x200  }
0x2b1: {  	s17 =	sld [smem:$0x75B]  }
0x2b2: {  	[sflag:s3] =	ssyncset.done $0x0  }
0x2b3: {  	s16 =	simm.s32 $0x80;
	s19 =	sld [smem:$0x747];
	[sflag:s3] =	ssyncadd.s32 $0xFFFFFE00  }
0x2b4: {  	[hbm4b:s17+s2] =	stream.linear.scatter [tilespmem:s16], [sflag:$0x1], $0x80, $0x38;
	[tilespmem:$0x1400] =	vst v63  }
0x2b5: {  	s18 =	simm.s32 $0x480;
	s21 =	sld [smem:$0x748]  }
0x2b6: {  	[hbm4b:s19+s2] =	stream.linear.scatter [tilespmem:s18], [sflag:$0x1], $0x80, $0x38;
	[tilespmem:$0x1400] =	vst v63  }
0x2b7: {  	s20 =	simm.s32 $0x880;
	s23 =	sld [smem:$0x749]  }
0x2b8: {  	[hbm4b:s21+s2] =	stream.linear.scatter [tilespmem:s20], [sflag:$0x1], $0x80, $0x38;
	[tilespmem:$0x1400] =	vst v63  }
0x2b9: {  	s22 =	simm.s32 $0xC80  }
0x2ba: {  	[hbm4b:s23+s2] =	stream.linear.scatter [tilespmem:s22], [sflag:$0x1], $0x80, $0x38;
	[tilespmem:$0x1400] =	vst v63  }
0x2bb: {  	_ =	swait.ge [sflag:s3], $0x200  }
0x2bc: {  	s24 =	sld [smem:$0x7DD]  }
0x2bd: {  	[sflag:s3] =	ssyncset.done $0x0  }
0x2be: {  	s25 =	simm.s32 $0x100;
	s29 =	sld [smem:$0x74A];
	[sflag:s3] =	ssyncadd.s32 $0xFFFFFE00  }
0x2bf: {  	[hbm4b:s24+s2] =	stream.linear.scatter [tilespmem:s25], [sflag:$0x1], $0x80, $0x38;
	[tilespmem:$0x1400] =	vst v63  }
0x2c0: {  	s26 =	simm.s32 $0x500;
	s31 =	sld [smem:$0x74B]  }
0x2c1: {  	[hbm4b:s29+s2] =	stream.linear.scatter [tilespmem:s26], [sflag:$0x1], $0x80, $0x38;
	[tilespmem:$0x1400] =	vst v63  }
0x2c2: {  	s30 =	simm.s32 $0x900;
	s0 =	sld [smem:$0x74C]  }
0x2c3: {  	[hbm4b:s31+s2] =	stream.linear.scatter [tilespmem:s30], [sflag:$0x1], $0x80, $0x38;
	[tilespmem:$0x1400] =	vst v63  }
0x2c4: {  	s7 =	simm.s32 $0xD00  }
0x2c5: {  	[hbm4b:s0+s2] =	stream.linear.scatter [tilespmem:s7], [sflag:$0x1], $0x80, $0x38;
	[tilespmem:$0x1400] =	vst v63  }
0x2c6: {  	_ =	swait.ge [sflag:s3], $0x200  }
0x2c7: {  	[sflag:s3] =	ssyncset.done $0x0  }
0x2c8: {  	[sflag:s3] =	ssyncadd.s32 $0xFFFFFE00  }
0x2c9: {  	s8 =	sld [smem:$0x7DE];
	_ =	sdelay $0x1  }
0x2ca: {  	s9 =	simm.s32 $0x180;
	s10 =	sld [smem:$0x74D]  }
0x2cb: {  	[hbm4b:s8+s2] =	stream.linear.scatter [tilespmem:s9], [sflag:$0x1], $0x80, $0x38;
	[tilespmem:$0x1400] =	vst v63  }
0x2cc: {  	s11 =	simm.s32 $0x580;
	s13 =	sld [smem:$0x74E]  }
0x2cd: {  	[hbm4b:s10+s2] =	stream.linear.scatter [tilespmem:s11], [sflag:$0x1], $0x80, $0x38;
	[tilespmem:$0x1400] =	vst v63  }
0x2ce: {  	s15 =	simm.s32 $0x980;
	s16 =	sld [smem:$0x74F]  }
0x2cf: {  	[hbm4b:s13+s2] =	stream.linear.scatter [tilespmem:s15], [sflag:$0x1], $0x80, $0x38;
	[tilespmem:$0x1400] =	vst v63  }
0x2d0: {  	s18 =	simm.s32 $0xD80  }
0x2d1: {  	[hbm4b:s16+s2] =	stream.linear.scatter [tilespmem:s18], [sflag:$0x1], $0x80, $0x38;
	[tilespmem:$0x1400] =	vst v63  }
0x2d2: {  	_ =	swait.ge [sflag:s3], $0x200  }
0x2d3: {  	s19 =	sld [smem:$0x7DF]  }
0x2d4: {  	[sflag:s3] =	ssyncset.done $0x0  }
0x2d5: {  	s20 =	simm.s32 $0x200;
	s22 =	sld [smem:$0x750];
	[sflag:s3] =	ssyncadd.s32 $0xFFFFFE00  }
0x2d6: {  	[hbm4b:s19+s2] =	stream.linear.scatter [tilespmem:s20], [sflag:$0x1], $0x80, $0x38;
	[tilespmem:$0x1400] =	vst v63  }
0x2d7: {  	s23 =	simm.s32 $0x600;
	s24 =	sld [smem:$0x751]  }
0x2d8: {  	[hbm4b:s22+s2] =	stream.linear.scatter [tilespmem:s23], [sflag:$0x1], $0x80, $0x38;
	[tilespmem:$0x1400] =	vst v63  }
0x2d9: {  	s25 =	simm.s32 $0xA00;
	s26 =	sld [smem:$0x752]  }
0x2da: {  	[hbm4b:s24+s2] =	stream.linear.scatter [tilespmem:s25], [sflag:$0x1], $0x80, $0x38;
	[tilespmem:$0x1400] =	vst v63  }
0x2db: {  	s29 =	simm.s32 $0xE00  }
0x2dc: {  	[hbm4b:s26+s2] =	stream.linear.scatter [tilespmem:s29], [sflag:$0x1], $0x80, $0x38;
	[tilespmem:$0x1400] =	vst v63  }
0x2dd: {  	_ =	swait.ge [sflag:s3], $0x200  }
0x2de: {  	s30 =	sld [smem:$0x7E0]  }
0x2df: {  	[sflag:s3] =	ssyncset.done $0x0  }
0x2e0: {  	s31 =	simm.s32 $0x280;
	s0 =	sld [smem:$0x753];
	[sflag:s3] =	ssyncadd.s32 $0xFFFFFE00  }
0x2e1: {  	[hbm4b:s30+s2] =	stream.linear.scatter [tilespmem:s31], [sflag:$0x1], $0x80, $0x38;
	[tilespmem:$0x1400] =	vst v63  }
0x2e2: {  	s8 =	simm.s32 $0x680;
	s13 =	sld [smem:$0x754]  }
0x2e3: {  	[hbm4b:s0+s2] =	stream.linear.scatter [tilespmem:s8], [sflag:$0x1], $0x80, $0x38;
	[tilespmem:$0x1400] =	vst v63  }
0x2e4: {  	s16 =	simm.s32 $0xA80;
	s18 =	sld [smem:$0x755]  }
0x2e5: {  	[hbm4b:s13+s2] =	stream.linear.scatter [tilespmem:s16], [sflag:$0x1], $0x80, $0x38;
	[tilespmem:$0x1400] =	vst v63  }
0x2e6: {  	s19 =	simm.s32 $0xE80  }
0x2e7: {  	[hbm4b:s18+s2] =	stream.linear.scatter [tilespmem:s19], [sflag:$0x1], $0x80, $0x38;
	[tilespmem:$0x1400] =	vst v63  }
0x2e8: {  	_ =	swait.ge [sflag:s3], $0x200  }
0x2e9: {  	s22 =	sld [smem:$0x7E1]  }
0x2ea: {  	[sflag:s3] =	ssyncset.done $0x0  }
0x2eb: {  	s23 =	simm.s32 $0x300;
	s24 =	sld [smem:$0x756];
	[sflag:s3] =	ssyncadd.s32 $0xFFFFFE00  }
0x2ec: {  	[hbm4b:s22+s2] =	stream.linear.scatter [tilespmem:s23], [sflag:$0x1], $0x80, $0x38;
	[tilespmem:$0x1400] =	vst v63  }
0x2ed: {  	s25 =	simm.s32 $0x700;
	s26 =	sld [smem:$0x757]  }
0x2ee: {  	[hbm4b:s24+s2] =	stream.linear.scatter [tilespmem:s25], [sflag:$0x1], $0x80, $0x38;
	[tilespmem:$0x1400] =	vst v63  }
0x2ef: {  	s29 =	simm.s32 $0xB00;
	s30 =	sld [smem:$0x758]  }
0x2f0: {  	[hbm4b:s26+s2] =	stream.linear.scatter [tilespmem:s29], [sflag:$0x1], $0x80, $0x38;
	[tilespmem:$0x1400] =	vst v63  }
0x2f1: {  	s31 =	simm.s32 $0xF00  }
0x2f2: {  	[hbm4b:s30+s2] =	stream.linear.scatter [tilespmem:s31], [sflag:$0x1], $0x80, $0x38;
	[tilespmem:$0x1400] =	vst v63  }
0x2f3: {  	_ =	swait.ge [sflag:s3], $0x200  }
0x2f4: {  	s16 =	sld [smem:$0x7E2]  }
0x2f5: {  	[sflag:s3] =	ssyncset.done $0x0  }
0x2f6: {  	s18 =	simm.s32 $0x380;
	s19 =	sld [smem:$0x759];
	[sflag:s3] =	ssyncadd.s32 $0xFFFFFE00  }
0x2f7: {  	[hbm4b:s16+s2] =	stream.linear.scatter [tilespmem:s18], [sflag:$0x1], $0x80, $0x38;
	[tilespmem:$0x1400] =	vst v63  }
0x2f8: {  	s22 =	simm.s32 $0x780;
	s23 =	sld [smem:$0x75A]  }
0x2f9: {  	[hbm4b:s19+s2] =	stream.linear.scatter [tilespmem:s22], [sflag:$0x1], $0x80, $0x38;
	[tilespmem:$0x1400] =	vst v63  }
0x2fa: {  	s24 =	simm.s32 $0xB80;
	s26 =	sld [smem:$0x75C]  }
0x2fb: {  	[hbm4b:s23+s2] =	stream.linear.scatter [tilespmem:s24], [sflag:$0x1], $0x80, $0x38;
	[tilespmem:$0x1400] =	vst v63  }
0x2fc: {  	s25 =	simm.s32 $0xF80  }
0x2fd: {  	[hbm4b:s26+s2] =	stream.linear.scatter [tilespmem:s25], [sflag:$0x1], $0x80, $0x38;
	[tilespmem:$0x1400] =	vst v63  }
0x2fe: {  	_ =	swait.ge [sflag:s3], $0x200  }
0x2ff: {  	[sflag:s3] =	ssyncset.done $0x0  }
0x300: {  	s29 =	rddreg [dreg:$0x4];
	[sflag:s3] =	ssyncadd.s32 $0xFFFFFE00  }
0x301: {  	[tilespmem:s2], [sflag:$0x1] =	stream.linear.gather [hbm4b:s29+s2], $0x1000, $0x38;
	[tilespmem:$0x1400] =	vst v63  }
0x302: {  	_ =	swait.ge [sflag:s3], $0x1000  }
0x303: {  	s30 =	sld [smem:$0x7E3]  }
0x304: {  	[sflag:s3] =	ssyncset.done $0x0  }
0x305: {  	s31 =	sld [smem:$0x75D];
	[sflag:s3] =	ssyncadd.s32 $0xFFFFF000  }
0x306: {  	[hbm4b:s30+s2] =	stream.linear.scatter [tilespmem:s2], [sflag:$0x1], $0x80, $0x38;
	[tilespmem:$0x1400] =	vst v63  }
0x307: {  	s0 =	simm.s32 $0x400;
	s16 =	sld [smem:$0x75E]  }
0x308: {  	[hbm4b:s31+s2] =	stream.linear.scatter [tilespmem:s0], [sflag:$0x1], $0x80, $0x38;
	[tilespmem:$0x1400] =	vst v63  }
0x309: {  	s4 =	simm.s32 $0x800;
	s22 =	sld [smem:$0x75F]  }
0x30a: {  	[hbm4b:s16+s2] =	stream.linear.scatter [tilespmem:s4], [sflag:$0x1], $0x80, $0x38;
	[tilespmem:$0x1400] =	vst v63  }
0x30b: {  	s4 =	simm.s32 $0xC00  }
0x30c: {  	[hbm4b:s22+s2] =	stream.linear.scatter [tilespmem:s4], [sflag:$0x1], $0x80, $0x38;
	[tilespmem:$0x1400] =	vst v63  }
0x30d: {  	_ =	swait.ge [sflag:s3], $0x200  }
0x30e: {  	s24 =	sld [smem:$0x7E4]  }
0x30f: {  	[sflag:s3] =	ssyncset.done $0x0  }
0x310: {  	s1 =	simm.s32 $0x80;
	s25 =	sld [smem:$0x760];
	[sflag:s3] =	ssyncadd.s32 $0xFFFFFE00  }
0x311: {  	[hbm4b:s24+s2] =	stream.linear.scatter [tilespmem:s1], [sflag:$0x1], $0x80, $0x38;
	[tilespmem:$0x1400] =	vst v63  }
0x312: {  	s26 =	sld [smem:$0x761];
	s1 =	simm.s32 $0x480  }
0x313: {  	[hbm4b:s25+s2] =	stream.linear.scatter [tilespmem:s1], [sflag:$0x1], $0x80, $0x38;
	[tilespmem:$0x1400] =	vst v63  }
0x314: {  	s6 =	simm.s32 $0x880;
	s29 =	sld [smem:$0x762]  }
0x315: {  	[hbm4b:s26+s2] =	stream.linear.scatter [tilespmem:s6], [sflag:$0x1], $0x80, $0x38;
	[tilespmem:$0x1400] =	vst v63  }
0x316: {  	s6 =	simm.s32 $0xC80  }
0x317: {  	[hbm4b:s29+s2] =	stream.linear.scatter [tilespmem:s6], [sflag:$0x1], $0x80, $0x38;
	[tilespmem:$0x1400] =	vst v63  }
0x318: {  	_ =	swait.ge [sflag:s3], $0x200  }
0x319: {  	s30 =	sld [smem:$0x7E5]  }
0x31a: {  	[sflag:s3] =	ssyncset.done $0x0  }
0x31b: {  	s21 =	simm.s32 $0x100;
	s31 =	sld [smem:$0x763];
	[sflag:s3] =	ssyncadd.s32 $0xFFFFFE00  }
0x31c: {  	[hbm4b:s30+s2] =	stream.linear.scatter [tilespmem:s21], [sflag:$0x1], $0x80, $0x38;
	[tilespmem:$0x1400] =	vst v63  }
0x31d: {  	s5 =	simm.s32 $0x500;
	s21 =	sld [smem:$0x764]  }
0x31e: {  	[hbm4b:s31+s2] =	stream.linear.scatter [tilespmem:s5], [sflag:$0x1], $0x80, $0x38;
	[tilespmem:$0x1400] =	vst v63  }
0x31f: {  	s22 =	sld [smem:$0x765];
	s5 =	simm.s32 $0x900  }
0x320: {  	[hbm4b:s21+s2] =	stream.linear.scatter [tilespmem:s5], [sflag:$0x1], $0x80, $0x38;
	[tilespmem:$0x1400] =	vst v63  }
0x321: {  	s14 =	simm.s32 $0xD00  }
0x322: {  	[hbm4b:s22+s2] =	stream.linear.scatter [tilespmem:s14], [sflag:$0x1], $0x80, $0x38;
	[tilespmem:$0x1400] =	vst v63  }
0x323: {  	_ =	swait.ge [sflag:s3], $0x200  }
0x324: {  	s26 =	sld [smem:$0x7E6]  }
0x325: {  	[sflag:s3] =	ssyncset.done $0x0  }
0x326: {  	s12 =	simm.s32 $0x180;
	s29 =	sld [smem:$0x766];
	[sflag:s3] =	ssyncadd.s32 $0xFFFFFE00  }
0x327: {  	[hbm4b:s26+s2] =	stream.linear.scatter [tilespmem:s12], [sflag:$0x1], $0x80, $0x38;
	[tilespmem:$0x1400] =	vst v63  }
0x328: {  	s9 =	simm.s32 $0x580;
	s30 =	sld [smem:$0x767]  }
0x329: {  	[hbm4b:s29+s2] =	stream.linear.scatter [tilespmem:s9], [sflag:$0x1], $0x80, $0x38;
	[tilespmem:$0x1400] =	vst v63  }
0x32a: {  	s10 =	simm.s32 $0x980;
	s9 =	sld [smem:$0x768]  }
0x32b: {  	[hbm4b:s30+s2] =	stream.linear.scatter [tilespmem:s10], [sflag:$0x1], $0x80, $0x38;
	[tilespmem:$0x1400] =	vst v63  }
0x32c: {  	s11 =	simm.s32 $0xD80  }
0x32d: {  	[hbm4b:s9+s2] =	stream.linear.scatter [tilespmem:s11], [sflag:$0x1], $0x80, $0x38;
	[tilespmem:$0x1400] =	vst v63  }
0x32e: {  	_ =	swait.ge [sflag:s3], $0x200  }
0x32f: {  	s10 =	sld [smem:$0x7E7]  }
0x330: {  	[sflag:s3] =	ssyncset.done $0x0  }
0x331: {  	s20 =	simm.s32 $0x200;
	s11 =	sld [smem:$0x769];
	[sflag:s3] =	ssyncadd.s32 $0xFFFFFE00  }
0x332: {  	[hbm4b:s10+s2] =	stream.linear.scatter [tilespmem:s20], [sflag:$0x1], $0x80, $0x38;
	[tilespmem:$0x1400] =	vst v63  }
0x333: {  	s7 =	simm.s32 $0x600;
	s12 =	sld [smem:$0x76A]  }
0x334: {  	[hbm4b:s11+s2] =	stream.linear.scatter [tilespmem:s7], [sflag:$0x1], $0x80, $0x38;
	[tilespmem:$0x1400] =	vst v63  }
0x335: {  	s14 =	sld [smem:$0x76B];
	s7 =	simm.s32 $0xA00  }
0x336: {  	[hbm4b:s12+s2] =	stream.linear.scatter [tilespmem:s7], [sflag:$0x1], $0x80, $0x38;
	[tilespmem:$0x1400] =	vst v63  }
0x337: {  	s15 =	simm.s32 $0xE00  }
0x338: {  	[hbm4b:s14+s2] =	stream.linear.scatter [tilespmem:s15], [sflag:$0x1], $0x80, $0x38;
	[tilespmem:$0x1400] =	vst v63  }
0x339: {  	_ =	swait.ge [sflag:s3], $0x200  }
0x33a: {  	s20 =	sld [smem:$0x7E8]  }
0x33b: {  	[sflag:s3] =	ssyncset.done $0x0  }
0x33c: {  	s12 =	simm.s32 $0x280;
	s9 =	sld [smem:$0x76C];
	[sflag:s3] =	ssyncadd.s32 $0xFFFFFE00  }
0x33d: {  	[hbm4b:s20+s2] =	stream.linear.scatter [tilespmem:s12], [sflag:$0x1], $0x80, $0x38;
	[tilespmem:$0x1400] =	vst v63  }
0x33e: {  	s10 =	simm.s32 $0x680;
	s11 =	sld [smem:$0x76D]  }
0x33f: {  	[hbm4b:s9+s2] =	stream.linear.scatter [tilespmem:s10], [sflag:$0x1], $0x80, $0x38;
	[tilespmem:$0x1400] =	vst v63  }
0x340: {  	s8 =	simm.s32 $0xA80;
	s14 =	sld [smem:$0x76E]  }
0x341: {  	[hbm4b:s11+s2] =	stream.linear.scatter [tilespmem:s8], [sflag:$0x1], $0x80, $0x38;
	[tilespmem:$0x1400] =	vst v63  }
0x342: {  	s8 =	simm.s32 $0xE80  }
0x343: {  	[hbm4b:s14+s2] =	stream.linear.scatter [tilespmem:s8], [sflag:$0x1], $0x80, $0x38;
	[tilespmem:$0x1400] =	vst v63  }
0x344: {  	_ =	swait.ge [sflag:s3], $0x200  }
0x345: {  	s15 =	sld [smem:$0x7E9]  }
0x346: {  	[sflag:s3] =	ssyncset.done $0x0  }
0x347: {  	s9 =	simm.s32 $0x300;
	s11 =	sld [smem:$0x76F];
	[sflag:s3] =	ssyncadd.s32 $0xFFFFFE00  }
0x348: {  	[hbm4b:s15+s2] =	stream.linear.scatter [tilespmem:s9], [sflag:$0x1], $0x80, $0x38;
	[tilespmem:$0x1400] =	vst v63  }
0x349: {  	s13 =	simm.s32 $0x700;
	s14 =	sld [smem:$0x770]  }
0x34a: {  	[hbm4b:s11+s2] =	stream.linear.scatter [tilespmem:s13], [sflag:$0x1], $0x80, $0x38;
	[tilespmem:$0x1400] =	vst v63  }
0x34b: {  	s15 =	sld [smem:$0x771];
	s13 =	simm.s32 $0xB00  }
0x34c: {  	[hbm4b:s14+s2] =	stream.linear.scatter [tilespmem:s13], [sflag:$0x1], $0x80, $0x38;
	[tilespmem:$0x1400] =	vst v63  }
0x34d: {  	s11 =	simm.s32 $0xF00  }
0x34e: {  	[hbm4b:s15+s2] =	stream.linear.scatter [tilespmem:s11], [sflag:$0x1], $0x80, $0x38;
	[tilespmem:$0x1400] =	vst v63  }
0x34f: {  	_ =	swait.ge [sflag:s3], $0x200  }
0x350: {  	s14 =	sld [smem:$0x7EA]  }
0x351: {  	[sflag:s3] =	ssyncset.done $0x0  }
0x352: {  	s18 =	simm.s32 $0x380;
	s15 =	sld [smem:$0x772];
	[sflag:s3] =	ssyncadd.s32 $0xFFFFFE00  }
0x353: {  	[hbm4b:s14+s2] =	stream.linear.scatter [tilespmem:s18], [sflag:$0x1], $0x80, $0x38;
	[tilespmem:$0x1400] =	vst v63  }
0x354: {  	s17 =	sld [smem:$0x773];
	s14 =	simm.s32 $0x780  }
0x355: {  	[hbm4b:s15+s2] =	stream.linear.scatter [tilespmem:s14], [sflag:$0x1], $0x80, $0x38;
	[tilespmem:$0x1400] =	vst v63  }
0x356: {  	s15 =	simm.s32 $0xB80  }
0x357: {  	[hbm4b:s17+s2] =	stream.linear.scatter [tilespmem:s15], [sflag:$0x1], $0x80, $0x38;
	[tilespmem:$0x1400] =	vst v63  }
0x358: {  	s17 =	sld [smem:$0x774];
	_ =	sdelay $0x1  }
0x359: {  	s19 =	simm.s32 $0xF80  }
0x35a: {  	[hbm4b:s17+s2] =	stream.linear.scatter [tilespmem:s19], [sflag:$0x1], $0x80, $0x38;
	[tilespmem:$0x1400] =	vst v63  }
0x35b: {  	_ =	swait.ge [sflag:s3], $0x200  }
0x35c: {  	[sflag:s3] =	ssyncset.done $0x0  }
0x35d: {  	s17 =	rddreg [dreg:$0x5];
	[sflag:s3] =	ssyncadd.s32 $0xFFFFFE00  }
0x35e: {  	[tilespmem:s2], [sflag:$0x1] =	stream.linear.gather [hbm4b:s17+s2], $0x1000, $0x38;
	[tilespmem:$0x1400] =	vst v63  }
0x35f: {  	_ =	swait.ge [sflag:s3], $0x1000  }
0x360: {  	s17 =	sld [smem:$0x7EB]  }
0x361: {  	[sflag:s3] =	ssyncset.done $0x0  }
0x362: {  	[sflag:s3] =	ssyncadd.s32 $0xFFFFF000  }
0x363: {  	[hbm4b:s17+s2] =	stream.linear.scatter [tilespmem:s2], [sflag:$0x1], $0x80, $0x38;
	[tilespmem:$0x1400] =	vst v63  }
0x364: {  	s17 =	sld [smem:$0x775];
	_ =	sdelay $0x2  }
0x365: {  	[hbm4b:s17+s2] =	stream.linear.scatter [tilespmem:s0], [sflag:$0x1], $0x80, $0x38;
	[tilespmem:$0x1400] =	vst v63  }
0x366: {  	s17 =	sld [smem:$0x776];
	_ =	sdelay $0x1  }
0x367: {  	s23 =	simm.s32 $0x800  }
0x368: {  	[hbm4b:s17+s2] =	stream.linear.scatter [tilespmem:s23], [sflag:$0x1], $0x80, $0x38;
	[tilespmem:$0x1400] =	vst v63  }
0x369: {  	s17 =	sld [smem:$0x777];
	_ =	sdelay $0x2  }
0x36a: {  	[hbm4b:s17+s2] =	stream.linear.scatter [tilespmem:s4], [sflag:$0x1], $0x80, $0x38;
	[tilespmem:$0x1400] =	vst v63  }
0x36b: {  	_ =	swait.ge [sflag:s3], $0x200  }
0x36c: {  	s17 =	sld [smem:$0x7EC]  }
0x36d: {  	[sflag:s3] =	ssyncset.done $0x0  }
0x36e: {  	s24 =	simm.s32 $0x80;
	[sflag:s3] =	ssyncadd.s32 $0xFFFFFE00  }
0x36f: {  	[hbm4b:s17+s2] =	stream.linear.scatter [tilespmem:s24], [sflag:$0x1], $0x80, $0x38;
	[tilespmem:$0x1400] =	vst v63  }
0x370: {  	s17 =	sld [smem:$0x778];
	_ =	sdelay $0x2  }
0x371: {  	[hbm4b:s17+s2] =	stream.linear.scatter [tilespmem:s1], [sflag:$0x1], $0x80, $0x38;
	[tilespmem:$0x1400] =	vst v63  }
0x372: {  	s17 =	sld [smem:$0x779];
	_ =	sdelay $0x1  }
0x373: {  	s16 =	simm.s32 $0x880  }
0x374: {  	[hbm4b:s17+s2] =	stream.linear.scatter [tilespmem:s16], [sflag:$0x1], $0x80, $0x38;
	[tilespmem:$0x1400] =	vst v63  }
0x375: {  	s16 =	sld [smem:$0x77A];
	_ =	sdelay $0x2  }
0x376: {  	[hbm4b:s16+s2] =	stream.linear.scatter [tilespmem:s6], [sflag:$0x1], $0x80, $0x38;
	[tilespmem:$0x1400] =	vst v63  }
0x377: {  	_ =	swait.ge [sflag:s3], $0x200  }
0x378: {  	s17 =	sld [smem:$0x7ED]  }
0x379: {  	[sflag:s3] =	ssyncset.done $0x0  }
0x37a: {  	s16 =	simm.s32 $0x100;
	[sflag:s3] =	ssyncadd.s32 $0xFFFFFE00  }
0x37b: {  	[hbm4b:s17+s2] =	stream.linear.scatter [tilespmem:s16], [sflag:$0x1], $0x80, $0x38;
	[tilespmem:$0x1400] =	vst v63  }
0x37c: {  	s16 =	sld [smem:$0x77B];
	_ =	sdelay $0x1  }
0x37d: {  	s25 =	simm.s32 $0x500  }
0x37e: {  	[hbm4b:s16+s2] =	stream.linear.scatter [tilespmem:s25], [sflag:$0x1], $0x80, $0x38;
	[tilespmem:$0x1400] =	vst v63  }
0x37f: {  	s25 =	sld [smem:$0x77C];
	_ =	sdelay $0x1  }
0x380: {  	s17 =	sld [smem:$0x77D]  }
0x381: {  	[hbm4b:s25+s2] =	stream.linear.scatter [tilespmem:s5], [sflag:$0x1], $0x80, $0x38;
	[tilespmem:$0x1400] =	vst v63  }
0x382: {  	s25 =	simm.s32 $0xD00  }
0x383: {  	[hbm4b:s17+s2] =	stream.linear.scatter [tilespmem:s25], [sflag:$0x1], $0x80, $0x38;
	[tilespmem:$0x1400] =	vst v63  }
0x384: {  	_ =	swait.ge [sflag:s3], $0x200  }
0x385: {  	s25 =	sld [smem:$0x7EE]  }
0x386: {  	[sflag:s3] =	ssyncset.done $0x0  }
0x387: {  	s31 =	simm.s32 $0x180;
	[sflag:s3] =	ssyncadd.s32 $0xFFFFFE00  }
0x388: {  	[hbm4b:s25+s2] =	stream.linear.scatter [tilespmem:s31], [sflag:$0x1], $0x80, $0x38;
	[tilespmem:$0x1400] =	vst v63  }
0x389: {  	s31 =	sld [smem:$0x77E];
	_ =	sdelay $0x1  }
0x38a: {  	s22 =	simm.s32 $0x580;
	s25 =	sld [smem:$0x77F]  }
0x38b: {  	[hbm4b:s31+s2] =	stream.linear.scatter [tilespmem:s22], [sflag:$0x1], $0x80, $0x38;
	[tilespmem:$0x1400] =	vst v63  }
0x38c: {  	s26 =	simm.s32 $0x980;
	s31 =	sld [smem:$0x780]  }
0x38d: {  	[hbm4b:s25+s2] =	stream.linear.scatter [tilespmem:s26], [sflag:$0x1], $0x80, $0x38;
	[tilespmem:$0x1400] =	vst v63  }
0x38e: {  	s29 =	simm.s32 $0xD80  }
0x38f: {  	[hbm4b:s31+s2] =	stream.linear.scatter [tilespmem:s29], [sflag:$0x1], $0x80, $0x38;
	[tilespmem:$0x1400] =	vst v63  }
0x390: {  	_ =	swait.ge [sflag:s3], $0x200  }
0x391: {  	s25 =	sld [smem:$0x7EF]  }
0x392: {  	[sflag:s3] =	ssyncset.done $0x0  }
0x393: {  	s30 =	simm.s32 $0x200;
	s31 =	sld [smem:$0x781];
	[sflag:s3] =	ssyncadd.s32 $0xFFFFFE00  }
0x394: {  	[hbm4b:s25+s2] =	stream.linear.scatter [tilespmem:s30], [sflag:$0x1], $0x80, $0x38;
	[tilespmem:$0x1400] =	vst v63  }
0x395: {  	s21 =	simm.s32 $0x600;
	s25 =	sld [smem:$0x782]  }
0x396: {  	[hbm4b:s31+s2] =	stream.linear.scatter [tilespmem:s21], [sflag:$0x1], $0x80, $0x38;
	[tilespmem:$0x1400] =	vst v63  }
0x397: {  	_ = 	snop  }
0x398: {  	[hbm4b:s25+s2] =	stream.linear.scatter [tilespmem:s7], [sflag:$0x1], $0x80, $0x38;
	[tilespmem:$0x1400] =	vst v63  }
0x399: {  	s7 =	sld [smem:$0x783];
	_ =	sdelay $0x1  }
0x39a: {  	s25 =	simm.s32 $0xE00  }
0x39b: {  	[hbm4b:s7+s2] =	stream.linear.scatter [tilespmem:s25], [sflag:$0x1], $0x80, $0x38;
	[tilespmem:$0x1400] =	vst v63  }
0x39c: {  	_ =	swait.ge [sflag:s3], $0x200  }
0x39d: {  	s7 =	sld [smem:$0x7F0]  }
0x39e: {  	[sflag:s3] =	ssyncset.done $0x0  }
0x39f: {  	s25 =	sld [smem:$0x784];
	[sflag:s3] =	ssyncadd.s32 $0xFFFFFE00  }
0x3a0: {  	[hbm4b:s7+s2] =	stream.linear.scatter [tilespmem:s12], [sflag:$0x1], $0x80, $0x38;
	[tilespmem:$0x1400] =	vst v63  }
0x3a1: {  	_ = 	snop  }
0x3a2: {  	[hbm4b:s25+s2] =	stream.linear.scatter [tilespmem:s10], [sflag:$0x1], $0x80, $0x38;
	[tilespmem:$0x1400] =	vst v63  }
0x3a3: {  	s10 =	sld [smem:$0x785];
	_ =	sdelay $0x1  }
0x3a4: {  	s20 =	simm.s32 $0xA80;
	s25 =	sld [smem:$0x786]  }
0x3a5: {  	[hbm4b:s10+s2] =	stream.linear.scatter [tilespmem:s20], [sflag:$0x1], $0x80, $0x38;
	[tilespmem:$0x1400] =	vst v63  }
0x3a6: {  	_ = 	snop  }
0x3a7: {  	[hbm4b:s25+s2] =	stream.linear.scatter [tilespmem:s8], [sflag:$0x1], $0x80, $0x38;
	[tilespmem:$0x1400] =	vst v63  }
0x3a8: {  	_ =	swait.ge [sflag:s3], $0x200  }
0x3a9: {  	s8 =	sld [smem:$0x7F1]  }
0x3aa: {  	[sflag:s3] =	ssyncset.done $0x0  }
0x3ab: {  	[sflag:s3] =	ssyncadd.s32 $0xFFFFFE00  }
0x3ac: {  	[hbm4b:s8+s2] =	stream.linear.scatter [tilespmem:s9], [sflag:$0x1], $0x80, $0x38;
	[tilespmem:$0x1400] =	vst v63  }
0x3ad: {  	s9 =	sld [smem:$0x787];
	_ =	sdelay $0x1  }
0x3ae: {  	s25 =	simm.s32 $0x700  }
0x3af: {  	[hbm4b:s9+s2] =	stream.linear.scatter [tilespmem:s25], [sflag:$0x1], $0x80, $0x38;
	[tilespmem:$0x1400] =	vst v63  }
0x3b0: {  	s9 =	sld [smem:$0x788];
	_ =	sdelay $0x2  }
0x3b1: {  	[hbm4b:s9+s2] =	stream.linear.scatter [tilespmem:s13], [sflag:$0x1], $0x80, $0x38;
	[tilespmem:$0x1400] =	vst v63  }
0x3b2: {  	s13 =	sld [smem:$0x789];
	_ =	sdelay $0x2  }
0x3b3: {  	[hbm4b:s13+s2] =	stream.linear.scatter [tilespmem:s11], [sflag:$0x1], $0x80, $0x38;
	[tilespmem:$0x1400] =	vst v63  }
0x3b4: {  	_ =	swait.ge [sflag:s3], $0x200  }
0x3b5: {  	s9 =	sld [smem:$0x7F2]  }
0x3b6: {  	[sflag:s3] =	ssyncset.done $0x0  }
0x3b7: {  	s18 =	simm.s32 $0x380;
	s11 =	sld [smem:$0x78A];
	[sflag:s3] =	ssyncadd.s32 $0xFFFFFE00  }
0x3b8: {  	[hbm4b:s9+s2] =	stream.linear.scatter [tilespmem:s18], [sflag:$0x1], $0x80, $0x38;
	[tilespmem:$0x1400] =	vst v63  }
0x3b9: {  	s18 =	sld [smem:$0x78B]  }
0x3ba: {  	[hbm4b:s11+s2] =	stream.linear.scatter [tilespmem:s14], [sflag:$0x1], $0x80, $0x38;
	[tilespmem:$0x1400] =	vst v63  }
0x3bb: {  	s11 =	sld [smem:$0x78C]  }
0x3bc: {  	[hbm4b:s18+s2] =	stream.linear.scatter [tilespmem:s15], [sflag:$0x1], $0x80, $0x38;
	[tilespmem:$0x1400] =	vst v63  }
0x3bd: {  	s19 =	simm.s32 $0xF80  }
0x3be: {  	[hbm4b:s11+s2] =	stream.linear.scatter [tilespmem:s19], [sflag:$0x1], $0x80, $0x38;
	[tilespmem:$0x1400] =	vst v63  }
0x3bf: {  	_ =	swait.ge [sflag:s3], $0x200  }
0x3c0: {  	[sflag:s3] =	ssyncset.done $0x0  }
0x3c1: {  	s18 =	rddreg [dreg:$0x6];
	[sflag:s3] =	ssyncadd.s32 $0xFFFFFE00  }
0x3c2: {  	[tilespmem:s2], [sflag:$0x1] =	stream.linear.gather [hbm4b:s18+s2], $0x1000, $0x38;
	[tilespmem:$0x1400] =	vst v63  }
0x3c3: {  	_ =	swait.ge [sflag:s3], $0x1000  }
0x3c4: {  	s19 =	sld [smem:$0x7F3]  }
0x3c5: {  	[sflag:s3] =	ssyncset.done $0x0  }
0x3c6: {  	s18 =	sld [smem:$0x78D];
	[sflag:s3] =	ssyncadd.s32 $0xFFFFF000  }
0x3c7: {  	[hbm4b:s19+s2] =	stream.linear.scatter [tilespmem:s2], [sflag:$0x1], $0x80, $0x38;
	[tilespmem:$0x1400] =	vst v63  }
0x3c8: {  	s0 =	simm.s32 $0x400;
	s19 =	sld [smem:$0x78E]  }
0x3c9: {  	[hbm4b:s18+s2] =	stream.linear.scatter [tilespmem:s0], [sflag:$0x1], $0x80, $0x38;
	[tilespmem:$0x1400] =	vst v63  }
0x3ca: {  	s23 =	simm.s32 $0x800;
	s18 =	sld [smem:$0x78F]  }
0x3cb: {  	[hbm4b:s19+s2] =	stream.linear.scatter [tilespmem:s23], [sflag:$0x1], $0x80, $0x38;
	[tilespmem:$0x1400] =	vst v63  }
0x3cc: {  	s4 =	simm.s32 $0xC00  }
0x3cd: {  	[hbm4b:s18+s2] =	stream.linear.scatter [tilespmem:s4], [sflag:$0x1], $0x80, $0x38;
	[tilespmem:$0x1400] =	vst v63  }
0x3ce: {  	_ =	swait.ge [sflag:s3], $0x200  }
0x3cf: {  	s23 =	sld [smem:$0x7F4]  }
0x3d0: {  	[sflag:s3] =	ssyncset.done $0x0  }
0x3d1: {  	s24 =	simm.s32 $0x80;
	[sflag:s3] =	ssyncadd.s32 $0xFFFFFE00  }
0x3d2: {  	[hbm4b:s23+s2] =	stream.linear.scatter [tilespmem:s24], [sflag:$0x1], $0x80, $0x38;
	[tilespmem:$0x1400] =	vst v63  }
0x3d3: {  	s24 =	sld [smem:$0x790];
	_ =	sdelay $0x1  }
0x3d4: {  	s1 =	simm.s32 $0x480  }
0x3d5: {  	[hbm4b:s24+s2] =	stream.linear.scatter [tilespmem:s1], [sflag:$0x1], $0x80, $0x38;
	[tilespmem:$0x1400] =	vst v63  }
0x3d6: {  	s1 =	sld [smem:$0x791];
	_ =	sdelay $0x1  }
0x3d7: {  	s24 =	simm.s32 $0x880  }
0x3d8: {  	[hbm4b:s1+s2] =	stream.linear.scatter [tilespmem:s24], [sflag:$0x1], $0x80, $0x38;
	[tilespmem:$0x1400] =	vst v63  }
0x3d9: {  	s1 =	sld [smem:$0x792];
	_ =	sdelay $0x1  }
0x3da: {  	s6 =	simm.s32 $0xC80  }
0x3db: {  	[hbm4b:s1+s2] =	stream.linear.scatter [tilespmem:s6], [sflag:$0x1], $0x80, $0x38;
	[tilespmem:$0x1400] =	vst v63  }
0x3dc: {  	_ =	swait.ge [sflag:s3], $0x200  }
0x3dd: {  	s17 =	sld [smem:$0x7F5]  }
0x3de: {  	[sflag:s3] =	ssyncset.done $0x0  }
0x3df: {  	s1 =	simm.s32 $0x100;
	[sflag:s3] =	ssyncadd.s32 $0xFFFFFE00  }
0x3e0: {  	[hbm4b:s17+s2] =	stream.linear.scatter [tilespmem:s1], [sflag:$0x1], $0x80, $0x38;
	[tilespmem:$0x1400] =	vst v63  }
0x3e1: {  	s1 =	sld [smem:$0x793];
	_ =	sdelay $0x1  }
0x3e2: {  	s16 =	simm.s32 $0x500  }
0x3e3: {  	[hbm4b:s1+s2] =	stream.linear.scatter [tilespmem:s16], [sflag:$0x1], $0x80, $0x38;
	[tilespmem:$0x1400] =	vst v63  }
0x3e4: {  	s1 =	sld [smem:$0x794];
	_ =	sdelay $0x1  }
0x3e5: {  	s5 =	simm.s32 $0x900;
	s17 =	sld [smem:$0x795]  }
0x3e6: {  	[hbm4b:s1+s2] =	stream.linear.scatter [tilespmem:s5], [sflag:$0x1], $0x80, $0x38;
	[tilespmem:$0x1400] =	vst v63  }
0x3e7: {  	s1 =	simm.s32 $0xD00  }
0x3e8: {  	[hbm4b:s17+s2] =	stream.linear.scatter [tilespmem:s1], [sflag:$0x1], $0x80, $0x38;
	[tilespmem:$0x1400] =	vst v63  }
0x3e9: {  	_ =	swait.ge [sflag:s3], $0x200  }
0x3ea: {  	s17 =	sld [smem:$0x7F6]  }
0x3eb: {  	[sflag:s3] =	ssyncset.done $0x0  }
0x3ec: {  	s1 =	simm.s32 $0x180;
	[sflag:s3] =	ssyncadd.s32 $0xFFFFFE00  }
0x3ed: {  	[hbm4b:s17+s2] =	stream.linear.scatter [tilespmem:s1], [sflag:$0x1], $0x80, $0x38;
	[tilespmem:$0x1400] =	vst v63  }
0x3ee: {  	s1 =	sld [smem:$0x796];
	_ =	sdelay $0x1  }
0x3ef: {  	s22 =	simm.s32 $0x580  }
0x3f0: {  	[hbm4b:s1+s2] =	stream.linear.scatter [tilespmem:s22], [sflag:$0x1], $0x80, $0x38;
	[tilespmem:$0x1400] =	vst v63  }
0x3f1: {  	s1 =	sld [smem:$0x797];
	_ =	sdelay $0x1  }
0x3f2: {  	s26 =	simm.s32 $0x980  }
0x3f3: {  	[hbm4b:s1+s2] =	stream.linear.scatter [tilespmem:s26], [sflag:$0x1], $0x80, $0x38;
	[tilespmem:$0x1400] =	vst v63  }
0x3f4: {  	s26 =	sld [smem:$0x798];
	_ =	sdelay $0x1  }
0x3f5: {  	s29 =	simm.s32 $0xD80  }
0x3f6: {  	[hbm4b:s26+s2] =	stream.linear.scatter [tilespmem:s29], [sflag:$0x1], $0x80, $0x38;
	[tilespmem:$0x1400] =	vst v63  }
0x3f7: {  	_ =	swait.ge [sflag:s3], $0x200  }
0x3f8: {  	s29 =	sld [smem:$0x7F7]  }
0x3f9: {  	[sflag:s3] =	ssyncset.done $0x0  }
0x3fa: {  	s30 =	simm.s32 $0x200;
	s1 =	sld [smem:$0x799];
	[sflag:s3] =	ssyncadd.s32 $0xFFFFFE00  }
0x3fb: {  	[hbm4b:s29+s2] =	stream.linear.scatter [tilespmem:s30], [sflag:$0x1], $0x80, $0x38;
	[tilespmem:$0x1400] =	vst v63  }
0x3fc: {  	s31 =	simm.s32 $0x600;
	s26 =	sld [smem:$0x79A]  }
0x3fd: {  	[hbm4b:s1+s2] =	stream.linear.scatter [tilespmem:s31], [sflag:$0x1], $0x80, $0x38;
	[tilespmem:$0x1400] =	vst v63  }
0x3fe: {  	s21 =	simm.s32 $0xA00;
	s29 =	sld [smem:$0x79B]  }
0x3ff: {  	[hbm4b:s26+s2] =	stream.linear.scatter [tilespmem:s21], [sflag:$0x1], $0x80, $0x38;
	[tilespmem:$0x1400] =	vst v63  }
0x400: {  	s31 =	simm.s32 $0xE00  }
0x401: {  	[hbm4b:s29+s2] =	stream.linear.scatter [tilespmem:s31], [sflag:$0x1], $0x80, $0x38;
	[tilespmem:$0x1400] =	vst v63  }
0x402: {  	_ =	swait.ge [sflag:s3], $0x200  }
0x403: {  	s1 =	sld [smem:$0x7F8]  }
0x404: {  	[sflag:s3] =	ssyncset.done $0x0  }
0x405: {  	s7 =	simm.s32 $0x280;
	s21 =	sld [smem:$0x79C];
	[sflag:s3] =	ssyncadd.s32 $0xFFFFFE00  }
0x406: {  	[hbm4b:s1+s2] =	stream.linear.scatter [tilespmem:s7], [sflag:$0x1], $0x80, $0x38;
	[tilespmem:$0x1400] =	vst v63  }
0x407: {  	s12 =	simm.s32 $0x680;
	s29 =	sld [smem:$0x79D]  }
0x408: {  	[hbm4b:s21+s2] =	stream.linear.scatter [tilespmem:s12], [sflag:$0x1], $0x80, $0x38;
	[tilespmem:$0x1400] =	vst v63  }
0x409: {  	s20 =	simm.s32 $0xA80;
	s31 =	sld [smem:$0x79E]  }
0x40a: {  	[hbm4b:s29+s2] =	stream.linear.scatter [tilespmem:s20], [sflag:$0x1], $0x80, $0x38;
	[tilespmem:$0x1400] =	vst v63  }
0x40b: {  	s10 =	simm.s32 $0xE80  }
0x40c: {  	[hbm4b:s31+s2] =	stream.linear.scatter [tilespmem:s10], [sflag:$0x1], $0x80, $0x38;
	[tilespmem:$0x1400] =	vst v63  }
0x40d: {  	_ =	swait.ge [sflag:s3], $0x200  }
0x40e: {  	[sflag:s3] =	ssyncset.done $0x0;
	s7 =	rddreg [dreg:$0x1f]  }
0x40f: {  	s8 =	simm.s32 $0x300;
	s10 =	sld [smem:$0x79F];
	[sflag:s3] =	ssyncadd.s32 $0xFFFFFE00  }
0x410: {  	[hbm4b:s7+s2] =	stream.linear.scatter [tilespmem:s8], [sflag:$0x1], $0x80, $0x38;
	[tilespmem:$0x1400] =	vst v63  }
0x411: {  	s29 =	simm.s32 $0x700;
	s31 =	sld [smem:$0x7A0]  }
0x412: {  	[hbm4b:s10+s2] =	stream.linear.scatter [tilespmem:s29], [sflag:$0x1], $0x80, $0x38;
	[tilespmem:$0x1400] =	vst v63  }
0x413: {  	s25 =	simm.s32 $0xB00;
	s7 =	sld [smem:$0x7A1]  }
0x414: {  	[hbm4b:s31+s2] =	stream.linear.scatter [tilespmem:s25], [sflag:$0x1], $0x80, $0x38;
	[tilespmem:$0x1400] =	vst v63  }
0x415: {  	s13 =	simm.s32 $0xF00  }
0x416: {  	[hbm4b:s7+s2] =	stream.linear.scatter [tilespmem:s13], [sflag:$0x1], $0x80, $0x38;
	[tilespmem:$0x1400] =	vst v63  }
0x417: {  	_ =	swait.ge [sflag:s3], $0x200  }
0x418: {  	[sflag:s3] =	ssyncset.done $0x0;
	s10 =	rddreg [dreg:$0x1e]  }
0x419: {  	s9 =	simm.s32 $0x380;
	s25 =	sld [smem:$0x7A2];
	[sflag:s3] =	ssyncadd.s32 $0xFFFFFE00  }
0x41a: {  	[hbm4b:s10+s2] =	stream.linear.scatter [tilespmem:s9], [sflag:$0x1], $0x80, $0x38;
	[tilespmem:$0x1400] =	vst v63  }
0x41b: {  	s14 =	simm.s32 $0x780;
	s31 =	sld [smem:$0x7A3]  }
0x41c: {  	[hbm4b:s25+s2] =	stream.linear.scatter [tilespmem:s14], [sflag:$0x1], $0x80, $0x38;
	[tilespmem:$0x1400] =	vst v63  }
0x41d: {  	s15 =	simm.s32 $0xB80;
	s7 =	sld [smem:$0x7A4]  }
0x41e: {  	[hbm4b:s31+s2] =	stream.linear.scatter [tilespmem:s15], [sflag:$0x1], $0x80, $0x38;
	[tilespmem:$0x1400] =	vst v63  }
0x41f: {  	s11 =	simm.s32 $0xF80  }
0x420: {  	[hbm4b:s7+s2] =	stream.linear.scatter [tilespmem:s11], [sflag:$0x1], $0x80, $0x38;
	[tilespmem:$0x1400] =	vst v63  }
0x421: {  	_ =	swait.ge [sflag:s3], $0x200  }
0x422: {  	[sflag:s3] =	ssyncset.done $0x0  }
0x423: {  	s10 =	rddreg [dreg:$0x7];
	[sflag:s3] =	ssyncadd.s32 $0xFFFFFE00  }
0x424: {  	[tilespmem:s2], [sflag:$0x1] =	stream.linear.gather [hbm4b:s10+s2], $0x1000, $0x38;
	[tilespmem:$0x1400] =	vst v63  }
0x425: {  	_ =	swait.ge [sflag:s3], $0x1000  }
0x426: {  	[sflag:s3] =	ssyncset.done $0x0;
	s25 =	rddreg [dreg:$0x1d]  }
0x427: {  	s31 =	sld [smem:$0x7A5];
	[sflag:s3] =	ssyncadd.s32 $0xFFFFF000  }
0x428: {  	[hbm4b:s25+s2] =	stream.linear.scatter [tilespmem:s2], [sflag:$0x1], $0x80, $0x38;
	[tilespmem:$0x1400] =	vst v63  }
0x429: {  	s0 =	simm.s32 $0x400  }
0x42a: {  	[hbm4b:s31+s2] =	stream.linear.scatter [tilespmem:s0], [sflag:$0x1], $0x80, $0x38;
	[tilespmem:$0x1400] =	vst v63  }
0x42b: {  	s0 =	sld [smem:$0x7A6];
	_ =	sdelay $0x1  }
0x42c: {  	s19 =	simm.s32 $0x800;
	s7 =	sld [smem:$0x7A7]  }
0x42d: {  	[hbm4b:s0+s2] =	stream.linear.scatter [tilespmem:s19], [sflag:$0x1], $0x80, $0x38;
	[tilespmem:$0x1400] =	vst v63  }
0x42e: {  	s18 =	simm.s32 $0xC00  }
0x42f: {  	[hbm4b:s7+s2] =	stream.linear.scatter [tilespmem:s18], [sflag:$0x1], $0x80, $0x38;
	[tilespmem:$0x1400] =	vst v63  }
0x430: {  	_ =	swait.ge [sflag:s3], $0x200  }
0x431: {  	[sflag:s3] =	ssyncset.done $0x0;
	s19 =	rddreg [dreg:$0x1c]  }
0x432: {  	s23 =	simm.s32 $0x80;
	s25 =	sld [smem:$0x7A8];
	[sflag:s3] =	ssyncadd.s32 $0xFFFFFE00  }
0x433: {  	[hbm4b:s19+s2] =	stream.linear.scatter [tilespmem:s23], [sflag:$0x1], $0x80, $0x38;
	[tilespmem:$0x1400] =	vst v63  }
0x434: {  	s4 =	simm.s32 $0x480;
	s31 =	sld [smem:$0x7A9]  }
0x435: {  	[hbm4b:s25+s2] =	stream.linear.scatter [tilespmem:s4], [sflag:$0x1], $0x80, $0x38;
	[tilespmem:$0x1400] =	vst v63  }
0x436: {  	s24 =	simm.s32 $0x880;
	s4 =	sld [smem:$0x7AA]  }
0x437: {  	[hbm4b:s31+s2] =	stream.linear.scatter [tilespmem:s24], [sflag:$0x1], $0x80, $0x38;
	[tilespmem:$0x1400] =	vst v63  }
0x438: {  	s6 =	simm.s32 $0xC80  }
0x439: {  	[hbm4b:s4+s2] =	stream.linear.scatter [tilespmem:s6], [sflag:$0x1], $0x80, $0x38;
	[tilespmem:$0x1400] =	vst v63  }
0x43a: {  	_ =	swait.ge [sflag:s3], $0x200  }
0x43b: {  	[sflag:s3] =	ssyncset.done $0x0;
	s19 =	rddreg [dreg:$0x1b]  }
0x43c: {  	s24 =	simm.s32 $0x100;
	s31 =	sld [smem:$0x7AB];
	[sflag:s3] =	ssyncadd.s32 $0xFFFFFE00  }
0x43d: {  	[hbm4b:s19+s2] =	stream.linear.scatter [tilespmem:s24], [sflag:$0x1], $0x80, $0x38;
	[tilespmem:$0x1400] =	vst v63  }
0x43e: {  	s16 =	simm.s32 $0x500;
	s4 =	sld [smem:$0x7AC]  }
0x43f: {  	[hbm4b:s31+s2] =	stream.linear.scatter [tilespmem:s16], [sflag:$0x1], $0x80, $0x38;
	[tilespmem:$0x1400] =	vst v63  }
0x440: {  	s5 =	simm.s32 $0x900;
	s6 =	sld [smem:$0x7AD]  }
0x441: {  	[hbm4b:s4+s2] =	stream.linear.scatter [tilespmem:s5], [sflag:$0x1], $0x80, $0x38;
	[tilespmem:$0x1400] =	vst v63  }
0x442: {  	s16 =	simm.s32 $0xD00  }
0x443: {  	[hbm4b:s6+s2] =	stream.linear.scatter [tilespmem:s16], [sflag:$0x1], $0x80, $0x38;
	[tilespmem:$0x1400] =	vst v63  }
0x444: {  	_ =	swait.ge [sflag:s3], $0x200  }
0x445: {  	[sflag:s3] =	ssyncset.done $0x0;
	s24 =	rddreg [dreg:$0x1a]  }
0x446: {  	s31 =	simm.s32 $0x180;
	s5 =	sld [smem:$0x7AE];
	[sflag:s3] =	ssyncadd.s32 $0xFFFFFE00  }
0x447: {  	[hbm4b:s24+s2] =	stream.linear.scatter [tilespmem:s31], [sflag:$0x1], $0x80, $0x38;
	[tilespmem:$0x1400] =	vst v63  }
0x448: {  	s22 =	simm.s32 $0x580;
	s6 =	sld [smem:$0x7AF]  }
0x449: {  	[hbm4b:s5+s2] =	stream.linear.scatter [tilespmem:s22], [sflag:$0x1], $0x80, $0x38;
	[tilespmem:$0x1400] =	vst v63  }
0x44a: {  	s16 =	simm.s32 $0x980;
	s22 =	sld [smem:$0x7B0]  }
0x44b: {  	[hbm4b:s6+s2] =	stream.linear.scatter [tilespmem:s16], [sflag:$0x1], $0x80, $0x38;
	[tilespmem:$0x1400] =	vst v63  }
0x44c: {  	s31 =	simm.s32 $0xD80  }
0x44d: {  	[hbm4b:s22+s2] =	stream.linear.scatter [tilespmem:s31], [sflag:$0x1], $0x80, $0x38;
	[tilespmem:$0x1400] =	vst v63  }
0x44e: {  	_ =	swait.ge [sflag:s3], $0x200  }
0x44f: {  	[sflag:s3] =	ssyncset.done $0x0;
	s6 =	rddreg [dreg:$0x19]  }
0x450: {  	s16 =	simm.s32 $0x200;
	s22 =	sld [smem:$0x7B1];
	[sflag:s3] =	ssyncadd.s32 $0xFFFFFE00  }
0x451: {  	[hbm4b:s6+s2] =	stream.linear.scatter [tilespmem:s16], [sflag:$0x1], $0x80, $0x38;
	[tilespmem:$0x1400] =	vst v63  }
0x452: {  	s30 =	simm.s32 $0x600;
	s6 =	sld [smem:$0x7B2]  }
0x453: {  	[hbm4b:s22+s2] =	stream.linear.scatter [tilespmem:s30], [sflag:$0x1], $0x80, $0x38;
	[tilespmem:$0x1400] =	vst v63  }
0x454: {  	s26 =	simm.s32 $0xA00;
	s16 =	sld [smem:$0x7B3]  }
0x455: {  	[hbm4b:s6+s2] =	stream.linear.scatter [tilespmem:s26], [sflag:$0x1], $0x80, $0x38;
	[tilespmem:$0x1400] =	vst v63  }
0x456: {  	s26 =	simm.s32 $0xE00  }
0x457: {  	[hbm4b:s16+s2] =	stream.linear.scatter [tilespmem:s26], [sflag:$0x1], $0x80, $0x38;
	[tilespmem:$0x1400] =	vst v63  }
0x458: {  	_ =	swait.ge [sflag:s3], $0x200  }
0x459: {  	[sflag:s3] =	ssyncset.done $0x0  }
0x45a: {  	s1 =	simm.s32 $0x280;
	s16 =	rddreg [dreg:$0x18];
	[sflag:s3] =	ssyncadd.s32 $0xFFFFFE00  }
0x45b: {  	[hbm4b:s16+s2] =	stream.linear.scatter [tilespmem:s1], [sflag:$0x1], $0x80, $0x38;
	[tilespmem:$0x1400] =	vst v63  }
0x45c: {  	s1 =	sld [smem:$0x7B4];
	_ =	sdelay $0x1  }
0x45d: {  	s21 =	simm.s32 $0x680;
	s6 =	sld [smem:$0x7B5]  }
0x45e: {  	[hbm4b:s1+s2] =	stream.linear.scatter [tilespmem:s21], [sflag:$0x1], $0x80, $0x38;
	[tilespmem:$0x1400] =	vst v63  }
0x45f: {  	s20 =	simm.s32 $0xA80  }
0x460: {  	[hbm4b:s6+s2] =	stream.linear.scatter [tilespmem:s20], [sflag:$0x1], $0x80, $0x38;
	[tilespmem:$0x1400] =	vst v63  }
0x461: {  	s20 =	sld [smem:$0x7B6];
	_ =	sdelay $0x1  }
0x462: {  	s12 =	simm.s32 $0xE80  }
0x463: {  	[hbm4b:s20+s2] =	stream.linear.scatter [tilespmem:s12], [sflag:$0x1], $0x80, $0x38;
	[tilespmem:$0x1400] =	vst v63  }
0x464: {  	_ =	swait.ge [sflag:s3], $0x200  }
0x465: {  	[sflag:s3] =	ssyncset.done $0x0  }
0x466: {  	s8 =	simm.s32 $0x300;
	s1 =	rddreg [dreg:$0x17];
	[sflag:s3] =	ssyncadd.s32 $0xFFFFFE00  }
0x467: {  	[hbm4b:s1+s2] =	stream.linear.scatter [tilespmem:s8], [sflag:$0x1], $0x80, $0x38;
	[tilespmem:$0x1400] =	vst v63  }
0x468: {  	s8 =	sld [smem:$0x7B7];
	_ =	sdelay $0x1  }
0x469: {  	s12 =	simm.s32 $0x700;
	s20 =	sld [smem:$0x7B8]  }
0x46a: {  	[hbm4b:s8+s2] =	stream.linear.scatter [tilespmem:s12], [sflag:$0x1], $0x80, $0x38;
	[tilespmem:$0x1400] =	vst v63  }
0x46b: {  	s29 =	simm.s32 $0xB00  }
0x46c: {  	[hbm4b:s20+s2] =	stream.linear.scatter [tilespmem:s29], [sflag:$0x1], $0x80, $0x38;
	[tilespmem:$0x1400] =	vst v63  }
0x46d: {  	s29 =	sld [smem:$0x7B9];
	_ =	sdelay $0x1  }
0x46e: {  	s13 =	simm.s32 $0xF00  }
0x46f: {  	[hbm4b:s29+s2] =	stream.linear.scatter [tilespmem:s13], [sflag:$0x1], $0x80, $0x38;
	[tilespmem:$0x1400] =	vst v63  }
0x470: {  	_ =	swait.ge [sflag:s3], $0x200  }
0x471: {  	[sflag:s3] =	ssyncset.done $0x0;
	s8 =	rddreg [dreg:$0x16]  }
0x472: {  	s9 =	simm.s32 $0x380;
	s13 =	sld [smem:$0x7BA];
	[sflag:s3] =	ssyncadd.s32 $0xFFFFFE00  }
0x473: {  	[hbm4b:s8+s2] =	stream.linear.scatter [tilespmem:s9], [sflag:$0x1], $0x80, $0x38;
	[tilespmem:$0x1400] =	vst v63  }
0x474: {  	s14 =	simm.s32 $0x780;
	s29 =	sld [smem:$0x7BB]  }
0x475: {  	[hbm4b:s13+s2] =	stream.linear.scatter [tilespmem:s14], [sflag:$0x1], $0x80, $0x38;
	[tilespmem:$0x1400] =	vst v63  }
0x476: {  	s15 =	simm.s32 $0xB80;
	s8 =	sld [smem:$0x7BC]  }
0x477: {  	[hbm4b:s29+s2] =	stream.linear.scatter [tilespmem:s15], [sflag:$0x1], $0x80, $0x38;
	[tilespmem:$0x1400] =	vst v63  }
0x478: {  	s11 =	simm.s32 $0xF80  }
0x479: {  	[hbm4b:s8+s2] =	stream.linear.scatter [tilespmem:s11], [sflag:$0x1], $0x80, $0x38;
	[tilespmem:$0x1400] =	vst v63  }
0x47a: {  	_ =	swait.ge [sflag:s3], $0x200  }
0x47b: {  	[sflag:s3] =	ssyncset.done $0x0  }
0x47c: {  	s11 =	rddreg [dreg:$0x8];
	[sflag:s3] =	ssyncadd.s32 $0xFFFFFE00  }
0x47d: {  	[tilespmem:s2], [sflag:$0x1] =	stream.linear.gather [hbm4b:s11+s2], $0x1000, $0x38;
	[tilespmem:$0x1400] =	vst v63  }
0x47e: {  	_ =	swait.ge [sflag:s3], $0x1000  }
0x47f: {  	s15 =	sld [smem:$0x7BF]  }
0x480: {  	[sflag:s3] =	ssyncset.done $0x0  }
0x481: {  	s29 =	sld [smem:$0x7BD];
	[sflag:s3] =	ssyncadd.s32 $0xFFFFF000  }
0x482: {  	[hbm4b:s15+s2] =	stream.linear.scatter [tilespmem:s2], [sflag:$0x1], $0x80, $0x38;
	[tilespmem:$0x1400] =	vst v63  }
0x483: {  	s11 =	simm.s32 $0x400;
	s15 =	sld [smem:$0x7BE]  }
0x484: {  	[hbm4b:s29+s2] =	stream.linear.scatter [tilespmem:s11], [sflag:$0x1], $0x80, $0x38;
	[tilespmem:$0x1400] =	vst v63  }
0x485: {  	s10 =	simm.s32 $0x800;
	s29 =	sld [smem:$0x7C0]  }
0x486: {  	[hbm4b:s15+s2] =	stream.linear.scatter [tilespmem:s10], [sflag:$0x1], $0x80, $0x38;
	[tilespmem:$0x1400] =	vst v63  }
0x487: {  	s7 =	simm.s32 $0xC00  }
0x488: {  	[hbm4b:s29+s2] =	stream.linear.scatter [tilespmem:s7], [sflag:$0x1], $0x80, $0x38;
	[tilespmem:$0x1400] =	vst v63  }
0x489: {  	_ =	swait.ge [sflag:s3], $0x200  }
0x48a: {  	[sflag:s3] =	ssyncset.done $0x0;
	s10 =	rddreg [dreg:$0x15]  }
0x48b: {  	s18 =	simm.s32 $0x80;
	s15 =	sld [smem:$0x7C1];
	[sflag:s3] =	ssyncadd.s32 $0xFFFFFE00  }
0x48c: {  	[hbm4b:s10+s2] =	stream.linear.scatter [tilespmem:s18], [sflag:$0x1], $0x80, $0x38;
	[tilespmem:$0x1400] =	vst v63  }
0x48d: {  	s0 =	simm.s32 $0x480;
	s18 =	sld [smem:$0x7C2]  }
0x48e: {  	[hbm4b:s15+s2] =	stream.linear.scatter [tilespmem:s0], [sflag:$0x1], $0x80, $0x38;
	[tilespmem:$0x1400] =	vst v63  }
0x48f: {  	s23 =	simm.s32 $0x880;
	s29 =	sld [smem:$0x7C3]  }
0x490: {  	[hbm4b:s18+s2] =	stream.linear.scatter [tilespmem:s23], [sflag:$0x1], $0x80, $0x38;
	[tilespmem:$0x1400] =	vst v63  }
0x491: {  	s25 =	simm.s32 $0xC80  }
0x492: {  	[hbm4b:s29+s2] =	stream.linear.scatter [tilespmem:s25], [sflag:$0x1], $0x80, $0x38;
	[tilespmem:$0x1400] =	vst v63  }
0x493: {  	_ =	swait.ge [sflag:s3], $0x200  }
0x494: {  	[sflag:s3] =	ssyncset.done $0x0;
	s0 =	rddreg [dreg:$0x14]  }
0x495: {  	s7 =	simm.s32 $0x100;
	s10 =	sld [smem:$0x7C4];
	[sflag:s3] =	ssyncadd.s32 $0xFFFFFE00  }
0x496: {  	[hbm4b:s0+s2] =	stream.linear.scatter [tilespmem:s7], [sflag:$0x1], $0x80, $0x38;
	[tilespmem:$0x1400] =	vst v63  }
0x497: {  	s19 =	simm.s32 $0x500;
	s15 =	sld [smem:$0x7C5]  }
0x498: {  	[hbm4b:s10+s2] =	stream.linear.scatter [tilespmem:s19], [sflag:$0x1], $0x80, $0x38;
	[tilespmem:$0x1400] =	vst v63  }
0x499: {  	s4 =	simm.s32 $0x900;
	s17 =	sld [smem:$0x7C6]  }
0x49a: {  	[hbm4b:s15+s2] =	stream.linear.scatter [tilespmem:s4], [sflag:$0x1], $0x80, $0x38;
	[tilespmem:$0x1400] =	vst v63  }
0x49b: {  	s18 =	simm.s32 $0xD00  }
0x49c: {  	[hbm4b:s17+s2] =	stream.linear.scatter [tilespmem:s18], [sflag:$0x1], $0x80, $0x38;
	[tilespmem:$0x1400] =	vst v63  }
0x49d: {  	_ =	swait.ge [sflag:s3], $0x200  }
0x49e: {  	[sflag:s3] =	ssyncset.done $0x0;
	s19 =	rddreg [dreg:$0x13]  }
0x49f: {  	s23 =	simm.s32 $0x180;
	s25 =	sld [smem:$0x7C7];
	[sflag:s3] =	ssyncadd.s32 $0xFFFFFE00  }
0x4a0: {  	[hbm4b:s19+s2] =	stream.linear.scatter [tilespmem:s23], [sflag:$0x1], $0x80, $0x38;
	[tilespmem:$0x1400] =	vst v63  }
0x4a1: {  	s5 =	simm.s32 $0x580;
	s29 =	sld [smem:$0x7C8]  }
0x4a2: {  	[hbm4b:s25+s2] =	stream.linear.scatter [tilespmem:s5], [sflag:$0x1], $0x80, $0x38;
	[tilespmem:$0x1400] =	vst v63  }
0x4a3: {  	s24 =	simm.s32 $0x980;
	s4 =	sld [smem:$0x7C9]  }
0x4a4: {  	[hbm4b:s29+s2] =	stream.linear.scatter [tilespmem:s24], [sflag:$0x1], $0x80, $0x38;
	[tilespmem:$0x1400] =	vst v63  }
0x4a5: {  	s31 =	simm.s32 $0xD80  }
0x4a6: {  	[hbm4b:s4+s2] =	stream.linear.scatter [tilespmem:s31], [sflag:$0x1], $0x80, $0x38;
	[tilespmem:$0x1400] =	vst v63  }
0x4a7: {  	_ =	swait.ge [sflag:s3], $0x200  }
0x4a8: {  	[sflag:s3] =	ssyncset.done $0x0;
	s5 =	rddreg [dreg:$0x12]  }
0x4a9: {  	s10 =	simm.s32 $0x200;
	s15 =	sld [smem:$0x7CA];
	[sflag:s3] =	ssyncadd.s32 $0xFFFFFE00  }
0x4aa: {  	[hbm4b:s5+s2] =	stream.linear.scatter [tilespmem:s10], [sflag:$0x1], $0x80, $0x38;
	[tilespmem:$0x1400] =	vst v63  }
0x4ab: {  	s30 =	simm.s32 $0x600;
	s17 =	sld [smem:$0x7CB]  }
0x4ac: {  	[hbm4b:s15+s2] =	stream.linear.scatter [tilespmem:s30], [sflag:$0x1], $0x80, $0x38;
	[tilespmem:$0x1400] =	vst v63  }
0x4ad: {  	s22 =	simm.s32 $0xA00;
	s18 =	sld [smem:$0x7CC]  }
0x4ae: {  	[hbm4b:s17+s2] =	stream.linear.scatter [tilespmem:s22], [sflag:$0x1], $0x80, $0x38;
	[tilespmem:$0x1400] =	vst v63  }
0x4af: {  	s26 =	simm.s32 $0xE00  }
0x4b0: {  	[hbm4b:s18+s2] =	stream.linear.scatter [tilespmem:s26], [sflag:$0x1], $0x80, $0x38;
	[tilespmem:$0x1400] =	vst v63  }
0x4b1: {  	_ =	swait.ge [sflag:s3], $0x200  }
0x4b2: {  	s19 =	sld [smem:$0x7F9]  }
0x4b3: {  	[sflag:s3] =	ssyncset.done $0x0  }
0x4b4: {  	s22 =	simm.s32 $0x280;
	s23 =	sld [smem:$0x7CD];
	[sflag:s3] =	ssyncadd.s32 $0xFFFFFE00  }
0x4b5: {  	[hbm4b:s19+s2] =	stream.linear.scatter [tilespmem:s22], [sflag:$0x1], $0x80, $0x38;
	[tilespmem:$0x1400] =	vst v63  }
0x4b6: {  	s16 =	simm.s32 $0x680;
	s24 =	sld [smem:$0x7CE]  }
0x4b7: {  	[hbm4b:s23+s2] =	stream.linear.scatter [tilespmem:s16], [sflag:$0x1], $0x80, $0x38;
	[tilespmem:$0x1400] =	vst v63  }
0x4b8: {  	s21 =	simm.s32 $0xA80;
	s25 =	sld [smem:$0x7CF]  }
0x4b9: {  	[hbm4b:s24+s2] =	stream.linear.scatter [tilespmem:s21], [sflag:$0x1], $0x80, $0x38;
	[tilespmem:$0x1400] =	vst v63  }
0x4ba: {  	s6 =	simm.s32 $0xE80  }
0x4bb: {  	[hbm4b:s25+s2] =	stream.linear.scatter [tilespmem:s6], [sflag:$0x1], $0x80, $0x38;
	[tilespmem:$0x1400] =	vst v63  }
0x4bc: {  	_ =	swait.ge [sflag:s3], $0x200  }
0x4bd: {  	s26 =	sld [smem:$0x7FA]  }
0x4be: {  	[sflag:s3] =	ssyncset.done $0x0  }
0x4bf: {  	s29 =	simm.s32 $0x300;
	s30 =	sld [smem:$0x7D0];
	[sflag:s3] =	ssyncadd.s32 $0xFFFFFE00  }
0x4c0: {  	[hbm4b:s26+s2] =	stream.linear.scatter [tilespmem:s29], [sflag:$0x1], $0x80, $0x38;
	[tilespmem:$0x1400] =	vst v63  }
0x4c1: {  	s1 =	simm.s32 $0x700;
	s31 =	sld [smem:$0x7D1]  }
0x4c2: {  	[hbm4b:s30+s2] =	stream.linear.scatter [tilespmem:s1], [sflag:$0x1], $0x80, $0x38;
	[tilespmem:$0x1400] =	vst v63  }
0x4c3: {  	s20 =	simm.s32 $0xB00;
	s1 =	sld [smem:$0x7D2]  }
0x4c4: {  	[hbm4b:s31+s2] =	stream.linear.scatter [tilespmem:s20], [sflag:$0x1], $0x80, $0x38;
	[tilespmem:$0x1400] =	vst v63  }
0x4c5: {  	s12 =	simm.s32 $0xF00  }
0x4c6: {  	[hbm4b:s1+s2] =	stream.linear.scatter [tilespmem:s12], [sflag:$0x1], $0x80, $0x38;
	[tilespmem:$0x1400] =	vst v63  }
0x4c7: {  	_ =	swait.ge [sflag:s3], $0x200  }
0x4c8: {  	s4 =	sld [smem:$0x7FB]  }
0x4c9: {  	[sflag:s3] =	ssyncset.done $0x0  }
0x4ca: {  	s9 =	simm.s32 $0x380;
	s5 =	sld [smem:$0x7D3];
	[sflag:s3] =	ssyncadd.s32 $0xFFFFFE00  }
0x4cb: {  	[hbm4b:s4+s2] =	stream.linear.scatter [tilespmem:s9], [sflag:$0x1], $0x80, $0x38;
	[tilespmem:$0x1400] =	vst v63  }
0x4cc: {  	s13 =	simm.s32 $0x780;
	s6 =	sld [smem:$0x7D4]  }
0x4cd: {  	[hbm4b:s5+s2] =	stream.linear.scatter [tilespmem:s13], [sflag:$0x1], $0x80, $0x38;
	[tilespmem:$0x1400] =	vst v63  }
0x4ce: {  	s14 =	simm.s32 $0xB80;
	s9 =	sld [smem:$0x7D5]  }
0x4cf: {  	[hbm4b:s6+s2] =	stream.linear.scatter [tilespmem:s14], [sflag:$0x1], $0x80, $0x38;
	[tilespmem:$0x1400] =	vst v63  }
0x4d0: {  	s8 =	simm.s32 $0xF80  }
0x4d1: {  	[hbm4b:s9+s2] =	stream.linear.scatter [tilespmem:s8], [sflag:$0x1], $0x80, $0x38;
	[tilespmem:$0x1400] =	vst v63  }
0x4d2: {  	_ =	swait.ge [sflag:s3], $0x200  }
0x4d3: {  	[sflag:s3] =	ssyncset.done $0x0  }
0x4d4: {  	s12 =	simm.s32 $0x1000;
	s10 =	rddreg [dreg:$0x9];
	[sflag:s3] =	ssyncadd.s32 $0xFFFFFE00  }
0x4d5: {  	[tilespmem:s12], [sflag:$0x1] =	stream.strided.gather [hbm4b:s10+s7], $0x400, s11, s7, $0x38;
	[tilespmem:$0x1400] =	vst v63  }
0x4d6: {  	_ =	swait.ge [sflag:s3], $0x400  }
0x4d7: {  	s13 =	rddreg [dreg:$0xa]  }
0x4d8: {  	s14 =	sld [smem:$0x7FC]  }
0x4d9: {  	[sflag:s3] =	ssyncset.done $0x0;
	s15 =	rddreg [dreg:$0xb]  }
0x4da: {  	s16 =	sld [smem:$0x7D6];
	[sflag:s3] =	ssyncadd.s32 $0xFFFFFC00  }
0x4db: {  	[hbm4b:s14+s2] =	stream.linear.scatter [tilespmem:s12], [sflag:$0x1], $0x80, $0x38;
	[tilespmem:$0x1400] =	vst v63  }
0x4dc: {  	s20 =	sld [smem:$0x7D7]  }
0x4dd: {  	[hbm4b:s16+s2] =	stream.linear.scatter [tilespmem:s13], [sflag:$0x1], $0x80, $0x38;
	[tilespmem:$0x1400] =	vst v63  }
0x4de: {  	s21 =	sld [smem:$0x7D8]  }
0x4df: {  	[hbm4b:s20+s2] =	stream.linear.scatter [tilespmem:s15], [sflag:$0x1], $0x80, $0x38;
	[tilespmem:$0x1400] =	vst v63  }
0x4e0: {  	s19 =	rddreg [dreg:$0xc]  }
0x4e1: {  	[hbm4b:s21+s2] =	stream.linear.scatter [tilespmem:s19], [sflag:$0x1], $0x80, $0x38;
	[tilespmem:$0x1400] =	vst v63  }
0x4e2: {  	_ =	swait.ge [sflag:s3], $0x200  }
0x4e3: {  	s22 =	rddreg [dreg:$0xd]  }
0x4e4: {  	s23 =	rddreg [dreg:$0xe]  }
0x4e5: {  	s24 =	rddreg [dreg:$0x11]  }
0x4e6: {  	[sflag:s3] =	ssyncset.done $0x0;
	s25 =	rddreg [dreg:$0xf]  }
0x4e7: {  	s26 =	sld [smem:$0x7D9];
	[sflag:s3] =	ssyncadd.s32 $0xFFFFFE00  }
0x4e8: {  	[hbm4b:s24+s2] =	stream.linear.scatter [tilespmem:s22], [sflag:$0x1], $0x80, $0x38;
	[tilespmem:$0x1400] =	vst v63  }
0x4e9: {  	s30 =	sld [smem:$0x7DA]  }
0x4ea: {  	[hbm4b:s26+s2] =	stream.linear.scatter [tilespmem:s23], [sflag:$0x1], $0x80, $0x38;
	[tilespmem:$0x1400] =	vst v63  }
0x4eb: {  	p1 =	sne.s32 s28, $0x1;
	s31 =	sld [smem:$0x7DB]  }
0x4ec: {  	[hbm4b:s30+s2] =	stream.linear.scatter [tilespmem:s25], [sflag:$0x1], $0x80, $0x38;
	[tilespmem:$0x1400] =	vst v63  }
.Ltmp2:
0x4ed: {  	_ = 	snop;
	(pc) =	sbr.rel @p1 .LBB2_3-.Ltmp2, $4  }
0x4ee: {  	s29 =	rddreg [dreg:$0x10]  }
0x4ef: {  	[hbm4b:s31+s2] =	stream.linear.scatter [tilespmem:s29], [sflag:$0x1], $0x80, $0x38;
	[tilespmem:$0x1400] =	vst v63  }
0x4f0: {  	_ =	swait.ge [sflag:s3], $0x200  }
0x4f1: {  	s28 =	sadd.s32 $0xFFFFFFFF, s28;
	[sflag:s3] =	ssyncset.done $0x0  }
0x4f2: {  	s17 =	simm.s32 $0xB80;
	s25 =	simm.s32 $0x780;
	s26 =	simm.s32 $0x380  }
0x4f3: {  	s28 =	simm.s32 $0xF00;
	s29 =	simm.s32 $0xB00;
	s0 =	simm.s32 $0x700  }
0x4f4: {  	s1 =	simm.s32 $0x300;
	s4 =	simm.s32 $0xE80;
	s5 =	simm.s32 $0xA80  }
0x4f5: {  	s7 =	simm.s32 $0x680;
	s11 =	simm.s32 $0x280;
	s10 =	simm.s32 $0xE00  }
0x4f6: {  	s12 =	simm.s32 $0xA00;
	s16 =	simm.s32 $0x600;
	s18 =	simm.s32 $0x200  }
0x4f7: {  	s22 =	simm.s32 $0xD80;
	s23 =	simm.s32 $0x980;
	s9 =	simm.s32 $0x580  }
0x4f8: {  	s13 =	simm.s32 $0x180;
	s20 =	sld [smem:$0x7BF];
	s6 =	simm.s32 $0xD00  }
0x4f9: {  	s8 =	simm.s32 $0x400;
	s30 =	simm.s32 $0x100;
	s14 =	sld [smem:$0x75B]  }
.LBB2_5:
0x4fa: {  	s15 =	rddreg [dreg:$0x3];
	[sflag:s3] =	ssyncadd.s32 @p0 $0xFFFFFE00  }
0x4fb: {  	[tilespmem:s2], [sflag:$0x1] =	stream.linear.gather [hbm4b:s15+s2], $0x1000, $0x38;
	[tilespmem:$0x1400] =	vst v63  }
0x4fc: {  	_ =	swait.ge [sflag:s3], $0x1000  }
0x4fd: {  	s31 =	sld [smem:$0x7FD]  }
0x4fe: {  	[sflag:s3] =	ssyncset.done $0x0  }
0x4ff: {  	[sflag:s3] =	ssyncadd.s32 $0xFFFFF000  }
0x500: {  	[hbm4b:s31+s2] =	stream.linear.scatter [tilespmem:s2], [sflag:$0x1], $0x80, $0x38;
	[tilespmem:$0x1400] =	vst v63  }
0x501: {  	s19 =	sadd.s32 $0x10, s31  }
0x502: {  	[hbm4b:s19+s2] =	stream.linear.scatter [tilespmem:s8], [sflag:$0x1], $0x80, $0x38;
	[tilespmem:$0x1400] =	vst v63  }
0x503: {  	s24 =	simm.s32 $0x800;
	s21 =	sadd.s32 $0x20, s31  }
0x504: {  	[hbm4b:s21+s2] =	stream.linear.scatter [tilespmem:s24], [sflag:$0x1], $0x80, $0x38;
	[tilespmem:$0x1400] =	vst v63  }
0x505: {  	s8 =	sadd.s32 $0x30, s31;
	s19 =	simm.s32 $0xC00  }
0x506: {  	[hbm4b:s8+s2] =	stream.linear.scatter [tilespmem:s19], [sflag:$0x1], $0x80, $0x38;
	[tilespmem:$0x1400] =	vst v63  }
0x507: {  	_ =	swait.ge [sflag:s3], $0x200  }
0x508: {  	[sflag:s3] =	ssyncset.done $0x0  }
0x509: {  	s19 =	simm.s32 $0x80;
	[sflag:s3] =	ssyncadd.s32 $0xFFFFFE00  }
0x50a: {  	[hbm4b:s14+s2] =	stream.linear.scatter [tilespmem:s19], [sflag:$0x1], $0x80, $0x38;
	[tilespmem:$0x1400] =	vst v63  }
0x50b: {  	s21 =	sadd.s32 $0x10, s14;
	s24 =	simm.s32 $0x480  }
0x50c: {  	[hbm4b:s21+s2] =	stream.linear.scatter [tilespmem:s24], [sflag:$0x1], $0x80, $0x38;
	[tilespmem:$0x1400] =	vst v63  }
0x50d: {  	s31 =	sadd.s32 $0x20, s14;
	s8 =	simm.s32 $0x880  }
0x50e: {  	[hbm4b:s31+s2] =	stream.linear.scatter [tilespmem:s8], [sflag:$0x1], $0x80, $0x38;
	[tilespmem:$0x1400] =	vst v63  }
0x50f: {  	s21 =	sadd.s32 $0x30, s14;
	s24 =	simm.s32 $0xC80  }
0x510: {  	[hbm4b:s21+s2] =	stream.linear.scatter [tilespmem:s24], [sflag:$0x1], $0x80, $0x38;
	[tilespmem:$0x1400] =	vst v63  }
0x511: {  	_ =	swait.ge [sflag:s3], $0x200  }
0x512: {  	s31 =	sld [smem:$0x7DD]  }
0x513: {  	[sflag:s3] =	ssyncset.done $0x0  }
0x514: {  	[sflag:s3] =	ssyncadd.s32 $0xFFFFFE00  }
0x515: {  	[hbm4b:s31+s2] =	stream.linear.scatter [tilespmem:s30], [sflag:$0x1], $0x80, $0x38;
	[tilespmem:$0x1400] =	vst v63  }
0x516: {  	s21 =	simm.s32 $0x500;
	s19 =	sadd.s32 $0x10, s31  }
0x517: {  	[hbm4b:s19+s2] =	stream.linear.scatter [tilespmem:s21], [sflag:$0x1], $0x80, $0x38;
	[tilespmem:$0x1400] =	vst v63  }
0x518: {  	s24 =	sadd.s32 $0x20, s31;
	s30 =	simm.s32 $0x900  }
0x519: {  	[hbm4b:s24+s2] =	stream.linear.scatter [tilespmem:s30], [sflag:$0x1], $0x80, $0x38;
	[tilespmem:$0x1400] =	vst v63  }
0x51a: {  	s31 =	sadd.s32 $0x30, s31  }
0x51b: {  	[hbm4b:s31+s2] =	stream.linear.scatter [tilespmem:s6], [sflag:$0x1], $0x80, $0x38;
	[tilespmem:$0x1400] =	vst v63  }
0x51c: {  	_ =	swait.ge [sflag:s3], $0x200  }
0x51d: {  	s8 =	sld [smem:$0x7DE]  }
0x51e: {  	[sflag:s3] =	ssyncset.done $0x0  }
0x51f: {  	[sflag:s3] =	ssyncadd.s32 $0xFFFFFE00  }
0x520: {  	[hbm4b:s8+s2] =	stream.linear.scatter [tilespmem:s13], [sflag:$0x1], $0x80, $0x38;
	[tilespmem:$0x1400] =	vst v63  }
0x521: {  	s14 =	sadd.s32 $0x10, s8  }
0x522: {  	[hbm4b:s14+s2] =	stream.linear.scatter [tilespmem:s9], [sflag:$0x1], $0x80, $0x38;
	[tilespmem:$0x1400] =	vst v63  }
0x523: {  	s19 =	sadd.s32 $0x20, s8  }
0x524: {  	[hbm4b:s19+s2] =	stream.linear.scatter [tilespmem:s23], [sflag:$0x1], $0x80, $0x38;
	[tilespmem:$0x1400] =	vst v63  }
0x525: {  	s21 =	sadd.s32 $0x30, s8  }
0x526: {  	[hbm4b:s21+s2] =	stream.linear.scatter [tilespmem:s22], [sflag:$0x1], $0x80, $0x38;
	[tilespmem:$0x1400] =	vst v63  }
0x527: {  	_ =	swait.ge [sflag:s3], $0x200  }
0x528: {  	s24 =	sld [smem:$0x7DF]  }
0x529: {  	[sflag:s3] =	ssyncset.done $0x0  }
0x52a: {  	[sflag:s3] =	ssyncadd.s32 $0xFFFFFE00  }
0x52b: {  	[hbm4b:s24+s2] =	stream.linear.scatter [tilespmem:s18], [sflag:$0x1], $0x80, $0x38;
	[tilespmem:$0x1400] =	vst v63  }
0x52c: {  	s30 =	sadd.s32 $0x10, s24  }
0x52d: {  	[hbm4b:s30+s2] =	stream.linear.scatter [tilespmem:s16], [sflag:$0x1], $0x80, $0x38;
	[tilespmem:$0x1400] =	vst v63  }
0x52e: {  	s31 =	sadd.s32 $0x20, s24  }
0x52f: {  	[hbm4b:s31+s2] =	stream.linear.scatter [tilespmem:s12], [sflag:$0x1], $0x80, $0x38;
	[tilespmem:$0x1400] =	vst v63  }
0x530: {  	s8 =	sadd.s32 $0x30, s24  }
0x531: {  	[hbm4b:s8+s2] =	stream.linear.scatter [tilespmem:s10], [sflag:$0x1], $0x80, $0x38;
	[tilespmem:$0x1400] =	vst v63  }
0x532: {  	_ =	swait.ge [sflag:s3], $0x200  }
0x533: {  	s12 =	sld [smem:$0x7E0]  }
0x534: {  	[sflag:s3] =	ssyncset.done $0x0  }
0x535: {  	[sflag:s3] =	ssyncadd.s32 $0xFFFFFE00  }
0x536: {  	[hbm4b:s12+s2] =	stream.linear.scatter [tilespmem:s11], [sflag:$0x1], $0x80, $0x38;
	[tilespmem:$0x1400] =	vst v63  }
0x537: {  	s14 =	sadd.s32 $0x10, s12  }
0x538: {  	[hbm4b:s14+s2] =	stream.linear.scatter [tilespmem:s7], [sflag:$0x1], $0x80, $0x38;
	[tilespmem:$0x1400] =	vst v63  }
0x539: {  	s16 =	sadd.s32 $0x20, s12  }
0x53a: {  	[hbm4b:s16+s2] =	stream.linear.scatter [tilespmem:s5], [sflag:$0x1], $0x80, $0x38;
	[tilespmem:$0x1400] =	vst v63  }
0x53b: {  	s18 =	sadd.s32 $0x30, s12  }
0x53c: {  	[hbm4b:s18+s2] =	stream.linear.scatter [tilespmem:s4], [sflag:$0x1], $0x80, $0x38;
	[tilespmem:$0x1400] =	vst v63  }
0x53d: {  	_ =	swait.ge [sflag:s3], $0x200  }
0x53e: {  	s19 =	sld [smem:$0x7E1]  }
0x53f: {  	[sflag:s3] =	ssyncset.done $0x0  }
0x540: {  	[sflag:s3] =	ssyncadd.s32 $0xFFFFFE00  }
0x541: {  	[hbm4b:s19+s2] =	stream.linear.scatter [tilespmem:s1], [sflag:$0x1], $0x80, $0x38;
	[tilespmem:$0x1400] =	vst v63  }
0x542: {  	s21 =	sadd.s32 $0x10, s19  }
0x543: {  	[hbm4b:s21+s2] =	stream.linear.scatter [tilespmem:s0], [sflag:$0x1], $0x80, $0x38;
	[tilespmem:$0x1400] =	vst v63  }
0x544: {  	s22 =	sadd.s32 $0x20, s19  }
0x545: {  	[hbm4b:s22+s2] =	stream.linear.scatter [tilespmem:s29], [sflag:$0x1], $0x80, $0x38;
	[tilespmem:$0x1400] =	vst v63  }
0x546: {  	s24 =	sadd.s32 $0x30, s19  }
0x547: {  	[hbm4b:s24+s2] =	stream.linear.scatter [tilespmem:s28], [sflag:$0x1], $0x80, $0x38;
	[tilespmem:$0x1400] =	vst v63  }
0x548: {  	_ =	swait.ge [sflag:s3], $0x200  }
0x549: {  	s29 =	sld [smem:$0x7E2]  }
0x54a: {  	[sflag:s3] =	ssyncset.done $0x0  }
0x54b: {  	[sflag:s3] =	ssyncadd.s32 $0xFFFFFE00  }
0x54c: {  	[hbm4b:s29+s2] =	stream.linear.scatter [tilespmem:s26], [sflag:$0x1], $0x80, $0x38;
	[tilespmem:$0x1400] =	vst v63  }
0x54d: {  	s30 =	sadd.s32 $0x10, s29  }
0x54e: {  	[hbm4b:s30+s2] =	stream.linear.scatter [tilespmem:s25], [sflag:$0x1], $0x80, $0x38;
	[tilespmem:$0x1400] =	vst v63  }
0x54f: {  	s31 =	sadd.s32 $0x20, s29  }
0x550: {  	[hbm4b:s31+s2] =	stream.linear.scatter [tilespmem:s17], [sflag:$0x1], $0x80, $0x38;
	[tilespmem:$0x1400] =	vst v63  }
0x551: {  	s11 =	simm.s32 $0xF80;
	s1 =	sadd.s32 $0x30, s29  }
0x552: {  	[hbm4b:s1+s2] =	stream.linear.scatter [tilespmem:s11], [sflag:$0x1], $0x80, $0x38;
	[tilespmem:$0x1400] =	vst v63  }
0x553: {  	_ =	swait.ge [sflag:s3], $0x200  }
0x554: {  	[sflag:s3] =	ssyncset.done $0x0  }
0x555: {  	s14 =	rddreg [dreg:$0x4];
	[sflag:s3] =	ssyncadd.s32 $0xFFFFFE00  }
0x556: {  	[tilespmem:s2], [sflag:$0x1] =	stream.linear.gather [hbm4b:s14+s2], $0x1000, $0x38;
	[tilespmem:$0x1400] =	vst v63  }
0x557: {  	_ =	swait.ge [sflag:s3], $0x1000  }
0x558: {  	s16 =	sld [smem:$0x7E3]  }
0x559: {  	[sflag:s3] =	ssyncset.done $0x0  }
0x55a: {  	[sflag:s3] =	ssyncadd.s32 $0xFFFFF000  }
0x55b: {  	[hbm4b:s16+s2] =	stream.linear.scatter [tilespmem:s2], [sflag:$0x1], $0x80, $0x38;
	[tilespmem:$0x1400] =	vst v63  }
0x55c: {  	s10 =	simm.s32 $0x400;
	s17 =	sadd.s32 $0x10, s16  }
0x55d: {  	[hbm4b:s17+s2] =	stream.linear.scatter [tilespmem:s10], [sflag:$0x1], $0x80, $0x38;
	[tilespmem:$0x1400] =	vst v63  }
0x55e: {  	s1 =	simm.s32 $0x800;
	s18 =	sadd.s32 $0x20, s16  }
0x55f: {  	[hbm4b:s18+s2] =	stream.linear.scatter [tilespmem:s1], [sflag:$0x1], $0x80, $0x38;
	[tilespmem:$0x1400] =	vst v63  }
0x560: {  	s10 =	sadd.s32 $0x30, s16;
	s18 =	simm.s32 $0xC00  }
0x561: {  	[hbm4b:s10+s2] =	stream.linear.scatter [tilespmem:s18], [sflag:$0x1], $0x80, $0x38;
	[tilespmem:$0x1400] =	vst v63  }
0x562: {  	_ =	swait.ge [sflag:s3], $0x200  }
0x563: {  	s11 =	sld [smem:$0x7E4]  }
0x564: {  	[sflag:s3] =	ssyncset.done $0x0  }
0x565: {  	s10 =	simm.s32 $0x80;
	[sflag:s3] =	ssyncadd.s32 $0xFFFFFE00  }
0x566: {  	[hbm4b:s11+s2] =	stream.linear.scatter [tilespmem:s10], [sflag:$0x1], $0x80, $0x38;
	[tilespmem:$0x1400] =	vst v63  }
0x567: {  	s16 =	simm.s32 $0x480;
	s14 =	sadd.s32 $0x10, s11  }
0x568: {  	[hbm4b:s14+s2] =	stream.linear.scatter [tilespmem:s16], [sflag:$0x1], $0x80, $0x38;
	[tilespmem:$0x1400] =	vst v63  }
0x569: {  	s17 =	sadd.s32 $0x20, s11;
	s14 =	simm.s32 $0x880  }
0x56a: {  	[hbm4b:s17+s2] =	stream.linear.scatter [tilespmem:s14], [sflag:$0x1], $0x80, $0x38;
	[tilespmem:$0x1400] =	vst v63  }
0x56b: {  	s0 =	sadd.s32 $0x30, s11;
	s11 =	simm.s32 $0xC80  }
0x56c: {  	[hbm4b:s0+s2] =	stream.linear.scatter [tilespmem:s11], [sflag:$0x1], $0x80, $0x38;
	[tilespmem:$0x1400] =	vst v63  }
0x56d: {  	_ =	swait.ge [sflag:s3], $0x200  }
0x56e: {  	s0 =	sld [smem:$0x7E5]  }
0x56f: {  	[sflag:s3] =	ssyncset.done $0x0  }
0x570: {  	s5 =	simm.s32 $0x100;
	[sflag:s3] =	ssyncadd.s32 $0xFFFFFE00  }
0x571: {  	[hbm4b:s0+s2] =	stream.linear.scatter [tilespmem:s5], [sflag:$0x1], $0x80, $0x38;
	[tilespmem:$0x1400] =	vst v63  }
0x572: {  	s17 =	sadd.s32 $0x10, s0;
	s5 =	simm.s32 $0x500  }
0x573: {  	[hbm4b:s17+s2] =	stream.linear.scatter [tilespmem:s5], [sflag:$0x1], $0x80, $0x38;
	[tilespmem:$0x1400] =	vst v63  }
0x574: {  	s15 =	sadd.s32 $0x20, s0;
	s17 =	simm.s32 $0x900  }
0x575: {  	[hbm4b:s15+s2] =	stream.linear.scatter [tilespmem:s17], [sflag:$0x1], $0x80, $0x38;
	[tilespmem:$0x1400] =	vst v63  }
0x576: {  	s4 =	simm.s32 $0xD00;
	s0 =	sadd.s32 $0x30, s0  }
0x577: {  	[hbm4b:s0+s2] =	stream.linear.scatter [tilespmem:s4], [sflag:$0x1], $0x80, $0x38;
	[tilespmem:$0x1400] =	vst v63  }
0x578: {  	_ =	swait.ge [sflag:s3], $0x200  }
0x579: {  	s0 =	sld [smem:$0x7E6]  }
0x57a: {  	[sflag:s3] =	ssyncset.done $0x0  }
0x57b: {  	[sflag:s3] =	ssyncadd.s32 $0xFFFFFE00  }
0x57c: {  	[hbm4b:s0+s2] =	stream.linear.scatter [tilespmem:s13], [sflag:$0x1], $0x80, $0x38;
	[tilespmem:$0x1400] =	vst v63  }
0x57d: {  	s4 =	sadd.s32 $0x10, s0  }
0x57e: {  	[hbm4b:s4+s2] =	stream.linear.scatter [tilespmem:s9], [sflag:$0x1], $0x80, $0x38;
	[tilespmem:$0x1400] =	vst v63  }
0x57f: {  	s4 =	sadd.s32 $0x20, s0  }
0x580: {  	[hbm4b:s4+s2] =	stream.linear.scatter [tilespmem:s23], [sflag:$0x1], $0x80, $0x38;
	[tilespmem:$0x1400] =	vst v63  }
0x581: {  	s6 =	simm.s32 $0xD80;
	s0 =	sadd.s32 $0x30, s0  }
0x582: {  	[hbm4b:s0+s2] =	stream.linear.scatter [tilespmem:s6], [sflag:$0x1], $0x80, $0x38;
	[tilespmem:$0x1400] =	vst v63  }
0x583: {  	_ =	swait.ge [sflag:s3], $0x200  }
0x584: {  	s4 =	sld [smem:$0x7E7]  }
0x585: {  	[sflag:s3] =	ssyncset.done $0x0  }
0x586: {  	s7 =	simm.s32 $0x200;
	[sflag:s3] =	ssyncadd.s32 $0xFFFFFE00  }
0x587: {  	[hbm4b:s4+s2] =	stream.linear.scatter [tilespmem:s7], [sflag:$0x1], $0x80, $0x38;
	[tilespmem:$0x1400] =	vst v63  }
0x588: {  	s8 =	simm.s32 $0x600;
	s6 =	sadd.s32 $0x10, s4  }
0x589: {  	[hbm4b:s6+s2] =	stream.linear.scatter [tilespmem:s8], [sflag:$0x1], $0x80, $0x38;
	[tilespmem:$0x1400] =	vst v63  }
0x58a: {  	s12 =	simm.s32 $0xA00;
	s7 =	sadd.s32 $0x20, s4  }
0x58b: {  	[hbm4b:s7+s2] =	stream.linear.scatter [tilespmem:s12], [sflag:$0x1], $0x80, $0x38;
	[tilespmem:$0x1400] =	vst v63  }
0x58c: {  	s21 =	simm.s32 $0xE00;
	s8 =	sadd.s32 $0x30, s4  }
0x58d: {  	[hbm4b:s8+s2] =	stream.linear.scatter [tilespmem:s21], [sflag:$0x1], $0x80, $0x38;
	[tilespmem:$0x1400] =	vst v63  }
0x58e: {  	_ =	swait.ge [sflag:s3], $0x200  }
0x58f: {  	s12 =	sld [smem:$0x7E8]  }
0x590: {  	[sflag:s3] =	ssyncset.done $0x0  }
0x591: {  	s19 =	simm.s32 $0x280;
	[sflag:s3] =	ssyncadd.s32 $0xFFFFFE00  }
0x592: {  	[hbm4b:s12+s2] =	stream.linear.scatter [tilespmem:s19], [sflag:$0x1], $0x80, $0x38;
	[tilespmem:$0x1400] =	vst v63  }
0x593: {  	s22 =	simm.s32 $0x680;
	s21 =	sadd.s32 $0x10, s12  }
0x594: {  	[hbm4b:s21+s2] =	stream.linear.scatter [tilespmem:s22], [sflag:$0x1], $0x80, $0x38;
	[tilespmem:$0x1400] =	vst v63  }
0x595: {  	s24 =	simm.s32 $0xA80;
	s4 =	sadd.s32 $0x20, s12  }
0x596: {  	[hbm4b:s4+s2] =	stream.linear.scatter [tilespmem:s24], [sflag:$0x1], $0x80, $0x38;
	[tilespmem:$0x1400] =	vst v63  }
0x597: {  	s25 =	simm.s32 $0xE80;
	s6 =	sadd.s32 $0x30, s12  }
0x598: {  	[hbm4b:s6+s2] =	stream.linear.scatter [tilespmem:s25], [sflag:$0x1], $0x80, $0x38;
	[tilespmem:$0x1400] =	vst v63  }
0x599: {  	_ =	swait.ge [sflag:s3], $0x200  }
0x59a: {  	s7 =	sld [smem:$0x7E9]  }
0x59b: {  	[sflag:s3] =	ssyncset.done $0x0  }
0x59c: {  	s28 =	simm.s32 $0x300;
	[sflag:s3] =	ssyncadd.s32 $0xFFFFFE00  }
0x59d: {  	[hbm4b:s7+s2] =	stream.linear.scatter [tilespmem:s28], [sflag:$0x1], $0x80, $0x38;
	[tilespmem:$0x1400] =	vst v63  }
0x59e: {  	s30 =	simm.s32 $0x700;
	s8 =	sadd.s32 $0x10, s7  }
0x59f: {  	[hbm4b:s8+s2] =	stream.linear.scatter [tilespmem:s30], [sflag:$0x1], $0x80, $0x38;
	[tilespmem:$0x1400] =	vst v63  }
0x5a0: {  	s26 =	simm.s32 $0xB00;
	s12 =	sadd.s32 $0x20, s7  }
0x5a1: {  	[hbm4b:s12+s2] =	stream.linear.scatter [tilespmem:s26], [sflag:$0x1], $0x80, $0x38;
	[tilespmem:$0x1400] =	vst v63  }
0x5a2: {  	s29 =	simm.s32 $0xF00;
	s19 =	sadd.s32 $0x30, s7  }
0x5a3: {  	[hbm4b:s19+s2] =	stream.linear.scatter [tilespmem:s29], [sflag:$0x1], $0x80, $0x38;
	[tilespmem:$0x1400] =	vst v63  }
0x5a4: {  	_ =	swait.ge [sflag:s3], $0x200  }
0x5a5: {  	s0 =	sld [smem:$0x7EA]  }
0x5a6: {  	[sflag:s3] =	ssyncset.done $0x0  }
0x5a7: {  	s31 =	simm.s32 $0x380;
	[sflag:s3] =	ssyncadd.s32 $0xFFFFFE00  }
0x5a8: {  	[hbm4b:s0+s2] =	stream.linear.scatter [tilespmem:s31], [sflag:$0x1], $0x80, $0x38;
	[tilespmem:$0x1400] =	vst v63  }
0x5a9: {  	s26 =	simm.s32 $0x780;
	s22 =	sadd.s32 $0x10, s0  }
0x5aa: {  	[hbm4b:s22+s2] =	stream.linear.scatter [tilespmem:s26], [sflag:$0x1], $0x80, $0x38;
	[tilespmem:$0x1400] =	vst v63  }
0x5ab: {  	s29 =	simm.s32 $0xB80;
	s28 =	sadd.s32 $0x20, s0  }
0x5ac: {  	[hbm4b:s28+s2] =	stream.linear.scatter [tilespmem:s29], [sflag:$0x1], $0x80, $0x38;
	[tilespmem:$0x1400] =	vst v63  }
0x5ad: {  	s12 =	simm.s32 $0xF80;
	s0 =	sadd.s32 $0x30, s0  }
0x5ae: {  	[hbm4b:s0+s2] =	stream.linear.scatter [tilespmem:s12], [sflag:$0x1], $0x80, $0x38;
	[tilespmem:$0x1400] =	vst v63  }
0x5af: {  	_ =	swait.ge [sflag:s3], $0x200  }
0x5b0: {  	[sflag:s3] =	ssyncset.done $0x0  }
0x5b1: {  	s22 =	rddreg [dreg:$0x5];
	[sflag:s3] =	ssyncadd.s32 $0xFFFFFE00  }
0x5b2: {  	[tilespmem:s2], [sflag:$0x1] =	stream.linear.gather [hbm4b:s22+s2], $0x1000, $0x38;
	[tilespmem:$0x1400] =	vst v63  }
0x5b3: {  	_ =	swait.ge [sflag:s3], $0x1000  }
0x5b4: {  	s0 =	sld [smem:$0x7EB]  }
0x5b5: {  	[sflag:s3] =	ssyncset.done $0x0  }
0x5b6: {  	[sflag:s3] =	ssyncadd.s32 $0xFFFFF000  }
0x5b7: {  	[hbm4b:s0+s2] =	stream.linear.scatter [tilespmem:s2], [sflag:$0x1], $0x80, $0x38;
	[tilespmem:$0x1400] =	vst v63  }
0x5b8: {  	s28 =	simm.s32 $0x400;
	s26 =	sadd.s32 $0x10, s0  }
0x5b9: {  	[hbm4b:s26+s2] =	stream.linear.scatter [tilespmem:s28], [sflag:$0x1], $0x80, $0x38;
	[tilespmem:$0x1400] =	vst v63  }
0x5ba: {  	s29 =	sadd.s32 $0x20, s0  }
0x5bb: {  	[hbm4b:s29+s2] =	stream.linear.scatter [tilespmem:s1], [sflag:$0x1], $0x80, $0x38;
	[tilespmem:$0x1400] =	vst v63  }
0x5bc: {  	s1 =	sadd.s32 $0x30, s0  }
0x5bd: {  	[hbm4b:s1+s2] =	stream.linear.scatter [tilespmem:s18], [sflag:$0x1], $0x80, $0x38;
	[tilespmem:$0x1400] =	vst v63  }
0x5be: {  	_ =	swait.ge [sflag:s3], $0x200  }
0x5bf: {  	s0 =	sld [smem:$0x7EC]  }
0x5c0: {  	[sflag:s3] =	ssyncset.done $0x0  }
0x5c1: {  	[sflag:s3] =	ssyncadd.s32 $0xFFFFFE00  }
0x5c2: {  	[hbm4b:s0+s2] =	stream.linear.scatter [tilespmem:s10], [sflag:$0x1], $0x80, $0x38;
	[tilespmem:$0x1400] =	vst v63  }
0x5c3: {  	s28 =	sadd.s32 $0x10, s0  }
0x5c4: {  	[hbm4b:s28+s2] =	stream.linear.scatter [tilespmem:s16], [sflag:$0x1], $0x80, $0x38;
	[tilespmem:$0x1400] =	vst v63  }
0x5c5: {  	s29 =	sadd.s32 $0x20, s0  }
0x5c6: {  	[hbm4b:s29+s2] =	stream.linear.scatter [tilespmem:s14], [sflag:$0x1], $0x80, $0x38;
	[tilespmem:$0x1400] =	vst v63  }
0x5c7: {  	s14 =	sadd.s32 $0x30, s0  }
0x5c8: {  	[hbm4b:s14+s2] =	stream.linear.scatter [tilespmem:s11], [sflag:$0x1], $0x80, $0x38;
	[tilespmem:$0x1400] =	vst v63  }
0x5c9: {  	_ =	swait.ge [sflag:s3], $0x200  }
0x5ca: {  	s0 =	sld [smem:$0x7ED]  }
0x5cb: {  	[sflag:s3] =	ssyncset.done $0x0  }
0x5cc: {  	s15 =	simm.s32 $0x100;
	[sflag:s3] =	ssyncadd.s32 $0xFFFFFE00  }
0x5cd: {  	[hbm4b:s0+s2] =	stream.linear.scatter [tilespmem:s15], [sflag:$0x1], $0x80, $0x38;
	[tilespmem:$0x1400] =	vst v63  }
0x5ce: {  	s16 =	sadd.s32 $0x10, s0  }
0x5cf: {  	[hbm4b:s16+s2] =	stream.linear.scatter [tilespmem:s5], [sflag:$0x1], $0x80, $0x38;
	[tilespmem:$0x1400] =	vst v63  }
0x5d0: {  	s11 =	sadd.s32 $0x20, s0  }
0x5d1: {  	[hbm4b:s11+s2] =	stream.linear.scatter [tilespmem:s17], [sflag:$0x1], $0x80, $0x38;
	[tilespmem:$0x1400] =	vst v63  }
0x5d2: {  	s16 =	sadd.s32 $0x30, s0;
	s17 =	simm.s32 $0xD00  }
0x5d3: {  	[hbm4b:s16+s2] =	stream.linear.scatter [tilespmem:s17], [sflag:$0x1], $0x80, $0x38;
	[tilespmem:$0x1400] =	vst v63  }
0x5d4: {  	_ =	swait.ge [sflag:s3], $0x200  }
0x5d5: {  	s5 =	sld [smem:$0x7EE]  }
0x5d6: {  	[sflag:s3] =	ssyncset.done $0x0  }
0x5d7: {  	[sflag:s3] =	ssyncadd.s32 $0xFFFFFE00  }
0x5d8: {  	[hbm4b:s5+s2] =	stream.linear.scatter [tilespmem:s13], [sflag:$0x1], $0x80, $0x38;
	[tilespmem:$0x1400] =	vst v63  }
0x5d9: {  	s16 =	sadd.s32 $0x10, s5  }
0x5da: {  	[hbm4b:s16+s2] =	stream.linear.scatter [tilespmem:s9], [sflag:$0x1], $0x80, $0x38;
	[tilespmem:$0x1400] =	vst v63  }
0x5db: {  	s17 =	sadd.s32 $0x20, s5  }
0x5dc: {  	[hbm4b:s17+s2] =	stream.linear.scatter [tilespmem:s23], [sflag:$0x1], $0x80, $0x38;
	[tilespmem:$0x1400] =	vst v63  }
0x5dd: {  	s0 =	sadd.s32 $0x30, s5;
	s5 =	simm.s32 $0xD80  }
0x5de: {  	[hbm4b:s0+s2] =	stream.linear.scatter [tilespmem:s5], [sflag:$0x1], $0x80, $0x38;
	[tilespmem:$0x1400] =	vst v63  }
0x5df: {  	_ =	swait.ge [sflag:s3], $0x200  }
0x5e0: {  	s0 =	sld [smem:$0x7EF]  }
0x5e1: {  	[sflag:s3] =	ssyncset.done $0x0  }
0x5e2: {  	s15 =	simm.s32 $0x200;
	[sflag:s3] =	ssyncadd.s32 $0xFFFFFE00  }
0x5e3: {  	[hbm4b:s0+s2] =	stream.linear.scatter [tilespmem:s15], [sflag:$0x1], $0x80, $0x38;
	[tilespmem:$0x1400] =	vst v63  }
0x5e4: {  	s17 =	simm.s32 $0x600;
	s16 =	sadd.s32 $0x10, s0  }
0x5e5: {  	[hbm4b:s16+s2] =	stream.linear.scatter [tilespmem:s17], [sflag:$0x1], $0x80, $0x38;
	[tilespmem:$0x1400] =	vst v63  }
0x5e6: {  	s16 =	sadd.s32 $0x20, s0;
	s17 =	simm.s32 $0xA00  }
0x5e7: {  	[hbm4b:s16+s2] =	stream.linear.scatter [tilespmem:s17], [sflag:$0x1], $0x80, $0x38;
	[tilespmem:$0x1400] =	vst v63  }
0x5e8: {  	s5 =	simm.s32 $0xE00;
	s0 =	sadd.s32 $0x30, s0  }
0x5e9: {  	[hbm4b:s0+s2] =	stream.linear.scatter [tilespmem:s5], [sflag:$0x1], $0x80, $0x38;
	[tilespmem:$0x1400] =	vst v63  }
0x5ea: {  	_ =	swait.ge [sflag:s3], $0x200  }
0x5eb: {  	s0 =	sld [smem:$0x7F0]  }
0x5ec: {  	[sflag:s3] =	ssyncset.done $0x0  }
0x5ed: {  	s15 =	simm.s32 $0x280;
	[sflag:s3] =	ssyncadd.s32 $0xFFFFFE00  }
0x5ee: {  	[hbm4b:s0+s2] =	stream.linear.scatter [tilespmem:s15], [sflag:$0x1], $0x80, $0x38;
	[tilespmem:$0x1400] =	vst v63  }
0x5ef: {  	s21 =	simm.s32 $0x680;
	s16 =	sadd.s32 $0x10, s0  }
0x5f0: {  	[hbm4b:s16+s2] =	stream.linear.scatter [tilespmem:s21], [sflag:$0x1], $0x80, $0x38;
	[tilespmem:$0x1400] =	vst v63  }
0x5f1: {  	s4 =	simm.s32 $0xA80;
	s17 =	sadd.s32 $0x20, s0  }
0x5f2: {  	[hbm4b:s17+s2] =	stream.linear.scatter [tilespmem:s4], [sflag:$0x1], $0x80, $0x38;
	[tilespmem:$0x1400] =	vst v63  }
0x5f3: {  	s25 =	simm.s32 $0xE80;
	s21 =	sadd.s32 $0x30, s0  }
0x5f4: {  	[hbm4b:s21+s2] =	stream.linear.scatter [tilespmem:s25], [sflag:$0x1], $0x80, $0x38;
	[tilespmem:$0x1400] =	vst v63  }
0x5f5: {  	_ =	swait.ge [sflag:s3], $0x200  }
0x5f6: {  	s0 =	sld [smem:$0x7F1]  }
0x5f7: {  	[sflag:s3] =	ssyncset.done $0x0  }
0x5f8: {  	s24 =	simm.s32 $0x300;
	[sflag:s3] =	ssyncadd.s32 $0xFFFFFE00  }
0x5f9: {  	[hbm4b:s0+s2] =	stream.linear.scatter [tilespmem:s24], [sflag:$0x1], $0x80, $0x38;
	[tilespmem:$0x1400] =	vst v63  }
0x5fa: {  	s30 =	simm.s32 $0x700;
	s25 =	sadd.s32 $0x10, s0  }
0x5fb: {  	[hbm4b:s25+s2] =	stream.linear.scatter [tilespmem:s30], [sflag:$0x1], $0x80, $0x38;
	[tilespmem:$0x1400] =	vst v63  }
0x5fc: {  	s6 =	simm.s32 $0xB00;
	s30 =	sadd.s32 $0x20, s0  }
0x5fd: {  	[hbm4b:s30+s2] =	stream.linear.scatter [tilespmem:s6], [sflag:$0x1], $0x80, $0x38;
	[tilespmem:$0x1400] =	vst v63  }
0x5fe: {  	s8 =	simm.s32 $0xF00;
	s0 =	sadd.s32 $0x30, s0  }
0x5ff: {  	[hbm4b:s0+s2] =	stream.linear.scatter [tilespmem:s8], [sflag:$0x1], $0x80, $0x38;
	[tilespmem:$0x1400] =	vst v63  }
0x600: {  	_ =	swait.ge [sflag:s3], $0x200  }
0x601: {  	s6 =	sld [smem:$0x7F2]  }
0x602: {  	[sflag:s3] =	ssyncset.done $0x0  }
0x603: {  	s7 =	simm.s32 $0x380;
	[sflag:s3] =	ssyncadd.s32 $0xFFFFFE00  }
0x604: {  	[hbm4b:s6+s2] =	stream.linear.scatter [tilespmem:s7], [sflag:$0x1], $0x80, $0x38;
	[tilespmem:$0x1400] =	vst v63  }
0x605: {  	s31 =	simm.s32 $0x780;
	s30 =	sadd.s32 $0x10, s6  }
0x606: {  	[hbm4b:s30+s2] =	stream.linear.scatter [tilespmem:s31], [sflag:$0x1], $0x80, $0x38;
	[tilespmem:$0x1400] =	vst v63  }
0x607: {  	s19 =	simm.s32 $0xB80;
	s31 =	sadd.s32 $0x20, s6  }
0x608: {  	[hbm4b:s31+s2] =	stream.linear.scatter [tilespmem:s19], [sflag:$0x1], $0x80, $0x38;
	[tilespmem:$0x1400] =	vst v63  }
0x609: {  	s6 =	sadd.s32 $0x30, s6  }
0x60a: {  	[hbm4b:s6+s2] =	stream.linear.scatter [tilespmem:s12], [sflag:$0x1], $0x80, $0x38;
	[tilespmem:$0x1400] =	vst v63  }
0x60b: {  	_ =	swait.ge [sflag:s3], $0x200  }
0x60c: {  	[sflag:s3] =	ssyncset.done $0x0  }
0x60d: {  	s30 =	rddreg [dreg:$0x6];
	[sflag:s3] =	ssyncadd.s32 $0xFFFFFE00  }
0x60e: {  	[tilespmem:s2], [sflag:$0x1] =	stream.linear.gather [hbm4b:s30+s2], $0x1000, $0x38;
	[tilespmem:$0x1400] =	vst v63  }
0x60f: {  	_ =	swait.ge [sflag:s3], $0x1000  }
0x610: {  	s31 =	sld [smem:$0x7F3]  }
0x611: {  	[sflag:s3] =	ssyncset.done $0x0  }
0x612: {  	[sflag:s3] =	ssyncadd.s32 $0xFFFFF000  }
0x613: {  	[hbm4b:s31+s2] =	stream.linear.scatter [tilespmem:s2], [sflag:$0x1], $0x80, $0x38;
	[tilespmem:$0x1400] =	vst v63  }
0x614: {  	s22 =	simm.s32 $0x400;
	s12 =	sadd.s32 $0x10, s31  }
0x615: {  	[hbm4b:s12+s2] =	stream.linear.scatter [tilespmem:s22], [sflag:$0x1], $0x80, $0x38;
	[tilespmem:$0x1400] =	vst v63  }
0x616: {  	s26 =	simm.s32 $0x800;
	s22 =	sadd.s32 $0x20, s31  }
0x617: {  	[hbm4b:s22+s2] =	stream.linear.scatter [tilespmem:s26], [sflag:$0x1], $0x80, $0x38;
	[tilespmem:$0x1400] =	vst v63  }
0x618: {  	s1 =	simm.s32 $0xC00;
	s26 =	sadd.s32 $0x30, s31  }
0x619: {  	[hbm4b:s26+s2] =	stream.linear.scatter [tilespmem:s1], [sflag:$0x1], $0x80, $0x38;
	[tilespmem:$0x1400] =	vst v63  }
0x61a: {  	_ =	swait.ge [sflag:s3], $0x200  }
0x61b: {  	s0 =	sld [smem:$0x7F4]  }
0x61c: {  	[sflag:s3] =	ssyncset.done $0x0  }
0x61d: {  	s18 =	simm.s32 $0x80;
	[sflag:s3] =	ssyncadd.s32 $0xFFFFFE00  }
0x61e: {  	[hbm4b:s0+s2] =	stream.linear.scatter [tilespmem:s18], [sflag:$0x1], $0x80, $0x38;
	[tilespmem:$0x1400] =	vst v63  }
0x61f: {  	s10 =	simm.s32 $0x480;
	s30 =	sadd.s32 $0x10, s0  }
0x620: {  	[hbm4b:s30+s2] =	stream.linear.scatter [tilespmem:s10], [sflag:$0x1], $0x80, $0x38;
	[tilespmem:$0x1400] =	vst v63  }
0x621: {  	s29 =	simm.s32 $0x880;
	s31 =	sadd.s32 $0x20, s0  }
0x622: {  	[hbm4b:s31+s2] =	stream.linear.scatter [tilespmem:s29], [sflag:$0x1], $0x80, $0x38;
	[tilespmem:$0x1400] =	vst v63  }
0x623: {  	s28 =	simm.s32 $0xC80;
	s0 =	sadd.s32 $0x30, s0  }
0x624: {  	[hbm4b:s0+s2] =	stream.linear.scatter [tilespmem:s28], [sflag:$0x1], $0x80, $0x38;
	[tilespmem:$0x1400] =	vst v63  }
0x625: {  	_ =	swait.ge [sflag:s3], $0x200  }
0x626: {  	s0 =	sld [smem:$0x7F5]  }
0x627: {  	[sflag:s3] =	ssyncset.done $0x0  }
0x628: {  	s18 =	simm.s32 $0x100;
	[sflag:s3] =	ssyncadd.s32 $0xFFFFFE00  }
0x629: {  	[hbm4b:s0+s2] =	stream.linear.scatter [tilespmem:s18], [sflag:$0x1], $0x80, $0x38;
	[tilespmem:$0x1400] =	vst v63  }
0x62a: {  	s14 =	simm.s32 $0x500;
	s28 =	sadd.s32 $0x10, s0  }
0x62b: {  	[hbm4b:s28+s2] =	stream.linear.scatter [tilespmem:s14], [sflag:$0x1], $0x80, $0x38;
	[tilespmem:$0x1400] =	vst v63  }
0x62c: {  	s11 =	simm.s32 $0x900;
	s30 =	sadd.s32 $0x20, s0  }
0x62d: {  	[hbm4b:s30+s2] =	stream.linear.scatter [tilespmem:s11], [sflag:$0x1], $0x80, $0x38;
	[tilespmem:$0x1400] =	vst v63  }
0x62e: {  	s28 =	simm.s32 $0xD00;
	s11 =	sadd.s32 $0x30, s0  }
0x62f: {  	[hbm4b:s11+s2] =	stream.linear.scatter [tilespmem:s28], [sflag:$0x1], $0x80, $0x38;
	[tilespmem:$0x1400] =	vst v63  }
0x630: {  	_ =	swait.ge [sflag:s3], $0x200  }
0x631: {  	s0 =	sld [smem:$0x7F6]  }
0x632: {  	[sflag:s3] =	ssyncset.done $0x0  }
0x633: {  	[sflag:s3] =	ssyncadd.s32 $0xFFFFFE00  }
0x634: {  	[hbm4b:s0+s2] =	stream.linear.scatter [tilespmem:s13], [sflag:$0x1], $0x80, $0x38;
	[tilespmem:$0x1400] =	vst v63  }
0x635: {  	s11 =	sadd.s32 $0x10, s0  }
0x636: {  	[hbm4b:s11+s2] =	stream.linear.scatter [tilespmem:s9], [sflag:$0x1], $0x80, $0x38;
	[tilespmem:$0x1400] =	vst v63  }
0x637: {  	s28 =	sadd.s32 $0x20, s0  }
0x638: {  	[hbm4b:s28+s2] =	stream.linear.scatter [tilespmem:s23], [sflag:$0x1], $0x80, $0x38;
	[tilespmem:$0x1400] =	vst v63  }
0x639: {  	s0 =	sadd.s32 $0x30, s0;
	s11 =	simm.s32 $0xD80  }
0x63a: {  	[hbm4b:s0+s2] =	stream.linear.scatter [tilespmem:s11], [sflag:$0x1], $0x80, $0x38;
	[tilespmem:$0x1400] =	vst v63  }
0x63b: {  	_ =	swait.ge [sflag:s3], $0x200  }
0x63c: {  	s0 =	sld [smem:$0x7F7]  }
0x63d: {  	[sflag:s3] =	ssyncset.done $0x0  }
0x63e: {  	s28 =	simm.s32 $0x200;
	[sflag:s3] =	ssyncadd.s32 $0xFFFFFE00  }
0x63f: {  	[hbm4b:s0+s2] =	stream.linear.scatter [tilespmem:s28], [sflag:$0x1], $0x80, $0x38;
	[tilespmem:$0x1400] =	vst v63  }
0x640: {  	s11 =	sadd.s32 $0x10, s0;
	s28 =	simm.s32 $0x600  }
0x641: {  	[hbm4b:s11+s2] =	stream.linear.scatter [tilespmem:s28], [sflag:$0x1], $0x80, $0x38;
	[tilespmem:$0x1400] =	vst v63  }
0x642: {  	s11 =	sadd.s32 $0x20, s0;
	s28 =	simm.s32 $0xA00  }
0x643: {  	[hbm4b:s11+s2] =	stream.linear.scatter [tilespmem:s28], [sflag:$0x1], $0x80, $0x38;
	[tilespmem:$0x1400] =	vst v63  }
0x644: {  	s0 =	sadd.s32 $0x30, s0;
	s11 =	simm.s32 $0xE00  }
0x645: {  	[hbm4b:s0+s2] =	stream.linear.scatter [tilespmem:s11], [sflag:$0x1], $0x80, $0x38;
	[tilespmem:$0x1400] =	vst v63  }
0x646: {  	_ =	swait.ge [sflag:s3], $0x200  }
0x647: {  	s0 =	sld [smem:$0x7F8]  }
0x648: {  	[sflag:s3] =	ssyncset.done $0x0  }
0x649: {  	s15 =	simm.s32 $0x280;
	[sflag:s3] =	ssyncadd.s32 $0xFFFFFE00  }
0x64a: {  	[hbm4b:s0+s2] =	stream.linear.scatter [tilespmem:s15], [sflag:$0x1], $0x80, $0x38;
	[tilespmem:$0x1400] =	vst v63  }
0x64b: {  	s5 =	simm.s32 $0x680;
	s28 =	sadd.s32 $0x10, s0  }
0x64c: {  	[hbm4b:s28+s2] =	stream.linear.scatter [tilespmem:s5], [sflag:$0x1], $0x80, $0x38;
	[tilespmem:$0x1400] =	vst v63  }
0x64d: {  	s16 =	simm.s32 $0xA80;
	s11 =	sadd.s32 $0x20, s0  }
0x64e: {  	[hbm4b:s11+s2] =	stream.linear.scatter [tilespmem:s16], [sflag:$0x1], $0x80, $0x38;
	[tilespmem:$0x1400] =	vst v63  }
0x64f: {  	s4 =	simm.s32 $0xE80;
	s0 =	sadd.s32 $0x30, s0  }
0x650: {  	[hbm4b:s0+s2] =	stream.linear.scatter [tilespmem:s4], [sflag:$0x1], $0x80, $0x38;
	[tilespmem:$0x1400] =	vst v63  }
0x651: {  	_ =	swait.ge [sflag:s3], $0x200  }
0x652: {  	[sflag:s3] =	ssyncset.done $0x0  }
0x653: {  	s17 =	simm.s32 $0x300;
	s4 =	rddreg [dreg:$0x1f];
	[sflag:s3] =	ssyncadd.s32 $0xFFFFFE00  }
0x654: {  	[hbm4b:s4+s2] =	stream.linear.scatter [tilespmem:s17], [sflag:$0x1], $0x80, $0x38;
	[tilespmem:$0x1400] =	vst v63  }
0x655: {  	s24 =	simm.s32 $0x700;
	s5 =	sadd.s32 $0x10, s4  }
0x656: {  	[hbm4b:s5+s2] =	stream.linear.scatter [tilespmem:s24], [sflag:$0x1], $0x80, $0x38;
	[tilespmem:$0x1400] =	vst v63  }
0x657: {  	s21 =	simm.s32 $0xB00;
	s24 =	sadd.s32 $0x20, s4  }
0x658: {  	[hbm4b:s24+s2] =	stream.linear.scatter [tilespmem:s21], [sflag:$0x1], $0x80, $0x38;
	[tilespmem:$0x1400] =	vst v63  }
0x659: {  	s8 =	simm.s32 $0xF00;
	s4 =	sadd.s32 $0x30, s4  }
0x65a: {  	[hbm4b:s4+s2] =	stream.linear.scatter [tilespmem:s8], [sflag:$0x1], $0x80, $0x38;
	[tilespmem:$0x1400] =	vst v63  }
0x65b: {  	_ =	swait.ge [sflag:s3], $0x200  }
0x65c: {  	[sflag:s3] =	ssyncset.done $0x0  }
0x65d: {  	s7 =	simm.s32 $0x380;
	s5 =	rddreg [dreg:$0x1e];
	[sflag:s3] =	ssyncadd.s32 $0xFFFFFE00  }
0x65e: {  	[hbm4b:s5+s2] =	stream.linear.scatter [tilespmem:s7], [sflag:$0x1], $0x80, $0x38;
	[tilespmem:$0x1400] =	vst v63  }
0x65f: {  	s25 =	simm.s32 $0x780;
	s7 =	sadd.s32 $0x10, s5  }
0x660: {  	[hbm4b:s7+s2] =	stream.linear.scatter [tilespmem:s25], [sflag:$0x1], $0x80, $0x38;
	[tilespmem:$0x1400] =	vst v63  }
0x661: {  	s19 =	simm.s32 $0xB80;
	s25 =	sadd.s32 $0x20, s5  }
0x662: {  	[hbm4b:s25+s2] =	stream.linear.scatter [tilespmem:s19], [sflag:$0x1], $0x80, $0x38;
	[tilespmem:$0x1400] =	vst v63  }
0x663: {  	s6 =	simm.s32 $0xF80;
	s4 =	sadd.s32 $0x30, s5  }
0x664: {  	[hbm4b:s4+s2] =	stream.linear.scatter [tilespmem:s6], [sflag:$0x1], $0x80, $0x38;
	[tilespmem:$0x1400] =	vst v63  }
0x665: {  	_ =	swait.ge [sflag:s3], $0x200  }
0x666: {  	[sflag:s3] =	ssyncset.done $0x0  }
0x667: {  	s5 =	rddreg [dreg:$0x7];
	[sflag:s3] =	ssyncadd.s32 $0xFFFFFE00  }
0x668: {  	[tilespmem:s2], [sflag:$0x1] =	stream.linear.gather [hbm4b:s5+s2], $0x1000, $0x38;
	[tilespmem:$0x1400] =	vst v63  }
0x669: {  	_ =	swait.ge [sflag:s3], $0x1000  }
0x66a: {  	[sflag:s3] =	ssyncset.done $0x0  }
0x66b: {  	s6 =	rddreg [dreg:$0x1d];
	[sflag:s3] =	ssyncadd.s32 $0xFFFFF000  }
0x66c: {  	[hbm4b:s6+s2] =	stream.linear.scatter [tilespmem:s2], [sflag:$0x1], $0x80, $0x38;
	[tilespmem:$0x1400] =	vst v63  }
0x66d: {  	s12 =	simm.s32 $0x400;
	s7 =	sadd.s32 $0x10, s6  }
0x66e: {  	[hbm4b:s7+s2] =	stream.linear.scatter [tilespmem:s12], [sflag:$0x1], $0x80, $0x38;
	[tilespmem:$0x1400] =	vst v63  }
0x66f: {  	s22 =	simm.s32 $0x800;
	s12 =	sadd.s32 $0x20, s6  }
0x670: {  	[hbm4b:s12+s2] =	stream.linear.scatter [tilespmem:s22], [sflag:$0x1], $0x80, $0x38;
	[tilespmem:$0x1400] =	vst v63  }
0x671: {  	s1 =	simm.s32 $0xC00;
	s0 =	sadd.s32 $0x30, s6  }
0x672: {  	[hbm4b:s0+s2] =	stream.linear.scatter [tilespmem:s1], [sflag:$0x1], $0x80, $0x38;
	[tilespmem:$0x1400] =	vst v63  }
0x673: {  	_ =	swait.ge [sflag:s3], $0x200  }
0x674: {  	[sflag:s3] =	ssyncset.done $0x0  }
0x675: {  	s26 =	simm.s32 $0x80;
	s1 =	rddreg [dreg:$0x1c];
	[sflag:s3] =	ssyncadd.s32 $0xFFFFFE00  }
0x676: {  	[hbm4b:s1+s2] =	stream.linear.scatter [tilespmem:s26], [sflag:$0x1], $0x80, $0x38;
	[tilespmem:$0x1400] =	vst v63  }
0x677: {  	s10 =	simm.s32 $0x480;
	s12 =	sadd.s32 $0x10, s1  }
0x678: {  	[hbm4b:s12+s2] =	stream.linear.scatter [tilespmem:s10], [sflag:$0x1], $0x80, $0x38;
	[tilespmem:$0x1400] =	vst v63  }
0x679: {  	s31 =	simm.s32 $0x880;
	s22 =	sadd.s32 $0x20, s1  }
0x67a: {  	[hbm4b:s22+s2] =	stream.linear.scatter [tilespmem:s31], [sflag:$0x1], $0x80, $0x38;
	[tilespmem:$0x1400] =	vst v63  }
0x67b: {  	s29 =	simm.s32 $0xC80;
	s26 =	sadd.s32 $0x30, s1  }
0x67c: {  	[hbm4b:s26+s2] =	stream.linear.scatter [tilespmem:s29], [sflag:$0x1], $0x80, $0x38;
	[tilespmem:$0x1400] =	vst v63  }
0x67d: {  	_ =	swait.ge [sflag:s3], $0x200  }
0x67e: {  	[sflag:s3] =	ssyncset.done $0x0  }
0x67f: {  	s18 =	simm.s32 $0x100;
	s29 =	rddreg [dreg:$0x1b];
	[sflag:s3] =	ssyncadd.s32 $0xFFFFFE00  }
0x680: {  	[hbm4b:s29+s2] =	stream.linear.scatter [tilespmem:s18], [sflag:$0x1], $0x80, $0x38;
	[tilespmem:$0x1400] =	vst v63  }
0x681: {  	s14 =	simm.s32 $0x500;
	s1 =	sadd.s32 $0x10, s29  }
0x682: {  	[hbm4b:s1+s2] =	stream.linear.scatter [tilespmem:s14], [sflag:$0x1], $0x80, $0x38;
	[tilespmem:$0x1400] =	vst v63  }
0x683: {  	s30 =	simm.s32 $0x900;
	s10 =	sadd.s32 $0x20, s29  }
0x684: {  	[hbm4b:s10+s2] =	stream.linear.scatter [tilespmem:s30], [sflag:$0x1], $0x80, $0x38;
	[tilespmem:$0x1400] =	vst v63  }
0x685: {  	s12 =	sadd.s32 $0x30, s29;
	s14 =	simm.s32 $0xD00  }
0x686: {  	[hbm4b:s12+s2] =	stream.linear.scatter [tilespmem:s14], [sflag:$0x1], $0x80, $0x38;
	[tilespmem:$0x1400] =	vst v63  }
0x687: {  	_ =	swait.ge [sflag:s3], $0x200  }
0x688: {  	[sflag:s3] =	ssyncset.done $0x0  }
0x689: {  	s18 =	rddreg [dreg:$0x1a];
	[sflag:s3] =	ssyncadd.s32 $0xFFFFFE00  }
0x68a: {  	[hbm4b:s18+s2] =	stream.linear.scatter [tilespmem:s13], [sflag:$0x1], $0x80, $0x38;
	[tilespmem:$0x1400] =	vst v63  }
0x68b: {  	s29 =	sadd.s32 $0x10, s18  }
0x68c: {  	[hbm4b:s29+s2] =	stream.linear.scatter [tilespmem:s9], [sflag:$0x1], $0x80, $0x38;
	[tilespmem:$0x1400] =	vst v63  }
0x68d: {  	s30 =	sadd.s32 $0x20, s18  }
0x68e: {  	[hbm4b:s30+s2] =	stream.linear.scatter [tilespmem:s23], [sflag:$0x1], $0x80, $0x38;
	[tilespmem:$0x1400] =	vst v63  }
0x68f: {  	s0 =	sadd.s32 $0x30, s18;
	s9 =	simm.s32 $0xD80  }
0x690: {  	[hbm4b:s0+s2] =	stream.linear.scatter [tilespmem:s9], [sflag:$0x1], $0x80, $0x38;
	[tilespmem:$0x1400] =	vst v63  }
0x691: {  	_ =	swait.ge [sflag:s3], $0x200  }
0x692: {  	[sflag:s3] =	ssyncset.done $0x0  }
0x693: {  	s12 =	simm.s32 $0x200;
	s10 =	rddreg [dreg:$0x19];
	[sflag:s3] =	ssyncadd.s32 $0xFFFFFE00  }
0x694: {  	[hbm4b:s10+s2] =	stream.linear.scatter [tilespmem:s12], [sflag:$0x1], $0x80, $0x38;
	[tilespmem:$0x1400] =	vst v63  }
0x695: {  	s18 =	simm.s32 $0x600;
	s14 =	sadd.s32 $0x10, s10  }
0x696: {  	[hbm4b:s14+s2] =	stream.linear.scatter [tilespmem:s18], [sflag:$0x1], $0x80, $0x38;
	[tilespmem:$0x1400] =	vst v63  }
0x697: {  	s30 =	simm.s32 $0xA00;
	s29 =	sadd.s32 $0x20, s10  }
0x698: {  	[hbm4b:s29+s2] =	stream.linear.scatter [tilespmem:s30], [sflag:$0x1], $0x80, $0x38;
	[tilespmem:$0x1400] =	vst v63  }
0x699: {  	s10 =	sadd.s32 $0x30, s10;
	s12 =	simm.s32 $0xE00  }
0x69a: {  	[hbm4b:s10+s2] =	stream.linear.scatter [tilespmem:s12], [sflag:$0x1], $0x80, $0x38;
	[tilespmem:$0x1400] =	vst v63  }
0x69b: {  	_ =	swait.ge [sflag:s3], $0x200  }
0x69c: {  	[sflag:s3] =	ssyncset.done $0x0  }
0x69d: {  	s15 =	simm.s32 $0x280;
	s14 =	rddreg [dreg:$0x18];
	[sflag:s3] =	ssyncadd.s32 $0xFFFFFE00  }
0x69e: {  	[hbm4b:s14+s2] =	stream.linear.scatter [tilespmem:s15], [sflag:$0x1], $0x80, $0x38;
	[tilespmem:$0x1400] =	vst v63  }
0x69f: {  	s28 =	simm.s32 $0x680;
	s18 =	sadd.s32 $0x10, s14  }
0x6a0: {  	[hbm4b:s18+s2] =	stream.linear.scatter [tilespmem:s28], [sflag:$0x1], $0x80, $0x38;
	[tilespmem:$0x1400] =	vst v63  }
0x6a1: {  	s16 =	simm.s32 $0xA80;
	s9 =	sadd.s32 $0x20, s14  }
0x6a2: {  	[hbm4b:s9+s2] =	stream.linear.scatter [tilespmem:s16], [sflag:$0x1], $0x80, $0x38;
	[tilespmem:$0x1400] =	vst v63  }
0x6a3: {  	s11 =	simm.s32 $0xE80;
	s10 =	sadd.s32 $0x30, s14  }
0x6a4: {  	[hbm4b:s10+s2] =	stream.linear.scatter [tilespmem:s11], [sflag:$0x1], $0x80, $0x38;
	[tilespmem:$0x1400] =	vst v63  }
0x6a5: {  	_ =	swait.ge [sflag:s3], $0x200  }
0x6a6: {  	[sflag:s3] =	ssyncset.done $0x0  }
0x6a7: {  	s17 =	simm.s32 $0x300;
	s0 =	rddreg [dreg:$0x17];
	[sflag:s3] =	ssyncadd.s32 $0xFFFFFE00  }
0x6a8: {  	[hbm4b:s0+s2] =	stream.linear.scatter [tilespmem:s17], [sflag:$0x1], $0x80, $0x38;
	[tilespmem:$0x1400] =	vst v63  }
0x6a9: {  	s16 =	simm.s32 $0x700;
	s14 =	sadd.s32 $0x10, s0  }
0x6aa: {  	[hbm4b:s14+s2] =	stream.linear.scatter [tilespmem:s16], [sflag:$0x1], $0x80, $0x38;
	[tilespmem:$0x1400] =	vst v63  }
0x6ab: {  	s21 =	simm.s32 $0xB00;
	s17 =	sadd.s32 $0x20, s0  }
0x6ac: {  	[hbm4b:s17+s2] =	stream.linear.scatter [tilespmem:s21], [sflag:$0x1], $0x80, $0x38;
	[tilespmem:$0x1400] =	vst v63  }
0x6ad: {  	s24 =	simm.s32 $0xF00;
	s0 =	sadd.s32 $0x30, s0  }
0x6ae: {  	[hbm4b:s0+s2] =	stream.linear.scatter [tilespmem:s24], [sflag:$0x1], $0x80, $0x38;
	[tilespmem:$0x1400] =	vst v63  }
0x6af: {  	_ =	swait.ge [sflag:s3], $0x200  }
0x6b0: {  	[sflag:s3] =	ssyncset.done $0x0  }
0x6b1: {  	s8 =	simm.s32 $0x380;
	s0 =	rddreg [dreg:$0x16];
	[sflag:s3] =	ssyncadd.s32 $0xFFFFFE00  }
0x6b2: {  	[hbm4b:s0+s2] =	stream.linear.scatter [tilespmem:s8], [sflag:$0x1], $0x80, $0x38;
	[tilespmem:$0x1400] =	vst v63  }
0x6b3: {  	s9 =	simm.s32 $0x780;
	s8 =	sadd.s32 $0x10, s0  }
0x6b4: {  	[hbm4b:s8+s2] =	stream.linear.scatter [tilespmem:s9], [sflag:$0x1], $0x80, $0x38;
	[tilespmem:$0x1400] =	vst v63  }
0x6b5: {  	s19 =	simm.s32 $0xB80;
	s14 =	sadd.s32 $0x20, s0  }
0x6b6: {  	[hbm4b:s14+s2] =	stream.linear.scatter [tilespmem:s19], [sflag:$0x1], $0x80, $0x38;
	[tilespmem:$0x1400] =	vst v63  }
0x6b7: {  	s25 =	simm.s32 $0xF80;
	s0 =	sadd.s32 $0x30, s0  }
0x6b8: {  	[hbm4b:s0+s2] =	stream.linear.scatter [tilespmem:s25], [sflag:$0x1], $0x80, $0x38;
	[tilespmem:$0x1400] =	vst v63  }
0x6b9: {  	_ =	swait.ge [sflag:s3], $0x200  }
0x6ba: {  	[sflag:s3] =	ssyncset.done $0x0  }
0x6bb: {  	s9 =	rddreg [dreg:$0x8];
	[sflag:s3] =	ssyncadd.s32 $0xFFFFFE00  }
0x6bc: {  	[tilespmem:s2], [sflag:$0x1] =	stream.linear.gather [hbm4b:s9+s2], $0x1000, $0x38;
	[tilespmem:$0x1400] =	vst v63  }
0x6bd: {  	_ =	swait.ge [sflag:s3], $0x1000  }
0x6be: {  	[sflag:s3] =	ssyncset.done $0x0  }
0x6bf: {  	[sflag:s3] =	ssyncadd.s32 $0xFFFFF000  }
0x6c0: {  	[hbm4b:s20+s2] =	stream.linear.scatter [tilespmem:s2], [sflag:$0x1], $0x80, $0x38;
	[tilespmem:$0x1400] =	vst v63  }
0x6c1: {  	s14 =	sadd.s32 $0x10, s20;
	s25 =	simm.s32 $0x400  }
0x6c2: {  	[hbm4b:s14+s2] =	stream.linear.scatter [tilespmem:s25], [sflag:$0x1], $0x80, $0x38;
	[tilespmem:$0x1400] =	vst v63  }
0x6c3: {  	s4 =	simm.s32 $0x800;
	s0 =	sadd.s32 $0x20, s20  }
0x6c4: {  	[hbm4b:s0+s2] =	stream.linear.scatter [tilespmem:s4], [sflag:$0x1], $0x80, $0x38;
	[tilespmem:$0x1400] =	vst v63  }
0x6c5: {  	s5 =	simm.s32 $0xC00;
	s9 =	sadd.s32 $0x30, s20  }
0x6c6: {  	[hbm4b:s9+s2] =	stream.linear.scatter [tilespmem:s5], [sflag:$0x1], $0x80, $0x38;
	[tilespmem:$0x1400] =	vst v63  }
0x6c7: {  	_ =	swait.ge [sflag:s3], $0x200  }
0x6c8: {  	[sflag:s3] =	ssyncset.done $0x0  }
0x6c9: {  	s7 =	simm.s32 $0x80;
	s15 =	rddreg [dreg:$0x15];
	[sflag:s3] =	ssyncadd.s32 $0xFFFFFE00  }
0x6ca: {  	[hbm4b:s15+s2] =	stream.linear.scatter [tilespmem:s7], [sflag:$0x1], $0x80, $0x38;
	[tilespmem:$0x1400] =	vst v63  }
0x6cb: {  	s6 =	simm.s32 $0x480;
	s20 =	sadd.s32 $0x10, s15  }
0x6cc: {  	[hbm4b:s20+s2] =	stream.linear.scatter [tilespmem:s6], [sflag:$0x1], $0x80, $0x38;
	[tilespmem:$0x1400] =	vst v63  }
0x6cd: {  	s31 =	simm.s32 $0x880;
	s5 =	sadd.s32 $0x20, s15  }
0x6ce: {  	[hbm4b:s5+s2] =	stream.linear.scatter [tilespmem:s31], [sflag:$0x1], $0x80, $0x38;
	[tilespmem:$0x1400] =	vst v63  }
0x6cf: {  	s22 =	simm.s32 $0xC80;
	s6 =	sadd.s32 $0x30, s15  }
0x6d0: {  	[hbm4b:s6+s2] =	stream.linear.scatter [tilespmem:s22], [sflag:$0x1], $0x80, $0x38;
	[tilespmem:$0x1400] =	vst v63  }
0x6d1: {  	_ =	swait.ge [sflag:s3], $0x200  }
0x6d2: {  	[sflag:s3] =	ssyncset.done $0x0  }
0x6d3: {  	s6 =	simm.s32 $0x100;
	s7 =	rddreg [dreg:$0x14];
	[sflag:s3] =	ssyncadd.s32 $0xFFFFFE00  }
0x6d4: {  	[hbm4b:s7+s2] =	stream.linear.scatter [tilespmem:s6], [sflag:$0x1], $0x80, $0x38;
	[tilespmem:$0x1400] =	vst v63  }
0x6d5: {  	s1 =	simm.s32 $0x500;
	s14 =	sadd.s32 $0x10, s7  }
0x6d6: {  	[hbm4b:s14+s2] =	stream.linear.scatter [tilespmem:s1], [sflag:$0x1], $0x80, $0x38;
	[tilespmem:$0x1400] =	vst v63  }
0x6d7: {  	s26 =	simm.s32 $0x900;
	s15 =	sadd.s32 $0x20, s7  }
0x6d8: {  	[hbm4b:s15+s2] =	stream.linear.scatter [tilespmem:s26], [sflag:$0x1], $0x80, $0x38;
	[tilespmem:$0x1400] =	vst v63  }
0x6d9: {  	s22 =	simm.s32 $0xD00;
	s20 =	sadd.s32 $0x30, s7  }
0x6da: {  	[hbm4b:s20+s2] =	stream.linear.scatter [tilespmem:s22], [sflag:$0x1], $0x80, $0x38;
	[tilespmem:$0x1400] =	vst v63  }
0x6db: {  	_ =	swait.ge [sflag:s3], $0x200  }
0x6dc: {  	[sflag:s3] =	ssyncset.done $0x0  }
0x6dd: {  	s26 =	rddreg [dreg:$0x13];
	[sflag:s3] =	ssyncadd.s32 $0xFFFFFE00  }
0x6de: {  	[hbm4b:s26+s2] =	stream.linear.scatter [tilespmem:s13], [sflag:$0x1], $0x80, $0x38;
	[tilespmem:$0x1400] =	vst v63  }
0x6df: {  	s4 =	simm.s32 $0x580;
	s31 =	sadd.s32 $0x10, s26  }
0x6e0: {  	[hbm4b:s31+s2] =	stream.linear.scatter [tilespmem:s4], [sflag:$0x1], $0x80, $0x38;
	[tilespmem:$0x1400] =	vst v63  }
0x6e1: {  	s0 =	sadd.s32 $0x20, s26  }
0x6e2: {  	[hbm4b:s0+s2] =	stream.linear.scatter [tilespmem:s23], [sflag:$0x1], $0x80, $0x38;
	[tilespmem:$0x1400] =	vst v63  }
0x6e3: {  	s5 =	simm.s32 $0xD80;
	s1 =	sadd.s32 $0x30, s26  }
0x6e4: {  	[hbm4b:s1+s2] =	stream.linear.scatter [tilespmem:s5], [sflag:$0x1], $0x80, $0x38;
	[tilespmem:$0x1400] =	vst v63  }
0x6e5: {  	_ =	swait.ge [sflag:s3], $0x200  }
0x6e6: {  	[sflag:s3] =	ssyncset.done $0x0  }
0x6e7: {  	s9 =	simm.s32 $0x200;
	s7 =	rddreg [dreg:$0x12];
	[sflag:s3] =	ssyncadd.s32 $0xFFFFFE00  }
0x6e8: {  	[hbm4b:s7+s2] =	stream.linear.scatter [tilespmem:s9], [sflag:$0x1], $0x80, $0x38;
	[tilespmem:$0x1400] =	vst v63  }
0x6e9: {  	s14 =	simm.s32 $0x600;
	s13 =	sadd.s32 $0x10, s7  }
0x6ea: {  	[hbm4b:s13+s2] =	stream.linear.scatter [tilespmem:s14], [sflag:$0x1], $0x80, $0x38;
	[tilespmem:$0x1400] =	vst v63  }
0x6eb: {  	s20 =	simm.s32 $0xA00;
	s15 =	sadd.s32 $0x20, s7  }
0x6ec: {  	[hbm4b:s15+s2] =	stream.linear.scatter [tilespmem:s20], [sflag:$0x1], $0x80, $0x38;
	[tilespmem:$0x1400] =	vst v63  }
0x6ed: {  	s30 =	simm.s32 $0xE00;
	s22 =	sadd.s32 $0x30, s7  }
0x6ee: {  	[hbm4b:s22+s2] =	stream.linear.scatter [tilespmem:s30], [sflag:$0x1], $0x80, $0x38;
	[tilespmem:$0x1400] =	vst v63  }
0x6ef: {  	_ =	swait.ge [sflag:s3], $0x200  }
0x6f0: {  	s23 =	sld [smem:$0x7F9]  }
0x6f1: {  	[sflag:s3] =	ssyncset.done $0x0  }
0x6f2: {  	s29 =	simm.s32 $0x280;
	[sflag:s3] =	ssyncadd.s32 $0xFFFFFE00  }
0x6f3: {  	[hbm4b:s23+s2] =	stream.linear.scatter [tilespmem:s29], [sflag:$0x1], $0x80, $0x38;
	[tilespmem:$0x1400] =	vst v63  }
0x6f4: {  	s18 =	simm.s32 $0x680;
	s26 =	sadd.s32 $0x10, s23  }
0x6f5: {  	[hbm4b:s26+s2] =	stream.linear.scatter [tilespmem:s18], [sflag:$0x1], $0x80, $0x38;
	[tilespmem:$0x1400] =	vst v63  }
0x6f6: {  	s12 =	simm.s32 $0xA80;
	s29 =	sadd.s32 $0x20, s23  }
0x6f7: {  	[hbm4b:s29+s2] =	stream.linear.scatter [tilespmem:s12], [sflag:$0x1], $0x80, $0x38;
	[tilespmem:$0x1400] =	vst v63  }
0x6f8: {  	s10 =	simm.s32 $0xE80;
	s30 =	sadd.s32 $0x30, s23  }
0x6f9: {  	[hbm4b:s30+s2] =	stream.linear.scatter [tilespmem:s10], [sflag:$0x1], $0x80, $0x38;
	[tilespmem:$0x1400] =	vst v63  }
0x6fa: {  	_ =	swait.ge [sflag:s3], $0x200  }
0x6fb: {  	s31 =	sld [smem:$0x7FA]  }
0x6fc: {  	[sflag:s3] =	ssyncset.done $0x0  }
0x6fd: {  	s11 =	simm.s32 $0x300;
	[sflag:s3] =	ssyncadd.s32 $0xFFFFFE00  }
0x6fe: {  	[hbm4b:s31+s2] =	stream.linear.scatter [tilespmem:s11], [sflag:$0x1], $0x80, $0x38;
	[tilespmem:$0x1400] =	vst v63  }
0x6ff: {  	s28 =	simm.s32 $0x700;
	s4 =	sadd.s32 $0x10, s31  }
0x700: {  	[hbm4b:s4+s2] =	stream.linear.scatter [tilespmem:s28], [sflag:$0x1], $0x80, $0x38;
	[tilespmem:$0x1400] =	vst v63  }
0x701: {  	s16 =	simm.s32 $0xB00;
	s5 =	sadd.s32 $0x20, s31  }
0x702: {  	[hbm4b:s5+s2] =	stream.linear.scatter [tilespmem:s16], [sflag:$0x1], $0x80, $0x38;
	[tilespmem:$0x1400] =	vst v63  }
0x703: {  	s21 =	simm.s32 $0xF00;
	s7 =	sadd.s32 $0x30, s31  }
0x704: {  	[hbm4b:s7+s2] =	stream.linear.scatter [tilespmem:s21], [sflag:$0x1], $0x80, $0x38;
	[tilespmem:$0x1400] =	vst v63  }
0x705: {  	_ =	swait.ge [sflag:s3], $0x200  }
0x706: {  	s9 =	sld [smem:$0x7FB]  }
0x707: {  	[sflag:s3] =	ssyncset.done $0x0  }
0x708: {  	s17 =	simm.s32 $0x380;
	[sflag:s3] =	ssyncadd.s32 $0xFFFFFE00  }
0x709: {  	[hbm4b:s9+s2] =	stream.linear.scatter [tilespmem:s17], [sflag:$0x1], $0x80, $0x38;
	[tilespmem:$0x1400] =	vst v63  }
0x70a: {  	s24 =	simm.s32 $0x780;
	s10 =	sadd.s32 $0x10, s9  }
0x70b: {  	[hbm4b:s10+s2] =	stream.linear.scatter [tilespmem:s24], [sflag:$0x1], $0x80, $0x38;
	[tilespmem:$0x1400] =	vst v63  }
0x70c: {  	s8 =	simm.s32 $0xB80;
	s11 =	sadd.s32 $0x20, s9  }
0x70d: {  	[hbm4b:s11+s2] =	stream.linear.scatter [tilespmem:s8], [sflag:$0x1], $0x80, $0x38;
	[tilespmem:$0x1400] =	vst v63  }
0x70e: {  	s19 =	simm.s32 $0xF80;
	s12 =	sadd.s32 $0x30, s9  }
0x70f: {  	[hbm4b:s12+s2] =	stream.linear.scatter [tilespmem:s19], [sflag:$0x1], $0x80, $0x38;
	[tilespmem:$0x1400] =	vst v63  }
0x710: {  	_ =	swait.ge [sflag:s3], $0x200  }
0x711: {  	[sflag:s3] =	ssyncset.done $0x0  }
0x712: {  	s14 =	simm.s32 $0x1000;
	s13 =	rddreg [dreg:$0x9];
	[sflag:s3] =	ssyncadd.s32 $0xFFFFFE00  }
0x713: {  	[tilespmem:s14], [sflag:$0x1] =	stream.strided.gather [hbm4b:s13+s6], $0x400, s25, s6, $0x38;
	[tilespmem:$0x1400] =	vst v63  }
0x714: {  	_ =	swait.ge [sflag:s3], $0x400  }
0x715: {  	s16 =	sld [smem:$0x7FC]  }
0x716: {  	[sflag:s3] =	ssyncset.done $0x0  }
0x717: {  	[sflag:s3] =	ssyncadd.s32 $0xFFFFFC00  }
0x718: {  	[hbm4b:s16+s2] =	stream.linear.scatter [tilespmem:s14], [sflag:$0x1], $0x80, $0x38;
	[tilespmem:$0x1400] =	vst v63  }
0x719: {  	s15 =	rddreg [dreg:$0xa];
	s17 =	sadd.s32 $0x10, s16  }
0x71a: {  	[hbm4b:s17+s2] =	stream.linear.scatter [tilespmem:s15], [sflag:$0x1], $0x80, $0x38;
	[tilespmem:$0x1400] =	vst v63  }
0x71b: {  	s18 =	rddreg [dreg:$0xb];
	s19 =	sadd.s32 $0x20, s16  }
0x71c: {  	[hbm4b:s19+s2] =	stream.linear.scatter [tilespmem:s18], [sflag:$0x1], $0x80, $0x38;
	[tilespmem:$0x1400] =	vst v63  }
0x71d: {  	s20 =	rddreg [dreg:$0xc];
	s21 =	sadd.s32 $0x30, s16  }
0x71e: {  	[hbm4b:s21+s2] =	stream.linear.scatter [tilespmem:s20], [sflag:$0x1], $0x80, $0x38;
	[tilespmem:$0x1400] =	vst v63  }
0x71f: {  	_ =	swait.ge [sflag:s3], $0x200  }
0x720: {  	s22 =	rddreg [dreg:$0xd];
	[sflag:s3] =	ssyncset.done $0x0  }
0x721: {  	s24 =	rddreg [dreg:$0x11];
	[sflag:s3] =	ssyncadd.s32 $0xFFFFFE00  }
0x722: {  	[hbm4b:s24+s2] =	stream.linear.scatter [tilespmem:s22], [sflag:$0x1], $0x80, $0x38;
	[tilespmem:$0x1400] =	vst v63  }
0x723: {  	s23 =	rddreg [dreg:$0xe];
	s25 =	sadd.s32 $0x10, s24  }
0x724: {  	[hbm4b:s25+s2] =	stream.linear.scatter [tilespmem:s23], [sflag:$0x1], $0x80, $0x38;
	[tilespmem:$0x1400] =	vst v63  }
0x725: {  	s26 =	rddreg [dreg:$0xf];
	s28 =	sadd.s32 $0x20, s24  }
0x726: {  	[hbm4b:s28+s2] =	stream.linear.scatter [tilespmem:s26], [sflag:$0x1], $0x80, $0x38;
	[tilespmem:$0x1400] =	vst v63  }
0x727: {  	s29 =	rddreg [dreg:$0x10];
	s30 =	sadd.s32 $0x30, s24  }
0x728: {  	[hbm4b:s30+s2] =	stream.linear.scatter [tilespmem:s29], [sflag:$0x1], $0x80, $0x38;
	[tilespmem:$0x1400] =	vst v63  }
0x729: {  	_ =	swait.ge [sflag:s3], $0x200  }
0x72a: {  	[sflag:s3] =	ssyncset.done $0x0  }
0x72b: {  	[sflag:s3] =	ssyncadd.s32 $0xFFFFFE00  }
0x72c: {  	_ =	sfence.sel $0x180000  }
0x72d: {  	[bflag:$0x0] =	sbarrier.arrive $0xFFFF  }
0x72e: {  	_ =	strace $0x90000047  }
0x72f: {  	s31 =	stileid.u32;
	[bflag:$0x2] =	sbarrier.arrive $0xFFFF  }
0x730: {  	p0 =	sne.s32 s31, $0x0;
	s0 =	rddreg [dreg:$0x2]  }
0x731: {  	s0 =	sadd.s32 @!p0 $0x100000, s0  }
0x732: {  	[sflag:s0] =	ssyncadd.tile.s32 @!p0 $0x1;
	_ =	shalt  }
.LBB2_2:
0x733: {  	s17 =	simm.s32 $0xB80  }
0x734: {  	s25 =	simm.s32 $0x780;
	s26 =	simm.s32 $0x380;
	s28 =	simm.s32 $0xF00  }
0x735: {  	s29 =	simm.s32 $0xB00;
	s0 =	simm.s32 $0x700;
	s1 =	simm.s32 $0x300  }
0x736: {  	s4 =	simm.s32 $0xE80;
	s5 =	simm.s32 $0xA80;
	s7 =	simm.s32 $0x680  }
.Ltmp3:
0x737: {  	s11 =	simm.s32 $0x280;
	s10 =	simm.s32 $0xE00;
	(pc) =	sbr.rel .LBB2_5-.Ltmp3, $4  }
0x738: {  	s12 =	simm.s32 $0xA00;
	s16 =	simm.s32 $0x600;
	s18 =	simm.s32 $0x200  }
0x739: {  	s22 =	simm.s32 $0xD80;
	s23 =	simm.s32 $0x980;
	s9 =	simm.s32 $0x580  }
0x73a: {  	s13 =	simm.s32 $0x180;
	s20 =	sld [smem:$0x7BF];
	s6 =	simm.s32 $0xD00  }
0x73b: {  	s8 =	simm.s32 $0x400;
	s30 =	simm.s32 $0x100;
	s14 =	sld [smem:$0x75B]  }
.Lfunc_end2:
_tile_overlayer_lowered:
.L_overlay_start_2:
0x73c: {  	(tag) =	ssettag $0x2  }
0x73d: {  	s0 =	rddreg [dreg:$0x0];
	s2 =	stileid.u32  }
0x73e: {  	s1 =	rddreg [dreg:$0x1];
	p0 =	sne.s32 s2, $0x0  }
0x73f: {  	s3 =	rddreg [dreg:$0x2];
	[bflag:$0x3] =	sbarrier.arrive $0xFFFF;
	s2 =	simm.s32 @!p0 $0x1C01  }
0x740: {  	[timem:s3], [sflag:s2] =	dma.local @!p0 [hbm:s0], s1  }
0x741: {  	s0 =	simm.s32 @!p0 $0x1  }
0x742: {  	_ =	swait.ge @!p0 [sflag:s0], s1  }
0x743: {  	s1 =	ssub.s32 @!p0 $0x0, s1;
	[sflag:s0] =	ssyncset.done @!p0 $0x0  }
0x744: {  	[sflag:s0] =	ssyncadd.s32 @!p0 s1  }
0x745: {  	[bflag:$0x3] =	sbarrier.arrive $0xFFFF  }
0x746: {  	_ =	shalt  }

// kernel: _embedding_sc.7.cloned.1.call-start
scs
__scs_entry_jumppad:
0x0: {  	(pc) =	sbr.rel $0x88, $3  }
0x1: {  	(tag) =	ssettag $0x0;
	lr =	simm.s32 $0x1  }
0x2: {  	[smem:$0x3F9F] =	sst lr;
	_ =	strace $0xD0000000  }
0x3: {  	_ = 	snop  }
0x4: {  	_ = 	snop  }
0x5: {  	_ = 	snop  }
0x6: {  	_ = 	snop  }
0x7: {  	_ = 	snop  }
__scs_overlays_trampoline_lowered:
0x8: {  	[smem:$0x3FAE] =	sst s0  }
0x9: {  	[smem:$0x3FAF] =	sst s1  }
0xa: {  	[smem:$0x3FB0] =	sst s2  }
0xb: {  	[smem:$0x3FB1] =	sst s3  }
0xc: {  	[smem:$0x3FB2] =	sst s4  }
0xd: {  	[smem:$0x3FB3] =	sst s5  }
0xe: {  	[smem:$0x3FB4] =	sst s6  }
0xf: {  	[smem:$0x3FB5] =	sst s7  }
0x10: {  	[smem:$0x3FB6] =	sst s8  }
0x11: {  	[smem:$0x3FB7] =	sst s9;
	s0 =	simm.s32 @!p0 $0x0  }
0x12: {  	s1 =	sld [smem:$0x3F9D];
	s0 =	simm.s32 @p0 $0x1  }
0x13: {  	[smem:$0x3FB8] =	sst s0;
	s0 =	simm.s32 @!p1 $0x0  }
0x14: {  	s2 =	sld [smem:$0x3F9C];
	s0 =	simm.s32 @p1 $0x1  }
0x15: {  	[smem:$0x3FB9] =	sst s0;
	s0 =	simm.s32 @!p2 $0x0  }
0x16: {  	s3 =	sld [smem:$0x3FDB];
	s0 =	simm.s32 @p2 $0x1  }
0x17: {  	s4 =	simm.s32 $0x1BF5;
	[smem:$0x3FBB] =	sst s0  }
0x18: {  	s0 =	sld [smem:$0x3F9E];
	_ =	swait.ge [sflag:s4], $0x0  }
0x19: {  	s7 =	sld [smem:$0x3F9F]  }
0x1a: {  	s8 =	sadd.s32 $0xFFFFE003, lr  }
0x1b: {  	s9 =	sadd.s32 $0xFFFFFEF7, lr;
	s5 =	simm.s32 $0xFFFFFFFF;
	p2 =	slt.u32 s8, $0xFFFFF086  }
0x1c: {  	p1 =	slt.u32 s9, $0xF7A;
	s5 =	simm.s32 @!p2 $0x0  }
0x1d: {  	s5 =	simm.s32 @p1 $0x1;
	p0 =	seq.s32 s7, s2  }
0x1e: {  	s7 =	smul.u32 @!p0 $0xF7A, s2;
	p2 =	seq.s32 @!p0 s5, $0x0  }
0x1f: {  	s9 =	smul.u32 $0xF7A, s1;
	s8 =	simm.s32 @!p0 $0x1BF5;
	p2 =	por !p2, p0  }
0x20: {  	[sflag:s8] =	ssyncset.s32 @!p0 $0xFFFFF086;
	s6 =	sadd.s32 @!p0 s3, s7;
	s7 =	simm.s32 @!p0 $0x108  }
0x21: {  	s3 =	sadd.s32 s3, s9;
	s6 =	sadd.s32 @!p0 $0x88, s6;
	s7 =	simm.s32 @p2 $0x1082  }
0x22: {  	[simem:s7], [sflag:s8] =	dma.local @!p0 [hbm:s6], $0xF7A  }
0x23: {  	s9 =	sor.u32 $0xD0000000, s2;
	s6 =	simm.s32 $0x108;
	_ =	swait.ge @!p0 [sflag:s8], $0x0  }
0x24: {  	s3 =	sadd.s32 $0x88, s3;
	s6 =	simm.s32 @!p1 $0x1082;
	[sflag:s4] =	ssyncset.s32 $0xFFFFF086  }
0x25: {  	[simem:s6], [sflag:s4] =	dma.local [hbm:s3], $0xF7A  }
0x26: {  	[smem:$0x3F9F] =	sst s1;
	(tag) =	ssettag s2;
	_ =	strace s9  }
0x27: {  	s1 =	sld [smem:$0x3FAF]  }
0x28: {  	s2 =	sld [smem:$0x3FB0]  }
0x29: {  	s4 =	sld [smem:$0x3FB2]  }
0x2a: {  	p0 =	seq.s32 s5, $0x0;
	s5 =	sld [smem:$0x3FB3]  }
0x2b: {  	s6 =	sld [smem:$0x3FB4]  }
0x2c: {  	s7 =	sld [smem:$0x3FB5]  }
0x2d: {  	s3 =	simm.s32 $0x108;
	s8 =	sld [smem:$0x3FB6]  }
0x2e: {  	s3 =	simm.s32 @!p0 $0x1082;
	s9 =	sld [smem:$0x3FB7]  }
0x2f: {  	lr =	sadd.s32 s0, s3;
	s0 =	sld [smem:$0x3FAE]  }
0x30: {  	s3 =	sld [smem:$0x3FB1]  }
0x31: {  	[smem:$0x3FBA] =	sst s10  }
0x32: {  	s10 =	sld [smem:$0x3FB8];
	_ =	sdelay $0x3  }
0x33: {  	p0 =	seq.s32 s10, $0x1;
	s10 =	sld [smem:$0x3FBA];
	_ =	sdelay $0x3  }
0x34: {  	[smem:$0x3FBA] =	sst s10  }
0x35: {  	s10 =	sld [smem:$0x3FB9];
	_ =	sdelay $0x3  }
0x36: {  	p1 =	seq.s32 s10, $0x1;
	s10 =	sld [smem:$0x3FBA];
	_ =	sdelay $0x3  }
0x37: {  	[smem:$0x3FBA] =	sst s10  }
0x38: {  	s10 =	sld [smem:$0x3FBB]  }
0x39: {  	_ = 	snop;
	(pc) =	sbr.ind lr, $3  }
0x3a: {  	_ = 	snop  }
0x3b: {  	_ = 	snop  }
0x3c: {  	p2 =	seq.s32 s10, $0x1;
	s10 =	sld [smem:$0x3FBA]  }
0x3d: {  	_ =	shalt  }
0x3e: {  	_ =	shalt  }
0x3f: {  	_ =	shalt  }
0x40: {  	_ =	shalt  }
0x41: {  	_ =	shalt  }
0x42: {  	_ =	shalt  }
0x43: {  	_ =	shalt  }
0x44: {  	_ =	shalt  }
0x45: {  	_ =	shalt  }
0x46: {  	_ =	shalt  }
0x47: {  	_ =	shalt  }
0x48: {  	_ =	shalt  }
0x49: {  	_ =	shalt  }
0x4a: {  	_ =	shalt  }
0x4b: {  	_ =	shalt  }
0x4c: {  	_ =	shalt  }
0x4d: {  	_ =	shalt  }
0x4e: {  	_ =	shalt  }
0x4f: {  	_ =	shalt  }
0x50: {  	_ =	shalt  }
0x51: {  	_ =	shalt  }
0x52: {  	_ =	shalt  }
0x53: {  	_ =	shalt  }
0x54: {  	_ =	shalt  }
0x55: {  	_ =	shalt  }
0x56: {  	_ =	shalt  }
0x57: {  	_ =	shalt  }
0x58: {  	_ =	shalt  }
0x59: {  	_ =	shalt  }
0x5a: {  	_ =	shalt  }
0x5b: {  	_ =	shalt  }
0x5c: {  	_ =	shalt  }
0x5d: {  	_ =	shalt  }
0x5e: {  	_ =	shalt  }
0x5f: {  	_ =	shalt  }
0x60: {  	_ =	shalt  }
0x61: {  	_ =	shalt  }
0x62: {  	_ =	shalt  }
0x63: {  	_ =	shalt  }
0x64: {  	_ =	shalt  }
0x65: {  	_ =	shalt  }
0x66: {  	_ =	shalt  }
0x67: {  	_ =	shalt  }
0x68: {  	_ =	shalt  }
0x69: {  	_ =	shalt  }
0x6a: {  	_ =	shalt  }
0x6b: {  	_ =	shalt  }
0x6c: {  	_ =	shalt  }
0x6d: {  	_ =	shalt  }
0x6e: {  	_ =	shalt  }
0x6f: {  	_ =	shalt  }
0x70: {  	_ =	shalt  }
0x71: {  	_ =	shalt  }
0x72: {  	_ =	shalt  }
0x73: {  	_ =	shalt  }
0x74: {  	_ =	shalt  }
0x75: {  	_ =	shalt  }
0x76: {  	_ =	shalt  }
0x77: {  	_ =	shalt  }
0x78: {  	_ =	shalt  }
0x79: {  	_ =	shalt  }
0x7a: {  	_ =	shalt  }
0x7b: {  	_ =	shalt  }
0x7c: {  	_ =	shalt  }
0x7d: {  	_ =	shalt  }
0x7e: {  	_ =	shalt  }
0x7f: {  	_ =	shalt  }
0x80: {  	_ =	shalt  }
0x81: {  	_ =	shalt  }
0x82: {  	_ =	shalt  }
0x83: {  	_ =	shalt  }
0x84: {  	_ =	shalt  }
0x85: {  	_ =	shalt  }
0x86: {  	_ =	shalt  }
0x87: {  	_ =	shalt  }
.Lfunc_end0:
.L_simem_size_0:
called_computation.2_lowered:
.L_overlay_start_0:
0x88: {  	s2 =	sld [smem:$0x3FD9]  }
0x89: {  	s3 =	sld [smem:$0x3FFE];
	_ =	sdelay $0x1  }
0x8a: {  	s1 =	srdreg.scid  }
0x8b: {  	s0 =	sand.u32 $0x1, s1  }
0x8c: {  	s17 =	sshll.u32 s0, $0xA;
	s2 =	sadd.s32 s3, s2  }
0x8d: {  	s2 =	sadd.s32 s2, s17  }
0x8e: {  	[smem:$0x3FC6] =	sst s2  }
0x8f: {  	_ = 	snop  }
0x90: {  	s2 =	sld [smem:$0x3FD0];
	(tm) =	ssettm $0x1  }
0x91: {  	s18 =	sld [smem:$0x3FFB];
	_ =	sdelay $0x3  }
0x92: {  	_ =	strace s18  }
0x93: {  	s3 =	sld [smem:$0x3FFC];
	_ =	sdelay $0x3  }
0x94: {  	_ =	strace s3  }
0x95: {  	s3 =	sld [smem:$0x3FFD];
	_ =	sdelay $0x3  }
0x96: {  	_ =	strace s3  }
0x97: {  	_ =	strace $0x8FFFFFFF  }
0x98: {  	s19 =	sld [smem:$0x3FDB];
	_ =	sdelay $0x1  }
0x99: {  	s4 =	simm.s32 $_scs_section_size  }
0x9a: {  	s5 =	simm.s32 $_size__tile_overlayer_lowered;
	s6 =	simm.s32 $_tile_overlayer_lowered  }
0x9b: {  	s22 =	simm.s32 $0x1BFF;
	s21 =	sshll.u32 s6, $0x1;
	s3 =	sadd.s32 s4, s19  }
0x9c: {  	s7 =	simm.s32 $0x0;
	s20 =	sshll.u32 s5, $0x1;
	s5 =	sadd.s32 s21, s3  }
0x9d: {  	[timem:s7], [sflag:s22] =	dma.local [hbm:s5], s20  }
0x9e: {  	_ =	swait.ge [sflag:s22], s20  }
0x9f: {  	s4 =	ssub.s32 $0x0, s20;
	[sflag:s22] =	ssyncset.done $0x0  }
0xa0: {  	[sflag:s22] =	ssyncadd.s32 s4;
	_ =	sdelay $0x1  }
0xa1: {  	s23 =	simm.s32 $0x1B8B  }
0xa2: {  	_ =	swait.ge [sflag:s23], $0x1  }
0xa3: {  	[sflag:s23] =	ssyncset.done $0x0  }
0xa4: {  	s25 =	simm.s32 $0x1B8E;
	s24 =	sld [smem:$0x3FFE];
	[sflag:s23] =	ssyncadd.s32 $0xFFFFFFFF  }
0xa5: {  	s26 =	simm.s32 $execute0_lowered;
	[smem:$0x3FD2] =	sst s25  }
0xa6: {  	s5 =	sshll.u32 s26, $0x1;
	_ =	strace $0x80000049;
	[dreg:$0x1] =	wrdreg $0xFFFFFFFF  }
0xa7: {  	s28 =	simm.s32 $_size_execute0_lowered;
	s3 =	sadd.s32 s3, s5;
	[dreg:$0x0] =	wrdreg $0x0  }
0xa8: {  	s5 =	sshll.u32 s28, $0x1;
	[dreg:$0x2] =	wrdreg s3  }
0xa9: {  	[dreg:$0x3] =	wrdreg s5  }
0xaa: {  	[dreg:$0x4] =	wrdreg $0xC0  }
0xab: {  	_ =	task [dreg:s7], $0x5FFFF  }
0xac: {  	[dreg:$0x1] =	wrdreg $0xFFFFFFFF  }
0xad: {  	[dreg:$0x0] =	wrdreg $0x60  }
0xae: {  	[dreg:$0x2] =	wrdreg s24  }
0xaf: {  	[dreg:$0x3] =	wrdreg s2  }
0xb0: {  	[dreg:$0x4] =	wrdreg $0x9  }
0xb1: {  	_ =	task.clear_ibuf [dreg:s7], $0x5FFFF;
	_ =	strace $0x90000049  }
0xb2: {  	s29 =	simm.s32 $0x9;
	_ =	strace $0x8000004B  }
0xb3: {  	_ =	swait.ge [sflag:s29], $0x1  }
0xb4: {  	[sflag:s29] =	ssyncadd.s32 $0xFFFFFFFF  }
0xb5: {  	_ =	strace $0x9000004B  }
0xb6: {  	_ =	sfence  }
0xb7: {  	s30 =	sld [smem:$0x0];
	_ =	sdelay $0x2  }
0xb8: {  	s31 =	sshll.u32 s1, $0xD;
	s1 =	sshrl.u32 s1, $0x2  }
0xb9: {  	s3 =	sand.u32 $0x4000, s31;
	s1 =	sadd.s32 s1, s30  }
0xba: {  	s0 =	sor.u32 s3, s0;
	s1 =	sshll.u32 s1, $0x11  }
0xbb: {  	s0 =	sor.u32 s1, s0  }
0xbc: {  	s0 =	sadd.s32 $0x8F2B, s0  }
0xbd: {  	[sflag:s0] =	ssyncadd.remote.s32 $0x1  }
0xbe: {  	_ =	sfence.sel $0xFFFF  }
0xbf: {  	[dreg:$0x0] =	wrdreg $0xFFFFFFFF;
	(pc) =	sbr.abs _section_cstart, $3  }
0xc0: {  	[dreg:$0x1] =	wrdreg $0xFFFFFFFF  }
0xc1: {  	_ =	task.clear_ibuf [dreg:s7], $0x2FFFF;
	_ =	strace $0x9FFFFFFF  }
0xc2: {  	(tm) =	ssettm $0x7FFFFFFF  }
0xc3: {  	_ =	shalt  }
tec
execute0_lowered:
.L_overlay_start_1:
0x0: {  	(tag) =	ssettag $0x1  }
0x1: {  	s0 =	rddreg [dreg:$0x0]  }
0x2: {  	s1 =	rddreg [dreg:$0x1];
	s2 =	srdreg.scid  }
0x3: {  	s9 =	stileid.u32;
	s11 =	simm.s32 $0x5;
	s12 =	simm.s32 $0x80  }
0x4: {  	s13 =	simm.s32 $0x400;
	s19 =	simm.s32 $0x200;
	s20 =	simm.s32 $0x4400  }
0x5: {  	s21 =	simm.s32 $0x280;
	s28 =	simm.s32 $0x1;
	s29 =	simm.s32 $0x2  }
0x6: {  	s30 =	simm.s32 $0x3;
	s31 =	simm.s32 $0x4;
	s8 =	sand.u32 $0x1, s2  }
0x7: {  	s2 =	simm.s32 $0x0;
	s3 =	sshll.u32 s9, $0xA;
	s5 =	sadd.s32 $0xF5C000, s0  }
0x8: {  	s23 =	sshll.u32 s9, $0xC;
	s4 =	sshll.u32 s8, $0x9;
	[smem:$0x7FF] =	sst s2  }
0x9: {  	s6 =	ssub.s32 $0x2, s8;
	s25 =	sshll.u32 s8, $0xB;
	s10 =	sor.u32 s4, s3  }
0xa: {  	s3 =	sadd.s32 $0xC00, s0;
	_ =	strace $0x8000004A;
	s7 =	sshrl.u32 s6, $0x1  }
0xb: {  	s0 =	sadd.s32 s23, s1;
	s23 =	simm.s32 $0x300;
	s4 =	sshrl.u32 s10, $0x3  }
.Ltmp0:
0xc: {  	s22 =	ssub.s32 s6, s7;
	s24 =	sor.u32 $0xC000, s10;
	(pc) =	sbr.rel .LBB2_1-.Ltmp0, $4  }
0xd: {  	s15 =	sadd.s32 s25, s0;
	s1 =	sor.u32 $0x8000, s10;
	s25 =	simm.s32 $0x380  }
0xe: {  	s0 =	simm.s32 $0x0;
	s4 =	sadd.s32 s3, s4;
	s7 =	smax.u32 s22, $0x1  }
0xf: {  	s26 =	sshrl.u32 s24, $0x3;
	s22 =	simm.s32 $0x5400;
	s24 =	simm.s32 $0x6400  }
0x10: {  	s6 =	sadd.s32 $0x800, s4;
	s9 =	sadd.s32 s26, s3;
	s26 =	simm.s32 $0x7400  }
.LBB2_4:
0x11: {  	s0 =	sadd.s32 $0x1, s0  }
0x12: {  	_ =	swait.ge [sflag:s30], $0x4000;
	p0 =	sne.s32 s0, s7  }
.Ltmp1:
0x13: {  	[sflag:s30] =	ssyncset.done $0x0;
	(pc) =	sbr.rel @!p0 .LBB2_5-.Ltmp1, $4  }
0x14: {  	[sflag:s30] =	ssyncadd.s32 $0xFFFFC000  }
0x15: {  	_ =	swait.ge [sflag:s31], $0x4000  }
0x16: {  	[sflag:s31] =	ssyncset.done $0x0  }
0x17: {  	[sflag:s31] =	ssyncadd.s32 $0xFFFFC000  }
.LBB2_1:
0x18: {  	[tilespmem:s2], [sflag:$0x5] =	stream.linear.gather [hbm4b:s4+s2], $0x200, $0x38;
	[tilespmem:$0x8400] =	vst v63  }
0x19: {  	_ =	swait.ge [sflag:s11], $0x200  }
0x1a: {  	[sflag:s11] =	ssyncset.done $0x0  }
0x1b: {  	[sflag:s11] =	ssyncadd.s32 $0xFFFFFE00  }
0x1c: {  	[tilespmem:s13], [sflag:$0x1] =	stream.indirect.gather [hbm4b:s5+s12], $0x20, s2, s12, $0xb8;
	[tilespmem:$0x8400] =	vst v63  }
0x1d: {  	s8 =	simm.s32 $0x1400  }
0x1e: {  	[tilespmem:s8], [sflag:$0x1] =	stream.indirect.gather [hbm4b:s5+s12], $0x20, s12, s12, $0xb8;
	[tilespmem:$0x8400] =	vst v63  }
0x1f: {  	s16 =	simm.s32 $0x100;
	s10 =	simm.s32 $0x2400  }
0x20: {  	[tilespmem:s10], [sflag:$0x1] =	stream.indirect.gather [hbm4b:s5+s12], $0x20, s16, s12, $0xb8;
	[tilespmem:$0x8400] =	vst v63  }
0x21: {  	s17 =	simm.s32 $0x180;
	s18 =	simm.s32 $0x3400  }
0x22: {  	[tilespmem:s18], [sflag:$0x1] =	stream.indirect.gather [hbm4b:s5+s12], $0x20, s17, s12, $0xb8;
	[tilespmem:$0x8400] =	vst v63  }
0x23: {  	_ = 	snop  }
0x24: {  	[tilespmem:s19], [sflag:$0x5] =	stream.linear.gather [hbm4b:s6+s2], $0x200, $0x38;
	[tilespmem:$0x8400] =	vst v63  }
0x25: {  	_ =	swait.ge [sflag:s11], $0x200  }
0x26: {  	[sflag:s11] =	ssyncset.done $0x0  }
0x27: {  	[sflag:s11] =	ssyncadd.s32 $0xFFFFFE00  }
0x28: {  	[tilespmem:s20], [sflag:$0x2] =	stream.indirect.gather [hbm4b:s5+s12], $0x20, s19, s12, $0xb8;
	[tilespmem:$0x8400] =	vst v63  }
0x29: {  	_ = 	snop  }
0x2a: {  	[tilespmem:s22], [sflag:$0x2] =	stream.indirect.gather [hbm4b:s5+s12], $0x20, s21, s12, $0xb8;
	[tilespmem:$0x8400] =	vst v63  }
0x2b: {  	_ = 	snop  }
0x2c: {  	[tilespmem:s24], [sflag:$0x2] =	stream.indirect.gather [hbm4b:s5+s12], $0x20, s23, s12, $0xb8;
	[tilespmem:$0x8400] =	vst v63  }
0x2d: {  	s14 =	simm.s32 $0x0;
	s8 =	smov.u32 s15;
	s10 =	smov.u32 s1  }
0x2e: {  	[tilespmem:s26], [sflag:$0x2] =	stream.indirect.gather [hbm4b:s5+s12], $0x20, s25, s12, $0xb8;
	[tilespmem:$0x8400] =	vst v63  }
.LBB2_2:
0x2f: {  	_ =	swait.ge [sflag:s28], $0x1000  }
0x30: {  	[sflag:s28] =	ssyncset.done $0x0  }
0x31: {  	[sflag:s28] =	ssyncadd.s32 $0xFFFFF000  }
0x32: {  	_ =	swait.ge [sflag:s28], $0x1000  }
0x33: {  	[sflag:s28] =	ssyncset.done $0x0  }
0x34: {  	[sflag:s28] =	ssyncadd.s32 $0xFFFFF000  }
0x35: {  	_ =	swait.ge [sflag:s28], $0x1000  }
0x36: {  	[sflag:s28] =	ssyncset.done $0x0  }
0x37: {  	[sflag:s28] =	ssyncadd.s32 $0xFFFFF000  }
0x38: {  	_ =	swait.ge [sflag:s28], $0x1000  }
0x39: {  	p0 =	seq.s32 s14, $0x18000;
	[sflag:s28] =	ssyncset.done $0x0  }
0x3a: {  	s16 =	simm.s32 @!p0 $0x3;
	[sflag:s28] =	ssyncadd.s32 $0xFFFFF000  }
0x3b: {  	[hbm4b:s8+s2] =	stream.linear.scatter [tilespmem:s13], [sflag:$0x3], $0x4000, $0x38;
	[tilespmem:$0x8400] =	vst v63  }
0x3c: {  	_ =	swait.ge @!p0 [sflag:s16], $0x4000  }
0x3d: {  	s17 =	sshrl.u32 @!p0 s10, $0x3;
	[sflag:s16] =	ssyncset.done @!p0 $0x0  }
0x3e: {  	[sflag:s16] =	ssyncadd.s32 @!p0 $0xFFFFC000;
	s16 =	sadd.s32 @!p0 s3, s17;
	s17 =	simm.s32 @!p0 $0x0  }
0x3f: {  	[tilespmem:s17], [sflag:$0x5] =	stream.linear.gather @!p0 [hbm4b:s16+s17], $0x200, $0x38;
	[tilespmem:$0x8400] =	vst v63  }
0x40: {  	s16 =	simm.s32 @!p0 $0x5  }
0x41: {  	_ =	swait.ge @!p0 [sflag:s16], $0x200  }
0x42: {  	[sflag:s16] =	ssyncset.done @!p0 $0x0  }
0x43: {  	s18 =	simm.s32 @!p0 $0x400;
	[sflag:s16] =	ssyncadd.s32 @!p0 $0xFFFFFE00;
	s16 =	simm.s32 @!p0 $0x80  }
0x44: {  	[tilespmem:s18], [sflag:$0x1] =	stream.indirect.gather @!p0 [hbm4b:s5+s16], $0x20, s17, s16, $0xb8;
	[tilespmem:$0x8400] =	vst v63  }
0x45: {  	s17 =	simm.s32 @!p0 $0x1400  }
0x46: {  	[tilespmem:s17], [sflag:$0x1] =	stream.indirect.gather @!p0 [hbm4b:s5+s16], $0x20, s16, s16, $0xb8;
	[tilespmem:$0x8400] =	vst v63  }
0x47: {  	s18 =	simm.s32 @!p0 $0x2400;
	s17 =	simm.s32 @!p0 $0x100  }
0x48: {  	[tilespmem:s18], [sflag:$0x1] =	stream.indirect.gather @!p0 [hbm4b:s5+s16], $0x20, s17, s16, $0xb8;
	[tilespmem:$0x8400] =	vst v63  }
0x49: {  	s17 =	simm.s32 @!p0 $0x180;
	s18 =	simm.s32 @!p0 $0x3400  }
0x4a: {  	[tilespmem:s18], [sflag:$0x1] =	stream.indirect.gather @!p0 [hbm4b:s5+s16], $0x20, s17, s16, $0xb8;
	[tilespmem:$0x8400] =	vst v63  }
0x4b: {  	_ =	swait.ge [sflag:s29], $0x1000  }
0x4c: {  	[sflag:s29] =	ssyncset.done $0x0  }
0x4d: {  	[sflag:s29] =	ssyncadd.s32 $0xFFFFF000  }
0x4e: {  	_ =	swait.ge [sflag:s29], $0x1000  }
0x4f: {  	[sflag:s29] =	ssyncset.done $0x0  }
0x50: {  	[sflag:s29] =	ssyncadd.s32 $0xFFFFF000  }
0x51: {  	_ =	swait.ge [sflag:s29], $0x1000  }
0x52: {  	[sflag:s29] =	ssyncset.done $0x0  }
.Ltmp2:
0x53: {  	[sflag:s29] =	ssyncadd.s32 $0xFFFFF000;
	(pc) =	sbr.rel @p0 .LBB2_4-.Ltmp2, $4  }
0x54: {  	_ =	swait.ge [sflag:s29], $0x1000  }
0x55: {  	[sflag:s29] =	ssyncset.done $0x0  }
0x56: {  	s18 =	sadd.s32 $0x10000, s8;
	[sflag:s29] =	ssyncadd.s32 $0xFFFFF000  }
0x57: {  	[hbm4b:s18+s2] =	stream.linear.scatter [tilespmem:s20], [sflag:$0x4], $0x4000, $0x38;
	[tilespmem:$0x8400] =	vst v63  }
0x58: {  	_ =	swait.ge [sflag:s31], $0x4000  }
0x59: {  	[sflag:s31] =	ssyncset.done $0x0  }
0x5a: {  	s16 =	sadd.s32 s14, s9;
	[sflag:s31] =	ssyncadd.s32 $0xFFFFC000  }
0x5b: {  	[tilespmem:s19], [sflag:$0x5] =	stream.linear.gather [hbm4b:s16+s2], $0x200, $0x38;
	[tilespmem:$0x8400] =	vst v63  }
0x5c: {  	_ =	swait.ge [sflag:s11], $0x200  }
0x5d: {  	[sflag:s11] =	ssyncset.done $0x0  }
0x5e: {  	[sflag:s11] =	ssyncadd.s32 $0xFFFFFE00  }
0x5f: {  	[tilespmem:s20], [sflag:$0x2] =	stream.indirect.gather [hbm4b:s5+s12], $0x20, s19, s12, $0xb8;
	[tilespmem:$0x8400] =	vst v63  }
0x60: {  	_ = 	snop  }
0x61: {  	[tilespmem:s22], [sflag:$0x2] =	stream.indirect.gather [hbm4b:s5+s12], $0x20, s21, s12, $0xb8;
	[tilespmem:$0x8400] =	vst v63  }
.Ltmp3:
0x62: {  	_ = 	snop;
	(pc) =	sbr.rel .LBB2_2-.Ltmp3, $4  }
0x63: {  	_ = 	snop  }
0x64: {  	[tilespmem:s24], [sflag:$0x2] =	stream.indirect.gather [hbm4b:s5+s12], $0x20, s23, s12, $0xb8;
	[tilespmem:$0x8400] =	vst v63  }
0x65: {  	s8 =	sadd.s32 $0x20000, s8;
	s14 =	sadd.s32 $0x1000, s14;
	s10 =	sadd.s32 $0x8000, s10  }
0x66: {  	[tilespmem:s26], [sflag:$0x2] =	stream.indirect.gather [hbm4b:s5+s12], $0x20, s25, s12, $0xb8;
	[tilespmem:$0x8400] =	vst v63  }
.LBB2_5:
0x67: {  	_ =	sfence.sel $0x180000  }
0x68: {  	[bflag:$0x0] =	sbarrier.arrive $0xFFFF  }
0x69: {  	_ =	strace $0x9000004A  }
0x6a: {  	s0 =	stileid.u32;
	[bflag:$0x2] =	sbarrier.arrive $0xFFFF  }
0x6b: {  	p0 =	sne.s32 s0, $0x0;
	s0 =	rddreg [dreg:$0x2]  }
0x6c: {  	s0 =	sadd.s32 @!p0 $0x100000, s0  }
0x6d: {  	[sflag:s0] =	ssyncadd.tile.s32 @!p0 $0x1;
	_ =	shalt  }
.Lfunc_end2:
_tile_overlayer_lowered:
.L_overlay_start_2:
0x6e: {  	(tag) =	ssettag $0x2  }
0x6f: {  	s0 =	rddreg [dreg:$0x0];
	s2 =	stileid.u32  }
0x70: {  	s1 =	rddreg [dreg:$0x1];
	p0 =	sne.s32 s2, $0x0  }
0x71: {  	s3 =	rddreg [dreg:$0x2];
	[bflag:$0x3] =	sbarrier.arrive $0xFFFF;
	s2 =	simm.s32 @!p0 $0x1C05  }
0x72: {  	[timem:s3], [sflag:s2] =	dma.local @!p0 [hbm:s0], s1  }
0x73: {  	s0 =	simm.s32 @!p0 $0x5  }
0x74: {  	_ =	swait.ge @!p0 [sflag:s0], s1  }
0x75: {  	s1 =	ssub.s32 @!p0 $0x0, s1;
	[sflag:s0] =	ssyncset.done @!p0 $0x0  }
0x76: {  	[sflag:s0] =	ssyncadd.s32 @!p0 s1  }
0x77: {  	[bflag:$0x3] =	sbarrier.arrive $0xFFFF  }
0x78: {  	_ =	shalt  }

// kernel: sparse-core-data-format-call.cloned.1.call-start
scs
called_computation_lowered:
.L_overlay_start_0:
0x0: {  	s2 =	sld [smem:$0x3FD9]  }
0x1: {  	s3 =	sld [smem:$0x3FFE];
	_ =	sdelay $0x1  }
0x2: {  	s1 =	srdreg.scid  }
0x3: {  	s0 =	sand.u32 $0x1, s1  }
0x4: {  	s18 =	sshll.u32 s0, $0xA;
	s2 =	sadd.s32 s3, s2  }
0x5: {  	s2 =	sadd.s32 s2, s18  }
0x6: {  	[smem:$0x3FC6] =	sst s2  }
0x7: {  	_ = 	snop  }
0x8: {  	s2 =	sld [smem:$0x3FD0];
	(tm) =	ssettm $0x1  }
0x9: {  	s19 =	sld [smem:$0x3FFB];
	_ =	sdelay $0x3  }
0xa: {  	_ =	strace s19  }
0xb: {  	s3 =	sld [smem:$0x3FFC];
	_ =	sdelay $0x3  }
0xc: {  	_ =	strace s3  }
0xd: {  	s3 =	sld [smem:$0x3FFD];
	_ =	sdelay $0x3  }
0xe: {  	_ =	strace s3  }
0xf: {  	_ =	strace $0x8FFFFFFF  }
0x10: {  	s20 =	sld [smem:$0x3FDB];
	_ =	sdelay $0x1  }
0x11: {  	s4 =	simm.s32 $_scs_section_size  }
0x12: {  	s5 =	simm.s32 $_size__tile_overlayer_lowered;
	s6 =	simm.s32 $_tile_overlayer_lowered  }
0x13: {  	s23 =	simm.s32 $0x1BFF;
	s22 =	sshll.u32 s6, $0x1;
	s3 =	sadd.s32 s4, s20  }
0x14: {  	s7 =	simm.s32 $0x0;
	s21 =	sshll.u32 s5, $0x1;
	s5 =	sadd.s32 s22, s3  }
0x15: {  	[timem:s7], [sflag:s23] =	dma.local [hbm:s5], s21  }
0x16: {  	_ =	swait.ge [sflag:s23], s21  }
0x17: {  	s4 =	ssub.s32 $0x0, s21;
	[sflag:s23] =	ssyncset.done $0x0  }
0x18: {  	[sflag:s23] =	ssyncadd.s32 s4;
	_ =	sdelay $0x1  }
0x19: {  	s24 =	simm.s32 $0x1B8B  }
0x1a: {  	_ =	swait.ge [sflag:s24], $0x1  }
0x1b: {  	[sflag:s24] =	ssyncset.done $0x0  }
0x1c: {  	s26 =	simm.s32 $0x1B8E;
	s25 =	sld [smem:$0x3FFE];
	[sflag:s24] =	ssyncadd.s32 $0xFFFFFFFF  }
0x1d: {  	s27 =	simm.s32 $execute0_lowered;
	[smem:$0x3FD2] =	sst s26  }
0x1e: {  	s5 =	sshll.u32 s27, $0x1;
	_ =	strace $0x8000004C;
	[dreg:$0x1] =	wrdreg $0xFFFFFFFF  }
0x1f: {  	s28 =	simm.s32 $_size_execute0_lowered;
	s3 =	sadd.s32 s3, s5;
	[dreg:$0x0] =	wrdreg $0x0  }
0x20: {  	s5 =	sshll.u32 s28, $0x1;
	[dreg:$0x2] =	wrdreg s3  }
0x21: {  	[dreg:$0x3] =	wrdreg s5  }
0x22: {  	[dreg:$0x4] =	wrdreg $0xC0  }
0x23: {  	_ =	task [dreg:s7], $0x5FFFF  }
0x24: {  	[dreg:$0x1] =	wrdreg $0xFFFFFFFF  }
0x25: {  	[dreg:$0x0] =	wrdreg $0x60  }
0x26: {  	[dreg:$0x2] =	wrdreg s25  }
0x27: {  	[dreg:$0x3] =	wrdreg s2  }
0x28: {  	[dreg:$0x4] =	wrdreg $0x9  }
0x29: {  	_ =	task.clear_ibuf [dreg:s7], $0x5FFFF;
	_ =	strace $0x9000004C  }
0x2a: {  	s29 =	simm.s32 $0x9;
	_ =	strace $0x8000004E  }
0x2b: {  	_ =	swait.ge [sflag:s29], $0x1  }
0x2c: {  	[sflag:s29] =	ssyncadd.s32 $0xFFFFFFFF  }
0x2d: {  	_ =	strace $0x9000004E  }
0x2e: {  	_ =	sfence  }
0x2f: {  	s30 =	sld [smem:$0x0];
	_ =	sdelay $0x2  }
0x30: {  	s31 =	sshll.u32 s1, $0xD;
	s1 =	sshrl.u32 s1, $0x2  }
0x31: {  	s3 =	sand.u32 $0x4000, s31;
	s1 =	sadd.s32 s1, s30  }
0x32: {  	s0 =	sor.u32 s3, s0;
	s1 =	sshll.u32 s1, $0x11  }
0x33: {  	s0 =	sor.u32 s1, s0  }
0x34: {  	s0 =	sadd.s32 $0x8F2B, s0  }
0x35: {  	[sflag:s0] =	ssyncadd.remote.s32 $0x1  }
0x36: {  	_ =	sfence.sel $0xFFFF  }
0x37: {  	[dreg:$0x0] =	wrdreg $0xFFFFFFFF;
	(pc) =	sbr.abs _section_cstart, $3  }
0x38: {  	[dreg:$0x1] =	wrdreg $0xFFFFFFFF  }
0x39: {  	_ =	task.clear_ibuf [dreg:s7], $0x2FFFF;
	_ =	strace $0x9FFFFFFF  }
0x3a: {  	(tm) =	ssettm $0x7FFFFFFF  }
0x3b: {  	_ =	shalt  }
tec
execute0_lowered:
.L_overlay_start_1:
0x0: {  	(tag) =	ssettag $0x1  }
0x1: {  	s0 =	srdreg.scid  }
0x2: {  	s1 =	sshll.u32 s0, $0x4  }
0x3: {  	s0 =	stileid.u32;
	s1 =	sand.u32 $0x10, s1  }
0x4: {  	s7 =	rddreg [dreg:$0x0];
	s1 =	sor.u32 s0, s1  }
0x5: {  	s4 =	simm.s32 $0x1;
	s8 =	simm.s32 $0x2;
	s2 =	sshll.u32 s1, $0x7  }
0x6: {  	s13 =	simm.s32 $0x0;
	s9 =	simm.s32 $0x20000;
	s1 =	ssub.s32 $0x4000, s2  }
0x7: {  	s14 =	simm.s32 $0x0;
	s11 =	simm.s32 $0x0;
	s3 =	sand.u32 $0xF80, s1  }
0x8: {  	s12 =	simm.s32 $0x0;
	s5 =	sshrl.u32 s1, $0xC;
	p0 =	sne.s32 s3, $0x0  }
.Ltmp0:
0x9: {  	s1 =	rddreg [dreg:$0x2];
	s4 =	simm.s32 @!p0 $0x0;
	(pc) =	sbr.rel .LBB1_1-.Ltmp0, $4  }
0xa: {  	s6 =	sadd.s32 $0xC00, s7;
	s3 =	rddreg [dreg:$0x1];
	s5 =	sadd.s32 s4, s5  }
0xb: {  	_ =	strace $0x8000004D;
	s4 =	simm.s32 $0x1;
	s5 =	smul.u32 $0x19, s5  }
0xc: {  	s7 =	sadd.s32 $0x40C00, s7;
	s10 =	smov.u32 s2;
	[sflag:s4] =	ssyncpa.u1 $0x0  }
0xd: {  	p0 =	por $0x0, $0x0;
	[sflag:s8] =	ssyncpa.u1 $0x0;
	s8 =	sadd.s32 $0x1, s5  }
.LBB1_7:
0xe: {  	s15 =	sadd.s32 $0x1000, s10  }
0xf: {  	s13 =	sadd.s32 $0x2, s11;
	s17 =	smov.u32 s11;
	p2 =	sgt.s32 s15, $0x3FFF  }
0x10: {  	s17 =	smov.u32 @p2 s13  }
0x11: {  	s15 =	smov.u32 @p2 s2;
	p2 =	sgt.s32 s17, $0x31  }
0x12: {  	s17 =	simm.s32 @p2 $0x0;
	p2 =	sne.s32 s12, s8  }
.Ltmp1:
0x13: {  	p1 =	slt.u32 s12, $0x2;
	(pc) =	sbr.rel @!p2 .LBB1_8-.Ltmp1, $4  }
0x14: {  	s16 =	simm.s32 @!p1 $0x2  }
0x15: {  	s14 =	smov.u32 s11;
	p0 =	por !p0, !p0;
	_ =	swait.ge @!p1 [sflag:s16], $0x2000  }
0x16: {  	s13 =	smov.u32 s10;
	[sflag:s16] =	ssyncset.done @!p1 $0x0;
	s10 =	smov.u32 s15  }
0x17: {  	s12 =	sadd.s32 $0x1, s12;
	[sflag:s16] =	ssyncadd.s32 @!p1 $0xFFFFE000;
	s11 =	smov.u32 s17  }
.LBB1_1:
0x18: {  	p1 =	sge.u32 s12, s5  }
0x19: {  	s15 =	sxor.u32 @!p1 $0xFFFFFFFF, s12;
	s16 =	sshll.u32 @!p1 s11, $0x12  }
0x1a: {  	s17 =	sshll.u32 @!p1 s10, $0x4;
	s19 =	simm.s32 @!p1 $0x20;
	s20 =	simm.s32 @!p1 $0x80  }
0x1b: {  	s15 =	sshll.u32 @!p1 s15, $0xD;
	s17 =	sand.u32 @!p1 $0x3FFF0, s17;
	s18 =	sadd.s32 @!p1 s6, s16  }
0x1c: {  	s16 =	sadd.s32 @!p1 s16, s7;
	s15 =	sand.u32 @!p1 $0x2000, s15;
	s18 =	sadd.s32 @!p1 s17, s18  }
0x1d: {  	[tilespmem:s15], [sflag:$0x1] =	stream.strided.gather @!p1 [hbm4b:s18+s19], $0x1000, s20, s19, $0x38;
	[tilespmem:$0x8080] =	vst v63  }
0x1e: {  	s31 =	sadd.s32 $0xFFFFFFFF, s12;
	s16 =	sadd.s32 @!p1 s17, s16;
	s15 =	sor.u32 @!p1 $0x1000, s15  }
0x1f: {  	[tilespmem:s15], [sflag:$0x1] =	stream.strided.gather @!p1 [hbm4b:s16+s19], $0x1000, s20, s19, $0x38;
	[tilespmem:$0x8080] =	vst v63  }
0x20: {  	p1 =	sge.u32 s31, s5  }
.Ltmp2:
0x21: {  	_ = 	snop;
	(pc) =	sbr.rel @p1 .LBB1_7-.Ltmp2, $1  }
0x22: {  	_ =	sdelay $0x3  }
0x23: {  	s15 =	simm.s32 $0x1;
	s17 =	sand.u32 $0x1, s12  }
0x24: {  	_ =	swait.ge [sflag:s4], $0x2000;
	s15 =	simm.s32 @!p0 $0x0;
	s17 =	smul.u32 $0x8100, s17  }
0x25: {  	p2 =	por $0x1, $0x1;
	[sflag:s4] =	ssyncset.done $0x0;
	s16 =	smul.u32 $0x8100, s15  }
0x26: {  	s18 =	sshll.u32 s15, $0xF;
	[sflag:s4] =	ssyncadd.s32 $0xFFFFE000;
	s30 =	sshrl.u32 s17, $0x2  }
0x27: {  	s31 =	sshrl.u32 s18, $0x2;
	s18 =	simm.s32 $0x0;
	s16 =	sshrl.u32 s16, $0x2  }
0x28: {  	s15 =	sor.u32 $0x4000, s30;
	s17 =	sadd.s32 $0x10, s31;
	s16 =	sor.u32 $0x4000, s16  }
.LBB1_3:
0x29: {  	s19 =	sshll.u32 s18, $0xC  }
0x2a: {  	s19 =	sand.u32 $0x3FFFF000, s19  }
0x2b: {  	s20 =	sadd.s32 s19, s17  }
0x2c: {  	s31 =	smul.u32 $0x4080, s18;
	v1 =	vld [tilespmem:s20+$0x0]  }
0x2d: {  	v0 =	vld [tilespmem:s20+$0xFFFFFFF0]  }
0x2e: {  	s18 =	sshra.s32 s31, $0x2  }
0x2f: {  	s18 =	sadd.s32 s18, s16  }
0x30: {  	s21 =	sadd.s32 $0x0, s18  }
0x31: {  	p1 =	por p2, p2;
	s19 =	simm.s32 $0x4;
	s20 =	sadd.s32 $0x20, s20;
	[tilespmem:s21+$0x810 ss:$0x81] =	vst.msk $0xffff, v1  }
.LBB1_4:
0x32: {  	v1 =	vld [tilespmem:s20+$0x0];
	p2 =	sne.s32 s19, $0x1FC;
	[tilespmem:s21+$0x0 ss:$0x81] =	vst.msk $0xffff, v0;
	s21 =	smov.u32 s19;
	s19 =	sadd.s32 $0x4, s19  }
.Ltmp3:
0x33: {  	v0 =	vld [tilespmem:s20+$0xFFFFFFF0];
	(pc) =	sbr.rel @p2 .LBB1_4-.Ltmp3, $4  }
0x34: {  	_ = 	snop  }
0x35: {  	s21 =	sshra.s32 s21, $0x2  }
0x36: {  	s21 =	sadd.s32 s21, s18  }
0x37: {  	s20 =	sadd.s32 $0x20, s20;
	[tilespmem:s21+$0x810 ss:$0x81] =	vst.msk $0xffff, v1  }
.Ltmp4:
0x38: {  	(pc) =	sbr.rel @p1 .LBB1_3-.Ltmp4, $2  }
0x39: {  	_ =	sdelay $0x2  }
0x3a: {  	[tilespmem:s21+$0x0 ss:$0x81] =	vst.msk $0xffff, v0;
	s18 =	simm.s32 $0x1;
	p2 =	por $0x0, $0x0  }
0x3b: {  	s16 =	sshll.u32 s13, $0x3;
	s17 =	sand.u32 $0x78, s13;
	s14 =	sshll.u32 s14, $0x10  }
.Ltmp5:
0x3c: {  	s30 =	sand.u32 $0xF800, s13;
	s16 =	sand.u32 $0x3C00, s16;
	(pc) =	sbr.rel .LBB1_7-.Ltmp5, $4  }
0x3d: {  	s31 =	sand.u32 $0x7, s13;
	s14 =	sadd.s32 s3, s14;
	s16 =	sor.u32 s17, s16  }
0x3e: {  	s13 =	sshll.u32 s31, $0x12;
	s14 =	sadd.s32 s30, s14;
	s16 =	sshrl.u32 s16, $0x3  }
0x3f: {  	s13 =	sor.u32 $0x400, s13;
	s14 =	sadd.s32 s16, s14  }
0x40: {  	[hbm4b:s14+s13] =	stream.strided.scatter [tilespmem:s15], [sflag:$0x2], $0x2000, s9, s13, $0x20;
	[tilespmem:$0x8080] =	vst v63  }
.LBB1_8:
0x41: {  	_ =	sfence.sel $0x180000  }
0x42: {  	s2 =	simm.s32 $0x1;
	[bflag:$0x0] =	sbarrier.arrive $0xFFFF  }
0x43: {  	s31 =	simm.s32 $0x2;
	[sflag:s2] =	ssyncpa.u1 $0x1  }
0x44: {  	[sflag:s31] =	ssyncpa.u1 $0x1  }
0x45: {  	p0 =	sne.s32 s0, $0x0;
	_ =	strace $0x9000004D  }
0x46: {  	s0 =	sadd.s32 @!p0 $0x100000, s1;
	[bflag:$0x2] =	sbarrier.arrive $0xFFFF  }
0x47: {  	[sflag:s0] =	ssyncadd.tile.s32 @!p0 $0x1;
	_ =	shalt  }
.Lfunc_end1:
_tile_overlayer_lowered:
.L_overlay_start_2:
0x48: {  	(tag) =	ssettag $0x2  }
0x49: {  	s0 =	rddreg [dreg:$0x0];
	s2 =	stileid.u32  }
0x4a: {  	s1 =	rddreg [dreg:$0x1];
	p0 =	sne.s32 s2, $0x0  }
0x4b: {  	s3 =	rddreg [dreg:$0x2];
	[bflag:$0x3] =	sbarrier.arrive $0xFFFF;
	s2 =	simm.s32 @!p0 $0x1C01  }
0x4c: {  	[timem:s3], [sflag:s2] =	dma.local @!p0 [hbm:s0], s1  }
0x4d: {  	s0 =	simm.s32 @!p0 $0x1  }
0x4e: {  	_ =	swait.ge @!p0 [sflag:s0], s1  }
0x4f: {  	s1 =	ssub.s32 @!p0 $0x0, s1;
	[sflag:s0] =	ssyncset.done @!p0 $0x0  }
0x50: {  	[sflag:s0] =	ssyncadd.s32 @!p0 s1  }
0x51: {  	[bflag:$0x3] =	sbarrier.arrive $0xFFFF  }
0x52: {  	_ =	shalt  }

</sc_bundles>
